<compile_context>
chip_gen: v7x
topology: tpu7x:2x2x1
jax: 0.10.2.dev20260603
libtpu: 0.0.44.dev20260713+nightly
codegen_flags: <defaults>
</compile_context>

<pallas_src>
import jax
import jax.numpy as jnp
from jax import lax
from jax.experimental import pallas as pl
from jax.experimental.pallas import tpu as pltpu
from jax.experimental.pallas import tpu_sc as plsc

_VOCAB = 100000 + 1
_EMBED_DIM = 400
_L = 128
_K = 4
_VB = 2048
_VPAD = ((_VOCAB + _VB - 1) // _VB) * _VB

_INFO = plsc.get_sparse_core_info()
_NC = _INFO.num_cores
_NS = _INFO.num_subcores
_NW = _NC * _NS

_R = 4096
_S = 50
_NCH = 2
_RC = _R // _NCH
_NROW = _RC * _S * _K
_ROW_PER_W = _NROW // _NW
_CHUNK = 128
_NCHUNK = _ROW_PER_W // _CHUNK
_BC = 128


def _tc_prep_body(tab_t_ref, out_ref):
    out_ref[...] = jnp.transpose(tab_t_ref[...], (1, 0))


def _tc_prep(tab_t):
    return pl.pallas_call(
        _tc_prep_body,
        grid=(_K, _VPAD // _VB),
        in_specs=[pl.BlockSpec((_L, _VB), lambda k, i: (k, i))],
        out_specs=pl.BlockSpec(
            (_VB, _L), lambda k, i: (k * (_VPAD // _VB) + i, 0)
        ),
        out_shape=jax.ShapeDtypeStruct((_K * _VPAD, _L), jnp.float32),
    )(tab_t)


def _sc_body(x4_hbm, tab4_hbm, mid_hbm, idx_v, buf0, buf1, sg0, sg1, sw0, sw1):
    wid = lax.axis_index("s") * _NC + lax.axis_index("c")
    base = wid * _ROW_PER_W
    pltpu.sync_copy(x4_hbm.at[pl.ds(base, _ROW_PER_W)], idx_v)

    bufs = (buf0, buf1)
    sgs = (sg0, sg1)
    sws = (sw0, sw1)

    @pl.loop(0, _NCHUNK, step=2)
    def _chunks(g):
        for b in range(2):
            cc = g + b

            @pl.when(cc >= 2)
            def _drain_write():
                pltpu.make_async_copy(
                    bufs[b], mid_hbm.at[pl.ds(base, _CHUNK)], sws[b]
                ).wait()

            pltpu.async_copy(
                tab4_hbm.at[idx_v.at[pl.ds(cc * _CHUNK, _CHUNK)]],
                bufs[b],
                sgs[b],
            )
            pltpu.make_async_copy(
                tab4_hbm.at[idx_v.at[pl.ds(0, _CHUNK)]], bufs[b], sgs[b]
            ).wait()
            pltpu.async_copy(
                bufs[b], mid_hbm.at[pl.ds(base + cc * _CHUNK, _CHUNK)], sws[b]
            )

    for b in range(2):
        pltpu.make_async_copy(
            bufs[b], mid_hbm.at[pl.ds(base, _CHUNK)], sws[b]
        ).wait()


def _sc_gather(x4, tab4):
    run = pl.kernel(
        _sc_body,
        out_type=jax.ShapeDtypeStruct((_NROW, _L), jnp.float32),
        mesh=plsc.VectorSubcoreMesh(core_axis_name="c", subcore_axis_name="s"),
        scratch_types=[
            pltpu.VMEM((_ROW_PER_W,), jnp.int32),
            pltpu.VMEM((_CHUNK, _L), jnp.float32),
            pltpu.VMEM((_CHUNK, _L), jnp.float32),
            pltpu.SemaphoreType.DMA,
            pltpu.SemaphoreType.DMA,
            pltpu.SemaphoreType.DMA,
            pltpu.SemaphoreType.DMA,
        ],
    )
    return run(x4, tab4)


def _tc_out_body(mid_ref, out_ref):
    x = mid_ref[...]
    for s in range(_S):
        for k in range(_K):
            t = jnp.transpose(x[:, _K * s + k, :], (1, 0))
            lo = _L * k
            hi = min(_L * (k + 1), _EMBED_DIM)
            out_ref[s, lo:hi, :] = t[: hi - lo, :]


def _tc_out_acc_body(mid_ref, acc_ref, out_ref):
    del acc_ref
    _tc_out_body(mid_ref, out_ref)


def _tc_out(mid4, c, acc):
    off = c * (_RC // _BC)
    out_shape = jax.ShapeDtypeStruct((_S, _EMBED_DIM, _R), jnp.float32)
    params = pltpu.CompilerParams(vmem_limit_bytes=56 * 1024 * 1024)
    mid_spec = pl.BlockSpec((_BC, _S * _K, _L), lambda i: (i, 0, 0))
    out_spec = pl.BlockSpec(
        (_S, _EMBED_DIM, _BC), lambda i, off=off: (0, 0, off + i)
    )
    if acc is None:
        return pl.pallas_call(
            _tc_out_body,
            grid=(_RC // _BC,),
            in_specs=[mid_spec],
            out_specs=out_spec,
            out_shape=out_shape,
            compiler_params=params,
        )(mid4)
    return pl.pallas_call(
        _tc_out_acc_body,
        grid=(_RC // _BC,),
        in_specs=[mid_spec, pl.BlockSpec(memory_space=pl.ANY)],
        out_specs=out_spec,
        out_shape=out_shape,
        input_output_aliases={1: 0},
        compiler_params=params,
    )(mid4, acc)


def kernel(x, table):
    tab4 = _tc_prep(jnp.transpose(table, (1, 0)))
    x_flat = x.reshape(-1).astype(jnp.int32)
    xr = jnp.repeat(x_flat.reshape(-1, _L // _K), _K, axis=1)
    kpat = jnp.tile(jnp.arange(_K, dtype=jnp.int32) * _VPAD, _L // _K)
    x4 = (xr + kpat[None, :]).reshape(-1)
    acc = None
    for c in range(_NCH):
        x4_c = lax.slice(x4, (c * _NROW,), ((c + 1) * _NROW,))
        mid = _sc_gather(x4_c, tab4)
        acc = _tc_out(mid.reshape(_RC, _S * _K, _L), c, acc)
    return jnp.transpose(acc, (2, 0, 1))

# --- scband reference (transcript-rebuilt; emitter-appended) ---
"""Pipeline reference for scband-vert-encoder-23527830847732 (READ-ONLY COPY).

The authoritative reference and input builder live on the scoring server;
editing this copy changes nothing except your own understanding.
"""

import jax, jax.numpy as jnp
import numpy as np

VOCAB = 100000 + 1  # vert_num + 1
EMBED_DIM = 400

def setup_inputs(seed: int = 0) -> dict:
    key = jax.random.key(seed)
    k_idx, k_tab = jax.random.split(key)
    x = jax.random.randint(k_idx, (4096, 50), 0, VOCAB, dtype=jnp.int64 if jax.config.jax_enable_x64 else jnp.int32)
    table = jax.random.normal(k_tab, (VOCAB, EMBED_DIM), dtype=jnp.float32)
    return {"x": x, "table": table}

def reference(x, table):
    # embedding lookup (gather); dropout is identity in eval mode
    out = jnp.take(table, x, axis=0)
    return out

if __name__ == "__main__":
    import jax
    _d = setup_inputs()
    print(jax.jit(kernel)(*tuple(_d.values())))

</pallas_src>

<mosaic_0001>
#map = affine_map<(d0, d1) -> (0)>
#map1 = affine_map<(d0, d1) -> (0, 0)>
module attributes {stable_mosaic.version = 14 : i64} {
  func.func @_sc_body(%arg0: i32, %arg1: i32, %arg2: memref<409600xi32, #tpu.memory_space<hbm>>, %arg3: memref<401408x128xf32, #tpu.memory_space<hbm>>, %arg4: memref<409600x128xf32, #tpu.memory_space<hbm>>, %arg5: memref<12800xi32, #tpu.memory_space<vmem>>, %arg6: memref<128x128xf32, #tpu.memory_space<vmem>>, %arg7: memref<128x128xf32, #tpu.memory_space<vmem>>, %arg8: memref<!tpu.dma_semaphore, #tpu.memory_space<semaphore_mem>>, %arg9: memref<!tpu.dma_semaphore, #tpu.memory_space<semaphore_mem>>, %arg10: memref<!tpu.dma_semaphore, #tpu.memory_space<semaphore_mem>>, %arg11: memref<!tpu.dma_semaphore, #tpu.memory_space<semaphore_mem>>) attributes {dimension_semantics = [#tpu.dimension_semantics<core_parallel>, #tpu.dimension_semantics<subcore_parallel>], iteration_bounds = array<i64: 2, 16>, scalar_prefetch = 0 : i64, scratch_operands = 7 : i64, tpu.core_type = #tpu.core_type<sc_vector_subcore>, window_params = [{transform_indices = #map}, {transform_indices = #map1}, {transform_indices = #map1}]} {
    %mul3A = arith.constant 2 : i32
    %mul3A_0 = arith.muli %arg1, %mul3A : i32
    %add3A = arith.addi %mul3A_0, %arg0 : i32
    %mul3A_1 = arith.constant 12800 : i32
    %mul3A_2 = arith.muli %add3A, %mul3A_1 : i32
    "tpu.region"() ({
      %run_scoped3A = tpu.sem_alloc : memref<!tpu.dma_semaphore, #tpu.memory_space<semaphore_mem>>
      %dma_start3A = tpu.memref_slice %arg2[%mul3A_2] : memref<409600xi32, #tpu.memory_space<hbm>> -> memref<12800xi32, #tpu.memory_space<hbm>>
      %dma_start3A_14 = tpu.memref_slice %arg2[%mul3A_2] : memref<409600xi32, #tpu.memory_space<hbm>> -> memref<12800xi32, #tpu.memory_space<hbm>>
      tpu.enqueue_dma source(%dma_start3A_14 : memref<12800xi32, #tpu.memory_space<hbm>>) target(%arg5 : memref<12800xi32, #tpu.memory_space<vmem>>) target_semaphore(%run_scoped3A : memref<!tpu.dma_semaphore, #tpu.memory_space<semaphore_mem>>)
      %dma_wait3A_15 = tpu.memref_slice %arg2[%mul3A_2] : memref<409600xi32, #tpu.memory_space<hbm>> -> memref<12800xi32, #tpu.memory_space<hbm>>
      %dma_wait3A_16 = tpu.memref_slice %arg2[%mul3A_2] : memref<409600xi32, #tpu.memory_space<hbm>> -> memref<12800xi32, #tpu.memory_space<hbm>>
      tpu.wait_dma2 semaphore(%run_scoped3A : memref<!tpu.dma_semaphore, #tpu.memory_space<semaphore_mem>>) src(%dma_wait3A_16 : memref<12800xi32, #tpu.memory_space<hbm>>) dst(%arg5 : memref<12800xi32, #tpu.memory_space<vmem>>)
      tpu.yield
    }) : () -> ()
    %scan3A = arith.constant 0 : i32
    %scan3A_3 = arith.constant 50 : i32
    %scan3A_4 = arith.addi %scan3A, %scan3A_3 : i32
    %scan3A_5 = arith.constant 1 : i32
    scf.for %scan3A_14 = %scan3A to %scan3A_4 step %scan3A_5  : i32 {
      %mul3A_15 = arith.constant 2 : i32
      %mul3A_16 = arith.muli %scan3A_14, %mul3A_15 : i32
      %add3A_17 = arith.constant 0 : i32
      %add3A_18 = arith.addi %add3A_17, %mul3A_16 : i32
      %add3A_19 = arith.constant 0 : i32
      %add3A_20 = arith.addi %add3A_18, %add3A_19 : i32
      %ge3A = arith.constant 2 : i32
      %ge3A_21 = arith.cmpi sge, %add3A_20, %ge3A : i32
      %convert_element_type3A = arith.extui %ge3A_21 : i1 to i32
      %cond3A = arith.constant 0 : i32
      %cond3A_22 = arith.cmpi ne, %convert_element_type3A, %cond3A : i32
      scf.if %cond3A_22 {
        %dma_wait3A_65 = arith.constant 0 : i32
        %dma_wait3A_66 = tpu.memref_slice %arg4[%mul3A_2, %dma_wait3A_65] : memref<409600x128xf32, #tpu.memory_space<hbm>> -> memref<128x128xf32, #tpu.memory_space<hbm>>
        %dma_wait3A_67 = arith.constant 0 : i32
        %dma_wait3A_68 = tpu.memref_slice %arg4[%mul3A_2, %dma_wait3A_67] : memref<409600x128xf32, #tpu.memory_space<hbm>> -> memref<128x128xf32, #tpu.memory_space<hbm>>
        tpu.wait_dma2 semaphore(%arg10 : memref<!tpu.dma_semaphore, #tpu.memory_space<semaphore_mem>>) src(%arg6 : memref<128x128xf32, #tpu.memory_space<vmem>>) dst(%dma_wait3A_68 : memref<128x128xf32, #tpu.memory_space<hbm>>)
      } else {
      }
      %mul3A_23 = arith.constant 128 : i32
      %mul3A_24 = arith.muli %add3A_20, %mul3A_23 : i32
      %dma_start3A = tpu.memref_slice %arg5[%mul3A_24] : memref<12800xi32, #tpu.memory_space<vmem>> -> memref<128xi32, #tpu.memory_space<vmem>>
      %dma_start3A_25 = arith.constant 0 : i32
      %dma_start3A_26 = arith.constant 0 : i32
      %dma_start3A_27 = tpu.memref_slice %arg3[%dma_start3A_25, %dma_start3A_26] : memref<401408x128xf32, #tpu.memory_space<hbm>> -> memref<401408x128xf32, #tpu.memory_space<hbm>>
      tpu.enqueue_indirect_dma source(%dma_start3A_27 : memref<401408x128xf32, #tpu.memory_space<hbm>>) target(%arg6 : memref<128x128xf32, #tpu.memory_space<vmem>>) offsets(%dma_start3A : memref<128xi32, #tpu.memory_space<vmem>>) semaphore(%arg8 : memref<!tpu.dma_semaphore, #tpu.memory_space<semaphore_mem>>)
      %dma_wait3A_28 = arith.constant 0 : i32
      %dma_wait3A_29 = tpu.memref_slice %arg5[%dma_wait3A_28] : memref<12800xi32, #tpu.memory_space<vmem>> -> memref<128xi32, #tpu.memory_space<vmem>>
      %dma_wait3A_30 = arith.constant 0 : i32
      %dma_wait3A_31 = arith.constant 0 : i32
      %dma_wait3A_32 = tpu.memref_slice %arg3[%dma_wait3A_30, %dma_wait3A_31] : memref<401408x128xf32, #tpu.memory_space<hbm>> -> memref<401408x128xf32, #tpu.memory_space<hbm>>
      tpu.wait_indirect_dma semaphore(%arg8 : memref<!tpu.dma_semaphore, #tpu.memory_space<semaphore_mem>>) src(%dma_wait3A_32 : memref<401408x128xf32, #tpu.memory_space<hbm>>) dst(%arg6 : memref<128x128xf32, #tpu.memory_space<vmem>>)
      %mul3A_33 = arith.constant 128 : i32
      %mul3A_34 = arith.muli %add3A_20, %mul3A_33 : i32
      %add3A_35 = arith.addi %mul3A_2, %mul3A_34 : i32
      %dma_start3A_36 = arith.constant 0 : i32
      %dma_start3A_37 = tpu.memref_slice %arg4[%add3A_35, %dma_start3A_36] : memref<409600x128xf32, #tpu.memory_space<hbm>> -> memref<128x128xf32, #tpu.memory_space<hbm>>
      %dma_start3A_38 = arith.constant 0 : i32
      %dma_start3A_39 = tpu.memref_slice %arg4[%add3A_35, %dma_start3A_38] : memref<409600x128xf32, #tpu.memory_space<hbm>> -> memref<128x128xf32, #tpu.memory_space<hbm>>
      tpu.enqueue_dma source(%arg6 : memref<128x128xf32, #tpu.memory_space<vmem>>) target(%dma_start3A_39 : memref<128x128xf32, #tpu.memory_space<hbm>>) target_semaphore(%arg10 : memref<!tpu.dma_semaphore, #tpu.memory_space<semaphore_mem>>)
      %add3A_40 = arith.constant 1 : i32
      %add3A_41 = arith.addi %add3A_18, %add3A_40 : i32
      %ge3A_42 = arith.constant 2 : i32
      %ge3A_43 = arith.cmpi sge, %add3A_41, %ge3A_42 : i32
      %convert_element_type3A_44 = arith.extui %ge3A_43 : i1 to i32
      %cond3A_45 = arith.constant 0 : i32
      %cond3A_46 = arith.cmpi ne, %convert_element_type3A_44, %cond3A_45 : i32
      scf.if %cond3A_46 {
        %dma_wait3A_65 = arith.constant 0 : i32
        %dma_wait3A_66 = tpu.memref_slice %arg4[%mul3A_2, %dma_wait3A_65] : memref<409600x128xf32, #tpu.memory_space<hbm>> -> memref<128x128xf32, #tpu.memory_space<hbm>>
        %dma_wait3A_67 = arith.constant 0 : i32
        %dma_wait3A_68 = tpu.memref_slice %arg4[%mul3A_2, %dma_wait3A_67] : memref<409600x128xf32, #tpu.memory_space<hbm>> -> memref<128x128xf32, #tpu.memory_space<hbm>>
        tpu.wait_dma2 semaphore(%arg11 : memref<!tpu.dma_semaphore, #tpu.memory_space<semaphore_mem>>) src(%arg7 : memref<128x128xf32, #tpu.memory_space<vmem>>) dst(%dma_wait3A_68 : memref<128x128xf32, #tpu.memory_space<hbm>>)
      } else {
      }
      %mul3A_47 = arith.constant 128 : i32
      %mul3A_48 = arith.muli %add3A_41, %mul3A_47 : i32
      %dma_start3A_49 = tpu.memref_slice %arg5[%mul3A_48] : memref<12800xi32, #tpu.memory_space<vmem>> -> memref<128xi32, #tpu.memory_space<vmem>>
      %dma_start3A_50 = arith.constant 0 : i32
      %dma_start3A_51 = arith.constant 0 : i32
      %dma_start3A_52 = tpu.memref_slice %arg3[%dma_start3A_50, %dma_start3A_51] : memref<401408x128xf32, #tpu.memory_space<hbm>> -> memref<401408x128xf32, #tpu.memory_space<hbm>>
      tpu.enqueue_indirect_dma source(%dma_start3A_52 : memref<401408x128xf32, #tpu.memory_space<hbm>>) target(%arg7 : memref<128x128xf32, #tpu.memory_space<vmem>>) offsets(%dma_start3A_49 : memref<128xi32, #tpu.memory_space<vmem>>) semaphore(%arg9 : memref<!tpu.dma_semaphore, #tpu.memory_space<semaphore_mem>>)
      %dma_wait3A_53 = arith.constant 0 : i32
      %dma_wait3A_54 = tpu.memref_slice %arg5[%dma_wait3A_53] : memref<12800xi32, #tpu.memory_space<vmem>> -> memref<128xi32, #tpu.memory_space<vmem>>
      %dma_wait3A_55 = arith.constant 0 : i32
      %dma_wait3A_56 = arith.constant 0 : i32
      %dma_wait3A_57 = tpu.memref_slice %arg3[%dma_wait3A_55, %dma_wait3A_56] : memref<401408x128xf32, #tpu.memory_space<hbm>> -> memref<401408x128xf32, #tpu.memory_space<hbm>>
      tpu.wait_indirect_dma semaphore(%arg9 : memref<!tpu.dma_semaphore, #tpu.memory_space<semaphore_mem>>) src(%dma_wait3A_57 : memref<401408x128xf32, #tpu.memory_space<hbm>>) dst(%arg7 : memref<128x128xf32, #tpu.memory_space<vmem>>)
      %mul3A_58 = arith.constant 128 : i32
      %mul3A_59 = arith.muli %add3A_41, %mul3A_58 : i32
      %add3A_60 = arith.addi %mul3A_2, %mul3A_59 : i32
      %dma_start3A_61 = arith.constant 0 : i32
      %dma_start3A_62 = tpu.memref_slice %arg4[%add3A_60, %dma_start3A_61] : memref<409600x128xf32, #tpu.memory_space<hbm>> -> memref<128x128xf32, #tpu.memory_space<hbm>>
      %dma_start3A_63 = arith.constant 0 : i32
      %dma_start3A_64 = tpu.memref_slice %arg4[%add3A_60, %dma_start3A_63] : memref<409600x128xf32, #tpu.memory_space<hbm>> -> memref<128x128xf32, #tpu.memory_space<hbm>>
      tpu.enqueue_dma source(%arg7 : memref<128x128xf32, #tpu.memory_space<vmem>>) target(%dma_start3A_64 : memref<128x128xf32, #tpu.memory_space<hbm>>) target_semaphore(%arg11 : memref<!tpu.dma_semaphore, #tpu.memory_space<semaphore_mem>>)
    }
    %scan3A_6 = arith.constant 50 : i32
    %dma_wait3A = arith.constant 0 : i32
    %dma_wait3A_7 = tpu.memref_slice %arg4[%mul3A_2, %dma_wait3A] : memref<409600x128xf32, #tpu.memory_space<hbm>> -> memref<128x128xf32, #tpu.memory_space<hbm>>
    %dma_wait3A_8 = arith.constant 0 : i32
    %dma_wait3A_9 = tpu.memref_slice %arg4[%mul3A_2, %dma_wait3A_8] : memref<409600x128xf32, #tpu.memory_space<hbm>> -> memref<128x128xf32, #tpu.memory_space<hbm>>
    tpu.wait_dma2 semaphore(%arg10 : memref<!tpu.dma_semaphore, #tpu.memory_space<semaphore_mem>>) src(%arg6 : memref<128x128xf32, #tpu.memory_space<vmem>>) dst(%dma_wait3A_9 : memref<128x128xf32, #tpu.memory_space<hbm>>)
    %dma_wait3A_10 = arith.constant 0 : i32
    %dma_wait3A_11 = tpu.memref_slice %arg4[%mul3A_2, %dma_wait3A_10] : memref<409600x128xf32, #tpu.memory_space<hbm>> -> memref<128x128xf32, #tpu.memory_space<hbm>>
    %dma_wait3A_12 = arith.constant 0 : i32
    %dma_wait3A_13 = tpu.memref_slice %arg4[%mul3A_2, %dma_wait3A_12] : memref<409600x128xf32, #tpu.memory_space<hbm>> -> memref<128x128xf32, #tpu.memory_space<hbm>>
    tpu.wait_dma2 semaphore(%arg11 : memref<!tpu.dma_semaphore, #tpu.memory_space<semaphore_mem>>) src(%arg7 : memref<128x128xf32, #tpu.memory_space<vmem>>) dst(%dma_wait3A_13 : memref<128x128xf32, #tpu.memory_space<hbm>>)
    return
  }
}

#map = affine_map<(d0, d1) -> (0)>
#map1 = affine_map<(d0, d1) -> (0, 0)>
module attributes {stable_mosaic.version = 14 : i64} {
  func.func @_sc_body(%arg0: i32, %arg1: i32, %arg2: memref<409600xi32, #tpu.memory_space<hbm>>, %arg3: memref<401408x128xf32, #tpu.memory_space<hbm>>, %arg4: memref<409600x128xf32, #tpu.memory_space<hbm>>, %arg5: memref<12800xi32, #tpu.memory_space<vmem>>, %arg6: memref<128x128xf32, #tpu.memory_space<vmem>>, %arg7: memref<128x128xf32, #tpu.memory_space<vmem>>, %arg8: memref<!tpu.dma_semaphore, #tpu.memory_space<semaphore_mem>>, %arg9: memref<!tpu.dma_semaphore, #tpu.memory_space<semaphore_mem>>, %arg10: memref<!tpu.dma_semaphore, #tpu.memory_space<semaphore_mem>>, %arg11: memref<!tpu.dma_semaphore, #tpu.memory_space<semaphore_mem>>) attributes {dimension_semantics = [#tpu.dimension_semantics<core_parallel>, #tpu.dimension_semantics<subcore_parallel>], iteration_bounds = array<i64: 2, 16>, scalar_prefetch = 0 : i64, scratch_operands = 7 : i64, tpu.core_type = #tpu.core_type<sc_vector_subcore>, window_params = [{transform_indices = #map}, {transform_indices = #map1}, {transform_indices = #map1}]} {
    %mul3A = arith.constant 2 : i32
    %mul3A_0 = arith.muli %arg1, %mul3A : i32
    %add3A = arith.addi %mul3A_0, %arg0 : i32
    %mul3A_1 = arith.constant 12800 : i32
    %mul3A_2 = arith.muli %add3A, %mul3A_1 : i32
    "tpu.region"() ({
      %run_scoped3A = tpu.sem_alloc : memref<!tpu.dma_semaphore, #tpu.memory_space<semaphore_mem>>
      %dma_start3A = tpu.memref_slice %arg2[%mul3A_2] : memref<409600xi32, #tpu.memory_space<hbm>> -> memref<12800xi32, #tpu.memory_space<hbm>>
      %dma_start3A_14 = tpu.memref_slice %arg2[%mul3A_2] : memref<409600xi32, #tpu.memory_space<hbm>> -> memref<12800xi32, #tpu.memory_space<hbm>>
      tpu.enqueue_dma source(%dma_start3A_14 : memref<12800xi32, #tpu.memory_space<hbm>>) target(%arg5 : memref<12800xi32, #tpu.memory_space<vmem>>) target_semaphore(%run_scoped3A : memref<!tpu.dma_semaphore, #tpu.memory_space<semaphore_mem>>)
      %dma_wait3A_15 = tpu.memref_slice %arg2[%mul3A_2] : memref<409600xi32, #tpu.memory_space<hbm>> -> memref<12800xi32, #tpu.memory_space<hbm>>
      %dma_wait3A_16 = tpu.memref_slice %arg2[%mul3A_2] : memref<409600xi32, #tpu.memory_space<hbm>> -> memref<12800xi32, #tpu.memory_space<hbm>>
      tpu.wait_dma2 semaphore(%run_scoped3A : memref<!tpu.dma_semaphore, #tpu.memory_space<semaphore_mem>>) src(%dma_wait3A_16 : memref<12800xi32, #tpu.memory_space<hbm>>) dst(%arg5 : memref<12800xi32, #tpu.memory_space<vmem>>)
      tpu.yield
    }) : () -> ()
    %scan3A = arith.constant 0 : i32
    %scan3A_3 = arith.constant 50 : i32
    %scan3A_4 = arith.addi %scan3A, %scan3A_3 : i32
    %scan3A_5 = arith.constant 1 : i32
    scf.for %scan3A_14 = %scan3A to %scan3A_4 step %scan3A_5  : i32 {
      %mul3A_15 = arith.constant 2 : i32
      %mul3A_16 = arith.muli %scan3A_14, %mul3A_15 : i32
      %add3A_17 = arith.constant 0 : i32
      %add3A_18 = arith.addi %add3A_17, %mul3A_16 : i32
      %add3A_19 = arith.constant 0 : i32
      %add3A_20 = arith.addi %add3A_18, %add3A_19 : i32
      %ge3A = arith.constant 2 : i32
      %ge3A_21 = arith.cmpi sge, %add3A_20, %ge3A : i32
      %convert_element_type3A = arith.extui %ge3A_21 : i1 to i32
      %cond3A = arith.constant 0 : i32
      %cond3A_22 = arith.cmpi ne, %convert_element_type3A, %cond3A : i32
      scf.if %cond3A_22 {
        %dma_wait3A_65 = arith.constant 0 : i32
        %dma_wait3A_66 = tpu.memref_slice %arg4[%mul3A_2, %dma_wait3A_65] : memref<409600x128xf32, #tpu.memory_space<hbm>> -> memref<128x128xf32, #tpu.memory_space<hbm>>
        %dma_wait3A_67 = arith.constant 0 : i32
        %dma_wait3A_68 = tpu.memref_slice %arg4[%mul3A_2, %dma_wait3A_67] : memref<409600x128xf32, #tpu.memory_space<hbm>> -> memref<128x128xf32, #tpu.memory_space<hbm>>
        tpu.wait_dma2 semaphore(%arg10 : memref<!tpu.dma_semaphore, #tpu.memory_space<semaphore_mem>>) src(%arg6 : memref<128x128xf32, #tpu.memory_space<vmem>>) dst(%dma_wait3A_68 : memref<128x128xf32, #tpu.memory_space<hbm>>)
      } else {
      }
      %mul3A_23 = arith.constant 128 : i32
      %mul3A_24 = arith.muli %add3A_20, %mul3A_23 : i32
      %dma_start3A = tpu.memref_slice %arg5[%mul3A_24] : memref<12800xi32, #tpu.memory_space<vmem>> -> memref<128xi32, #tpu.memory_space<vmem>>
      %dma_start3A_25 = arith.constant 0 : i32
      %dma_start3A_26 = arith.constant 0 : i32
      %dma_start3A_27 = tpu.memref_slice %arg3[%dma_start3A_25, %dma_start3A_26] : memref<401408x128xf32, #tpu.memory_space<hbm>> -> memref<401408x128xf32, #tpu.memory_space<hbm>>
      tpu.enqueue_indirect_dma source(%dma_start3A_27 : memref<401408x128xf32, #tpu.memory_space<hbm>>) target(%arg6 : memref<128x128xf32, #tpu.memory_space<vmem>>) offsets(%dma_start3A : memref<128xi32, #tpu.memory_space<vmem>>) semaphore(%arg8 : memref<!tpu.dma_semaphore, #tpu.memory_space<semaphore_mem>>)
      %dma_wait3A_28 = arith.constant 0 : i32
      %dma_wait3A_29 = tpu.memref_slice %arg5[%dma_wait3A_28] : memref<12800xi32, #tpu.memory_space<vmem>> -> memref<128xi32, #tpu.memory_space<vmem>>
      %dma_wait3A_30 = arith.constant 0 : i32
      %dma_wait3A_31 = arith.constant 0 : i32
      %dma_wait3A_32 = tpu.memref_slice %arg3[%dma_wait3A_30, %dma_wait3A_31] : memref<401408x128xf32, #tpu.memory_space<hbm>> -> memref<401408x128xf32, #tpu.memory_space<hbm>>
      tpu.wait_indirect_dma semaphore(%arg8 : memref<!tpu.dma_semaphore, #tpu.memory_space<semaphore_mem>>) src(%dma_wait3A_32 : memref<401408x128xf32, #tpu.memory_space<hbm>>) dst(%arg6 : memref<128x128xf32, #tpu.memory_space<vmem>>)
      %mul3A_33 = arith.constant 128 : i32
      %mul3A_34 = arith.muli %add3A_20, %mul3A_33 : i32
      %add3A_35 = arith.addi %mul3A_2, %mul3A_34 : i32
      %dma_start3A_36 = arith.constant 0 : i32
      %dma_start3A_37 = tpu.memref_slice %arg4[%add3A_35, %dma_start3A_36] : memref<409600x128xf32, #tpu.memory_space<hbm>> -> memref<128x128xf32, #tpu.memory_space<hbm>>
      %dma_start3A_38 = arith.constant 0 : i32
      %dma_start3A_39 = tpu.memref_slice %arg4[%add3A_35, %dma_start3A_38] : memref<409600x128xf32, #tpu.memory_space<hbm>> -> memref<128x128xf32, #tpu.memory_space<hbm>>
      tpu.enqueue_dma source(%arg6 : memref<128x128xf32, #tpu.memory_space<vmem>>) target(%dma_start3A_39 : memref<128x128xf32, #tpu.memory_space<hbm>>) target_semaphore(%arg10 : memref<!tpu.dma_semaphore, #tpu.memory_space<semaphore_mem>>)
      %add3A_40 = arith.constant 1 : i32
      %add3A_41 = arith.addi %add3A_18, %add3A_40 : i32
      %ge3A_42 = arith.constant 2 : i32
      %ge3A_43 = arith.cmpi sge, %add3A_41, %ge3A_42 : i32
      %convert_element_type3A_44 = arith.extui %ge3A_43 : i1 to i32
      %cond3A_45 = arith.constant 0 : i32
      %cond3A_46 = arith.cmpi ne, %convert_element_type3A_44, %cond3A_45 : i32
      scf.if %cond3A_46 {
        %dma_wait3A_65 = arith.constant 0 : i32
        %dma_wait3A_66 = tpu.memref_slice %arg4[%mul3A_2, %dma_wait3A_65] : memref<409600x128xf32, #tpu.memory_space<hbm>> -> memref<128x128xf32, #tpu.memory_space<hbm>>
        %dma_wait3A_67 = arith.constant 0 : i32
        %dma_wait3A_68 = tpu.memref_slice %arg4[%mul3A_2, %dma_wait3A_67] : memref<409600x128xf32, #tpu.memory_space<hbm>> -> memref<128x128xf32, #tpu.memory_space<hbm>>
        tpu.wait_dma2 semaphore(%arg11 : memref<!tpu.dma_semaphore, #tpu.memory_space<semaphore_mem>>) src(%arg7 : memref<128x128xf32, #tpu.memory_space<vmem>>) dst(%dma_wait3A_68 : memref<128x128xf32, #tpu.memory_space<hbm>>)
      } else {
      }
      %mul3A_47 = arith.constant 128 : i32
      %mul3A_48 = arith.muli %add3A_41, %mul3A_47 : i32
      %dma_start3A_49 = tpu.memref_slice %arg5[%mul3A_48] : memref<12800xi32, #tpu.memory_space<vmem>> -> memref<128xi32, #tpu.memory_space<vmem>>
      %dma_start3A_50 = arith.constant 0 : i32
      %dma_start3A_51 = arith.constant 0 : i32
      %dma_start3A_52 = tpu.memref_slice %arg3[%dma_start3A_50, %dma_start3A_51] : memref<401408x128xf32, #tpu.memory_space<hbm>> -> memref<401408x128xf32, #tpu.memory_space<hbm>>
      tpu.enqueue_indirect_dma source(%dma_start3A_52 : memref<401408x128xf32, #tpu.memory_space<hbm>>) target(%arg7 : memref<128x128xf32, #tpu.memory_space<vmem>>) offsets(%dma_start3A_49 : memref<128xi32, #tpu.memory_space<vmem>>) semaphore(%arg9 : memref<!tpu.dma_semaphore, #tpu.memory_space<semaphore_mem>>)
      %dma_wait3A_53 = arith.constant 0 : i32
      %dma_wait3A_54 = tpu.memref_slice %arg5[%dma_wait3A_53] : memref<12800xi32, #tpu.memory_space<vmem>> -> memref<128xi32, #tpu.memory_space<vmem>>
      %dma_wait3A_55 = arith.constant 0 : i32
      %dma_wait3A_56 = arith.constant 0 : i32
      %dma_wait3A_57 = tpu.memref_slice %arg3[%dma_wait3A_55, %dma_wait3A_56] : memref<401408x128xf32, #tpu.memory_space<hbm>> -> memref<401408x128xf32, #tpu.memory_space<hbm>>
      tpu.wait_indirect_dma semaphore(%arg9 : memref<!tpu.dma_semaphore, #tpu.memory_space<semaphore_mem>>) src(%dma_wait3A_57 : memref<401408x128xf32, #tpu.memory_space<hbm>>) dst(%arg7 : memref<128x128xf32, #tpu.memory_space<vmem>>)
      %mul3A_58 = arith.constant 128 : i32
      %mul3A_59 = arith.muli %add3A_41, %mul3A_58 : i32
      %add3A_60 = arith.addi %mul3A_2, %mul3A_59 : i32
      %dma_start3A_61 = arith.constant 0 : i32
      %dma_start3A_62 = tpu.memref_slice %arg4[%add3A_60, %dma_start3A_61] : memref<409600x128xf32, #tpu.memory_space<hbm>> -> memref<128x128xf32, #tpu.memory_space<hbm>>
      %dma_start3A_63 = arith.constant 0 : i32
      %dma_start3A_64 = tpu.memref_slice %arg4[%add3A_60, %dma_start3A_63] : memref<409600x128xf32, #tpu.memory_space<hbm>> -> memref<128x128xf32, #tpu.memory_space<hbm>>
      tpu.enqueue_dma source(%arg7 : memref<128x128xf32, #tpu.memory_space<vmem>>) target(%dma_start3A_64 : memref<128x128xf32, #tpu.memory_space<hbm>>) target_semaphore(%arg11 : memref<!tpu.dma_semaphore, #tpu.memory_space<semaphore_mem>>)
    }
    %scan3A_6 = arith.constant 50 : i32
    %dma_wait3A = arith.constant 0 : i32
    %dma_wait3A_7 = tpu.memref_slice %arg4[%mul3A_2, %dma_wait3A] : memref<409600x128xf32, #tpu.memory_space<hbm>> -> memref<128x128xf32, #tpu.memory_space<hbm>>
    %dma_wait3A_8 = arith.constant 0 : i32
    %dma_wait3A_9 = tpu.memref_slice %arg4[%mul3A_2, %dma_wait3A_8] : memref<409600x128xf32, #tpu.memory_space<hbm>> -> memref<128x128xf32, #tpu.memory_space<hbm>>
    tpu.wait_dma2 semaphore(%arg10 : memref<!tpu.dma_semaphore, #tpu.memory_space<semaphore_mem>>) src(%arg6 : memref<128x128xf32, #tpu.memory_space<vmem>>) dst(%dma_wait3A_9 : memref<128x128xf32, #tpu.memory_space<hbm>>)
    %dma_wait3A_10 = arith.constant 0 : i32
    %dma_wait3A_11 = tpu.memref_slice %arg4[%mul3A_2, %dma_wait3A_10] : memref<409600x128xf32, #tpu.memory_space<hbm>> -> memref<128x128xf32, #tpu.memory_space<hbm>>
    %dma_wait3A_12 = arith.constant 0 : i32
    %dma_wait3A_13 = tpu.memref_slice %arg4[%mul3A_2, %dma_wait3A_12] : memref<409600x128xf32, #tpu.memory_space<hbm>> -> memref<128x128xf32, #tpu.memory_space<hbm>>
    tpu.wait_dma2 semaphore(%arg11 : memref<!tpu.dma_semaphore, #tpu.memory_space<semaphore_mem>>) src(%arg7 : memref<128x128xf32, #tpu.memory_space<vmem>>) dst(%dma_wait3A_13 : memref<128x128xf32, #tpu.memory_space<hbm>>)
    return
  }
}

module attributes {stable_mosaic.version = 14 : i64} {
  func.func @_tc_prep_body(%arg0: i32, %arg1: i32, %arg2: memref<128x2048xf32, #tpu.memory_space<vmem>>, %arg3: memref<2048x128xf32, #tpu.memory_space<vmem>>) attributes {dimension_semantics = [#tpu.dimension_semantics<arbitrary>, #tpu.dimension_semantics<arbitrary>], iteration_bounds = array<i64: 4, 49>, scalar_prefetch = 0 : i64, scratch_operands = 0 : i64, tpu.core_type = #tpu.core_type<tc>, window_params = [{transform_indices = @transform_0, window_bounds = array<i64: 128, 2048>}, {transform_indices = @transform_1, window_bounds = array<i64: 2048, 128>}]} {
    %get3A = arith.constant 0 : index
    %get3A_0 = arith.constant 0 : index
    %get3A_1 = vector.load %arg2[%get3A, %get3A_0] : memref<128x2048xf32, #tpu.memory_space<vmem>>, vector<128x2048xf32>
    %transpose3A = tpu.transpose %get3A_1, [1, 0] : vector<128x2048xf32> -> vector<2048x128xf32>
    %swap3A = arith.constant 0 : index
    %swap3A_2 = arith.constant 0 : index
    %swap3A_3 = vector.load %arg3[%swap3A, %swap3A_2] : memref<2048x128xf32, #tpu.memory_space<vmem>>, vector<2048x128xf32>
    tpu.vector_store %arg3[%swap3A, %swap3A_2], %transpose3A {strides = array<i32>} : memref<2048x128xf32, #tpu.memory_space<vmem>>, vector<2048x128xf32>,
    return
  }
  func.func @transform_0(%arg0: i32, %arg1: i32) -> (i32, i32) {
    %c0_i32 = arith.constant 0 : i32
    return %arg0, %arg1 : i32, i32
  }
  func.func @transform_1(%arg0: i32, %arg1: i32) -> (i32, i32) {
    %mul3A = arith.constant 49 : i32
    %mul3A_0 = arith.muli %arg0, %mul3A : i32
    %add3A = arith.addi %mul3A_0, %arg1 : i32
    %c0_i32 = arith.constant 0 : i32
    %c0_i32_1 = arith.constant 0 : i32
    return %add3A, %c0_i32 : i32, i32
  }
}

module attributes {stable_mosaic.version = 14 : i64} {
  func.func @_tc_out_body(%arg0: i32, %arg1: memref<128x200x128xf32, #tpu.memory_space<vmem>>, %arg2: memref<50x400x128xf32, #tpu.memory_space<vmem>>) attributes {dimension_semantics = [#tpu.dimension_semantics<arbitrary>], iteration_bounds = array<i64: 16>, scalar_prefetch = 0 : i64, scratch_operands = 0 : i64, tpu.core_type = #tpu.core_type<tc>, window_params = [{transform_indices = @transform_0, window_bounds = array<i64: 128, 200, 128>}, {transform_indices = @transform_1, window_bounds = array<i64: 50, 400, 128>}]} {
    %get3A = arith.constant 0 : index
    %get3A_0 = arith.constant 0 : index
    %get3A_1 = arith.constant 0 : index
    %get3A_2 = vector.load %arg1[%get3A, %get3A_0, %get3A_1] : memref<128x200x128xf32, #tpu.memory_space<vmem>>, vector<128x200x128xf32>
    %slice3A = vector.extract_strided_slice %get3A_2 {offsets = [0, 0, 0], sizes = [128, 1, 128], strides = [1, 1, 1]} : vector<128x200x128xf32> to vector<128x1x128xf32>
    %squeeze3A = vector.shape_cast %slice3A : vector<128x1x128xf32> to vector<128x128xf32>
    %transpose3A = tpu.transpose %squeeze3A, [1, 0] : vector<128x128xf32> -> vector<128x128xf32>
    %swap3A = arith.constant 0 : index
    %swap3A_3 = arith.constant 0 : index
    %swap3A_4 = arith.constant 0 : index
    %swap3A_5 = vector.load %arg2[%swap3A, %swap3A_3, %swap3A_4] : memref<50x400x128xf32, #tpu.memory_space<vmem>>, vector<1x128x128xf32>
    %swap3A_6 = vector.shape_cast %swap3A_5 : vector<1x128x128xf32> to vector<128x128xf32>
    %swap3A_7 = vector.shape_cast %transpose3A : vector<128x128xf32> to vector<1x128x128xf32>
    tpu.vector_store %arg2[%swap3A, %swap3A_3, %swap3A_4], %swap3A_7 {strides = array<i32>} : memref<50x400x128xf32, #tpu.memory_space<vmem>>, vector<1x128x128xf32>,
    %slice3A_8 = vector.extract_strided_slice %get3A_2 {offsets = [0, 1, 0], sizes = [128, 1, 128], strides = [1, 1, 1]} : vector<128x200x128xf32> to vector<128x1x128xf32>
    %squeeze3A_9 = vector.shape_cast %slice3A_8 : vector<128x1x128xf32> to vector<128x128xf32>
    %transpose3A_10 = tpu.transpose %squeeze3A_9, [1, 0] : vector<128x128xf32> -> vector<128x128xf32>
    %swap3A_11 = arith.constant 0 : index
    %swap3A_12 = arith.constant 128 : index
    %swap3A_13 = arith.constant 0 : index
    %swap3A_14 = vector.load %arg2[%swap3A_11, %swap3A_12, %swap3A_13] : memref<50x400x128xf32, #tpu.memory_space<vmem>>, vector<1x128x128xf32>
    %swap3A_15 = vector.shape_cast %swap3A_14 : vector<1x128x128xf32> to vector<128x128xf32>
    %swap3A_16 = vector.shape_cast %transpose3A_10 : vector<128x128xf32> to vector<1x128x128xf32>
    tpu.vector_store %arg2[%swap3A_11, %swap3A_12, %swap3A_13], %swap3A_16 {strides = array<i32>} : memref<50x400x128xf32, #tpu.memory_space<vmem>>, vector<1x128x128xf32>,
    %slice3A_17 = vector.extract_strided_slice %get3A_2 {offsets = [0, 2, 0], sizes = [128, 1, 128], strides = [1, 1, 1]} : vector<128x200x128xf32> to vector<128x1x128xf32>
    %squeeze3A_18 = vector.shape_cast %slice3A_17 : vector<128x1x128xf32> to vector<128x128xf32>
    %transpose3A_19 = tpu.transpose %squeeze3A_18, [1, 0] : vector<128x128xf32> -> vector<128x128xf32>
    %swap3A_20 = arith.constant 0 : index
    %swap3A_21 = arith.constant 256 : index
    %swap3A_22 = arith.constant 0 : index
    %swap3A_23 = vector.load %arg2[%swap3A_20, %swap3A_21, %swap3A_22] : memref<50x400x128xf32, #tpu.memory_space<vmem>>, vector<1x128x128xf32>
    %swap3A_24 = vector.shape_cast %swap3A_23 : vector<1x128x128xf32> to vector<128x128xf32>
    %swap3A_25 = vector.shape_cast %transpose3A_19 : vector<128x128xf32> to vector<1x128x128xf32>
    tpu.vector_store %arg2[%swap3A_20, %swap3A_21, %swap3A_22], %swap3A_25 {strides = array<i32>} : memref<50x400x128xf32, #tpu.memory_space<vmem>>, vector<1x128x128xf32>,
    %slice3A_26 = vector.extract_strided_slice %get3A_2 {offsets = [0, 3, 0], sizes = [128, 1, 128], strides = [1, 1, 1]} : vector<128x200x128xf32> to vector<128x1x128xf32>
    %squeeze3A_27 = vector.shape_cast %slice3A_26 : vector<128x1x128xf32> to vector<128x128xf32>
    %transpose3A_28 = tpu.transpose %squeeze3A_27, [1, 0] : vector<128x128xf32> -> vector<128x128xf32>
    %slice3A_29 = vector.extract_strided_slice %transpose3A_28 {offsets = [0, 0], sizes = [16, 128], strides = [1, 1]} : vector<128x128xf32> to vector<16x128xf32>
    %swap3A_30 = arith.constant 0 : index
    %swap3A_31 = arith.constant 384 : index
    %swap3A_32 = arith.constant 0 : index
    %swap3A_33 = vector.load %arg2[%swap3A_30, %swap3A_31, %swap3A_32] : memref<50x400x128xf32, #tpu.memory_space<vmem>>, vector<1x16x128xf32>
    %swap3A_34 = vector.shape_cast %swap3A_33 : vector<1x16x128xf32> to vector<16x128xf32>
    %swap3A_35 = vector.shape_cast %slice3A_29 : vector<16x128xf32> to vector<1x16x128xf32>
    tpu.vector_store %arg2[%swap3A_30, %swap3A_31, %swap3A_32], %swap3A_35 {strides = array<i32>} : memref<50x400x128xf32, #tpu.memory_space<vmem>>, vector<1x16x128xf32>,
    %slice3A_36 = vector.extract_strided_slice %get3A_2 {offsets = [0, 4, 0], sizes = [128, 1, 128], strides = [1, 1, 1]} : vector<128x200x128xf32> to vector<128x1x128xf32>
    %squeeze3A_37 = vector.shape_cast %slice3A_36 : vector<128x1x128xf32> to vector<128x128xf32>
    %transpose3A_38 = tpu.transpose %squeeze3A_37, [1, 0] : vector<128x128xf32> -> vector<128x128xf32>
    %swap3A_39 = arith.constant 1 : index
    %swap3A_40 = arith.constant 0 : index
    %swap3A_41 = arith.constant 0 : index
    %swap3A_42 = vector.load %arg2[%swap3A_39, %swap3A_40, %swap3A_41] : memref<50x400x128xf32, #tpu.memory_space<vmem>>, vector<1x128x128xf32>
    %swap3A_43 = vector.shape_cast %swap3A_42 : vector<1x128x128xf32> to vector<128x128xf32>
    %swap3A_44 = vector.shape_cast %transpose3A_38 : vector<128x128xf32> to vector<1x128x128xf32>
    tpu.vector_store %arg2[%swap3A_39, %swap3A_40, %swap3A_41], %swap3A_44 {strides = array<i32>} : memref<50x400x128xf32, #tpu.memory_space<vmem>>, vector<1x128x128xf32>,
    %slice3A_45 = vector.extract_strided_slice %get3A_2 {offsets = [0, 5, 0], sizes = [128, 1, 128], strides = [1, 1, 1]} : vector<128x200x128xf32> to vector<128x1x128xf32>
    %squeeze3A_46 = vector.shape_cast %slice3A_45 : vector<128x1x128xf32> to vector<128x128xf32>
    %transpose3A_47 = tpu.transpose %squeeze3A_46, [1, 0] : vector<128x128xf32> -> vector<128x128xf32>
    %swap3A_48 = arith.constant 1 : index
    %swap3A_49 = arith.constant 128 : index
    %swap3A_50 = arith.constant 0 : index
    %swap3A_51 = vector.load %arg2[%swap3A_48, %swap3A_49, %swap3A_50] : memref<50x400x128xf32, #tpu.memory_space<vmem>>, vector<1x128x128xf32>
    %swap3A_52 = vector.shape_cast %swap3A_51 : vector<1x128x128xf32> to vector<128x128xf32>
    %swap3A_53 = vector.shape_cast %transpose3A_47 : vector<128x128xf32> to vector<1x128x128xf32>
    tpu.vector_store %arg2[%swap3A_48, %swap3A_49, %swap3A_50], %swap3A_53 {strides = array<i32>} : memref<50x400x128xf32, #tpu.memory_space<vmem>>, vector<1x128x128xf32>,
    %slice3A_54 = vector.extract_strided_slice %get3A_2 {offsets = [0, 6, 0], sizes = [128, 1, 128], strides = [1, 1, 1]} : vector<128x200x128xf32> to vector<128x1x128xf32>
    %squeeze3A_55 = vector.shape_cast %slice3A_54 : vector<128x1x128xf32> to vector<128x128xf32>
    %transpose3A_56 = tpu.transpose %squeeze3A_55, [1, 0] : vector<128x128xf32> -> vector<128x128xf32>
    %swap3A_57 = arith.constant 1 : index
    %swap3A_58 = arith.constant 256 : index
    %swap3A_59 = arith.constant 0 : index
    %swap3A_60 = vector.load %arg2[%swap3A_57, %swap3A_58, %swap3A_59] : memref<50x400x128xf32, #tpu.memory_space<vmem>>, vector<1x128x128xf32>
    %swap3A_61 = vector.shape_cast %swap3A_60 : vector<1x128x128xf32> to vector<128x128xf32>
    %swap3A_62 = vector.shape_cast %transpose3A_56 : vector<128x128xf32> to vector<1x128x128xf32>
    tpu.vector_store %arg2[%swap3A_57, %swap3A_58, %swap3A_59], %swap3A_62 {strides = array<i32>} : memref<50x400x128xf32, #tpu.memory_space<vmem>>, vector<1x128x128xf32>,
    %slice3A_63 = vector.extract_strided_slice %get3A_2 {offsets = [0, 7, 0], sizes = [128, 1, 128], strides = [1, 1, 1]} : vector<128x200x128xf32> to vector<128x1x128xf32>
    %squeeze3A_64 = vector.shape_cast %slice3A_63 : vector<128x1x128xf32> to vector<128x128xf32>
    %transpose3A_65 = tpu.transpose %squeeze3A_64, [1, 0] : vector<128x128xf32> -> vector<128x128xf32>
    %slice3A_66 = vector.extract_strided_slice %transpose3A_65 {offsets = [0, 0], sizes = [16, 128], strides = [1, 1]} : vector<128x128xf32> to vector<16x128xf32>
    %swap3A_67 = arith.constant 1 : index
    %swap3A_68 = arith.constant 384 : index
    %swap3A_69 = arith.constant 0 : index
    %swap3A_70 = vector.load %arg2[%swap3A_67, %swap3A_68, %swap3A_69] : memref<50x400x128xf32, #tpu.memory_space<vmem>>, vector<1x16x128xf32>
    %swap3A_71 = vector.shape_cast %swap3A_70 : vector<1x16x128xf32> to vector<16x128xf32>
    %swap3A_72 = vector.shape_cast %slice3A_66 : vector<16x128xf32> to vector<1x16x128xf32>
    tpu.vector_store %arg2[%swap3A_67, %swap3A_68, %swap3A_69], %swap3A_72 {strides = array<i32>} : memref<50x400x128xf32, #tpu.memory_space<vmem>>, vector<1x16x128xf32>,
    %slice3A_73 = vector.extract_strided_slice %get3A_2 {offsets = [0, 8, 0], sizes = [128, 1, 128], strides = [1, 1, 1]} : vector<128x200x128xf32> to vector<128x1x128xf32>
    %squeeze3A_74 = vector.shape_cast %slice3A_73 : vector<128x1x128xf32> to vector<128x128xf32>
    %transpose3A_75 = tpu.transpose %squeeze3A_74, [1, 0] : vector<128x128xf32> -> vector<128x128xf32>
    %swap3A_76 = arith.constant 2 : index
    %swap3A_77 = arith.constant 0 : index
    %swap3A_78 = arith.constant 0 : index
    %swap3A_79 = vector.load %arg2[%swap3A_76, %swap3A_77, %swap3A_78] : memref<50x400x128xf32, #tpu.memory_space<vmem>>, vector<1x128x128xf32>
    %swap3A_80 = vector.shape_cast %swap3A_79 : vector<1x128x128xf32> to vector<128x128xf32>
    %swap3A_81 = vector.shape_cast %transpose3A_75 : vector<128x128xf32> to vector<1x128x128xf32>
    tpu.vector_store %arg2[%swap3A_76, %swap3A_77, %swap3A_78], %swap3A_81 {strides = array<i32>} : memref<50x400x128xf32, #tpu.memory_space<vmem>>, vector<1x128x128xf32>,
    %slice3A_82 = vector.extract_strided_slice %get3A_2 {offsets = [0, 9, 0], sizes = [128, 1, 128], strides = [1, 1, 1]} : vector<128x200x128xf32> to vector<128x1x128xf32>
    %squeeze3A_83 = vector.shape_cast %slice3A_82 : vector<128x1x128xf32> to vector<128x128xf32>
    %transpose3A_84 = tpu.transpose %squeeze3A_83, [1, 0] : vector<128x128xf32> -> vector<128x128xf32>
    %swap3A_85 = arith.constant 2 : index
    %swap3A_86 = arith.constant 128 : index
    %swap3A_87 = arith.constant 0 : index
    %swap3A_88 = vector.load %arg2[%swap3A_85, %swap3A_86, %swap3A_87] : memref<50x400x128xf32, #tpu.memory_space<vmem>>, vector<1x128x128xf32>
    %swap3A_89 = vector.shape_cast %swap3A_88 : vector<1x128x128xf32> to vector<128x128xf32>
    %swap3A_90 = vector.shape_cast %transpose3A_84 : vector<128x128xf32> to vector<1x128x128xf32>
    tpu.vector_store %arg2[%swap3A_85, %swap3A_86, %swap3A_87], %swap3A_90 {strides = array<i32>} : memref<50x400x128xf32, #tpu.memory_space<vmem>>, vector<1x128x128xf32>,
    %slice3A_91 = vector.extract_strided_slice %get3A_2 {offsets = [0, 10, 0], sizes = [128, 1, 128], strides = [1, 1, 1]} : vector<128x200x128xf32> to vector<128x1x128xf32>
    %squeeze3A_92 = vector.shape_cast %slice3A_91 : vector<128x1x128xf32> to vector<128x128xf32>
    %transpose3A_93 = tpu.transpose %squeeze3A_92, [1, 0] : vector<128x128xf32> -> vector<128x128xf32>
    %swap3A_94 = arith.constant 2 : index
    %swap3A_95 = arith.constant 256 : index
    %swap3A_96 = arith.constant 0 : index
    %swap3A_97 = vector.load %arg2[%swap3A_94, %swap3A_95, %swap3A_96] : memref<50x400x128xf32, #tpu.memory_space<vmem>>, vector<1x128x128xf32>
    %swap3A_98 = vector.shape_cast %swap3A_97 : vector<1x128x128xf32> to vector<128x128xf32>
    %swap3A_99 = vector.shape_cast %transpose3A_93 : vector<128x128xf32> to vector<1x128x128xf32>
    tpu.vector_store %arg2[%swap3A_94, %swap3A_95, %swap3A_96], %swap3A_99 {strides = array<i32>} : memref<50x400x128xf32, #tpu.memory_space<vmem>>, vector<1x128x128xf32>,
    %slice3A_100 = vector.extract_strided_slice %get3A_2 {offsets = [0, 11, 0], sizes = [128, 1, 128], strides = [1, 1, 1]} : vector<128x200x128xf32> to vector<128x1x128xf32>
    %squeeze3A_101 = vector.shape_cast %slice3A_100 : vector<128x1x128xf32> to vector<128x128xf32>
    %transpose3A_102 = tpu.transpose %squeeze3A_101, [1, 0] : vector<128x128xf32> -> vector<128x128xf32>
    %slice3A_103 = vector.extract_strided_slice %transpose3A_102 {offsets = [0, 0], sizes = [16, 128], strides = [1, 1]} : vector<128x128xf32> to vector<16x128xf32>
    %swap3A_104 = arith.constant 2 : index
    %swap3A_105 = arith.constant 384 : index
    %swap3A_106 = arith.constant 0 : index
    %swap3A_107 = vector.load %arg2[%swap3A_104, %swap3A_105, %swap3A_106] : memref<50x400x128xf32, #tpu.memory_space<vmem>>, vector<1x16x128xf32>
    %swap3A_108 = vector.shape_cast %swap3A_107 : vector<1x16x128xf32> to vector<16x128xf32>
    %swap3A_109 = vector.shape_cast %slice3A_103 : vector<16x128xf32> to vector<1x16x128xf32>
    tpu.vector_store %arg2[%swap3A_104, %swap3A_105, %swap3A_106], %swap3A_109 {strides = array<i32>} : memref<50x400x128xf32, #tpu.memory_space<vmem>>, vector<1x16x128xf32>,
    %slice3A_110 = vector.extract_strided_slice %get3A_2 {offsets = [0, 12, 0], sizes = [128, 1, 128], strides = [1, 1, 1]} : vector<128x200x128xf32> to vector<128x1x128xf32>
    %squeeze3A_111 = vector.shape_cast %slice3A_110 : vector<128x1x128xf32> to vector<128x128xf32>
    %transpose3A_112 = tpu.transpose %squeeze3A_111, [1, 0] : vector<128x128xf32> -> vector<128x128xf32>
    %swap3A_113 = arith.constant 3 : index
    %swap3A_114 = arith.constant 0 : index
    %swap3A_115 = arith.constant 0 : index
    %swap3A_116 = vector.load %arg2[%swap3A_113, %swap3A_114, %swap3A_115] : memref<50x400x128xf32, #tpu.memory_space<vmem>>, vector<1x128x128xf32>
    %swap3A_117 = vector.shape_cast %swap3A_116 : vector<1x128x128xf32> to vector<128x128xf32>
    %swap3A_118 = vector.shape_cast %transpose3A_112 : vector<128x128xf32> to vector<1x128x128xf32>
    tpu.vector_store %arg2[%swap3A_113, %swap3A_114, %swap3A_115], %swap3A_118 {strides = array<i32>} : memref<50x400x128xf32, #tpu.memory_space<vmem>>, vector<1x128x128xf32>,
    %slice3A_119 = vector.extract_strided_slice %get3A_2 {offsets = [0, 13, 0], sizes = [128, 1, 128], strides = [1, 1, 1]} : vector<128x200x128xf32> to vector<128x1x128xf32>
    %squeeze3A_120 = vector.shape_cast %slice3A_119 : vector<128x1x128xf32> to vector<128x128xf32>
    %transpose3A_121 = tpu.transpose %squeeze3A_120, [1, 0] : vector<128x128xf32> -> vector<128x128xf32>
    %swap3A_122 = arith.constant 3 : index
    %swap3A_123 = arith.constant 128 : index
    %swap3A_124 = arith.constant 0 : index
    %swap3A_125 = vector.load %arg2[%swap3A_122, %swap3A_123, %swap3A_124] : memref<50x400x128xf32, #tpu.memory_space<vmem>>, vector<1x128x128xf32>
    %swap3A_126 = vector.shape_cast %swap3A_125 : vector<1x128x128xf32> to vector<128x128xf32>
    %swap3A_127 = vector.shape_cast %transpose3A_121 : vector<128x128xf32> to vector<1x128x128xf32>
    tpu.vector_store %arg2[%swap3A_122, %swap3A_123, %swap3A_124], %swap3A_127 {strides = array<i32>} : memref<50x400x128xf32, #tpu.memory_space<vmem>>, vector<1x128x128xf32>,
    %slice3A_128 = vector.extract_strided_slice %get3A_2 {offsets = [0, 14, 0], sizes = [128, 1, 128], strides = [1, 1, 1]} : vector<128x200x128xf32> to vector<128x1x128xf32>
    %squeeze3A_129 = vector.shape_cast %slice3A_128 : vector<128x1x128xf32> to vector<128x128xf32>
    %transpose3A_130 = tpu.transpose %squeeze3A_129, [1, 0] : vector<128x128xf32> -> vector<128x128xf32>
    %swap3A_131 = arith.constant 3 : index
    %swap3A_132 = arith.constant 256 : index
    %swap3A_133 = arith.constant 0 : index
    %swap3A_134 = vector.load %arg2[%swap3A_131, %swap3A_132, %swap3A_133] : memref<50x400x128xf32, #tpu.memory_space<vmem>>, vector<1x128x128xf32>
    %swap3A_135 = vector.shape_cast %swap3A_134 : vector<1x128x128xf32> to vector<128x128xf32>
    %swap3A_136 = vector.shape_cast %transpose3A_130 : vector<128x128xf32> to vector<1x128x128xf32>
    tpu.vector_store %arg2[%swap3A_131, %swap3A_132, %swap3A_133], %swap3A_136 {strides = array<i32>} : memref<50x400x128xf32, #tpu.memory_space<vmem>>, vector<1x128x128xf32>,
    %slice3A_137 = vector.extract_strided_slice %get3A_2 {offsets = [0, 15, 0], sizes = [128, 1, 128], strides = [1, 1, 1]} : vector<128x200x128xf32> to vector<128x1x128xf32>
    %squeeze3A_138 = vector.shape_cast %slice3A_137 : vector<128x1x128xf32> to vector<128x128xf32>
    %transpose3A_139 = tpu.transpose %squeeze3A_138, [1, 0] : vector<128x128xf32> -> vector<128x128xf32>
    %slice3A_140 = vector.extract_strided_slice %transpose3A_139 {offsets = [0, 0], sizes = [16, 128], strides = [1, 1]} : vector<128x128xf32> to vector<16x128xf32>
    %swap3A_141 = arith.constant 3 : index
    %swap3A_142 = arith.constant 384 : index
    %swap3A_143 = arith.constant 0 : index
    %swap3A_144 = vector.load %arg2[%swap3A_141, %swap3A_142, %swap3A_143] : memref<50x400x128xf32, #tpu.memory_space<vmem>>, vector<1x16x128xf32>
    %swap3A_145 = vector.shape_cast %swap3A_144 : vector<1x16x128xf32> to vector<16x128xf32>
    %swap3A_146 = vector.shape_cast %slice3A_140 : vector<16x128xf32> to vector<1x16x128xf32>
    tpu.vector_store %arg2[%swap3A_141, %swap3A_142, %swap3A_143], %swap3A_146 {strides = array<i32>} : memref<50x400x128xf32, #tpu.memory_space<vmem>>, vector<1x16x128xf32>,
    %slice3A_147 = vector.extract_strided_slice %get3A_2 {offsets = [0, 16, 0], sizes = [128, 1, 128], strides = [1, 1, 1]} : vector<128x200x128xf32> to vector<128x1x128xf32>
    %squeeze3A_148 = vector.shape_cast %slice3A_147 : vector<128x1x128xf32> to vector<128x128xf32>
    %transpose3A_149 = tpu.transpose %squeeze3A_148, [1, 0] : vector<128x128xf32> -> vector<128x128xf32>
    %swap3A_150 = arith.constant 4 : index
    %swap3A_151 = arith.constant 0 : index
    %swap3A_152 = arith.constant 0 : index
    %swap3A_153 = vector.load %arg2[%swap3A_150, %swap3A_151, %swap3A_152] : memref<50x400x128xf32, #tpu.memory_space<vmem>>, vector<1x128x128xf32>
    %swap3A_154 = vector.shape_cast %swap3A_153 : vector<1x128x128xf32> to vector<128x128xf32>
    %swap3A_155 = vector.shape_cast %transpose3A_149 : vector<128x128xf32> to vector<1x128x128xf32>
    tpu.vector_store %arg2[%swap3A_150, %swap3A_151, %swap3A_152], %swap3A_155 {strides = array<i32>} : memref<50x400x128xf32, #tpu.memory_space<vmem>>, vector<1x128x128xf32>,
    %slice3A_156 = vector.extract_strided_slice %get3A_2 {offsets = [0, 17, 0], sizes = [128, 1, 128], strides = [1, 1, 1]} : vector<128x200x128xf32> to vector<128x1x128xf32>
    %squeeze3A_157 = vector.shape_cast %slice3A_156 : vector<128x1x128xf32> to vector<128x128xf32>
    %transpose3A_158 = tpu.transpose %squeeze3A_157, [1, 0] : vector<128x128xf32> -> vector<128x128xf32>
    %swap3A_159 = arith.constant 4 : index
    %swap3A_160 = arith.constant 128 : index
    %swap3A_161 = arith.constant 0 : index
    %swap3A_162 = vector.load %arg2[%swap3A_159, %swap3A_160, %swap3A_161] : memref<50x400x128xf32, #tpu.memory_space<vmem>>, vector<1x128x128xf32>
    %swap3A_163 = vector.shape_cast %swap3A_162 : vector<1x128x128xf32> to vector<128x128xf32>
    %swap3A_164 = vector.shape_cast %transpose3A_158 : vector<128x128xf32> to vector<1x128x128xf32>
    tpu.vector_store %arg2[%swap3A_159, %swap3A_160, %swap3A_161], %swap3A_164 {strides = array<i32>} : memref<50x400x128xf32, #tpu.memory_space<vmem>>, vector<1x128x128xf32>,
    %slice3A_165 = vector.extract_strided_slice %get3A_2 {offsets = [0, 18, 0], sizes = [128, 1, 128], strides = [1, 1, 1]} : vector<128x200x128xf32> to vector<128x1x128xf32>
    %squeeze3A_166 = vector.shape_cast %slice3A_165 : vector<128x1x128xf32> to vector<128x128xf32>
    %transpose3A_167 = tpu.transpose %squeeze3A_166, [1, 0] : vector<128x128xf32> -> vector<128x128xf32>
    %swap3A_168 = arith.constant 4 : index
    %swap3A_169 = arith.constant 256 : index
    %swap3A_170 = arith.constant 0 : index
    %swap3A_171 = vector.load %arg2[%swap3A_168, %swap3A_169, %swap3A_170] : memref<50x400x128xf32, #tpu.memory_space<vmem>>, vector<1x128x128xf32>
    %swap3A_172 = vector.shape_cast %swap3A_171 : vector<1x128x128xf32> to vector<128x128xf32>
    %swap3A_173 = vector.shape_cast %transpose3A_167 : vector<128x128xf32> to vector<1x128x128xf32>
    tpu.vector_store %arg2[%swap3A_168, %swap3A_169, %swap3A_170], %swap3A_173 {strides = array<i32>} : memref<50x400x128xf32, #tpu.memory_space<vmem>>, vector<1x128x128xf32>,
    %slice3A_174 = vector.extract_strided_slice %get3A_2 {offsets = [0, 19, 0], sizes = [128, 1, 128], strides = [1, 1, 1]} : vector<128x200x128xf32> to vector<128x1x128xf32>
    %squeeze3A_175 = vector.shape_cast %slice3A_174 : vector<128x1x128xf32> to vector<128x128xf32>
    %transpose3A_176 = tpu.transpose %squeeze3A_175, [1, 0] : vector<128x128xf32> -> vector<128x128xf32>
    %slice3A_177 = vector.extract_strided_slice %transpose3A_176 {offsets = [0, 0], sizes = [16, 128], strides = [1, 1]} : vector<128x128xf32> to vector<16x128xf32>
    %swap3A_178 = arith.constant 4 : index
    %swap3A_179 = arith.constant 384 : index
    %swap3A_180 = arith.constant 0 : index
    %swap3A_181 = vector.load %arg2[%swap3A_178, %swap3A_179, %swap3A_180] : memref<50x400x128xf32, #tpu.memory_space<vmem>>, vector<1x16x128xf32>
    %swap3A_182 = vector.shape_cast %swap3A_181 : vector<1x16x128xf32> to vector<16x128xf32>
    %swap3A_183 = vector.shape_cast %slice3A_177 : vector<16x128xf32> to vector<1x16x128xf32>
    tpu.vector_store %arg2[%swap3A_178, %swap3A_179, %swap3A_180], %swap3A_183 {strides = array<i32>} : memref<50x400x128xf32, #tpu.memory_space<vmem>>, vector<1x16x128xf32>,
    %slice3A_184 = vector.extract_strided_slice %get3A_2 {offsets = [0, 20, 0], sizes = [128, 1, 128], strides = [1, 1, 1]} : vector<128x200x128xf32> to vector<128x1x128xf32>
    %squeeze3A_185 = vector.shape_cast %slice3A_184 : vector<128x1x128xf32> to vector<128x128xf32>
    %transpose3A_186 = tpu.transpose %squeeze3A_185, [1, 0] : vector<128x128xf32> -> vector<128x128xf32>
    %swap3A_187 = arith.constant 5 : index
    %swap3A_188 = arith.constant 0 : index
    %swap3A_189 = arith.constant 0 : index
    %swap3A_190 = vector.load %arg2[%swap3A_187, %swap3A_188, %swap3A_189] : memref<50x400x128xf32, #tpu.memory_space<vmem>>, vector<1x128x128xf32>
    %swap3A_191 = vector.shape_cast %swap3A_190 : vector<1x128x128xf32> to vector<128x128xf32>
    %swap3A_192 = vector.shape_cast %transpose3A_186 : vector<128x128xf32> to vector<1x128x128xf32>
    tpu.vector_store %arg2[%swap3A_187, %swap3A_188, %swap3A_189], %swap3A_192 {strides = array<i32>} : memref<50x400x128xf32, #tpu.memory_space<vmem>>, vector<1x128x128xf32>,
    %slice3A_193 = vector.extract_strided_slice %get3A_2 {offsets = [0, 21, 0], sizes = [128, 1, 128], strides = [1, 1, 1]} : vector<128x200x128xf32> to vector<128x1x128xf32>
    %squeeze3A_194 = vector.shape_cast %slice3A_193 : vector<128x1x128xf32> to vector<128x128xf32>
    %transpose3A_195 = tpu.transpose %squeeze3A_194, [1, 0] : vector<128x128xf32> -> vector<128x128xf32>
    %swap3A_196 = arith.constant 5 : index
    %swap3A_197 = arith.constant 128 : index
    %swap3A_198 = arith.constant 0 : index
    %swap3A_199 = vector.load %arg2[%swap3A_196, %swap3A_197, %swap3A_198] : memref<50x400x128xf32, #tpu.memory_space<vmem>>, vector<1x128x128xf32>
    %swap3A_200 = vector.shape_cast %swap3A_199 : vector<1x128x128xf32> to vector<128x128xf32>
    %swap3A_201 = vector.shape_cast %transpose3A_195 : vector<128x128xf32> to vector<1x128x128xf32>
    tpu.vector_store %arg2[%swap3A_196, %swap3A_197, %swap3A_198], %swap3A_201 {strides = array<i32>} : memref<50x400x128xf32, #tpu.memory_space<vmem>>, vector<1x128x128xf32>,
    %slice3A_202 = vector.extract_strided_slice %get3A_2 {offsets = [0, 22, 0], sizes = [128, 1, 128], strides = [1, 1, 1]} : vector<128x200x128xf32> to vector<128x1x128xf32>
    %squeeze3A_203 = vector.shape_cast %slice3A_202 : vector<128x1x128xf32> to vector<128x128xf32>
    %transpose3A_204 = tpu.transpose %squeeze3A_203, [1, 0] : vector<128x128xf32> -> vector<128x128xf32>
    %swap3A_205 = arith.constant 5 : index
    %swap3A_206 = arith.constant 256 : index
    %swap3A_207 = arith.constant 0 : index
    %swap3A_208 = vector.load %arg2[%swap3A_205, %swap3A_206, %swap3A_207] : memref<50x400x128xf32, #tpu.memory_space<vmem>>, vector<1x128x128xf32>
    %swap3A_209 = vector.shape_cast %swap3A_208 : vector<1x128x128xf32> to vector<128x128xf32>
    %swap3A_210 = vector.shape_cast %transpose3A_204 : vector<128x128xf32> to vector<1x128x128xf32>
    tpu.vector_store %arg2[%swap3A_205, %swap3A_206, %swap3A_207], %swap3A_210 {strides = array<i32>} : memref<50x400x128xf32, #tpu.memory_space<vmem>>, vector<1x128x128xf32>,
    %slice3A_211 = vector.extract_strided_slice %get3A_2 {offsets = [0, 23, 0], sizes = [128, 1, 128], strides = [1, 1, 1]} : vector<128x200x128xf32> to vector<128x1x128xf32>
    %squeeze3A_212 = vector.shape_cast %slice3A_211 : vector<128x1x128xf32> to vector<128x128xf32>
    %transpose3A_213 = tpu.transpose %squeeze3A_212, [1, 0] : vector<128x128xf32> -> vector<128x128xf32>
    %slice3A_214 = vector.extract_strided_slice %transpose3A_213 {offsets = [0, 0], sizes = [16, 128], strides = [1, 1]} : vector<128x128xf32> to vector<16x128xf32>
    %swap3A_215 = arith.constant 5 : index
    %swap3A_216 = arith.constant 384 : index
    %swap3A_217 = arith.constant 0 : index
    %swap3A_218 = vector.load %arg2[%swap3A_215, %swap3A_216, %swap3A_217] : memref<50x400x128xf32, #tpu.memory_space<vmem>>, vector<1x16x128xf32>
    %swap3A_219 = vector.shape_cast %swap3A_218 : vector<1x16x128xf32> to vector<16x128xf32>
    %swap3A_220 = vector.shape_cast %slice3A_214 : vector<16x128xf32> to vector<1x16x128xf32>
    tpu.vector_store %arg2[%swap3A_215, %swap3A_216, %swap3A_217], %swap3A_220 {strides = array<i32>} : memref<50x400x128xf32, #tpu.memory_space<vmem>>, vector<1x16x128xf32>,
    %slice3A_221 = vector.extract_strided_slice %get3A_2 {offsets = [0, 24, 0], sizes = [128, 1, 128], strides = [1, 1, 1]} : vector<128x200x128xf32> to vector<128x1x128xf32>
    %squeeze3A_222 = vector.shape_cast %slice3A_221 : vector<128x1x128xf32> to vector<128x128xf32>
    %transpose3A_223 = tpu.transpose %squeeze3A_222, [1, 0] : vector<128x128xf32> -> vector<128x128xf32>
    %swap3A_224 = arith.constant 6 : index
    %swap3A_225 = arith.constant 0 : index
    %swap3A_226 = arith.constant 0 : index
    %swap3A_227 = vector.load %arg2[%swap3A_224, %swap3A_225, %swap3A_226] : memref<50x400x128xf32, #tpu.memory_space<vmem>>, vector<1x128x128xf32>
    %swap3A_228 = vector.shape_cast %swap3A_227 : vector<1x128x128xf32> to vector<128x128xf32>
    %swap3A_229 = vector.shape_cast %transpose3A_223 : vector<128x128xf32> to vector<1x128x128xf32>
    tpu.vector_store %arg2[%swap3A_224, %swap3A_225, %swap3A_226], %swap3A_229 {strides = array<i32>} : memref<50x400x128xf32, #tpu.memory_space<vmem>>, vector<1x128x128xf32>,
    %slice3A_230 = vector.extract_strided_slice %get3A_2 {offsets = [0, 25, 0], sizes = [128, 1, 128], strides = [1, 1, 1]} : vector<128x200x128xf32> to vector<128x1x128xf32>
    %squeeze3A_231 = vector.shape_cast %slice3A_230 : vector<128x1x128xf32> to vector<128x128xf32>
    %transpose3A_232 = tpu.transpose %squeeze3A_231, [1, 0] : vector<128x128xf32> -> vector<128x128xf32>
    %swap3A_233 = arith.constant 6 : index
    %swap3A_234 = arith.constant 128 : index
    %swap3A_235 = arith.constant 0 : index
    %swap3A_236 = vector.load %arg2[%swap3A_233, %swap3A_234, %swap3A_235] : memref<50x400x128xf32, #tpu.memory_space<vmem>>, vector<1x128x128xf32>
    %swap3A_237 = vector.shape_cast %swap3A_236 : vector<1x128x128xf32> to vector<128x128xf32>
    %swap3A_238 = vector.shape_cast %transpose3A_232 : vector<128x128xf32> to vector<1x128x128xf32>
    tpu.vector_store %arg2[%swap3A_233, %swap3A_234, %swap3A_235], %swap3A_238 {strides = array<i32>} : memref<50x400x128xf32, #tpu.memory_space<vmem>>, vector<1x128x128xf32>,
    %slice3A_239 = vector.extract_strided_slice %get3A_2 {offsets = [0, 26, 0], sizes = [128, 1, 128], strides = [1, 1, 1]} : vector<128x200x128xf32> to vector<128x1x128xf32>
    %squeeze3A_240 = vector.shape_cast %slice3A_239 : vector<128x1x128xf32> to vector<128x128xf32>
    %transpose3A_241 = tpu.transpose %squeeze3A_240, [1, 0] : vector<128x128xf32> -> vector<128x128xf32>
    %swap3A_242 = arith.constant 6 : index
    %swap3A_243 = arith.constant 256 : index
    %swap3A_244 = arith.constant 0 : index
    %swap3A_245 = vector.load %arg2[%swap3A_242, %swap3A_243, %swap3A_244] : memref<50x400x128xf32, #tpu.memory_space<vmem>>, vector<1x128x128xf32>
    %swap3A_246 = vector.shape_cast %swap3A_245 : vector<1x128x128xf32> to vector<128x128xf32>
    %swap3A_247 = vector.shape_cast %transpose3A_241 : vector<128x128xf32> to vector<1x128x128xf32>
    tpu.vector_store %arg2[%swap3A_242, %swap3A_243, %swap3A_244], %swap3A_247 {strides = array<i32>} : memref<50x400x128xf32, #tpu.memory_space<vmem>>, vector<1x128x128xf32>,
    %slice3A_248 = vector.extract_strided_slice %get3A_2 {offsets = [0, 27, 0], sizes = [128, 1, 128], strides = [1, 1, 1]} : vector<128x200x128xf32> to vector<128x1x128xf32>
    %squeeze3A_249 = vector.shape_cast %slice3A_248 : vector<128x1x128xf32> to vector<128x128xf32>
    %transpose3A_250 = tpu.transpose %squeeze3A_249, [1, 0] : vector<128x128xf32> -> vector<128x128xf32>
    %slice3A_251 = vector.extract_strided_slice %transpose3A_250 {offsets = [0, 0], sizes = [16, 128], strides = [1, 1]} : vector<128x128xf32> to vector<16x128xf32>
    %swap3A_252 = arith.constant 6 : index
    %swap3A_253 = arith.constant 384 : index
    %swap3A_254 = arith.constant 0 : index
    %swap3A_255 = vector.load %arg2[%swap3A_252, %swap3A_253, %swap3A_254] : memref<50x400x128xf32, #tpu.memory_space<vmem>>, vector<1x16x128xf32>
    %swap3A_256 = vector.shape_cast %swap3A_255 : vector<1x16x128xf32> to vector<16x128xf32>
    %swap3A_257 = vector.shape_cast %slice3A_251 : vector<16x128xf32> to vector<1x16x128xf32>
    tpu.vector_store %arg2[%swap3A_252, %swap3A_253, %swap3A_254], %swap3A_257 {strides = array<i32>} : memref<50x400x128xf32, #tpu.memory_space<vmem>>, vector<1x16x128xf32>,
    %slice3A_258 = vector.extract_strided_slice %get3A_2 {offsets = [0, 28, 0], sizes = [128, 1, 128], strides = [1, 1, 1]} : vector<128x200x128xf32> to vector<128x1x128xf32>
    %squeeze3A_259 = vector.shape_cast %slice3A_258 : vector<128x1x128xf32> to vector<128x128xf32>
    %transpose3A_260 = tpu.transpose %squeeze3A_259, [1, 0] : vector<128x128xf32> -> vector<128x128xf32>
    %swap3A_261 = arith.constant 7 : index
    %swap3A_262 = arith.constant 0 : index
    %swap3A_263 = arith.constant 0 : index
    %swap3A_264 = vector.load %arg2[%swap3A_261, %swap3A_262, %swap3A_263] : memref<50x400x128xf32, #tpu.memory_space<vmem>>, vector<1x128x128xf32>
    %swap3A_265 = vector.shape_cast %swap3A_264 : vector<1x128x128xf32> to vector<128x128xf32>
    %swap3A_266 = vector.shape_cast %transpose3A_260 : vector<128x128xf32> to vector<1x128x128xf32>
    tpu.vector_store %arg2[%swap3A_261, %swap3A_262, %swap3A_263], %swap3A_266 {strides = array<i32>} : memref<50x400x128xf32, #tpu.memory_space<vmem>>, vector<1x128x128xf32>,
    %slice3A_267 = vector.extract_strided_slice %get3A_2 {offsets = [0, 29, 0], sizes = [128, 1, 128], strides = [1, 1, 1]} : vector<128x200x128xf32> to vector<128x1x128xf32>
    %squeeze3A_268 = vector.shape_cast %slice3A_267 : vector<128x1x128xf32> to vector<128x128xf32>
    %transpose3A_269 = tpu.transpose %squeeze3A_268, [1, 0] : vector<128x128xf32> -> vector<128x128xf32>
    %swap3A_270 = arith.constant 7 : index
    %swap3A_271 = arith.constant 128 : index
    %swap3A_272 = arith.constant 0 : index
    %swap3A_273 = vector.load %arg2[%swap3A_270, %swap3A_271, %swap3A_272] : memref<50x400x128xf32, #tpu.memory_space<vmem>>, vector<1x128x128xf32>
    %swap3A_274 = vector.shape_cast %swap3A_273 : vector<1x128x128xf32> to vector<128x128xf32>
    %swap3A_275 = vector.shape_cast %transpose3A_269 : vector<128x128xf32> to vector<1x128x128xf32>
    tpu.vector_store %arg2[%swap3A_270, %swap3A_271, %swap3A_272], %swap3A_275 {strides = array<i32>} : memref<50x400x128xf32, #tpu.memory_space<vmem>>, vector<1x128x128xf32>,
    %slice3A_276 = vector.extract_strided_slice %get3A_2 {offsets = [0, 30, 0], sizes = [128, 1, 128], strides = [1, 1, 1]} : vector<128x200x128xf32> to vector<128x1x128xf32>
    %squeeze3A_277 = vector.shape_cast %slice3A_276 : vector<128x1x128xf32> to vector<128x128xf32>
    %transpose3A_278 = tpu.transpose %squeeze3A_277, [1, 0] : vector<128x128xf32> -> vector<128x128xf32>
    %swap3A_279 = arith.constant 7 : index
    %swap3A_280 = arith.constant 256 : index
    %swap3A_281 = arith.constant 0 : index
    %swap3A_282 = vector.load %arg2[%swap3A_279, %swap3A_280, %swap3A_281] : memref<50x400x128xf32, #tpu.memory_space<vmem>>, vector<1x128x128xf32>
    %swap3A_283 = vector.shape_cast %swap3A_282 : vector<1x128x128xf32> to vector<128x128xf32>
    %swap3A_284 = vector.shape_cast %transpose3A_278 : vector<128x128xf32> to vector<1x128x128xf32>
    tpu.vector_store %arg2[%swap3A_279, %swap3A_280, %swap3A_281], %swap3A_284 {strides = array<i32>} : memref<50x400x128xf32, #tpu.memory_space<vmem>>, vector<1x128x128xf32>,
    %slice3A_285 = vector.extract_strided_slice %get3A_2 {offsets = [0, 31, 0], sizes = [128, 1, 128], strides = [1, 1, 1]} : vector<128x200x128xf32> to vector<128x1x128xf32>
    %squeeze3A_286 = vector.shape_cast %slice3A_285 : vector<128x1x128xf32> to vector<128x128xf32>
    %transpose3A_287 = tpu.transpose %squeeze3A_286, [1, 0] : vector<128x128xf32> -> vector<128x128xf32>
    %slice3A_288 = vector.extract_strided_slice %transpose3A_287 {offsets = [0, 0], sizes = [16, 128], strides = [1, 1]} : vector<128x128xf32> to vector<16x128xf32>
    %swap3A_289 = arith.constant 7 : index
    %swap3A_290 = arith.constant 384 : index
    %swap3A_291 = arith.constant 0 : index
    %swap3A_292 = vector.load %arg2[%swap3A_289, %swap3A_290, %swap3A_291] : memref<50x400x128xf32, #tpu.memory_space<vmem>>, vector<1x16x128xf32>
    %swap3A_293 = vector.shape_cast %swap3A_292 : vector<1x16x128xf32> to vector<16x128xf32>
    %swap3A_294 = vector.shape_cast %slice3A_288 : vector<16x128xf32> to vector<1x16x128xf32>
    tpu.vector_store %arg2[%swap3A_289, %swap3A_290, %swap3A_291], %swap3A_294 {strides = array<i32>} : memref<50x400x128xf32, #tpu.memory_space<vmem>>, vector<1x16x128xf32>,
    %slice3A_295 = vector.extract_strided_slice %get3A_2 {offsets = [0, 32, 0], sizes = [128, 1, 128], strides = [1, 1, 1]} : vector<128x200x128xf32> to vector<128x1x128xf32>
    %squeeze3A_296 = vector.shape_cast %slice3A_295 : vector<128x1x128xf32> to vector<128x128xf32>
    %transpose3A_297 = tpu.transpose %squeeze3A_296, [1, 0] : vector<128x128xf32> -> vector<128x128xf32>
    %swap3A_298 = arith.constant 8 : index
    %swap3A_299 = arith.constant 0 : index
    %swap3A_300 = arith.constant 0 : index
    %swap3A_301 = vector.load %arg2[%swap3A_298, %swap3A_299, %swap3A_300] : memref<50x400x128xf32, #tpu.memory_space<vmem>>, vector<1x128x128xf32>
    %swap3A_302 = vector.shape_cast %swap3A_301 : vector<1x128x128xf32> to vector<128x128xf32>
    %swap3A_303 = vector.shape_cast %transpose3A_297 : vector<128x128xf32> to vector<1x128x128xf32>
    tpu.vector_store %arg2[%swap3A_298, %swap3A_299, %swap3A_300], %swap3A_303 {strides = array<i32>} : memref<50x400x128xf32, #tpu.memory_space<vmem>>, vector<1x128x128xf32>,
    %slice3A_304 = vector.extract_strided_slice %get3A_2 {offsets = [0, 33, 0], sizes = [128, 1, 128], strides = [1, 1, 1]} : vector<128x200x128xf32> to vector<128x1x128xf32>
    %squeeze3A_305 = vector.shape_cast %slice3A_304 : vector<128x1x128xf32> to vector<128x128xf32>
    %transpose3A_306 = tpu.transpose %squeeze3A_305, [1, 0] : vector<128x128xf32> -> vector<128x128xf32>
    %swap3A_307 = arith.constant 8 : index
    %swap3A_308 = arith.constant 128 : index
    %swap3A_309 = arith.constant 0 : index
    %swap3A_310 = vector.load %arg2[%swap3A_307, %swap3A_308, %swap3A_309] : memref<50x400x128xf32, #tpu.memory_space<vmem>>, vector<1x128x128xf32>
    %swap3A_311 = vector.shape_cast %swap3A_310 : vector<1x128x128xf32> to vector<128x128xf32>
    %swap3A_312 = vector.shape_cast %transpose3A_306 : vector<128x128xf32> to vector<1x128x128xf32>
    tpu.vector_store %arg2[%swap3A_307, %swap3A_308, %swap3A_309], %swap3A_312 {strides = array<i32>} : memref<50x400x128xf32, #tpu.memory_space<vmem>>, vector<1x128x128xf32>,
    %slice3A_313 = vector.extract_strided_slice %get3A_2 {offsets = [0, 34, 0], sizes = [128, 1, 128], strides = [1, 1, 1]} : vector<128x200x128xf32> to vector<128x1x128xf32>
    %squeeze3A_314 = vector.shape_cast %slice3A_313 : vector<128x1x128xf32> to vector<128x128xf32>
    %transpose3A_315 = tpu.transpose %squeeze3A_314, [1, 0] : vector<128x128xf32> -> vector<128x128xf32>
    %swap3A_316 = arith.constant 8 : index
    %swap3A_317 = arith.constant 256 : index
    %swap3A_318 = arith.constant 0 : index
    %swap3A_319 = vector.load %arg2[%swap3A_316, %swap3A_317, %swap3A_318] : memref<50x400x128xf32, #tpu.memory_space<vmem>>, vector<1x128x128xf32>
    %swap3A_320 = vector.shape_cast %swap3A_319 : vector<1x128x128xf32> to vector<128x128xf32>
    %swap3A_321 = vector.shape_cast %transpose3A_315 : vector<128x128xf32> to vector<1x128x128xf32>
    tpu.vector_store %arg2[%swap3A_316, %swap3A_317, %swap3A_318], %swap3A_321 {strides = array<i32>} : memref<50x400x128xf32, #tpu.memory_space<vmem>>, vector<1x128x128xf32>,
    %slice3A_322 = vector.extract_strided_slice %get3A_2 {offsets = [0, 35, 0], sizes = [128, 1, 128], strides = [1, 1, 1]} : vector<128x200x128xf32> to vector<128x1x128xf32>
    %squeeze3A_323 = vector.shape_cast %slice3A_322 : vector<128x1x128xf32> to vector<128x128xf32>
    %transpose3A_324 = tpu.transpose %squeeze3A_323, [1, 0] : vector<128x128xf32> -> vector<128x128xf32>
    %slice3A_325 = vector.extract_strided_slice %transpose3A_324 {offsets = [0, 0], sizes = [16, 128], strides = [1, 1]} : vector<128x128xf32> to vector<16x128xf32>
    %swap3A_326 = arith.constant 8 : index
    %swap3A_327 = arith.constant 384 : index
    %swap3A_328 = arith.constant 0 : index
    %swap3A_329 = vector.load %arg2[%swap3A_326, %swap3A_327, %swap3A_328] : memref<50x400x128xf32, #tpu.memory_space<vmem>>, vector<1x16x128xf32>
    %swap3A_330 = vector.shape_cast %swap3A_329 : vector<1x16x128xf32> to vector<16x128xf32>
    %swap3A_331 = vector.shape_cast %slice3A_325 : vector<16x128xf32> to vector<1x16x128xf32>
    tpu.vector_store %arg2[%swap3A_326, %swap3A_327, %swap3A_328], %swap3A_331 {strides = array<i32>} : memref<50x400x128xf32, #tpu.memory_space<vmem>>, vector<1x16x128xf32>,
    %slice3A_332 = vector.extract_strided_slice %get3A_2 {offsets = [0, 36, 0], sizes = [128, 1, 128], strides = [1, 1, 1]} : vector<128x200x128xf32> to vector<128x1x128xf32>
    %squeeze3A_333 = vector.shape_cast %slice3A_332 : vector<128x1x128xf32> to vector<128x128xf32>
    %transpose3A_334 = tpu.transpose %squeeze3A_333, [1, 0] : vector<128x128xf32> -> vector<128x128xf32>
    %swap3A_335 = arith.constant 9 : index
    %swap3A_336 = arith.constant 0 : index
    %swap3A_337 = arith.constant 0 : index
    %swap3A_338 = vector.load %arg2[%swap3A_335, %swap3A_336, %swap3A_337] : memref<50x400x128xf32, #tpu.memory_space<vmem>>, vector<1x128x128xf32>
    %swap3A_339 = vector.shape_cast %swap3A_338 : vector<1x128x128xf32> to vector<128x128xf32>
    %swap3A_340 = vector.shape_cast %transpose3A_334 : vector<128x128xf32> to vector<1x128x128xf32>
    tpu.vector_store %arg2[%swap3A_335, %swap3A_336, %swap3A_337], %swap3A_340 {strides = array<i32>} : memref<50x400x128xf32, #tpu.memory_space<vmem>>, vector<1x128x128xf32>,
    %slice3A_341 = vector.extract_strided_slice %get3A_2 {offsets = [0, 37, 0], sizes = [128, 1, 128], strides = [1, 1, 1]} : vector<128x200x128xf32> to vector<128x1x128xf32>
    %squeeze3A_342 = vector.shape_cast %slice3A_341 : vector<128x1x128xf32> to vector<128x128xf32>
    %transpose3A_343 = tpu.transpose %squeeze3A_342, [1, 0] : vector<128x128xf32> -> vector<128x128xf32>
    %swap3A_344 = arith.constant 9 : index
    %swap3A_345 = arith.constant 128 : index
    %swap3A_346 = arith.constant 0 : index
    %swap3A_347 = vector.load %arg2[%swap3A_344, %swap3A_345, %swap3A_346] : memref<50x400x128xf32, #tpu.memory_space<vmem>>, vector<1x128x128xf32>
    %swap3A_348 = vector.shape_cast %swap3A_347 : vector<1x128x128xf32> to vector<128x128xf32>
    %swap3A_349 = vector.shape_cast %transpose3A_343 : vector<128x128xf32> to vector<1x128x128xf32>
    tpu.vector_store %arg2[%swap3A_344, %swap3A_345, %swap3A_346], %swap3A_349 {strides = array<i32>} : memref<50x400x128xf32, #tpu.memory_space<vmem>>, vector<1x128x128xf32>,
    %slice3A_350 = vector.extract_strided_slice %get3A_2 {offsets = [0, 38, 0], sizes = [128, 1, 128], strides = [1, 1, 1]} : vector<128x200x128xf32> to vector<128x1x128xf32>
    %squeeze3A_351 = vector.shape_cast %slice3A_350 : vector<128x1x128xf32> to vector<128x128xf32>
    %transpose3A_352 = tpu.transpose %squeeze3A_351, [1, 0] : vector<128x128xf32> -> vector<128x128xf32>
    %swap3A_353 = arith.constant 9 : index
    %swap3A_354 = arith.constant 256 : index
    %swap3A_355 = arith.constant 0 : index
    %swap3A_356 = vector.load %arg2[%swap3A_353, %swap3A_354, %swap3A_355] : memref<50x400x128xf32, #tpu.memory_space<vmem>>, vector<1x128x128xf32>
    %swap3A_357 = vector.shape_cast %swap3A_356 : vector<1x128x128xf32> to vector<128x128xf32>
    %swap3A_358 = vector.shape_cast %transpose3A_352 : vector<128x128xf32> to vector<1x128x128xf32>
    tpu.vector_store %arg2[%swap3A_353, %swap3A_354, %swap3A_355], %swap3A_358 {strides = array<i32>} : memref<50x400x128xf32, #tpu.memory_space<vmem>>, vector<1x128x128xf32>,
    %slice3A_359 = vector.extract_strided_slice %get3A_2 {offsets = [0, 39, 0], sizes = [128, 1, 128], strides = [1, 1, 1]} : vector<128x200x128xf32> to vector<128x1x128xf32>
    %squeeze3A_360 = vector.shape_cast %slice3A_359 : vector<128x1x128xf32> to vector<128x128xf32>
    %transpose3A_361 = tpu.transpose %squeeze3A_360, [1, 0] : vector<128x128xf32> -> vector<128x128xf32>
    %slice3A_362 = vector.extract_strided_slice %transpose3A_361 {offsets = [0, 0], sizes = [16, 128], strides = [1, 1]} : vector<128x128xf32> to vector<16x128xf32>
    %swap3A_363 = arith.constant 9 : index
    %swap3A_364 = arith.constant 384 : index
    %swap3A_365 = arith.constant 0 : index
    %swap3A_366 = vector.load %arg2[%swap3A_363, %swap3A_364, %swap3A_365] : memref<50x400x128xf32, #tpu.memory_space<vmem>>, vector<1x16x128xf32>
    %swap3A_367 = vector.shape_cast %swap3A_366 : vector<1x16x128xf32> to vector<16x128xf32>
    %swap3A_368 = vector.shape_cast %slice3A_362 : vector<16x128xf32> to vector<1x16x128xf32>
    tpu.vector_store %arg2[%swap3A_363, %swap3A_364, %swap3A_365], %swap3A_368 {strides = array<i32>} : memref<50x400x128xf32, #tpu.memory_space<vmem>>, vector<1x16x128xf32>,
    %slice3A_369 = vector.extract_strided_slice %get3A_2 {offsets = [0, 40, 0], sizes = [128, 1, 128], strides = [1, 1, 1]} : vector<128x200x128xf32> to vector<128x1x128xf32>
    %squeeze3A_370 = vector.shape_cast %slice3A_369 : vector<128x1x128xf32> to vector<128x128xf32>
    %transpose3A_371 = tpu.transpose %squeeze3A_370, [1, 0] : vector<128x128xf32> -> vector<128x128xf32>
    %swap3A_372 = arith.constant 10 : index
    %swap3A_373 = arith.constant 0 : index
    %swap3A_374 = arith.constant 0 : index
    %swap3A_375 = vector.load %arg2[%swap3A_372, %swap3A_373, %swap3A_374] : memref<50x400x128xf32, #tpu.memory_space<vmem>>, vector<1x128x128xf32>
    %swap3A_376 = vector.shape_cast %swap3A_375 : vector<1x128x128xf32> to vector<128x128xf32>
    %swap3A_377 = vector.shape_cast %transpose3A_371 : vector<128x128xf32> to vector<1x128x128xf32>
    tpu.vector_store %arg2[%swap3A_372, %swap3A_373, %swap3A_374], %swap3A_377 {strides = array<i32>} : memref<50x400x128xf32, #tpu.memory_space<vmem>>, vector<1x128x128xf32>,
    %slice3A_378 = vector.extract_strided_slice %get3A_2 {offsets = [0, 41, 0], sizes = [128, 1, 128], strides = [1, 1, 1]} : vector<128x200x128xf32> to vector<128x1x128xf32>
    %squeeze3A_379 = vector.shape_cast %slice3A_378 : vector<128x1x128xf32> to vector<128x128xf32>
    %transpose3A_380 = tpu.transpose %squeeze3A_379, [1, 0] : vector<128x128xf32> -> vector<128x128xf32>
    %swap3A_381 = arith.constant 10 : index
    %swap3A_382 = arith.constant 128 : index
    %swap3A_383 = arith.constant 0 : index
    %swap3A_384 = vector.load %arg2[%swap3A_381, %swap3A_382, %swap3A_383] : memref<50x400x128xf32, #tpu.memory_space<vmem>>, vector<1x128x128xf32>
    %swap3A_385 = vector.shape_cast %swap3A_384 : vector<1x128x128xf32> to vector<128x128xf32>
    %swap3A_386 = vector.shape_cast %transpose3A_380 : vector<128x128xf32> to vector<1x128x128xf32>
    tpu.vector_store %arg2[%swap3A_381, %swap3A_382, %swap3A_383], %swap3A_386 {strides = array<i32>} : memref<50x400x128xf32, #tpu.memory_space<vmem>>, vector<1x128x128xf32>,
    %slice3A_387 = vector.extract_strided_slice %get3A_2 {offsets = [0, 42, 0], sizes = [128, 1, 128], strides = [1, 1, 1]} : vector<128x200x128xf32> to vector<128x1x128xf32>
    %squeeze3A_388 = vector.shape_cast %slice3A_387 : vector<128x1x128xf32> to vector<128x128xf32>
    %transpose3A_389 = tpu.transpose %squeeze3A_388, [1, 0] : vector<128x128xf32> -> vector<128x128xf32>
    %swap3A_390 = arith.constant 10 : index
    %swap3A_391 = arith.constant 256 : index
    %swap3A_392 = arith.constant 0 : index
    %swap3A_393 = vector.load %arg2[%swap3A_390, %swap3A_391, %swap3A_392] : memref<50x400x128xf32, #tpu.memory_space<vmem>>, vector<1x128x128xf32>
    %swap3A_394 = vector.shape_cast %swap3A_393 : vector<1x128x128xf32> to vector<128x128xf32>
    %swap3A_395 = vector.shape_cast %transpose3A_389 : vector<128x128xf32> to vector<1x128x128xf32>
    tpu.vector_store %arg2[%swap3A_390, %swap3A_391, %swap3A_392], %swap3A_395 {strides = array<i32>} : memref<50x400x128xf32, #tpu.memory_space<vmem>>, vector<1x128x128xf32>,
    %slice3A_396 = vector.extract_strided_slice %get3A_2 {offsets = [0, 43, 0], sizes = [128, 1, 128], strides = [1, 1, 1]} : vector<128x200x128xf32> to vector<128x1x128xf32>
    %squeeze3A_397 = vector.shape_cast %slice3A_396 : vector<128x1x128xf32> to vector<128x128xf32>
    %transpose3A_398 = tpu.transpose %squeeze3A_397, [1, 0] : vector<128x128xf32> -> vector<128x128xf32>
    %slice3A_399 = vector.extract_strided_slice %transpose3A_398 {offsets = [0, 0], sizes = [16, 128], strides = [1, 1]} : vector<128x128xf32> to vector<16x128xf32>
    %swap3A_400 = arith.constant 10 : index
    %swap3A_401 = arith.constant 384 : index
    %swap3A_402 = arith.constant 0 : index
    %swap3A_403 = vector.load %arg2[%swap3A_400, %swap3A_401, %swap3A_402] : memref<50x400x128xf32, #tpu.memory_space<vmem>>, vector<1x16x128xf32>
    %swap3A_404 = vector.shape_cast %swap3A_403 : vector<1x16x128xf32> to vector<16x128xf32>
    %swap3A_405 = vector.shape_cast %slice3A_399 : vector<16x128xf32> to vector<1x16x128xf32>
    tpu.vector_store %arg2[%swap3A_400, %swap3A_401, %swap3A_402], %swap3A_405 {strides = array<i32>} : memref<50x400x128xf32, #tpu.memory_space<vmem>>, vector<1x16x128xf32>,
    %slice3A_406 = vector.extract_strided_slice %get3A_2 {offsets = [0, 44, 0], sizes = [128, 1, 128], strides = [1, 1, 1]} : vector<128x200x128xf32> to vector<128x1x128xf32>
    %squeeze3A_407 = vector.shape_cast %slice3A_406 : vector<128x1x128xf32> to vector<128x128xf32>
    %transpose3A_408 = tpu.transpose %squeeze3A_407, [1, 0] : vector<128x128xf32> -> vector<128x128xf32>
    %swap3A_409 = arith.constant 11 : index
    %swap3A_410 = arith.constant 0 : index
    %swap3A_411 = arith.constant 0 : index
    %swap3A_412 = vector.load %arg2[%swap3A_409, %swap3A_410, %swap3A_411] : memref<50x400x128xf32, #tpu.memory_space<vmem>>, vector<1x128x128xf32>
    %swap3A_413 = vector.shape_cast %swap3A_412 : vector<1x128x128xf32> to vector<128x128xf32>
    %swap3A_414 = vector.shape_cast %transpose3A_408 : vector<128x128xf32> to vector<1x128x128xf32>
    tpu.vector_store %arg2[%swap3A_409, %swap3A_410, %swap3A_411], %swap3A_414 {strides = array<i32>} : memref<50x400x128xf32, #tpu.memory_space<vmem>>, vector<1x128x128xf32>,
    %slice3A_415 = vector.extract_strided_slice %get3A_2 {offsets = [0, 45, 0], sizes = [128, 1, 128], strides = [1, 1, 1]} : vector<128x200x128xf32> to vector<128x1x128xf32>
    %squeeze3A_416 = vector.shape_cast %slice3A_415 : vector<128x1x128xf32> to vector<128x128xf32>
    %transpose3A_417 = tpu.transpose %squeeze3A_416, [1, 0] : vector<128x128xf32> -> vector<128x128xf32>
    %swap3A_418 = arith.constant 11 : index
    %swap3A_419 = arith.constant 128 : index
    %swap3A_420 = arith.constant 0 : index
    %swap3A_421 = vector.load %arg2[%swap3A_418, %swap3A_419, %swap3A_420] : memref<50x400x128xf32, #tpu.memory_space<vmem>>, vector<1x128x128xf32>
    %swap3A_422 = vector.shape_cast %swap3A_421 : vector<1x128x128xf32> to vector<128x128xf32>
    %swap3A_423 = vector.shape_cast %transpose3A_417 : vector<128x128xf32> to vector<1x128x128xf32>
    tpu.vector_store %arg2[%swap3A_418, %swap3A_419, %swap3A_420], %swap3A_423 {strides = array<i32>} : memref<50x400x128xf32, #tpu.memory_space<vmem>>, vector<1x128x128xf32>,
    %slice3A_424 = vector.extract_strided_slice %get3A_2 {offsets = [0, 46, 0], sizes = [128, 1, 128], strides = [1, 1, 1]} : vector<128x200x128xf32> to vector<128x1x128xf32>
    %squeeze3A_425 = vector.shape_cast %slice3A_424 : vector<128x1x128xf32> to vector<128x128xf32>
    %transpose3A_426 = tpu.transpose %squeeze3A_425, [1, 0] : vector<128x128xf32> -> vector<128x128xf32>
    %swap3A_427 = arith.constant 11 : index
    %swap3A_428 = arith.constant 256 : index
    %swap3A_429 = arith.constant 0 : index
    %swap3A_430 = vector.load %arg2[%swap3A_427, %swap3A_428, %swap3A_429] : memref<50x400x128xf32, #tpu.memory_space<vmem>>, vector<1x128x128xf32>
    %swap3A_431 = vector.shape_cast %swap3A_430 : vector<1x128x128xf32> to vector<128x128xf32>
    %swap3A_432 = vector.shape_cast %transpose3A_426 : vector<128x128xf32> to vector<1x128x128xf32>
    tpu.vector_store %arg2[%swap3A_427, %swap3A_428, %swap3A_429], %swap3A_432 {strides = array<i32>} : memref<50x400x128xf32, #tpu.memory_space<vmem>>, vector<1x128x128xf32>,
    %slice3A_433 = vector.extract_strided_slice %get3A_2 {offsets = [0, 47, 0], sizes = [128, 1, 128], strides = [1, 1, 1]} : vector<128x200x128xf32> to vector<128x1x128xf32>
    %squeeze3A_434 = vector.shape_cast %slice3A_433 : vector<128x1x128xf32> to vector<128x128xf32>
    %transpose3A_435 = tpu.transpose %squeeze3A_434, [1, 0] : vector<128x128xf32> -> vector<128x128xf32>
    %slice3A_436 = vector.extract_strided_slice %transpose3A_435 {offsets = [0, 0], sizes = [16, 128], strides = [1, 1]} : vector<128x128xf32> to vector<16x128xf32>
    %swap3A_437 = arith.constant 11 : index
    %swap3A_438 = arith.constant 384 : index
    %swap3A_439 = arith.constant 0 : index
    %swap3A_440 = vector.load %arg2[%swap3A_437, %swap3A_438, %swap3A_439] : memref<50x400x128xf32, #tpu.memory_space<vmem>>, vector<1x16x128xf32>
    %swap3A_441 = vector.shape_cast %swap3A_440 : vector<1x16x128xf32> to vector<16x128xf32>
    %swap3A_442 = vector.shape_cast %slice3A_436 : vector<16x128xf32> to vector<1x16x128xf32>
    tpu.vector_store %arg2[%swap3A_437, %swap3A_438, %swap3A_439], %swap3A_442 {strides = array<i32>} : memref<50x400x128xf32, #tpu.memory_space<vmem>>, vector<1x16x128xf32>,
    %slice3A_443 = vector.extract_strided_slice %get3A_2 {offsets = [0, 48, 0], sizes = [128, 1, 128], strides = [1, 1, 1]} : vector<128x200x128xf32> to vector<128x1x128xf32>
    %squeeze3A_444 = vector.shape_cast %slice3A_443 : vector<128x1x128xf32> to vector<128x128xf32>
    %transpose3A_445 = tpu.transpose %squeeze3A_444, [1, 0] : vector<128x128xf32> -> vector<128x128xf32>
    %swap3A_446 = arith.constant 12 : index
    %swap3A_447 = arith.constant 0 : index
    %swap3A_448 = arith.constant 0 : index
    %swap3A_449 = vector.load %arg2[%swap3A_446, %swap3A_447, %swap3A_448] : memref<50x400x128xf32, #tpu.memory_space<vmem>>, vector<1x128x128xf32>
    %swap3A_450 = vector.shape_cast %swap3A_449 : vector<1x128x128xf32> to vector<128x128xf32>
    %swap3A_451 = vector.shape_cast %transpose3A_445 : vector<128x128xf32> to vector<1x128x128xf32>
    tpu.vector_store %arg2[%swap3A_446, %swap3A_447, %swap3A_448], %swap3A_451 {strides = array<i32>} : memref<50x400x128xf32, #tpu.memory_space<vmem>>, vector<1x128x128xf32>,
    %slice3A_452 = vector.extract_strided_slice %get3A_2 {offsets = [0, 49, 0], sizes = [128, 1, 128], strides = [1, 1, 1]} : vector<128x200x128xf32> to vector<128x1x128xf32>
    %squeeze3A_453 = vector.shape_cast %slice3A_452 : vector<128x1x128xf32> to vector<128x128xf32>
    %transpose3A_454 = tpu.transpose %squeeze3A_453, [1, 0] : vector<128x128xf32> -> vector<128x128xf32>
    %swap3A_455 = arith.constant 12 : index
    %swap3A_456 = arith.constant 128 : index
    %swap3A_457 = arith.constant 0 : index
    %swap3A_458 = vector.load %arg2[%swap3A_455, %swap3A_456, %swap3A_457] : memref<50x400x128xf32, #tpu.memory_space<vmem>>, vector<1x128x128xf32>
    %swap3A_459 = vector.shape_cast %swap3A_458 : vector<1x128x128xf32> to vector<128x128xf32>
    %swap3A_460 = vector.shape_cast %transpose3A_454 : vector<128x128xf32> to vector<1x128x128xf32>
    tpu.vector_store %arg2[%swap3A_455, %swap3A_456, %swap3A_457], %swap3A_460 {strides = array<i32>} : memref<50x400x128xf32, #tpu.memory_space<vmem>>, vector<1x128x128xf32>,
    %slice3A_461 = vector.extract_strided_slice %get3A_2 {offsets = [0, 50, 0], sizes = [128, 1, 128], strides = [1, 1, 1]} : vector<128x200x128xf32> to vector<128x1x128xf32>
    %squeeze3A_462 = vector.shape_cast %slice3A_461 : vector<128x1x128xf32> to vector<128x128xf32>
    %transpose3A_463 = tpu.transpose %squeeze3A_462, [1, 0] : vector<128x128xf32> -> vector<128x128xf32>
    %swap3A_464 = arith.constant 12 : index
    %swap3A_465 = arith.constant 256 : index
    %swap3A_466 = arith.constant 0 : index
    %swap3A_467 = vector.load %arg2[%swap3A_464, %swap3A_465, %swap3A_466] : memref<50x400x128xf32, #tpu.memory_space<vmem>>, vector<1x128x128xf32>
    %swap3A_468 = vector.shape_cast %swap3A_467 : vector<1x128x128xf32> to vector<128x128xf32>
    %swap3A_469 = vector.shape_cast %transpose3A_463 : vector<128x128xf32> to vector<1x128x128xf32>
    tpu.vector_store %arg2[%swap3A_464, %swap3A_465, %swap3A_466], %swap3A_469 {strides = array<i32>} : memref<50x400x128xf32, #tpu.memory_space<vmem>>, vector<1x128x128xf32>,
    %slice3A_470 = vector.extract_strided_slice %get3A_2 {offsets = [0, 51, 0], sizes = [128, 1, 128], strides = [1, 1, 1]} : vector<128x200x128xf32> to vector<128x1x128xf32>
    %squeeze3A_471 = vector.shape_cast %slice3A_470 : vector<128x1x128xf32> to vector<128x128xf32>
    %transpose3A_472 = tpu.transpose %squeeze3A_471, [1, 0] : vector<128x128xf32> -> vector<128x128xf32>
    %slice3A_473 = vector.extract_strided_slice %transpose3A_472 {offsets = [0, 0], sizes = [16, 128], strides = [1, 1]} : vector<128x128xf32> to vector<16x128xf32>
    %swap3A_474 = arith.constant 12 : index
    %swap3A_475 = arith.constant 384 : index
    %swap3A_476 = arith.constant 0 : index
    %swap3A_477 = vector.load %arg2[%swap3A_474, %swap3A_475, %swap3A_476] : memref<50x400x128xf32, #tpu.memory_space<vmem>>, vector<1x16x128xf32>
    %swap3A_478 = vector.shape_cast %swap3A_477 : vector<1x16x128xf32> to vector<16x128xf32>
    %swap3A_479 = vector.shape_cast %slice3A_473 : vector<16x128xf32> to vector<1x16x128xf32>
    tpu.vector_store %arg2[%swap3A_474, %swap3A_475, %swap3A_476], %swap3A_479 {strides = array<i32>} : memref<50x400x128xf32, #tpu.memory_space<vmem>>, vector<1x16x128xf32>,
    %slice3A_480 = vector.extract_strided_slice %get3A_2 {offsets = [0, 52, 0], sizes = [128, 1, 128], strides = [1, 1, 1]} : vector<128x200x128xf32> to vector<128x1x128xf32>
    %squeeze3A_481 = vector.shape_cast %slice3A_480 : vector<128x1x128xf32> to vector<128x128xf32>
    %transpose3A_482 = tpu.transpose %squeeze3A_481, [1, 0] : vector<128x128xf32> -> vector<128x128xf32>
    %swap3A_483 = arith.constant 13 : index
    %swap3A_484 = arith.constant 0 : index
    %swap3A_485 = arith.constant 0 : index
    %swap3A_486 = vector.load %arg2[%swap3A_483, %swap3A_484, %swap3A_485] : memref<50x400x128xf32, #tpu.memory_space<vmem>>, vector<1x128x128xf32>
    %swap3A_487 = vector.shape_cast %swap3A_486 : vector<1x128x128xf32> to vector<128x128xf32>
    %swap3A_488 = vector.shape_cast %transpose3A_482 : vector<128x128xf32> to vector<1x128x128xf32>
    tpu.vector_store %arg2[%swap3A_483, %swap3A_484, %swap3A_485], %swap3A_488 {strides = array<i32>} : memref<50x400x128xf32, #tpu.memory_space<vmem>>, vector<1x128x128xf32>,
    %slice3A_489 = vector.extract_strided_slice %get3A_2 {offsets = [0, 53, 0], sizes = [128, 1, 128], strides = [1, 1, 1]} : vector<128x200x128xf32> to vector<128x1x128xf32>
    %squeeze3A_490 = vector.shape_cast %slice3A_489 : vector<128x1x128xf32> to vector<128x128xf32>
    %transpose3A_491 = tpu.transpose %squeeze3A_490, [1, 0] : vector<128x128xf32> -> vector<128x128xf32>
    %swap3A_492 = arith.constant 13 : index
    %swap3A_493 = arith.constant 128 : index
    %swap3A_494 = arith.constant 0 : index
    %swap3A_495 = vector.load %arg2[%swap3A_492, %swap3A_493, %swap3A_494] : memref<50x400x128xf32, #tpu.memory_space<vmem>>, vector<1x128x128xf32>
    %swap3A_496 = vector.shape_cast %swap3A_495 : vector<1x128x128xf32> to vector<128x128xf32>
    %swap3A_497 = vector.shape_cast %transpose3A_491 : vector<128x128xf32> to vector<1x128x128xf32>
    tpu.vector_store %arg2[%swap3A_492, %swap3A_493, %swap3A_494], %swap3A_497 {strides = array<i32>} : memref<50x400x128xf32, #tpu.memory_space<vmem>>, vector<1x128x128xf32>,
    %slice3A_498 = vector.extract_strided_slice %get3A_2 {offsets = [0, 54, 0], sizes = [128, 1, 128], strides = [1, 1, 1]} : vector<128x200x128xf32> to vector<128x1x128xf32>
    %squeeze3A_499 = vector.shape_cast %slice3A_498 : vector<128x1x128xf32> to vector<128x128xf32>
    %transpose3A_500 = tpu.transpose %squeeze3A_499, [1, 0] : vector<128x128xf32> -> vector<128x128xf32>
    %swap3A_501 = arith.constant 13 : index
    %swap3A_502 = arith.constant 256 : index
    %swap3A_503 = arith.constant 0 : index
    %swap3A_504 = vector.load %arg2[%swap3A_501, %swap3A_502, %swap3A_503] : memref<50x400x128xf32, #tpu.memory_space<vmem>>, vector<1x128x128xf32>
    %swap3A_505 = vector.shape_cast %swap3A_504 : vector<1x128x128xf32> to vector<128x128xf32>
    %swap3A_506 = vector.shape_cast %transpose3A_500 : vector<128x128xf32> to vector<1x128x128xf32>
    tpu.vector_store %arg2[%swap3A_501, %swap3A_502, %swap3A_503], %swap3A_506 {strides = array<i32>} : memref<50x400x128xf32, #tpu.memory_space<vmem>>, vector<1x128x128xf32>,
    %slice3A_507 = vector.extract_strided_slice %get3A_2 {offsets = [0, 55, 0], sizes = [128, 1, 128], strides = [1, 1, 1]} : vector<128x200x128xf32> to vector<128x1x128xf32>
    %squeeze3A_508 = vector.shape_cast %slice3A_507 : vector<128x1x128xf32> to vector<128x128xf32>
    %transpose3A_509 = tpu.transpose %squeeze3A_508, [1, 0] : vector<128x128xf32> -> vector<128x128xf32>
    %slice3A_510 = vector.extract_strided_slice %transpose3A_509 {offsets = [0, 0], sizes = [16, 128], strides = [1, 1]} : vector<128x128xf32> to vector<16x128xf32>
    %swap3A_511 = arith.constant 13 : index
    %swap3A_512 = arith.constant 384 : index
    %swap3A_513 = arith.constant 0 : index
    %swap3A_514 = vector.load %arg2[%swap3A_511, %swap3A_512, %swap3A_513] : memref<50x400x128xf32, #tpu.memory_space<vmem>>, vector<1x16x128xf32>
    %swap3A_515 = vector.shape_cast %swap3A_514 : vector<1x16x128xf32> to vector<16x128xf32>
    %swap3A_516 = vector.shape_cast %slice3A_510 : vector<16x128xf32> to vector<1x16x128xf32>
    tpu.vector_store %arg2[%swap3A_511, %swap3A_512, %swap3A_513], %swap3A_516 {strides = array<i32>} : memref<50x400x128xf32, #tpu.memory_space<vmem>>, vector<1x16x128xf32>,
    %slice3A_517 = vector.extract_strided_slice %get3A_2 {offsets = [0, 56, 0], sizes = [128, 1, 128], strides = [1, 1, 1]} : vector<128x200x128xf32> to vector<128x1x128xf32>
    %squeeze3A_518 = vector.shape_cast %slice3A_517 : vector<128x1x128xf32> to vector<128x128xf32>
    %transpose3A_519 = tpu.transpose %squeeze3A_518, [1, 0] : vector<128x128xf32> -> vector<128x128xf32>
    %swap3A_520 = arith.constant 14 : index
    %swap3A_521 = arith.constant 0 : index
    %swap3A_522 = arith.constant 0 : index
    %swap3A_523 = vector.load %arg2[%swap3A_520, %swap3A_521, %swap3A_522] : memref<50x400x128xf32, #tpu.memory_space<vmem>>, vector<1x128x128xf32>
    %swap3A_524 = vector.shape_cast %swap3A_523 : vector<1x128x128xf32> to vector<128x128xf32>
    %swap3A_525 = vector.shape_cast %transpose3A_519 : vector<128x128xf32> to vector<1x128x128xf32>
    tpu.vector_store %arg2[%swap3A_520, %swap3A_521, %swap3A_522], %swap3A_525 {strides = array<i32>} : memref<50x400x128xf32, #tpu.memory_space<vmem>>, vector<1x128x128xf32>,
    %slice3A_526 = vector.extract_strided_slice %get3A_2 {offsets = [0, 57, 0], sizes = [128, 1, 128], strides = [1, 1, 1]} : vector<128x200x128xf32> to vector<128x1x128xf32>
    %squeeze3A_527 = vector.shape_cast %slice3A_526 : vector<128x1x128xf32> to vector<128x128xf32>
    %transpose3A_528 = tpu.transpose %squeeze3A_527, [1, 0] : vector<128x128xf32> -> vector<128x128xf32>
    %swap3A_529 = arith.constant 14 : index
    %swap3A_530 = arith.constant 128 : index
    %swap3A_531 = arith.constant 0 : index
    %swap3A_532 = vector.load %arg2[%swap3A_529, %swap3A_530, %swap3A_531] : memref<50x400x128xf32, #tpu.memory_space<vmem>>, vector<1x128x128xf32>
    %swap3A_533 = vector.shape_cast %swap3A_532 : vector<1x128x128xf32> to vector<128x128xf32>
    %swap3A_534 = vector.shape_cast %transpose3A_528 : vector<128x128xf32> to vector<1x128x128xf32>
    tpu.vector_store %arg2[%swap3A_529, %swap3A_530, %swap3A_531], %swap3A_534 {strides = array<i32>} : memref<50x400x128xf32, #tpu.memory_space<vmem>>, vector<1x128x128xf32>,
    %slice3A_535 = vector.extract_strided_slice %get3A_2 {offsets = [0, 58, 0], sizes = [128, 1, 128], strides = [1, 1, 1]} : vector<128x200x128xf32> to vector<128x1x128xf32>
    %squeeze3A_536 = vector.shape_cast %slice3A_535 : vector<128x1x128xf32> to vector<128x128xf32>
    %transpose3A_537 = tpu.transpose %squeeze3A_536, [1, 0] : vector<128x128xf32> -> vector<128x128xf32>
    %swap3A_538 = arith.constant 14 : index
    %swap3A_539 = arith.constant 256 : index
    %swap3A_540 = arith.constant 0 : index
    %swap3A_541 = vector.load %arg2[%swap3A_538, %swap3A_539, %swap3A_540] : memref<50x400x128xf32, #tpu.memory_space<vmem>>, vector<1x128x128xf32>
    %swap3A_542 = vector.shape_cast %swap3A_541 : vector<1x128x128xf32> to vector<128x128xf32>
    %swap3A_543 = vector.shape_cast %transpose3A_537 : vector<128x128xf32> to vector<1x128x128xf32>
    tpu.vector_store %arg2[%swap3A_538, %swap3A_539, %swap3A_540], %swap3A_543 {strides = array<i32>} : memref<50x400x128xf32, #tpu.memory_space<vmem>>, vector<1x128x128xf32>,
    %slice3A_544 = vector.extract_strided_slice %get3A_2 {offsets = [0, 59, 0], sizes = [128, 1, 128], strides = [1, 1, 1]} : vector<128x200x128xf32> to vector<128x1x128xf32>
    %squeeze3A_545 = vector.shape_cast %slice3A_544 : vector<128x1x128xf32> to vector<128x128xf32>
    %transpose3A_546 = tpu.transpose %squeeze3A_545, [1, 0] : vector<128x128xf32> -> vector<128x128xf32>
    %slice3A_547 = vector.extract_strided_slice %transpose3A_546 {offsets = [0, 0], sizes = [16, 128], strides = [1, 1]} : vector<128x128xf32> to vector<16x128xf32>
    %swap3A_548 = arith.constant 14 : index
    %swap3A_549 = arith.constant 384 : index
    %swap3A_550 = arith.constant 0 : index
    %swap3A_551 = vector.load %arg2[%swap3A_548, %swap3A_549, %swap3A_550] : memref<50x400x128xf32, #tpu.memory_space<vmem>>, vector<1x16x128xf32>
    %swap3A_552 = vector.shape_cast %swap3A_551 : vector<1x16x128xf32> to vector<16x128xf32>
    %swap3A_553 = vector.shape_cast %slice3A_547 : vector<16x128xf32> to vector<1x16x128xf32>
    tpu.vector_store %arg2[%swap3A_548, %swap3A_549, %swap3A_550], %swap3A_553 {strides = array<i32>} : memref<50x400x128xf32, #tpu.memory_space<vmem>>, vector<1x16x128xf32>,
    %slice3A_554 = vector.extract_strided_slice %get3A_2 {offsets = [0, 60, 0], sizes = [128, 1, 128], strides = [1, 1, 1]} : vector<128x200x128xf32> to vector<128x1x128xf32>
    %squeeze3A_555 = vector.shape_cast %slice3A_554 : vector<128x1x128xf32> to vector<128x128xf32>
    %transpose3A_556 = tpu.transpose %squeeze3A_555, [1, 0] : vector<128x128xf32> -> vector<128x128xf32>
    %swap3A_557 = arith.constant 15 : index
    %swap3A_558 = arith.constant 0 : index
    %swap3A_559 = arith.constant 0 : index
    %swap3A_560 = vector.load %arg2[%swap3A_557, %swap3A_558, %swap3A_559] : memref<50x400x128xf32, #tpu.memory_space<vmem>>, vector<1x128x128xf32>
    %swap3A_561 = vector.shape_cast %swap3A_560 : vector<1x128x128xf32> to vector<128x128xf32>
    %swap3A_562 = vector.shape_cast %transpose3A_556 : vector<128x128xf32> to vector<1x128x128xf32>
    tpu.vector_store %arg2[%swap3A_557, %swap3A_558, %swap3A_559], %swap3A_562 {strides = array<i32>} : memref<50x400x128xf32, #tpu.memory_space<vmem>>, vector<1x128x128xf32>,
    %slice3A_563 = vector.extract_strided_slice %get3A_2 {offsets = [0, 61, 0], sizes = [128, 1, 128], strides = [1, 1, 1]} : vector<128x200x128xf32> to vector<128x1x128xf32>
    %squeeze3A_564 = vector.shape_cast %slice3A_563 : vector<128x1x128xf32> to vector<128x128xf32>
    %transpose3A_565 = tpu.transpose %squeeze3A_564, [1, 0] : vector<128x128xf32> -> vector<128x128xf32>
    %swap3A_566 = arith.constant 15 : index
    %swap3A_567 = arith.constant 128 : index
    %swap3A_568 = arith.constant 0 : index
    %swap3A_569 = vector.load %arg2[%swap3A_566, %swap3A_567, %swap3A_568] : memref<50x400x128xf32, #tpu.memory_space<vmem>>, vector<1x128x128xf32>
    %swap3A_570 = vector.shape_cast %swap3A_569 : vector<1x128x128xf32> to vector<128x128xf32>
    %swap3A_571 = vector.shape_cast %transpose3A_565 : vector<128x128xf32> to vector<1x128x128xf32>
    tpu.vector_store %arg2[%swap3A_566, %swap3A_567, %swap3A_568], %swap3A_571 {strides = array<i32>} : memref<50x400x128xf32, #tpu.memory_space<vmem>>, vector<1x128x128xf32>,
    %slice3A_572 = vector.extract_strided_slice %get3A_2 {offsets = [0, 62, 0], sizes = [128, 1, 128], strides = [1, 1, 1]} : vector<128x200x128xf32> to vector<128x1x128xf32>
    %squeeze3A_573 = vector.shape_cast %slice3A_572 : vector<128x1x128xf32> to vector<128x128xf32>
    %transpose3A_574 = tpu.transpose %squeeze3A_573, [1, 0] : vector<128x128xf32> -> vector<128x128xf32>
    %swap3A_575 = arith.constant 15 : index
    %swap3A_576 = arith.constant 256 : index
    %swap3A_577 = arith.constant 0 : index
    %swap3A_578 = vector.load %arg2[%swap3A_575, %swap3A_576, %swap3A_577] : memref<50x400x128xf32, #tpu.memory_space<vmem>>, vector<1x128x128xf32>
    %swap3A_579 = vector.shape_cast %swap3A_578 : vector<1x128x128xf32> to vector<128x128xf32>
    %swap3A_580 = vector.shape_cast %transpose3A_574 : vector<128x128xf32> to vector<1x128x128xf32>
    tpu.vector_store %arg2[%swap3A_575, %swap3A_576, %swap3A_577], %swap3A_580 {strides = array<i32>} : memref<50x400x128xf32, #tpu.memory_space<vmem>>, vector<1x128x128xf32>,
    %slice3A_581 = vector.extract_strided_slice %get3A_2 {offsets = [0, 63, 0], sizes = [128, 1, 128], strides = [1, 1, 1]} : vector<128x200x128xf32> to vector<128x1x128xf32>
    %squeeze3A_582 = vector.shape_cast %slice3A_581 : vector<128x1x128xf32> to vector<128x128xf32>
    %transpose3A_583 = tpu.transpose %squeeze3A_582, [1, 0] : vector<128x128xf32> -> vector<128x128xf32>
    %slice3A_584 = vector.extract_strided_slice %transpose3A_583 {offsets = [0, 0], sizes = [16, 128], strides = [1, 1]} : vector<128x128xf32> to vector<16x128xf32>
    %swap3A_585 = arith.constant 15 : index
    %swap3A_586 = arith.constant 384 : index
    %swap3A_587 = arith.constant 0 : index
    %swap3A_588 = vector.load %arg2[%swap3A_585, %swap3A_586, %swap3A_587] : memref<50x400x128xf32, #tpu.memory_space<vmem>>, vector<1x16x128xf32>
    %swap3A_589 = vector.shape_cast %swap3A_588 : vector<1x16x128xf32> to vector<16x128xf32>
    %swap3A_590 = vector.shape_cast %slice3A_584 : vector<16x128xf32> to vector<1x16x128xf32>
    tpu.vector_store %arg2[%swap3A_585, %swap3A_586, %swap3A_587], %swap3A_590 {strides = array<i32>} : memref<50x400x128xf32, #tpu.memory_space<vmem>>, vector<1x16x128xf32>,
    %slice3A_591 = vector.extract_strided_slice %get3A_2 {offsets = [0, 64, 0], sizes = [128, 1, 128], strides = [1, 1, 1]} : vector<128x200x128xf32> to vector<128x1x128xf32>
    %squeeze3A_592 = vector.shape_cast %slice3A_591 : vector<128x1x128xf32> to vector<128x128xf32>
    %transpose3A_593 = tpu.transpose %squeeze3A_592, [1, 0] : vector<128x128xf32> -> vector<128x128xf32>
    %swap3A_594 = arith.constant 16 : index
    %swap3A_595 = arith.constant 0 : index
    %swap3A_596 = arith.constant 0 : index
    %swap3A_597 = vector.load %arg2[%swap3A_594, %swap3A_595, %swap3A_596] : memref<50x400x128xf32, #tpu.memory_space<vmem>>, vector<1x128x128xf32>
    %swap3A_598 = vector.shape_cast %swap3A_597 : vector<1x128x128xf32> to vector<128x128xf32>
    %swap3A_599 = vector.shape_cast %transpose3A_593 : vector<128x128xf32> to vector<1x128x128xf32>
    tpu.vector_store %arg2[%swap3A_594, %swap3A_595, %swap3A_596], %swap3A_599 {strides = array<i32>} : memref<50x400x128xf32, #tpu.memory_space<vmem>>, vector<1x128x128xf32>,
    %slice3A_600 = vector.extract_strided_slice %get3A_2 {offsets = [0, 65, 0], sizes = [128, 1, 128], strides = [1, 1, 1]} : vector<128x200x128xf32> to vector<128x1x128xf32>
    %squeeze3A_601 = vector.shape_cast %slice3A_600 : vector<128x1x128xf32> to vector<128x128xf32>
    %transpose3A_602 = tpu.transpose %squeeze3A_601, [1, 0] : vector<128x128xf32> -> vector<128x128xf32>
    %swap3A_603 = arith.constant 16 : index
    %swap3A_604 = arith.constant 128 : index
    %swap3A_605 = arith.constant 0 : index
    %swap3A_606 = vector.load %arg2[%swap3A_603, %swap3A_604, %swap3A_605] : memref<50x400x128xf32, #tpu.memory_space<vmem>>, vector<1x128x128xf32>
    %swap3A_607 = vector.shape_cast %swap3A_606 : vector<1x128x128xf32> to vector<128x128xf32>
    %swap3A_608 = vector.shape_cast %transpose3A_602 : vector<128x128xf32> to vector<1x128x128xf32>
    tpu.vector_store %arg2[%swap3A_603, %swap3A_604, %swap3A_605], %swap3A_608 {strides = array<i32>} : memref<50x400x128xf32, #tpu.memory_space<vmem>>, vector<1x128x128xf32>,
    %slice3A_609 = vector.extract_strided_slice %get3A_2 {offsets = [0, 66, 0], sizes = [128, 1, 128], strides = [1, 1, 1]} : vector<128x200x128xf32> to vector<128x1x128xf32>
    %squeeze3A_610 = vector.shape_cast %slice3A_609 : vector<128x1x128xf32> to vector<128x128xf32>
    %transpose3A_611 = tpu.transpose %squeeze3A_610, [1, 0] : vector<128x128xf32> -> vector<128x128xf32>
    %swap3A_612 = arith.constant 16 : index
    %swap3A_613 = arith.constant 256 : index
    %swap3A_614 = arith.constant 0 : index
    %swap3A_615 = vector.load %arg2[%swap3A_612, %swap3A_613, %swap3A_614] : memref<50x400x128xf32, #tpu.memory_space<vmem>>, vector<1x128x128xf32>
    %swap3A_616 = vector.shape_cast %swap3A_615 : vector<1x128x128xf32> to vector<128x128xf32>
    %swap3A_617 = vector.shape_cast %transpose3A_611 : vector<128x128xf32> to vector<1x128x128xf32>
    tpu.vector_store %arg2[%swap3A_612, %swap3A_613, %swap3A_614], %swap3A_617 {strides = array<i32>} : memref<50x400x128xf32, #tpu.memory_space<vmem>>, vector<1x128x128xf32>,
    %slice3A_618 = vector.extract_strided_slice %get3A_2 {offsets = [0, 67, 0], sizes = [128, 1, 128], strides = [1, 1, 1]} : vector<128x200x128xf32> to vector<128x1x128xf32>
    %squeeze3A_619 = vector.shape_cast %slice3A_618 : vector<128x1x128xf32> to vector<128x128xf32>
    %transpose3A_620 = tpu.transpose %squeeze3A_619, [1, 0] : vector<128x128xf32> -> vector<128x128xf32>
    %slice3A_621 = vector.extract_strided_slice %transpose3A_620 {offsets = [0, 0], sizes = [16, 128], strides = [1, 1]} : vector<128x128xf32> to vector<16x128xf32>
    %swap3A_622 = arith.constant 16 : index
    %swap3A_623 = arith.constant 384 : index
    %swap3A_624 = arith.constant 0 : index
    %swap3A_625 = vector.load %arg2[%swap3A_622, %swap3A_623, %swap3A_624] : memref<50x400x128xf32, #tpu.memory_space<vmem>>, vector<1x16x128xf32>
    %swap3A_626 = vector.shape_cast %swap3A_625 : vector<1x16x128xf32> to vector<16x128xf32>
    %swap3A_627 = vector.shape_cast %slice3A_621 : vector<16x128xf32> to vector<1x16x128xf32>
    tpu.vector_store %arg2[%swap3A_622, %swap3A_623, %swap3A_624], %swap3A_627 {strides = array<i32>} : memref<50x400x128xf32, #tpu.memory_space<vmem>>, vector<1x16x128xf32>,
    %slice3A_628 = vector.extract_strided_slice %get3A_2 {offsets = [0, 68, 0], sizes = [128, 1, 128], strides = [1, 1, 1]} : vector<128x200x128xf32> to vector<128x1x128xf32>
    %squeeze3A_629 = vector.shape_cast %slice3A_628 : vector<128x1x128xf32> to vector<128x128xf32>
    %transpose3A_630 = tpu.transpose %squeeze3A_629, [1, 0] : vector<128x128xf32> -> vector<128x128xf32>
    %swap3A_631 = arith.constant 17 : index
    %swap3A_632 = arith.constant 0 : index
    %swap3A_633 = arith.constant 0 : index
    %swap3A_634 = vector.load %arg2[%swap3A_631, %swap3A_632, %swap3A_633] : memref<50x400x128xf32, #tpu.memory_space<vmem>>, vector<1x128x128xf32>
    %swap3A_635 = vector.shape_cast %swap3A_634 : vector<1x128x128xf32> to vector<128x128xf32>
    %swap3A_636 = vector.shape_cast %transpose3A_630 : vector<128x128xf32> to vector<1x128x128xf32>
    tpu.vector_store %arg2[%swap3A_631, %swap3A_632, %swap3A_633], %swap3A_636 {strides = array<i32>} : memref<50x400x128xf32, #tpu.memory_space<vmem>>, vector<1x128x128xf32>,
    %slice3A_637 = vector.extract_strided_slice %get3A_2 {offsets = [0, 69, 0], sizes = [128, 1, 128], strides = [1, 1, 1]} : vector<128x200x128xf32> to vector<128x1x128xf32>
    %squeeze3A_638 = vector.shape_cast %slice3A_637 : vector<128x1x128xf32> to vector<128x128xf32>
    %transpose3A_639 = tpu.transpose %squeeze3A_638, [1, 0] : vector<128x128xf32> -> vector<128x128xf32>
    %swap3A_640 = arith.constant 17 : index
    %swap3A_641 = arith.constant 128 : index
    %swap3A_642 = arith.constant 0 : index
    %swap3A_643 = vector.load %arg2[%swap3A_640, %swap3A_641, %swap3A_642] : memref<50x400x128xf32, #tpu.memory_space<vmem>>, vector<1x128x128xf32>
    %swap3A_644 = vector.shape_cast %swap3A_643 : vector<1x128x128xf32> to vector<128x128xf32>
    %swap3A_645 = vector.shape_cast %transpose3A_639 : vector<128x128xf32> to vector<1x128x128xf32>
    tpu.vector_store %arg2[%swap3A_640, %swap3A_641, %swap3A_642], %swap3A_645 {strides = array<i32>} : memref<50x400x128xf32, #tpu.memory_space<vmem>>, vector<1x128x128xf32>,
    %slice3A_646 = vector.extract_strided_slice %get3A_2 {offsets = [0, 70, 0], sizes = [128, 1, 128], strides = [1, 1, 1]} : vector<128x200x128xf32> to vector<128x1x128xf32>
    %squeeze3A_647 = vector.shape_cast %slice3A_646 : vector<128x1x128xf32> to vector<128x128xf32>
    %transpose3A_648 = tpu.transpose %squeeze3A_647, [1, 0] : vector<128x128xf32> -> vector<128x128xf32>
    %swap3A_649 = arith.constant 17 : index
    %swap3A_650 = arith.constant 256 : index
    %swap3A_651 = arith.constant 0 : index
    %swap3A_652 = vector.load %arg2[%swap3A_649, %swap3A_650, %swap3A_651] : memref<50x400x128xf32, #tpu.memory_space<vmem>>, vector<1x128x128xf32>
    %swap3A_653 = vector.shape_cast %swap3A_652 : vector<1x128x128xf32> to vector<128x128xf32>
    %swap3A_654 = vector.shape_cast %transpose3A_648 : vector<128x128xf32> to vector<1x128x128xf32>
    tpu.vector_store %arg2[%swap3A_649, %swap3A_650, %swap3A_651], %swap3A_654 {strides = array<i32>} : memref<50x400x128xf32, #tpu.memory_space<vmem>>, vector<1x128x128xf32>,
    %slice3A_655 = vector.extract_strided_slice %get3A_2 {offsets = [0, 71, 0], sizes = [128, 1, 128], strides = [1, 1, 1]} : vector<128x200x128xf32> to vector<128x1x128xf32>
    %squeeze3A_656 = vector.shape_cast %slice3A_655 : vector<128x1x128xf32> to vector<128x128xf32>
    %transpose3A_657 = tpu.transpose %squeeze3A_656, [1, 0] : vector<128x128xf32> -> vector<128x128xf32>
    %slice3A_658 = vector.extract_strided_slice %transpose3A_657 {offsets = [0, 0], sizes = [16, 128], strides = [1, 1]} : vector<128x128xf32> to vector<16x128xf32>
    %swap3A_659 = arith.constant 17 : index
    %swap3A_660 = arith.constant 384 : index
    %swap3A_661 = arith.constant 0 : index
    %swap3A_662 = vector.load %arg2[%swap3A_659, %swap3A_660, %swap3A_661] : memref<50x400x128xf32, #tpu.memory_space<vmem>>, vector<1x16x128xf32>
    %swap3A_663 = vector.shape_cast %swap3A_662 : vector<1x16x128xf32> to vector<16x128xf32>
    %swap3A_664 = vector.shape_cast %slice3A_658 : vector<16x128xf32> to vector<1x16x128xf32>
    tpu.vector_store %arg2[%swap3A_659, %swap3A_660, %swap3A_661], %swap3A_664 {strides = array<i32>} : memref<50x400x128xf32, #tpu.memory_space<vmem>>, vector<1x16x128xf32>,
    %slice3A_665 = vector.extract_strided_slice %get3A_2 {offsets = [0, 72, 0], sizes = [128, 1, 128], strides = [1, 1, 1]} : vector<128x200x128xf32> to vector<128x1x128xf32>
    %squeeze3A_666 = vector.shape_cast %slice3A_665 : vector<128x1x128xf32> to vector<128x128xf32>
    %transpose3A_667 = tpu.transpose %squeeze3A_666, [1, 0] : vector<128x128xf32> -> vector<128x128xf32>
    %swap3A_668 = arith.constant 18 : index
    %swap3A_669 = arith.constant 0 : index
    %swap3A_670 = arith.constant 0 : index
    %swap3A_671 = vector.load %arg2[%swap3A_668, %swap3A_669, %swap3A_670] : memref<50x400x128xf32, #tpu.memory_space<vmem>>, vector<1x128x128xf32>
    %swap3A_672 = vector.shape_cast %swap3A_671 : vector<1x128x128xf32> to vector<128x128xf32>
    %swap3A_673 = vector.shape_cast %transpose3A_667 : vector<128x128xf32> to vector<1x128x128xf32>
    tpu.vector_store %arg2[%swap3A_668, %swap3A_669, %swap3A_670], %swap3A_673 {strides = array<i32>} : memref<50x400x128xf32, #tpu.memory_space<vmem>>, vector<1x128x128xf32>,
    %slice3A_674 = vector.extract_strided_slice %get3A_2 {offsets = [0, 73, 0], sizes = [128, 1, 128], strides = [1, 1, 1]} : vector<128x200x128xf32> to vector<128x1x128xf32>
    %squeeze3A_675 = vector.shape_cast %slice3A_674 : vector<128x1x128xf32> to vector<128x128xf32>
    %transpose3A_676 = tpu.transpose %squeeze3A_675, [1, 0] : vector<128x128xf32> -> vector<128x128xf32>
    %swap3A_677 = arith.constant 18 : index
    %swap3A_678 = arith.constant 128 : index
    %swap3A_679 = arith.constant 0 : index
    %swap3A_680 = vector.load %arg2[%swap3A_677, %swap3A_678, %swap3A_679] : memref<50x400x128xf32, #tpu.memory_space<vmem>>, vector<1x128x128xf32>
    %swap3A_681 = vector.shape_cast %swap3A_680 : vector<1x128x128xf32> to vector<128x128xf32>
    %swap3A_682 = vector.shape_cast %transpose3A_676 : vector<128x128xf32> to vector<1x128x128xf32>
    tpu.vector_store %arg2[%swap3A_677, %swap3A_678, %swap3A_679], %swap3A_682 {strides = array<i32>} : memref<50x400x128xf32, #tpu.memory_space<vmem>>, vector<1x128x128xf32>,
    %slice3A_683 = vector.extract_strided_slice %get3A_2 {offsets = [0, 74, 0], sizes = [128, 1, 128], strides = [1, 1, 1]} : vector<128x200x128xf32> to vector<128x1x128xf32>
    %squeeze3A_684 = vector.shape_cast %slice3A_683 : vector<128x1x128xf32> to vector<128x128xf32>
    %transpose3A_685 = tpu.transpose %squeeze3A_684, [1, 0] : vector<128x128xf32> -> vector<128x128xf32>
    %swap3A_686 = arith.constant 18 : index
    %swap3A_687 = arith.constant 256 : index
    %swap3A_688 = arith.constant 0 : index
    %swap3A_689 = vector.load %arg2[%swap3A_686, %swap3A_687, %swap3A_688] : memref<50x400x128xf32, #tpu.memory_space<vmem>>, vector<1x128x128xf32>
    %swap3A_690 = vector.shape_cast %swap3A_689 : vector<1x128x128xf32> to vector<128x128xf32>
    %swap3A_691 = vector.shape_cast %transpose3A_685 : vector<128x128xf32> to vector<1x128x128xf32>
    tpu.vector_store %arg2[%swap3A_686, %swap3A_687, %swap3A_688], %swap3A_691 {strides = array<i32>} : memref<50x400x128xf32, #tpu.memory_space<vmem>>, vector<1x128x128xf32>,
    %slice3A_692 = vector.extract_strided_slice %get3A_2 {offsets = [0, 75, 0], sizes = [128, 1, 128], strides = [1, 1, 1]} : vector<128x200x128xf32> to vector<128x1x128xf32>
    %squeeze3A_693 = vector.shape_cast %slice3A_692 : vector<128x1x128xf32> to vector<128x128xf32>
    %transpose3A_694 = tpu.transpose %squeeze3A_693, [1, 0] : vector<128x128xf32> -> vector<128x128xf32>
    %slice3A_695 = vector.extract_strided_slice %transpose3A_694 {offsets = [0, 0], sizes = [16, 128], strides = [1, 1]} : vector<128x128xf32> to vector<16x128xf32>
    %swap3A_696 = arith.constant 18 : index
    %swap3A_697 = arith.constant 384 : index
    %swap3A_698 = arith.constant 0 : index
    %swap3A_699 = vector.load %arg2[%swap3A_696, %swap3A_697, %swap3A_698] : memref<50x400x128xf32, #tpu.memory_space<vmem>>, vector<1x16x128xf32>
    %swap3A_700 = vector.shape_cast %swap3A_699 : vector<1x16x128xf32> to vector<16x128xf32>
    %swap3A_701 = vector.shape_cast %slice3A_695 : vector<16x128xf32> to vector<1x16x128xf32>
    tpu.vector_store %arg2[%swap3A_696, %swap3A_697, %swap3A_698], %swap3A_701 {strides = array<i32>} : memref<50x400x128xf32, #tpu.memory_space<vmem>>, vector<1x16x128xf32>,
    %slice3A_702 = vector.extract_strided_slice %get3A_2 {offsets = [0, 76, 0], sizes = [128, 1, 128], strides = [1, 1, 1]} : vector<128x200x128xf32> to vector<128x1x128xf32>
    %squeeze3A_703 = vector.shape_cast %slice3A_702 : vector<128x1x128xf32> to vector<128x128xf32>
    %transpose3A_704 = tpu.transpose %squeeze3A_703, [1, 0] : vector<128x128xf32> -> vector<128x128xf32>
    %swap3A_705 = arith.constant 19 : index
    %swap3A_706 = arith.constant 0 : index
    %swap3A_707 = arith.constant 0 : index
    %swap3A_708 = vector.load %arg2[%swap3A_705, %swap3A_706, %swap3A_707] : memref<50x400x128xf32, #tpu.memory_space<vmem>>, vector<1x128x128xf32>
    %swap3A_709 = vector.shape_cast %swap3A_708 : vector<1x128x128xf32> to vector<128x128xf32>
    %swap3A_710 = vector.shape_cast %transpose3A_704 : vector<128x128xf32> to vector<1x128x128xf32>
    tpu.vector_store %arg2[%swap3A_705, %swap3A_706, %swap3A_707], %swap3A_710 {strides = array<i32>} : memref<50x400x128xf32, #tpu.memory_space<vmem>>, vector<1x128x128xf32>,
    %slice3A_711 = vector.extract_strided_slice %get3A_2 {offsets = [0, 77, 0], sizes = [128, 1, 128], strides = [1, 1, 1]} : vector<128x200x128xf32> to vector<128x1x128xf32>
    %squeeze3A_712 = vector.shape_cast %slice3A_711 : vector<128x1x128xf32> to vector<128x128xf32>
    %transpose3A_713 = tpu.transpose %squeeze3A_712, [1, 0] : vector<128x128xf32> -> vector<128x128xf32>
    %swap3A_714 = arith.constant 19 : index
    %swap3A_715 = arith.constant 128 : index
    %swap3A_716 = arith.constant 0 : index
    %swap3A_717 = vector.load %arg2[%swap3A_714, %swap3A_715, %swap3A_716] : memref<50x400x128xf32, #tpu.memory_space<vmem>>, vector<1x128x128xf32>
    %swap3A_718 = vector.shape_cast %swap3A_717 : vector<1x128x128xf32> to vector<128x128xf32>
    %swap3A_719 = vector.shape_cast %transpose3A_713 : vector<128x128xf32> to vector<1x128x128xf32>
    tpu.vector_store %arg2[%swap3A_714, %swap3A_715, %swap3A_716], %swap3A_719 {strides = array<i32>} : memref<50x400x128xf32, #tpu.memory_space<vmem>>, vector<1x128x128xf32>,
    %slice3A_720 = vector.extract_strided_slice %get3A_2 {offsets = [0, 78, 0], sizes = [128, 1, 128], strides = [1, 1, 1]} : vector<128x200x128xf32> to vector<128x1x128xf32>
    %squeeze3A_721 = vector.shape_cast %slice3A_720 : vector<128x1x128xf32> to vector<128x128xf32>
    %transpose3A_722 = tpu.transpose %squeeze3A_721, [1, 0] : vector<128x128xf32> -> vector<128x128xf32>
    %swap3A_723 = arith.constant 19 : index
    %swap3A_724 = arith.constant 256 : index
    %swap3A_725 = arith.constant 0 : index
    %swap3A_726 = vector.load %arg2[%swap3A_723, %swap3A_724, %swap3A_725] : memref<50x400x128xf32, #tpu.memory_space<vmem>>, vector<1x128x128xf32>
    %swap3A_727 = vector.shape_cast %swap3A_726 : vector<1x128x128xf32> to vector<128x128xf32>
    %swap3A_728 = vector.shape_cast %transpose3A_722 : vector<128x128xf32> to vector<1x128x128xf32>
    tpu.vector_store %arg2[%swap3A_723, %swap3A_724, %swap3A_725], %swap3A_728 {strides = array<i32>} : memref<50x400x128xf32, #tpu.memory_space<vmem>>, vector<1x128x128xf32>,
    %slice3A_729 = vector.extract_strided_slice %get3A_2 {offsets = [0, 79, 0], sizes = [128, 1, 128], strides = [1, 1, 1]} : vector<128x200x128xf32> to vector<128x1x128xf32>
    %squeeze3A_730 = vector.shape_cast %slice3A_729 : vector<128x1x128xf32> to vector<128x128xf32>
    %transpose3A_731 = tpu.transpose %squeeze3A_730, [1, 0] : vector<128x128xf32> -> vector<128x128xf32>
    %slice3A_732 = vector.extract_strided_slice %transpose3A_731 {offsets = [0, 0], sizes = [16, 128], strides = [1, 1]} : vector<128x128xf32> to vector<16x128xf32>
    %swap3A_733 = arith.constant 19 : index
    %swap3A_734 = arith.constant 384 : index
    %swap3A_735 = arith.constant 0 : index
    %swap3A_736 = vector.load %arg2[%swap3A_733, %swap3A_734, %swap3A_735] : memref<50x400x128xf32, #tpu.memory_space<vmem>>, vector<1x16x128xf32>
    %swap3A_737 = vector.shape_cast %swap3A_736 : vector<1x16x128xf32> to vector<16x128xf32>
    %swap3A_738 = vector.shape_cast %slice3A_732 : vector<16x128xf32> to vector<1x16x128xf32>
    tpu.vector_store %arg2[%swap3A_733, %swap3A_734, %swap3A_735], %swap3A_738 {strides = array<i32>} : memref<50x400x128xf32, #tpu.memory_space<vmem>>, vector<1x16x128xf32>,
    %slice3A_739 = vector.extract_strided_slice %get3A_2 {offsets = [0, 80, 0], sizes = [128, 1, 128], strides = [1, 1, 1]} : vector<128x200x128xf32> to vector<128x1x128xf32>
    %squeeze3A_740 = vector.shape_cast %slice3A_739 : vector<128x1x128xf32> to vector<128x128xf32>
    %transpose3A_741 = tpu.transpose %squeeze3A_740, [1, 0] : vector<128x128xf32> -> vector<128x128xf32>
    %swap3A_742 = arith.constant 20 : index
    %swap3A_743 = arith.constant 0 : index
    %swap3A_744 = arith.constant 0 : index
    %swap3A_745 = vector.load %arg2[%swap3A_742, %swap3A_743, %swap3A_744] : memref<50x400x128xf32, #tpu.memory_space<vmem>>, vector<1x128x128xf32>
    %swap3A_746 = vector.shape_cast %swap3A_745 : vector<1x128x128xf32> to vector<128x128xf32>
    %swap3A_747 = vector.shape_cast %transpose3A_741 : vector<128x128xf32> to vector<1x128x128xf32>
    tpu.vector_store %arg2[%swap3A_742, %swap3A_743, %swap3A_744], %swap3A_747 {strides = array<i32>} : memref<50x400x128xf32, #tpu.memory_space<vmem>>, vector<1x128x128xf32>,
    %slice3A_748 = vector.extract_strided_slice %get3A_2 {offsets = [0, 81, 0], sizes = [128, 1, 128], strides = [1, 1, 1]} : vector<128x200x128xf32> to vector<128x1x128xf32>
    %squeeze3A_749 = vector.shape_cast %slice3A_748 : vector<128x1x128xf32> to vector<128x128xf32>
    %transpose3A_750 = tpu.transpose %squeeze3A_749, [1, 0] : vector<128x128xf32> -> vector<128x128xf32>
    %swap3A_751 = arith.constant 20 : index
    %swap3A_752 = arith.constant 128 : index
    %swap3A_753 = arith.constant 0 : index
    %swap3A_754 = vector.load %arg2[%swap3A_751, %swap3A_752, %swap3A_753] : memref<50x400x128xf32, #tpu.memory_space<vmem>>, vector<1x128x128xf32>
    %swap3A_755 = vector.shape_cast %swap3A_754 : vector<1x128x128xf32> to vector<128x128xf32>
    %swap3A_756 = vector.shape_cast %transpose3A_750 : vector<128x128xf32> to vector<1x128x128xf32>
    tpu.vector_store %arg2[%swap3A_751, %swap3A_752, %swap3A_753], %swap3A_756 {strides = array<i32>} : memref<50x400x128xf32, #tpu.memory_space<vmem>>, vector<1x128x128xf32>,
    %slice3A_757 = vector.extract_strided_slice %get3A_2 {offsets = [0, 82, 0], sizes = [128, 1, 128], strides = [1, 1, 1]} : vector<128x200x128xf32> to vector<128x1x128xf32>
    %squeeze3A_758 = vector.shape_cast %slice3A_757 : vector<128x1x128xf32> to vector<128x128xf32>
    %transpose3A_759 = tpu.transpose %squeeze3A_758, [1, 0] : vector<128x128xf32> -> vector<128x128xf32>
    %swap3A_760 = arith.constant 20 : index
    %swap3A_761 = arith.constant 256 : index
    %swap3A_762 = arith.constant 0 : index
    %swap3A_763 = vector.load %arg2[%swap3A_760, %swap3A_761, %swap3A_762] : memref<50x400x128xf32, #tpu.memory_space<vmem>>, vector<1x128x128xf32>
    %swap3A_764 = vector.shape_cast %swap3A_763 : vector<1x128x128xf32> to vector<128x128xf32>
    %swap3A_765 = vector.shape_cast %transpose3A_759 : vector<128x128xf32> to vector<1x128x128xf32>
    tpu.vector_store %arg2[%swap3A_760, %swap3A_761, %swap3A_762], %swap3A_765 {strides = array<i32>} : memref<50x400x128xf32, #tpu.memory_space<vmem>>, vector<1x128x128xf32>,
    %slice3A_766 = vector.extract_strided_slice %get3A_2 {offsets = [0, 83, 0], sizes = [128, 1, 128], strides = [1, 1, 1]} : vector<128x200x128xf32> to vector<128x1x128xf32>
    %squeeze3A_767 = vector.shape_cast %slice3A_766 : vector<128x1x128xf32> to vector<128x128xf32>
    %transpose3A_768 = tpu.transpose %squeeze3A_767, [1, 0] : vector<128x128xf32> -> vector<128x128xf32>
    %slice3A_769 = vector.extract_strided_slice %transpose3A_768 {offsets = [0, 0], sizes = [16, 128], strides = [1, 1]} : vector<128x128xf32> to vector<16x128xf32>
    %swap3A_770 = arith.constant 20 : index
    %swap3A_771 = arith.constant 384 : index
    %swap3A_772 = arith.constant 0 : index
    %swap3A_773 = vector.load %arg2[%swap3A_770, %swap3A_771, %swap3A_772] : memref<50x400x128xf32, #tpu.memory_space<vmem>>, vector<1x16x128xf32>
    %swap3A_774 = vector.shape_cast %swap3A_773 : vector<1x16x128xf32> to vector<16x128xf32>
    %swap3A_775 = vector.shape_cast %slice3A_769 : vector<16x128xf32> to vector<1x16x128xf32>
    tpu.vector_store %arg2[%swap3A_770, %swap3A_771, %swap3A_772], %swap3A_775 {strides = array<i32>} : memref<50x400x128xf32, #tpu.memory_space<vmem>>, vector<1x16x128xf32>,
    %slice3A_776 = vector.extract_strided_slice %get3A_2 {offsets = [0, 84, 0], sizes = [128, 1, 128], strides = [1, 1, 1]} : vector<128x200x128xf32> to vector<128x1x128xf32>
    %squeeze3A_777 = vector.shape_cast %slice3A_776 : vector<128x1x128xf32> to vector<128x128xf32>
    %transpose3A_778 = tpu.transpose %squeeze3A_777, [1, 0] : vector<128x128xf32> -> vector<128x128xf32>
    %swap3A_779 = arith.constant 21 : index
    %swap3A_780 = arith.constant 0 : index
    %swap3A_781 = arith.constant 0 : index
    %swap3A_782 = vector.load %arg2[%swap3A_779, %swap3A_780, %swap3A_781] : memref<50x400x128xf32, #tpu.memory_space<vmem>>, vector<1x128x128xf32>
    %swap3A_783 = vector.shape_cast %swap3A_782 : vector<1x128x128xf32> to vector<128x128xf32>
    %swap3A_784 = vector.shape_cast %transpose3A_778 : vector<128x128xf32> to vector<1x128x128xf32>
    tpu.vector_store %arg2[%swap3A_779, %swap3A_780, %swap3A_781], %swap3A_784 {strides = array<i32>} : memref<50x400x128xf32, #tpu.memory_space<vmem>>, vector<1x128x128xf32>,
    %slice3A_785 = vector.extract_strided_slice %get3A_2 {offsets = [0, 85, 0], sizes = [128, 1, 128], strides = [1, 1, 1]} : vector<128x200x128xf32> to vector<128x1x128xf32>
    %squeeze3A_786 = vector.shape_cast %slice3A_785 : vector<128x1x128xf32> to vector<128x128xf32>
    %transpose3A_787 = tpu.transpose %squeeze3A_786, [1, 0] : vector<128x128xf32> -> vector<128x128xf32>
    %swap3A_788 = arith.constant 21 : index
    %swap3A_789 = arith.constant 128 : index
    %swap3A_790 = arith.constant 0 : index
    %swap3A_791 = vector.load %arg2[%swap3A_788, %swap3A_789, %swap3A_790] : memref<50x400x128xf32, #tpu.memory_space<vmem>>, vector<1x128x128xf32>
    %swap3A_792 = vector.shape_cast %swap3A_791 : vector<1x128x128xf32> to vector<128x128xf32>
    %swap3A_793 = vector.shape_cast %transpose3A_787 : vector<128x128xf32> to vector<1x128x128xf32>
    tpu.vector_store %arg2[%swap3A_788, %swap3A_789, %swap3A_790], %swap3A_793 {strides = array<i32>} : memref<50x400x128xf32, #tpu.memory_space<vmem>>, vector<1x128x128xf32>,
    %slice3A_794 = vector.extract_strided_slice %get3A_2 {offsets = [0, 86, 0], sizes = [128, 1, 128], strides = [1, 1, 1]} : vector<128x200x128xf32> to vector<128x1x128xf32>
    %squeeze3A_795 = vector.shape_cast %slice3A_794 : vector<128x1x128xf32> to vector<128x128xf32>
    %transpose3A_796 = tpu.transpose %squeeze3A_795, [1, 0] : vector<128x128xf32> -> vector<128x128xf32>
    %swap3A_797 = arith.constant 21 : index
    %swap3A_798 = arith.constant 256 : index
    %swap3A_799 = arith.constant 0 : index
    %swap3A_800 = vector.load %arg2[%swap3A_797, %swap3A_798, %swap3A_799] : memref<50x400x128xf32, #tpu.memory_space<vmem>>, vector<1x128x128xf32>
    %swap3A_801 = vector.shape_cast %swap3A_800 : vector<1x128x128xf32> to vector<128x128xf32>
    %swap3A_802 = vector.shape_cast %transpose3A_796 : vector<128x128xf32> to vector<1x128x128xf32>
    tpu.vector_store %arg2[%swap3A_797, %swap3A_798, %swap3A_799], %swap3A_802 {strides = array<i32>} : memref<50x400x128xf32, #tpu.memory_space<vmem>>, vector<1x128x128xf32>,
    %slice3A_803 = vector.extract_strided_slice %get3A_2 {offsets = [0, 87, 0], sizes = [128, 1, 128], strides = [1, 1, 1]} : vector<128x200x128xf32> to vector<128x1x128xf32>
    %squeeze3A_804 = vector.shape_cast %slice3A_803 : vector<128x1x128xf32> to vector<128x128xf32>
    %transpose3A_805 = tpu.transpose %squeeze3A_804, [1, 0] : vector<128x128xf32> -> vector<128x128xf32>
    %slice3A_806 = vector.extract_strided_slice %transpose3A_805 {offsets = [0, 0], sizes = [16, 128], strides = [1, 1]} : vector<128x128xf32> to vector<16x128xf32>
    %swap3A_807 = arith.constant 21 : index
    %swap3A_808 = arith.constant 384 : index
    %swap3A_809 = arith.constant 0 : index
    %swap3A_810 = vector.load %arg2[%swap3A_807, %swap3A_808, %swap3A_809] : memref<50x400x128xf32, #tpu.memory_space<vmem>>, vector<1x16x128xf32>
    %swap3A_811 = vector.shape_cast %swap3A_810 : vector<1x16x128xf32> to vector<16x128xf32>
    %swap3A_812 = vector.shape_cast %slice3A_806 : vector<16x128xf32> to vector<1x16x128xf32>
    tpu.vector_store %arg2[%swap3A_807, %swap3A_808, %swap3A_809], %swap3A_812 {strides = array<i32>} : memref<50x400x128xf32, #tpu.memory_space<vmem>>, vector<1x16x128xf32>,
    %slice3A_813 = vector.extract_strided_slice %get3A_2 {offsets = [0, 88, 0], sizes = [128, 1, 128], strides = [1, 1, 1]} : vector<128x200x128xf32> to vector<128x1x128xf32>
    %squeeze3A_814 = vector.shape_cast %slice3A_813 : vector<128x1x128xf32> to vector<128x128xf32>
    %transpose3A_815 = tpu.transpose %squeeze3A_814, [1, 0] : vector<128x128xf32> -> vector<128x128xf32>
    %swap3A_816 = arith.constant 22 : index
    %swap3A_817 = arith.constant 0 : index
    %swap3A_818 = arith.constant 0 : index
    %swap3A_819 = vector.load %arg2[%swap3A_816, %swap3A_817, %swap3A_818] : memref<50x400x128xf32, #tpu.memory_space<vmem>>, vector<1x128x128xf32>
    %swap3A_820 = vector.shape_cast %swap3A_819 : vector<1x128x128xf32> to vector<128x128xf32>
    %swap3A_821 = vector.shape_cast %transpose3A_815 : vector<128x128xf32> to vector<1x128x128xf32>
    tpu.vector_store %arg2[%swap3A_816, %swap3A_817, %swap3A_818], %swap3A_821 {strides = array<i32>} : memref<50x400x128xf32, #tpu.memory_space<vmem>>, vector<1x128x128xf32>,
    %slice3A_822 = vector.extract_strided_slice %get3A_2 {offsets = [0, 89, 0], sizes = [128, 1, 128], strides = [1, 1, 1]} : vector<128x200x128xf32> to vector<128x1x128xf32>
    %squeeze3A_823 = vector.shape_cast %slice3A_822 : vector<128x1x128xf32> to vector<128x128xf32>
    %transpose3A_824 = tpu.transpose %squeeze3A_823, [1, 0] : vector<128x128xf32> -> vector<128x128xf32>
    %swap3A_825 = arith.constant 22 : index
    %swap3A_826 = arith.constant 128 : index
    %swap3A_827 = arith.constant 0 : index
    %swap3A_828 = vector.load %arg2[%swap3A_825, %swap3A_826, %swap3A_827] : memref<50x400x128xf32, #tpu.memory_space<vmem>>, vector<1x128x128xf32>
    %swap3A_829 = vector.shape_cast %swap3A_828 : vector<1x128x128xf32> to vector<128x128xf32>
    %swap3A_830 = vector.shape_cast %transpose3A_824 : vector<128x128xf32> to vector<1x128x128xf32>
    tpu.vector_store %arg2[%swap3A_825, %swap3A_826, %swap3A_827], %swap3A_830 {strides = array<i32>} : memref<50x400x128xf32, #tpu.memory_space<vmem>>, vector<1x128x128xf32>,
    %slice3A_831 = vector.extract_strided_slice %get3A_2 {offsets = [0, 90, 0], sizes = [128, 1, 128], strides = [1, 1, 1]} : vector<128x200x128xf32> to vector<128x1x128xf32>
    %squeeze3A_832 = vector.shape_cast %slice3A_831 : vector<128x1x128xf32> to vector<128x128xf32>
    %transpose3A_833 = tpu.transpose %squeeze3A_832, [1, 0] : vector<128x128xf32> -> vector<128x128xf32>
    %swap3A_834 = arith.constant 22 : index
    %swap3A_835 = arith.constant 256 : index
    %swap3A_836 = arith.constant 0 : index
    %swap3A_837 = vector.load %arg2[%swap3A_834, %swap3A_835, %swap3A_836] : memref<50x400x128xf32, #tpu.memory_space<vmem>>, vector<1x128x128xf32>
    %swap3A_838 = vector.shape_cast %swap3A_837 : vector<1x128x128xf32> to vector<128x128xf32>
    %swap3A_839 = vector.shape_cast %transpose3A_833 : vector<128x128xf32> to vector<1x128x128xf32>
    tpu.vector_store %arg2[%swap3A_834, %swap3A_835, %swap3A_836], %swap3A_839 {strides = array<i32>} : memref<50x400x128xf32, #tpu.memory_space<vmem>>, vector<1x128x128xf32>,
    %slice3A_840 = vector.extract_strided_slice %get3A_2 {offsets = [0, 91, 0], sizes = [128, 1, 128], strides = [1, 1, 1]} : vector<128x200x128xf32> to vector<128x1x128xf32>
    %squeeze3A_841 = vector.shape_cast %slice3A_840 : vector<128x1x128xf32> to vector<128x128xf32>
    %transpose3A_842 = tpu.transpose %squeeze3A_841, [1, 0] : vector<128x128xf32> -> vector<128x128xf32>
    %slice3A_843 = vector.extract_strided_slice %transpose3A_842 {offsets = [0, 0], sizes = [16, 128], strides = [1, 1]} : vector<128x128xf32> to vector<16x128xf32>
    %swap3A_844 = arith.constant 22 : index
    %swap3A_845 = arith.constant 384 : index
    %swap3A_846 = arith.constant 0 : index
    %swap3A_847 = vector.load %arg2[%swap3A_844, %swap3A_845, %swap3A_846] : memref<50x400x128xf32, #tpu.memory_space<vmem>>, vector<1x16x128xf32>
    %swap3A_848 = vector.shape_cast %swap3A_847 : vector<1x16x128xf32> to vector<16x128xf32>
    %swap3A_849 = vector.shape_cast %slice3A_843 : vector<16x128xf32> to vector<1x16x128xf32>
    tpu.vector_store %arg2[%swap3A_844, %swap3A_845, %swap3A_846], %swap3A_849 {strides = array<i32>} : memref<50x400x128xf32, #tpu.memory_space<vmem>>, vector<1x16x128xf32>,
    %slice3A_850 = vector.extract_strided_slice %get3A_2 {offsets = [0, 92, 0], sizes = [128, 1, 128], strides = [1, 1, 1]} : vector<128x200x128xf32> to vector<128x1x128xf32>
    %squeeze3A_851 = vector.shape_cast %slice3A_850 : vector<128x1x128xf32> to vector<128x128xf32>
    %transpose3A_852 = tpu.transpose %squeeze3A_851, [1, 0] : vector<128x128xf32> -> vector<128x128xf32>
    %swap3A_853 = arith.constant 23 : index
    %swap3A_854 = arith.constant 0 : index
    %swap3A_855 = arith.constant 0 : index
    %swap3A_856 = vector.load %arg2[%swap3A_853, %swap3A_854, %swap3A_855] : memref<50x400x128xf32, #tpu.memory_space<vmem>>, vector<1x128x128xf32>
    %swap3A_857 = vector.shape_cast %swap3A_856 : vector<1x128x128xf32> to vector<128x128xf32>
    %swap3A_858 = vector.shape_cast %transpose3A_852 : vector<128x128xf32> to vector<1x128x128xf32>
    tpu.vector_store %arg2[%swap3A_853, %swap3A_854, %swap3A_855], %swap3A_858 {strides = array<i32>} : memref<50x400x128xf32, #tpu.memory_space<vmem>>, vector<1x128x128xf32>,
    %slice3A_859 = vector.extract_strided_slice %get3A_2 {offsets = [0, 93, 0], sizes = [128, 1, 128], strides = [1, 1, 1]} : vector<128x200x128xf32> to vector<128x1x128xf32>
    %squeeze3A_860 = vector.shape_cast %slice3A_859 : vector<128x1x128xf32> to vector<128x128xf32>
    %transpose3A_861 = tpu.transpose %squeeze3A_860, [1, 0] : vector<128x128xf32> -> vector<128x128xf32>
    %swap3A_862 = arith.constant 23 : index
    %swap3A_863 = arith.constant 128 : index
    %swap3A_864 = arith.constant 0 : index
    %swap3A_865 = vector.load %arg2[%swap3A_862, %swap3A_863, %swap3A_864] : memref<50x400x128xf32, #tpu.memory_space<vmem>>, vector<1x128x128xf32>
    %swap3A_866 = vector.shape_cast %swap3A_865 : vector<1x128x128xf32> to vector<128x128xf32>
    %swap3A_867 = vector.shape_cast %transpose3A_861 : vector<128x128xf32> to vector<1x128x128xf32>
    tpu.vector_store %arg2[%swap3A_862, %swap3A_863, %swap3A_864], %swap3A_867 {strides = array<i32>} : memref<50x400x128xf32, #tpu.memory_space<vmem>>, vector<1x128x128xf32>,
    %slice3A_868 = vector.extract_strided_slice %get3A_2 {offsets = [0, 94, 0], sizes = [128, 1, 128], strides = [1, 1, 1]} : vector<128x200x128xf32> to vector<128x1x128xf32>
    %squeeze3A_869 = vector.shape_cast %slice3A_868 : vector<128x1x128xf32> to vector<128x128xf32>
    %transpose3A_870 = tpu.transpose %squeeze3A_869, [1, 0] : vector<128x128xf32> -> vector<128x128xf32>
    %swap3A_871 = arith.constant 23 : index
    %swap3A_872 = arith.constant 256 : index
    %swap3A_873 = arith.constant 0 : index
    %swap3A_874 = vector.load %arg2[%swap3A_871, %swap3A_872, %swap3A_873] : memref<50x400x128xf32, #tpu.memory_space<vmem>>, vector<1x128x128xf32>
    %swap3A_875 = vector.shape_cast %swap3A_874 : vector<1x128x128xf32> to vector<128x128xf32>
    %swap3A_876 = vector.shape_cast %transpose3A_870 : vector<128x128xf32> to vector<1x128x128xf32>
    tpu.vector_store %arg2[%swap3A_871, %swap3A_872, %swap3A_873], %swap3A_876 {strides = array<i32>} : memref<50x400x128xf32, #tpu.memory_space<vmem>>, vector<1x128x128xf32>,
    %slice3A_877 = vector.extract_strided_slice %get3A_2 {offsets = [0, 95, 0], sizes = [128, 1, 128], strides = [1, 1, 1]} : vector<128x200x128xf32> to vector<128x1x128xf32>
    %squeeze3A_878 = vector.shape_cast %slice3A_877 : vector<128x1x128xf32> to vector<128x128xf32>
    %transpose3A_879 = tpu.transpose %squeeze3A_878, [1, 0] : vector<128x128xf32> -> vector<128x128xf32>
    %slice3A_880 = vector.extract_strided_slice %transpose3A_879 {offsets = [0, 0], sizes = [16, 128], strides = [1, 1]} : vector<128x128xf32> to vector<16x128xf32>
    %swap3A_881 = arith.constant 23 : index
    %swap3A_882 = arith.constant 384 : index
    %swap3A_883 = arith.constant 0 : index
    %swap3A_884 = vector.load %arg2[%swap3A_881, %swap3A_882, %swap3A_883] : memref<50x400x128xf32, #tpu.memory_space<vmem>>, vector<1x16x128xf32>
    %swap3A_885 = vector.shape_cast %swap3A_884 : vector<1x16x128xf32> to vector<16x128xf32>
    %swap3A_886 = vector.shape_cast %slice3A_880 : vector<16x128xf32> to vector<1x16x128xf32>
    tpu.vector_store %arg2[%swap3A_881, %swap3A_882, %swap3A_883], %swap3A_886 {strides = array<i32>} : memref<50x400x128xf32, #tpu.memory_space<vmem>>, vector<1x16x128xf32>,
    %slice3A_887 = vector.extract_strided_slice %get3A_2 {offsets = [0, 96, 0], sizes = [128, 1, 128], strides = [1, 1, 1]} : vector<128x200x128xf32> to vector<128x1x128xf32>
    %squeeze3A_888 = vector.shape_cast %slice3A_887 : vector<128x1x128xf32> to vector<128x128xf32>
    %transpose3A_889 = tpu.transpose %squeeze3A_888, [1, 0] : vector<128x128xf32> -> vector<128x128xf32>
    %swap3A_890 = arith.constant 24 : index
    %swap3A_891 = arith.constant 0 : index
    %swap3A_892 = arith.constant 0 : index
    %swap3A_893 = vector.load %arg2[%swap3A_890, %swap3A_891, %swap3A_892] : memref<50x400x128xf32, #tpu.memory_space<vmem>>, vector<1x128x128xf32>
    %swap3A_894 = vector.shape_cast %swap3A_893 : vector<1x128x128xf32> to vector<128x128xf32>
    %swap3A_895 = vector.shape_cast %transpose3A_889 : vector<128x128xf32> to vector<1x128x128xf32>
    tpu.vector_store %arg2[%swap3A_890, %swap3A_891, %swap3A_892], %swap3A_895 {strides = array<i32>} : memref<50x400x128xf32, #tpu.memory_space<vmem>>, vector<1x128x128xf32>,
    %slice3A_896 = vector.extract_strided_slice %get3A_2 {offsets = [0, 97, 0], sizes = [128, 1, 128], strides = [1, 1, 1]} : vector<128x200x128xf32> to vector<128x1x128xf32>
    %squeeze3A_897 = vector.shape_cast %slice3A_896 : vector<128x1x128xf32> to vector<128x128xf32>
    %transpose3A_898 = tpu.transpose %squeeze3A_897, [1, 0] : vector<128x128xf32> -> vector<128x128xf32>
    %swap3A_899 = arith.constant 24 : index
    %swap3A_900 = arith.constant 128 : index
    %swap3A_901 = arith.constant 0 : index
    %swap3A_902 = vector.load %arg2[%swap3A_899, %swap3A_900, %swap3A_901] : memref<50x400x128xf32, #tpu.memory_space<vmem>>, vector<1x128x128xf32>
    %swap3A_903 = vector.shape_cast %swap3A_902 : vector<1x128x128xf32> to vector<128x128xf32>
    %swap3A_904 = vector.shape_cast %transpose3A_898 : vector<128x128xf32> to vector<1x128x128xf32>
    tpu.vector_store %arg2[%swap3A_899, %swap3A_900, %swap3A_901], %swap3A_904 {strides = array<i32>} : memref<50x400x128xf32, #tpu.memory_space<vmem>>, vector<1x128x128xf32>,
    %slice3A_905 = vector.extract_strided_slice %get3A_2 {offsets = [0, 98, 0], sizes = [128, 1, 128], strides = [1, 1, 1]} : vector<128x200x128xf32> to vector<128x1x128xf32>
    %squeeze3A_906 = vector.shape_cast %slice3A_905 : vector<128x1x128xf32> to vector<128x128xf32>
    %transpose3A_907 = tpu.transpose %squeeze3A_906, [1, 0] : vector<128x128xf32> -> vector<128x128xf32>
    %swap3A_908 = arith.constant 24 : index
    %swap3A_909 = arith.constant 256 : index
    %swap3A_910 = arith.constant 0 : index
    %swap3A_911 = vector.load %arg2[%swap3A_908, %swap3A_909, %swap3A_910] : memref<50x400x128xf32, #tpu.memory_space<vmem>>, vector<1x128x128xf32>
    %swap3A_912 = vector.shape_cast %swap3A_911 : vector<1x128x128xf32> to vector<128x128xf32>
    %swap3A_913 = vector.shape_cast %transpose3A_907 : vector<128x128xf32> to vector<1x128x128xf32>
    tpu.vector_store %arg2[%swap3A_908, %swap3A_909, %swap3A_910], %swap3A_913 {strides = array<i32>} : memref<50x400x128xf32, #tpu.memory_space<vmem>>, vector<1x128x128xf32>,
    %slice3A_914 = vector.extract_strided_slice %get3A_2 {offsets = [0, 99, 0], sizes = [128, 1, 128], strides = [1, 1, 1]} : vector<128x200x128xf32> to vector<128x1x128xf32>
    %squeeze3A_915 = vector.shape_cast %slice3A_914 : vector<128x1x128xf32> to vector<128x128xf32>
    %transpose3A_916 = tpu.transpose %squeeze3A_915, [1, 0] : vector<128x128xf32> -> vector<128x128xf32>
    %slice3A_917 = vector.extract_strided_slice %transpose3A_916 {offsets = [0, 0], sizes = [16, 128], strides = [1, 1]} : vector<128x128xf32> to vector<16x128xf32>
    %swap3A_918 = arith.constant 24 : index
    %swap3A_919 = arith.constant 384 : index
    %swap3A_920 = arith.constant 0 : index
    %swap3A_921 = vector.load %arg2[%swap3A_918, %swap3A_919, %swap3A_920] : memref<50x400x128xf32, #tpu.memory_space<vmem>>, vector<1x16x128xf32>
    %swap3A_922 = vector.shape_cast %swap3A_921 : vector<1x16x128xf32> to vector<16x128xf32>
    %swap3A_923 = vector.shape_cast %slice3A_917 : vector<16x128xf32> to vector<1x16x128xf32>
    tpu.vector_store %arg2[%swap3A_918, %swap3A_919, %swap3A_920], %swap3A_923 {strides = array<i32>} : memref<50x400x128xf32, #tpu.memory_space<vmem>>, vector<1x16x128xf32>,
    %slice3A_924 = vector.extract_strided_slice %get3A_2 {offsets = [0, 100, 0], sizes = [128, 1, 128], strides = [1, 1, 1]} : vector<128x200x128xf32> to vector<128x1x128xf32>
    %squeeze3A_925 = vector.shape_cast %slice3A_924 : vector<128x1x128xf32> to vector<128x128xf32>
    %transpose3A_926 = tpu.transpose %squeeze3A_925, [1, 0] : vector<128x128xf32> -> vector<128x128xf32>
    %swap3A_927 = arith.constant 25 : index
    %swap3A_928 = arith.constant 0 : index
    %swap3A_929 = arith.constant 0 : index
    %swap3A_930 = vector.load %arg2[%swap3A_927, %swap3A_928, %swap3A_929] : memref<50x400x128xf32, #tpu.memory_space<vmem>>, vector<1x128x128xf32>
    %swap3A_931 = vector.shape_cast %swap3A_930 : vector<1x128x128xf32> to vector<128x128xf32>
    %swap3A_932 = vector.shape_cast %transpose3A_926 : vector<128x128xf32> to vector<1x128x128xf32>
    tpu.vector_store %arg2[%swap3A_927, %swap3A_928, %swap3A_929], %swap3A_932 {strides = array<i32>} : memref<50x400x128xf32, #tpu.memory_space<vmem>>, vector<1x128x128xf32>,
    %slice3A_933 = vector.extract_strided_slice %get3A_2 {offsets = [0, 101, 0], sizes = [128, 1, 128], strides = [1, 1, 1]} : vector<128x200x128xf32> to vector<128x1x128xf32>
    %squeeze3A_934 = vector.shape_cast %slice3A_933 : vector<128x1x128xf32> to vector<128x128xf32>
    %transpose3A_935 = tpu.transpose %squeeze3A_934, [1, 0] : vector<128x128xf32> -> vector<128x128xf32>
    %swap3A_936 = arith.constant 25 : index
    %swap3A_937 = arith.constant 128 : index
    %swap3A_938 = arith.constant 0 : index
    %swap3A_939 = vector.load %arg2[%swap3A_936, %swap3A_937, %swap3A_938] : memref<50x400x128xf32, #tpu.memory_space<vmem>>, vector<1x128x128xf32>
    %swap3A_940 = vector.shape_cast %swap3A_939 : vector<1x128x128xf32> to vector<128x128xf32>
    %swap3A_941 = vector.shape_cast %transpose3A_935 : vector<128x128xf32> to vector<1x128x128xf32>
    tpu.vector_store %arg2[%swap3A_936, %swap3A_937, %swap3A_938], %swap3A_941 {strides = array<i32>} : memref<50x400x128xf32, #tpu.memory_space<vmem>>, vector<1x128x128xf32>,
    %slice3A_942 = vector.extract_strided_slice %get3A_2 {offsets = [0, 102, 0], sizes = [128, 1, 128], strides = [1, 1, 1]} : vector<128x200x128xf32> to vector<128x1x128xf32>
    %squeeze3A_943 = vector.shape_cast %slice3A_942 : vector<128x1x128xf32> to vector<128x128xf32>
    %transpose3A_944 = tpu.transpose %squeeze3A_943, [1, 0] : vector<128x128xf32> -> vector<128x128xf32>
    %swap3A_945 = arith.constant 25 : index
    %swap3A_946 = arith.constant 256 : index
    %swap3A_947 = arith.constant 0 : index
    %swap3A_948 = vector.load %arg2[%swap3A_945, %swap3A_946, %swap3A_947] : memref<50x400x128xf32, #tpu.memory_space<vmem>>, vector<1x128x128xf32>
    %swap3A_949 = vector.shape_cast %swap3A_948 : vector<1x128x128xf32> to vector<128x128xf32>
    %swap3A_950 = vector.shape_cast %transpose3A_944 : vector<128x128xf32> to vector<1x128x128xf32>
    tpu.vector_store %arg2[%swap3A_945, %swap3A_946, %swap3A_947], %swap3A_950 {strides = array<i32>} : memref<50x400x128xf32, #tpu.memory_space<vmem>>, vector<1x128x128xf32>,
    %slice3A_951 = vector.extract_strided_slice %get3A_2 {offsets = [0, 103, 0], sizes = [128, 1, 128], strides = [1, 1, 1]} : vector<128x200x128xf32> to vector<128x1x128xf32>
    %squeeze3A_952 = vector.shape_cast %slice3A_951 : vector<128x1x128xf32> to vector<128x128xf32>
    %transpose3A_953 = tpu.transpose %squeeze3A_952, [1, 0] : vector<128x128xf32> -> vector<128x128xf32>
    %slice3A_954 = vector.extract_strided_slice %transpose3A_953 {offsets = [0, 0], sizes = [16, 128], strides = [1, 1]} : vector<128x128xf32> to vector<16x128xf32>
    %swap3A_955 = arith.constant 25 : index
    %swap3A_956 = arith.constant 384 : index
    %swap3A_957 = arith.constant 0 : index
    %swap3A_958 = vector.load %arg2[%swap3A_955, %swap3A_956, %swap3A_957] : memref<50x400x128xf32, #tpu.memory_space<vmem>>, vector<1x16x128xf32>
    %swap3A_959 = vector.shape_cast %swap3A_958 : vector<1x16x128xf32> to vector<16x128xf32>
    %swap3A_960 = vector.shape_cast %slice3A_954 : vector<16x128xf32> to vector<1x16x128xf32>
    tpu.vector_store %arg2[%swap3A_955, %swap3A_956, %swap3A_957], %swap3A_960 {strides = array<i32>} : memref<50x400x128xf32, #tpu.memory_space<vmem>>, vector<1x16x128xf32>,
    %slice3A_961 = vector.extract_strided_slice %get3A_2 {offsets = [0, 104, 0], sizes = [128, 1, 128], strides = [1, 1, 1]} : vector<128x200x128xf32> to vector<128x1x128xf32>
    %squeeze3A_962 = vector.shape_cast %slice3A_961 : vector<128x1x128xf32> to vector<128x128xf32>
    %transpose3A_963 = tpu.transpose %squeeze3A_962, [1, 0] : vector<128x128xf32> -> vector<128x128xf32>
    %swap3A_964 = arith.constant 26 : index
    %swap3A_965 = arith.constant 0 : index
    %swap3A_966 = arith.constant 0 : index
    %swap3A_967 = vector.load %arg2[%swap3A_964, %swap3A_965, %swap3A_966] : memref<50x400x128xf32, #tpu.memory_space<vmem>>, vector<1x128x128xf32>
    %swap3A_968 = vector.shape_cast %swap3A_967 : vector<1x128x128xf32> to vector<128x128xf32>
    %swap3A_969 = vector.shape_cast %transpose3A_963 : vector<128x128xf32> to vector<1x128x128xf32>
    tpu.vector_store %arg2[%swap3A_964, %swap3A_965, %swap3A_966], %swap3A_969 {strides = array<i32>} : memref<50x400x128xf32, #tpu.memory_space<vmem>>, vector<1x128x128xf32>,
    %slice3A_970 = vector.extract_strided_slice %get3A_2 {offsets = [0, 105, 0], sizes = [128, 1, 128], strides = [1, 1, 1]} : vector<128x200x128xf32> to vector<128x1x128xf32>
    %squeeze3A_971 = vector.shape_cast %slice3A_970 : vector<128x1x128xf32> to vector<128x128xf32>
    %transpose3A_972 = tpu.transpose %squeeze3A_971, [1, 0] : vector<128x128xf32> -> vector<128x128xf32>
    %swap3A_973 = arith.constant 26 : index
    %swap3A_974 = arith.constant 128 : index
    %swap3A_975 = arith.constant 0 : index
    %swap3A_976 = vector.load %arg2[%swap3A_973, %swap3A_974, %swap3A_975] : memref<50x400x128xf32, #tpu.memory_space<vmem>>, vector<1x128x128xf32>
    %swap3A_977 = vector.shape_cast %swap3A_976 : vector<1x128x128xf32> to vector<128x128xf32>
    %swap3A_978 = vector.shape_cast %transpose3A_972 : vector<128x128xf32> to vector<1x128x128xf32>
    tpu.vector_store %arg2[%swap3A_973, %swap3A_974, %swap3A_975], %swap3A_978 {strides = array<i32>} : memref<50x400x128xf32, #tpu.memory_space<vmem>>, vector<1x128x128xf32>,
    %slice3A_979 = vector.extract_strided_slice %get3A_2 {offsets = [0, 106, 0], sizes = [128, 1, 128], strides = [1, 1, 1]} : vector<128x200x128xf32> to vector<128x1x128xf32>
    %squeeze3A_980 = vector.shape_cast %slice3A_979 : vector<128x1x128xf32> to vector<128x128xf32>
    %transpose3A_981 = tpu.transpose %squeeze3A_980, [1, 0] : vector<128x128xf32> -> vector<128x128xf32>
    %swap3A_982 = arith.constant 26 : index
    %swap3A_983 = arith.constant 256 : index
    %swap3A_984 = arith.constant 0 : index
    %swap3A_985 = vector.load %arg2[%swap3A_982, %swap3A_983, %swap3A_984] : memref<50x400x128xf32, #tpu.memory_space<vmem>>, vector<1x128x128xf32>
    %swap3A_986 = vector.shape_cast %swap3A_985 : vector<1x128x128xf32> to vector<128x128xf32>
    %swap3A_987 = vector.shape_cast %transpose3A_981 : vector<128x128xf32> to vector<1x128x128xf32>
    tpu.vector_store %arg2[%swap3A_982, %swap3A_983, %swap3A_984], %swap3A_987 {strides = array<i32>} : memref<50x400x128xf32, #tpu.memory_space<vmem>>, vector<1x128x128xf32>,
    %slice3A_988 = vector.extract_strided_slice %get3A_2 {offsets = [0, 107, 0], sizes = [128, 1, 128], strides = [1, 1, 1]} : vector<128x200x128xf32> to vector<128x1x128xf32>
    %squeeze3A_989 = vector.shape_cast %slice3A_988 : vector<128x1x128xf32> to vector<128x128xf32>
    %transpose3A_990 = tpu.transpose %squeeze3A_989, [1, 0] : vector<128x128xf32> -> vector<128x128xf32>
    %slice3A_991 = vector.extract_strided_slice %transpose3A_990 {offsets = [0, 0], sizes = [16, 128], strides = [1, 1]} : vector<128x128xf32> to vector<16x128xf32>
    %swap3A_992 = arith.constant 26 : index
    %swap3A_993 = arith.constant 384 : index
    %swap3A_994 = arith.constant 0 : index
    %swap3A_995 = vector.load %arg2[%swap3A_992, %swap3A_993, %swap3A_994] : memref<50x400x128xf32, #tpu.memory_space<vmem>>, vector<1x16x128xf32>
    %swap3A_996 = vector.shape_cast %swap3A_995 : vector<1x16x128xf32> to vector<16x128xf32>
    %swap3A_997 = vector.shape_cast %slice3A_991 : vector<16x128xf32> to vector<1x16x128xf32>
    tpu.vector_store %arg2[%swap3A_992, %swap3A_993, %swap3A_994], %swap3A_997 {strides = array<i32>} : memref<50x400x128xf32, #tpu.memory_space<vmem>>, vector<1x16x128xf32>,
    %slice3A_998 = vector.extract_strided_slice %get3A_2 {offsets = [0, 108, 0], sizes = [128, 1, 128], strides = [1, 1, 1]} : vector<128x200x128xf32> to vector<128x1x128xf32>
    %squeeze3A_999 = vector.shape_cast %slice3A_998 : vector<128x1x128xf32> to vector<128x128xf32>
    %transpose3A_1000 = tpu.transpose %squeeze3A_999, [1, 0] : vector<128x128xf32> -> vector<128x128xf32>
    %swap3A_1001 = arith.constant 27 : index
    %swap3A_1002 = arith.constant 0 : index
    %swap3A_1003 = arith.constant 0 : index
    %swap3A_1004 = vector.load %arg2[%swap3A_1001, %swap3A_1002, %swap3A_1003] : memref<50x400x128xf32, #tpu.memory_space<vmem>>, vector<1x128x128xf32>
    %swap3A_1005 = vector.shape_cast %swap3A_1004 : vector<1x128x128xf32> to vector<128x128xf32>
    %swap3A_1006 = vector.shape_cast %transpose3A_1000 : vector<128x128xf32> to vector<1x128x128xf32>
    tpu.vector_store %arg2[%swap3A_1001, %swap3A_1002, %swap3A_1003], %swap3A_1006 {strides = array<i32>} : memref<50x400x128xf32, #tpu.memory_space<vmem>>, vector<1x128x128xf32>,
    %slice3A_1007 = vector.extract_strided_slice %get3A_2 {offsets = [0, 109, 0], sizes = [128, 1, 128], strides = [1, 1, 1]} : vector<128x200x128xf32> to vector<128x1x128xf32>
    %squeeze3A_1008 = vector.shape_cast %slice3A_1007 : vector<128x1x128xf32> to vector<128x128xf32>
    %transpose3A_1009 = tpu.transpose %squeeze3A_1008, [1, 0] : vector<128x128xf32> -> vector<128x128xf32>
    %swap3A_1010 = arith.constant 27 : index
    %swap3A_1011 = arith.constant 128 : index
    %swap3A_1012 = arith.constant 0 : index
    %swap3A_1013 = vector.load %arg2[%swap3A_1010, %swap3A_1011, %swap3A_1012] : memref<50x400x128xf32, #tpu.memory_space<vmem>>, vector<1x128x128xf32>
    %swap3A_1014 = vector.shape_cast %swap3A_1013 : vector<1x128x128xf32> to vector<128x128xf32>
    %swap3A_1015 = vector.shape_cast %transpose3A_1009 : vector<128x128xf32> to vector<1x128x128xf32>
    tpu.vector_store %arg2[%swap3A_1010, %swap3A_1011, %swap3A_1012], %swap3A_1015 {strides = array<i32>} : memref<50x400x128xf32, #tpu.memory_space<vmem>>, vector<1x128x128xf32>,
    %slice3A_1016 = vector.extract_strided_slice %get3A_2 {offsets = [0, 110, 0], sizes = [128, 1, 128], strides = [1, 1, 1]} : vector<128x200x128xf32> to vector<128x1x128xf32>
    %squeeze3A_1017 = vector.shape_cast %slice3A_1016 : vector<128x1x128xf32> to vector<128x128xf32>
    %transpose3A_1018 = tpu.transpose %squeeze3A_1017, [1, 0] : vector<128x128xf32> -> vector<128x128xf32>
    %swap3A_1019 = arith.constant 27 : index
    %swap3A_1020 = arith.constant 256 : index
    %swap3A_1021 = arith.constant 0 : index
    %swap3A_1022 = vector.load %arg2[%swap3A_1019, %swap3A_1020, %swap3A_1021] : memref<50x400x128xf32, #tpu.memory_space<vmem>>, vector<1x128x128xf32>
    %swap3A_1023 = vector.shape_cast %swap3A_1022 : vector<1x128x128xf32> to vector<128x128xf32>
    %swap3A_1024 = vector.shape_cast %transpose3A_1018 : vector<128x128xf32> to vector<1x128x128xf32>
    tpu.vector_store %arg2[%swap3A_1019, %swap3A_1020, %swap3A_1021], %swap3A_1024 {strides = array<i32>} : memref<50x400x128xf32, #tpu.memory_space<vmem>>, vector<1x128x128xf32>,
    %slice3A_1025 = vector.extract_strided_slice %get3A_2 {offsets = [0, 111, 0], sizes = [128, 1, 128], strides = [1, 1, 1]} : vector<128x200x128xf32> to vector<128x1x128xf32>
    %squeeze3A_1026 = vector.shape_cast %slice3A_1025 : vector<128x1x128xf32> to vector<128x128xf32>
    %transpose3A_1027 = tpu.transpose %squeeze3A_1026, [1, 0] : vector<128x128xf32> -> vector<128x128xf32>
    %slice3A_1028 = vector.extract_strided_slice %transpose3A_1027 {offsets = [0, 0], sizes = [16, 128], strides = [1, 1]} : vector<128x128xf32> to vector<16x128xf32>
    %swap3A_1029 = arith.constant 27 : index
    %swap3A_1030 = arith.constant 384 : index
    %swap3A_1031 = arith.constant 0 : index
    %swap3A_1032 = vector.load %arg2[%swap3A_1029, %swap3A_1030, %swap3A_1031] : memref<50x400x128xf32, #tpu.memory_space<vmem>>, vector<1x16x128xf32>
    %swap3A_1033 = vector.shape_cast %swap3A_1032 : vector<1x16x128xf32> to vector<16x128xf32>
    %swap3A_1034 = vector.shape_cast %slice3A_1028 : vector<16x128xf32> to vector<1x16x128xf32>
    tpu.vector_store %arg2[%swap3A_1029, %swap3A_1030, %swap3A_1031], %swap3A_1034 {strides = array<i32>} : memref<50x400x128xf32, #tpu.memory_space<vmem>>, vector<1x16x128xf32>,
    %slice3A_1035 = vector.extract_strided_slice %get3A_2 {offsets = [0, 112, 0], sizes = [128, 1, 128], strides = [1, 1, 1]} : vector<128x200x128xf32> to vector<128x1x128xf32>
    %squeeze3A_1036 = vector.shape_cast %slice3A_1035 : vector<128x1x128xf32> to vector<128x128xf32>
    %transpose3A_1037 = tpu.transpose %squeeze3A_1036, [1, 0] : vector<128x128xf32> -> vector<128x128xf32>
    %swap3A_1038 = arith.constant 28 : index
    %swap3A_1039 = arith.constant 0 : index
    %swap3A_1040 = arith.constant 0 : index
    %swap3A_1041 = vector.load %arg2[%swap3A_1038, %swap3A_1039, %swap3A_1040] : memref<50x400x128xf32, #tpu.memory_space<vmem>>, vector<1x128x128xf32>
    %swap3A_1042 = vector.shape_cast %swap3A_1041 : vector<1x128x128xf32> to vector<128x128xf32>
    %swap3A_1043 = vector.shape_cast %transpose3A_1037 : vector<128x128xf32> to vector<1x128x128xf32>
    tpu.vector_store %arg2[%swap3A_1038, %swap3A_1039, %swap3A_1040], %swap3A_1043 {strides = array<i32>} : memref<50x400x128xf32, #tpu.memory_space<vmem>>, vector<1x128x128xf32>,
    %slice3A_1044 = vector.extract_strided_slice %get3A_2 {offsets = [0, 113, 0], sizes = [128, 1, 128], strides = [1, 1, 1]} : vector<128x200x128xf32> to vector<128x1x128xf32>
    %squeeze3A_1045 = vector.shape_cast %slice3A_1044 : vector<128x1x128xf32> to vector<128x128xf32>
    %transpose3A_1046 = tpu.transpose %squeeze3A_1045, [1, 0] : vector<128x128xf32> -> vector<128x128xf32>
    %swap3A_1047 = arith.constant 28 : index
    %swap3A_1048 = arith.constant 128 : index
    %swap3A_1049 = arith.constant 0 : index
    %swap3A_1050 = vector.load %arg2[%swap3A_1047, %swap3A_1048, %swap3A_1049] : memref<50x400x128xf32, #tpu.memory_space<vmem>>, vector<1x128x128xf32>
    %swap3A_1051 = vector.shape_cast %swap3A_1050 : vector<1x128x128xf32> to vector<128x128xf32>
    %swap3A_1052 = vector.shape_cast %transpose3A_1046 : vector<128x128xf32> to vector<1x128x128xf32>
    tpu.vector_store %arg2[%swap3A_1047, %swap3A_1048, %swap3A_1049], %swap3A_1052 {strides = array<i32>} : memref<50x400x128xf32, #tpu.memory_space<vmem>>, vector<1x128x128xf32>,
    %slice3A_1053 = vector.extract_strided_slice %get3A_2 {offsets = [0, 114, 0], sizes = [128, 1, 128], strides = [1, 1, 1]} : vector<128x200x128xf32> to vector<128x1x128xf32>
    %squeeze3A_1054 = vector.shape_cast %slice3A_1053 : vector<128x1x128xf32> to vector<128x128xf32>
    %transpose3A_1055 = tpu.transpose %squeeze3A_1054, [1, 0] : vector<128x128xf32> -> vector<128x128xf32>
    %swap3A_1056 = arith.constant 28 : index
    %swap3A_1057 = arith.constant 256 : index
    %swap3A_1058 = arith.constant 0 : index
    %swap3A_1059 = vector.load %arg2[%swap3A_1056, %swap3A_1057, %swap3A_1058] : memref<50x400x128xf32, #tpu.memory_space<vmem>>, vector<1x128x128xf32>
    %swap3A_1060 = vector.shape_cast %swap3A_1059 : vector<1x128x128xf32> to vector<128x128xf32>
    %swap3A_1061 = vector.shape_cast %transpose3A_1055 : vector<128x128xf32> to vector<1x128x128xf32>
    tpu.vector_store %arg2[%swap3A_1056, %swap3A_1057, %swap3A_1058], %swap3A_1061 {strides = array<i32>} : memref<50x400x128xf32, #tpu.memory_space<vmem>>, vector<1x128x128xf32>,
    %slice3A_1062 = vector.extract_strided_slice %get3A_2 {offsets = [0, 115, 0], sizes = [128, 1, 128], strides = [1, 1, 1]} : vector<128x200x128xf32> to vector<128x1x128xf32>
    %squeeze3A_1063 = vector.shape_cast %slice3A_1062 : vector<128x1x128xf32> to vector<128x128xf32>
    %transpose3A_1064 = tpu.transpose %squeeze3A_1063, [1, 0] : vector<128x128xf32> -> vector<128x128xf32>
    %slice3A_1065 = vector.extract_strided_slice %transpose3A_1064 {offsets = [0, 0], sizes = [16, 128], strides = [1, 1]} : vector<128x128xf32> to vector<16x128xf32>
    %swap3A_1066 = arith.constant 28 : index
    %swap3A_1067 = arith.constant 384 : index
    %swap3A_1068 = arith.constant 0 : index
    %swap3A_1069 = vector.load %arg2[%swap3A_1066, %swap3A_1067, %swap3A_1068] : memref<50x400x128xf32, #tpu.memory_space<vmem>>, vector<1x16x128xf32>
    %swap3A_1070 = vector.shape_cast %swap3A_1069 : vector<1x16x128xf32> to vector<16x128xf32>
    %swap3A_1071 = vector.shape_cast %slice3A_1065 : vector<16x128xf32> to vector<1x16x128xf32>
    tpu.vector_store %arg2[%swap3A_1066, %swap3A_1067, %swap3A_1068], %swap3A_1071 {strides = array<i32>} : memref<50x400x128xf32, #tpu.memory_space<vmem>>, vector<1x16x128xf32>,
    %slice3A_1072 = vector.extract_strided_slice %get3A_2 {offsets = [0, 116, 0], sizes = [128, 1, 128], strides = [1, 1, 1]} : vector<128x200x128xf32> to vector<128x1x128xf32>
    %squeeze3A_1073 = vector.shape_cast %slice3A_1072 : vector<128x1x128xf32> to vector<128x128xf32>
    %transpose3A_1074 = tpu.transpose %squeeze3A_1073, [1, 0] : vector<128x128xf32> -> vector<128x128xf32>
    %swap3A_1075 = arith.constant 29 : index
    %swap3A_1076 = arith.constant 0 : index
    %swap3A_1077 = arith.constant 0 : index
    %swap3A_1078 = vector.load %arg2[%swap3A_1075, %swap3A_1076, %swap3A_1077] : memref<50x400x128xf32, #tpu.memory_space<vmem>>, vector<1x128x128xf32>
    %swap3A_1079 = vector.shape_cast %swap3A_1078 : vector<1x128x128xf32> to vector<128x128xf32>
    %swap3A_1080 = vector.shape_cast %transpose3A_1074 : vector<128x128xf32> to vector<1x128x128xf32>
    tpu.vector_store %arg2[%swap3A_1075, %swap3A_1076, %swap3A_1077], %swap3A_1080 {strides = array<i32>} : memref<50x400x128xf32, #tpu.memory_space<vmem>>, vector<1x128x128xf32>,
    %slice3A_1081 = vector.extract_strided_slice %get3A_2 {offsets = [0, 117, 0], sizes = [128, 1, 128], strides = [1, 1, 1]} : vector<128x200x128xf32> to vector<128x1x128xf32>
    %squeeze3A_1082 = vector.shape_cast %slice3A_1081 : vector<128x1x128xf32> to vector<128x128xf32>
    %transpose3A_1083 = tpu.transpose %squeeze3A_1082, [1, 0] : vector<128x128xf32> -> vector<128x128xf32>
    %swap3A_1084 = arith.constant 29 : index
    %swap3A_1085 = arith.constant 128 : index
    %swap3A_1086 = arith.constant 0 : index
    %swap3A_1087 = vector.load %arg2[%swap3A_1084, %swap3A_1085, %swap3A_1086] : memref<50x400x128xf32, #tpu.memory_space<vmem>>, vector<1x128x128xf32>
    %swap3A_1088 = vector.shape_cast %swap3A_1087 : vector<1x128x128xf32> to vector<128x128xf32>
    %swap3A_1089 = vector.shape_cast %transpose3A_1083 : vector<128x128xf32> to vector<1x128x128xf32>
    tpu.vector_store %arg2[%swap3A_1084, %swap3A_1085, %swap3A_1086], %swap3A_1089 {strides = array<i32>} : memref<50x400x128xf32, #tpu.memory_space<vmem>>, vector<1x128x128xf32>,
    %slice3A_1090 = vector.extract_strided_slice %get3A_2 {offsets = [0, 118, 0], sizes = [128, 1, 128], strides = [1, 1, 1]} : vector<128x200x128xf32> to vector<128x1x128xf32>
    %squeeze3A_1091 = vector.shape_cast %slice3A_1090 : vector<128x1x128xf32> to vector<128x128xf32>
    %transpose3A_1092 = tpu.transpose %squeeze3A_1091, [1, 0] : vector<128x128xf32> -> vector<128x128xf32>
    %swap3A_1093 = arith.constant 29 : index
    %swap3A_1094 = arith.constant 256 : index
    %swap3A_1095 = arith.constant 0 : index
    %swap3A_1096 = vector.load %arg2[%swap3A_1093, %swap3A_1094, %swap3A_1095] : memref<50x400x128xf32, #tpu.memory_space<vmem>>, vector<1x128x128xf32>
    %swap3A_1097 = vector.shape_cast %swap3A_1096 : vector<1x128x128xf32> to vector<128x128xf32>
    %swap3A_1098 = vector.shape_cast %transpose3A_1092 : vector<128x128xf32> to vector<1x128x128xf32>
    tpu.vector_store %arg2[%swap3A_1093, %swap3A_1094, %swap3A_1095], %swap3A_1098 {strides = array<i32>} : memref<50x400x128xf32, #tpu.memory_space<vmem>>, vector<1x128x128xf32>,
    %slice3A_1099 = vector.extract_strided_slice %get3A_2 {offsets = [0, 119, 0], sizes = [128, 1, 128], strides = [1, 1, 1]} : vector<128x200x128xf32> to vector<128x1x128xf32>
    %squeeze3A_1100 = vector.shape_cast %slice3A_1099 : vector<128x1x128xf32> to vector<128x128xf32>
    %transpose3A_1101 = tpu.transpose %squeeze3A_1100, [1, 0] : vector<128x128xf32> -> vector<128x128xf32>
    %slice3A_1102 = vector.extract_strided_slice %transpose3A_1101 {offsets = [0, 0], sizes = [16, 128], strides = [1, 1]} : vector<128x128xf32> to vector<16x128xf32>
    %swap3A_1103 = arith.constant 29 : index
    %swap3A_1104 = arith.constant 384 : index
    %swap3A_1105 = arith.constant 0 : index
    %swap3A_1106 = vector.load %arg2[%swap3A_1103, %swap3A_1104, %swap3A_1105] : memref<50x400x128xf32, #tpu.memory_space<vmem>>, vector<1x16x128xf32>
    %swap3A_1107 = vector.shape_cast %swap3A_1106 : vector<1x16x128xf32> to vector<16x128xf32>
    %swap3A_1108 = vector.shape_cast %slice3A_1102 : vector<16x128xf32> to vector<1x16x128xf32>
    tpu.vector_store %arg2[%swap3A_1103, %swap3A_1104, %swap3A_1105], %swap3A_1108 {strides = array<i32>} : memref<50x400x128xf32, #tpu.memory_space<vmem>>, vector<1x16x128xf32>,
    %slice3A_1109 = vector.extract_strided_slice %get3A_2 {offsets = [0, 120, 0], sizes = [128, 1, 128], strides = [1, 1, 1]} : vector<128x200x128xf32> to vector<128x1x128xf32>
    %squeeze3A_1110 = vector.shape_cast %slice3A_1109 : vector<128x1x128xf32> to vector<128x128xf32>
    %transpose3A_1111 = tpu.transpose %squeeze3A_1110, [1, 0] : vector<128x128xf32> -> vector<128x128xf32>
    %swap3A_1112 = arith.constant 30 : index
    %swap3A_1113 = arith.constant 0 : index
    %swap3A_1114 = arith.constant 0 : index
    %swap3A_1115 = vector.load %arg2[%swap3A_1112, %swap3A_1113, %swap3A_1114] : memref<50x400x128xf32, #tpu.memory_space<vmem>>, vector<1x128x128xf32>
    %swap3A_1116 = vector.shape_cast %swap3A_1115 : vector<1x128x128xf32> to vector<128x128xf32>
    %swap3A_1117 = vector.shape_cast %transpose3A_1111 : vector<128x128xf32> to vector<1x128x128xf32>
    tpu.vector_store %arg2[%swap3A_1112, %swap3A_1113, %swap3A_1114], %swap3A_1117 {strides = array<i32>} : memref<50x400x128xf32, #tpu.memory_space<vmem>>, vector<1x128x128xf32>,
    %slice3A_1118 = vector.extract_strided_slice %get3A_2 {offsets = [0, 121, 0], sizes = [128, 1, 128], strides = [1, 1, 1]} : vector<128x200x128xf32> to vector<128x1x128xf32>
    %squeeze3A_1119 = vector.shape_cast %slice3A_1118 : vector<128x1x128xf32> to vector<128x128xf32>
    %transpose3A_1120 = tpu.transpose %squeeze3A_1119, [1, 0] : vector<128x128xf32> -> vector<128x128xf32>
    %swap3A_1121 = arith.constant 30 : index
    %swap3A_1122 = arith.constant 128 : index
    %swap3A_1123 = arith.constant 0 : index
    %swap3A_1124 = vector.load %arg2[%swap3A_1121, %swap3A_1122, %swap3A_1123] : memref<50x400x128xf32, #tpu.memory_space<vmem>>, vector<1x128x128xf32>
    %swap3A_1125 = vector.shape_cast %swap3A_1124 : vector<1x128x128xf32> to vector<128x128xf32>
    %swap3A_1126 = vector.shape_cast %transpose3A_1120 : vector<128x128xf32> to vector<1x128x128xf32>
    tpu.vector_store %arg2[%swap3A_1121, %swap3A_1122, %swap3A_1123], %swap3A_1126 {strides = array<i32>} : memref<50x400x128xf32, #tpu.memory_space<vmem>>, vector<1x128x128xf32>,
    %slice3A_1127 = vector.extract_strided_slice %get3A_2 {offsets = [0, 122, 0], sizes = [128, 1, 128], strides = [1, 1, 1]} : vector<128x200x128xf32> to vector<128x1x128xf32>
    %squeeze3A_1128 = vector.shape_cast %slice3A_1127 : vector<128x1x128xf32> to vector<128x128xf32>
    %transpose3A_1129 = tpu.transpose %squeeze3A_1128, [1, 0] : vector<128x128xf32> -> vector<128x128xf32>
    %swap3A_1130 = arith.constant 30 : index
    %swap3A_1131 = arith.constant 256 : index
    %swap3A_1132 = arith.constant 0 : index
    %swap3A_1133 = vector.load %arg2[%swap3A_1130, %swap3A_1131, %swap3A_1132] : memref<50x400x128xf32, #tpu.memory_space<vmem>>, vector<1x128x128xf32>
    %swap3A_1134 = vector.shape_cast %swap3A_1133 : vector<1x128x128xf32> to vector<128x128xf32>
    %swap3A_1135 = vector.shape_cast %transpose3A_1129 : vector<128x128xf32> to vector<1x128x128xf32>
    tpu.vector_store %arg2[%swap3A_1130, %swap3A_1131, %swap3A_1132], %swap3A_1135 {strides = array<i32>} : memref<50x400x128xf32, #tpu.memory_space<vmem>>, vector<1x128x128xf32>,
    %slice3A_1136 = vector.extract_strided_slice %get3A_2 {offsets = [0, 123, 0], sizes = [128, 1, 128], strides = [1, 1, 1]} : vector<128x200x128xf32> to vector<128x1x128xf32>
    %squeeze3A_1137 = vector.shape_cast %slice3A_1136 : vector<128x1x128xf32> to vector<128x128xf32>
    %transpose3A_1138 = tpu.transpose %squeeze3A_1137, [1, 0] : vector<128x128xf32> -> vector<128x128xf32>
    %slice3A_1139 = vector.extract_strided_slice %transpose3A_1138 {offsets = [0, 0], sizes = [16, 128], strides = [1, 1]} : vector<128x128xf32> to vector<16x128xf32>
    %swap3A_1140 = arith.constant 30 : index
    %swap3A_1141 = arith.constant 384 : index
    %swap3A_1142 = arith.constant 0 : index
    %swap3A_1143 = vector.load %arg2[%swap3A_1140, %swap3A_1141, %swap3A_1142] : memref<50x400x128xf32, #tpu.memory_space<vmem>>, vector<1x16x128xf32>
    %swap3A_1144 = vector.shape_cast %swap3A_1143 : vector<1x16x128xf32> to vector<16x128xf32>
    %swap3A_1145 = vector.shape_cast %slice3A_1139 : vector<16x128xf32> to vector<1x16x128xf32>
    tpu.vector_store %arg2[%swap3A_1140, %swap3A_1141, %swap3A_1142], %swap3A_1145 {strides = array<i32>} : memref<50x400x128xf32, #tpu.memory_space<vmem>>, vector<1x16x128xf32>,
    %slice3A_1146 = vector.extract_strided_slice %get3A_2 {offsets = [0, 124, 0], sizes = [128, 1, 128], strides = [1, 1, 1]} : vector<128x200x128xf32> to vector<128x1x128xf32>
    %squeeze3A_1147 = vector.shape_cast %slice3A_1146 : vector<128x1x128xf32> to vector<128x128xf32>
    %transpose3A_1148 = tpu.transpose %squeeze3A_1147, [1, 0] : vector<128x128xf32> -> vector<128x128xf32>
    %swap3A_1149 = arith.constant 31 : index
    %swap3A_1150 = arith.constant 0 : index
    %swap3A_1151 = arith.constant 0 : index
    %swap3A_1152 = vector.load %arg2[%swap3A_1149, %swap3A_1150, %swap3A_1151] : memref<50x400x128xf32, #tpu.memory_space<vmem>>, vector<1x128x128xf32>
    %swap3A_1153 = vector.shape_cast %swap3A_1152 : vector<1x128x128xf32> to vector<128x128xf32>
    %swap3A_1154 = vector.shape_cast %transpose3A_1148 : vector<128x128xf32> to vector<1x128x128xf32>
    tpu.vector_store %arg2[%swap3A_1149, %swap3A_1150, %swap3A_1151], %swap3A_1154 {strides = array<i32>} : memref<50x400x128xf32, #tpu.memory_space<vmem>>, vector<1x128x128xf32>,
    %slice3A_1155 = vector.extract_strided_slice %get3A_2 {offsets = [0, 125, 0], sizes = [128, 1, 128], strides = [1, 1, 1]} : vector<128x200x128xf32> to vector<128x1x128xf32>
    %squeeze3A_1156 = vector.shape_cast %slice3A_1155 : vector<128x1x128xf32> to vector<128x128xf32>
    %transpose3A_1157 = tpu.transpose %squeeze3A_1156, [1, 0] : vector<128x128xf32> -> vector<128x128xf32>
    %swap3A_1158 = arith.constant 31 : index
    %swap3A_1159 = arith.constant 128 : index
    %swap3A_1160 = arith.constant 0 : index
    %swap3A_1161 = vector.load %arg2[%swap3A_1158, %swap3A_1159, %swap3A_1160] : memref<50x400x128xf32, #tpu.memory_space<vmem>>, vector<1x128x128xf32>
    %swap3A_1162 = vector.shape_cast %swap3A_1161 : vector<1x128x128xf32> to vector<128x128xf32>
    %swap3A_1163 = vector.shape_cast %transpose3A_1157 : vector<128x128xf32> to vector<1x128x128xf32>
    tpu.vector_store %arg2[%swap3A_1158, %swap3A_1159, %swap3A_1160], %swap3A_1163 {strides = array<i32>} : memref<50x400x128xf32, #tpu.memory_space<vmem>>, vector<1x128x128xf32>,
    %slice3A_1164 = vector.extract_strided_slice %get3A_2 {offsets = [0, 126, 0], sizes = [128, 1, 128], strides = [1, 1, 1]} : vector<128x200x128xf32> to vector<128x1x128xf32>
    %squeeze3A_1165 = vector.shape_cast %slice3A_1164 : vector<128x1x128xf32> to vector<128x128xf32>
    %transpose3A_1166 = tpu.transpose %squeeze3A_1165, [1, 0] : vector<128x128xf32> -> vector<128x128xf32>
    %swap3A_1167 = arith.constant 31 : index
    %swap3A_1168 = arith.constant 256 : index
    %swap3A_1169 = arith.constant 0 : index
    %swap3A_1170 = vector.load %arg2[%swap3A_1167, %swap3A_1168, %swap3A_1169] : memref<50x400x128xf32, #tpu.memory_space<vmem>>, vector<1x128x128xf32>
    %swap3A_1171 = vector.shape_cast %swap3A_1170 : vector<1x128x128xf32> to vector<128x128xf32>
    %swap3A_1172 = vector.shape_cast %transpose3A_1166 : vector<128x128xf32> to vector<1x128x128xf32>
    tpu.vector_store %arg2[%swap3A_1167, %swap3A_1168, %swap3A_1169], %swap3A_1172 {strides = array<i32>} : memref<50x400x128xf32, #tpu.memory_space<vmem>>, vector<1x128x128xf32>,
    %slice3A_1173 = vector.extract_strided_slice %get3A_2 {offsets = [0, 127, 0], sizes = [128, 1, 128], strides = [1, 1, 1]} : vector<128x200x128xf32> to vector<128x1x128xf32>
    %squeeze3A_1174 = vector.shape_cast %slice3A_1173 : vector<128x1x128xf32> to vector<128x128xf32>
    %transpose3A_1175 = tpu.transpose %squeeze3A_1174, [1, 0] : vector<128x128xf32> -> vector<128x128xf32>
    %slice3A_1176 = vector.extract_strided_slice %transpose3A_1175 {offsets = [0, 0], sizes = [16, 128], strides = [1, 1]} : vector<128x128xf32> to vector<16x128xf32>
    %swap3A_1177 = arith.constant 31 : index
    %swap3A_1178 = arith.constant 384 : index
    %swap3A_1179 = arith.constant 0 : index
    %swap3A_1180 = vector.load %arg2[%swap3A_1177, %swap3A_1178, %swap3A_1179] : memref<50x400x128xf32, #tpu.memory_space<vmem>>, vector<1x16x128xf32>
    %swap3A_1181 = vector.shape_cast %swap3A_1180 : vector<1x16x128xf32> to vector<16x128xf32>
    %swap3A_1182 = vector.shape_cast %slice3A_1176 : vector<16x128xf32> to vector<1x16x128xf32>
    tpu.vector_store %arg2[%swap3A_1177, %swap3A_1178, %swap3A_1179], %swap3A_1182 {strides = array<i32>} : memref<50x400x128xf32, #tpu.memory_space<vmem>>, vector<1x16x128xf32>,
    %slice3A_1183 = vector.extract_strided_slice %get3A_2 {offsets = [0, 128, 0], sizes = [128, 1, 128], strides = [1, 1, 1]} : vector<128x200x128xf32> to vector<128x1x128xf32>
    %squeeze3A_1184 = vector.shape_cast %slice3A_1183 : vector<128x1x128xf32> to vector<128x128xf32>
    %transpose3A_1185 = tpu.transpose %squeeze3A_1184, [1, 0] : vector<128x128xf32> -> vector<128x128xf32>
    %swap3A_1186 = arith.constant 32 : index
    %swap3A_1187 = arith.constant 0 : index
    %swap3A_1188 = arith.constant 0 : index
    %swap3A_1189 = vector.load %arg2[%swap3A_1186, %swap3A_1187, %swap3A_1188] : memref<50x400x128xf32, #tpu.memory_space<vmem>>, vector<1x128x128xf32>
    %swap3A_1190 = vector.shape_cast %swap3A_1189 : vector<1x128x128xf32> to vector<128x128xf32>
    %swap3A_1191 = vector.shape_cast %transpose3A_1185 : vector<128x128xf32> to vector<1x128x128xf32>
    tpu.vector_store %arg2[%swap3A_1186, %swap3A_1187, %swap3A_1188], %swap3A_1191 {strides = array<i32>} : memref<50x400x128xf32, #tpu.memory_space<vmem>>, vector<1x128x128xf32>,
    %slice3A_1192 = vector.extract_strided_slice %get3A_2 {offsets = [0, 129, 0], sizes = [128, 1, 128], strides = [1, 1, 1]} : vector<128x200x128xf32> to vector<128x1x128xf32>
    %squeeze3A_1193 = vector.shape_cast %slice3A_1192 : vector<128x1x128xf32> to vector<128x128xf32>
    %transpose3A_1194 = tpu.transpose %squeeze3A_1193, [1, 0] : vector<128x128xf32> -> vector<128x128xf32>
    %swap3A_1195 = arith.constant 32 : index
    %swap3A_1196 = arith.constant 128 : index
    %swap3A_1197 = arith.constant 0 : index
    %swap3A_1198 = vector.load %arg2[%swap3A_1195, %swap3A_1196, %swap3A_1197] : memref<50x400x128xf32, #tpu.memory_space<vmem>>, vector<1x128x128xf32>
    %swap3A_1199 = vector.shape_cast %swap3A_1198 : vector<1x128x128xf32> to vector<128x128xf32>
    %swap3A_1200 = vector.shape_cast %transpose3A_1194 : vector<128x128xf32> to vector<1x128x128xf32>
    tpu.vector_store %arg2[%swap3A_1195, %swap3A_1196, %swap3A_1197], %swap3A_1200 {strides = array<i32>} : memref<50x400x128xf32, #tpu.memory_space<vmem>>, vector<1x128x128xf32>,
    %slice3A_1201 = vector.extract_strided_slice %get3A_2 {offsets = [0, 130, 0], sizes = [128, 1, 128], strides = [1, 1, 1]} : vector<128x200x128xf32> to vector<128x1x128xf32>
    %squeeze3A_1202 = vector.shape_cast %slice3A_1201 : vector<128x1x128xf32> to vector<128x128xf32>
    %transpose3A_1203 = tpu.transpose %squeeze3A_1202, [1, 0] : vector<128x128xf32> -> vector<128x128xf32>
    %swap3A_1204 = arith.constant 32 : index
    %swap3A_1205 = arith.constant 256 : index
    %swap3A_1206 = arith.constant 0 : index
    %swap3A_1207 = vector.load %arg2[%swap3A_1204, %swap3A_1205, %swap3A_1206] : memref<50x400x128xf32, #tpu.memory_space<vmem>>, vector<1x128x128xf32>
    %swap3A_1208 = vector.shape_cast %swap3A_1207 : vector<1x128x128xf32> to vector<128x128xf32>
    %swap3A_1209 = vector.shape_cast %transpose3A_1203 : vector<128x128xf32> to vector<1x128x128xf32>
    tpu.vector_store %arg2[%swap3A_1204, %swap3A_1205, %swap3A_1206], %swap3A_1209 {strides = array<i32>} : memref<50x400x128xf32, #tpu.memory_space<vmem>>, vector<1x128x128xf32>,
    %slice3A_1210 = vector.extract_strided_slice %get3A_2 {offsets = [0, 131, 0], sizes = [128, 1, 128], strides = [1, 1, 1]} : vector<128x200x128xf32> to vector<128x1x128xf32>
    %squeeze3A_1211 = vector.shape_cast %slice3A_1210 : vector<128x1x128xf32> to vector<128x128xf32>
    %transpose3A_1212 = tpu.transpose %squeeze3A_1211, [1, 0] : vector<128x128xf32> -> vector<128x128xf32>
    %slice3A_1213 = vector.extract_strided_slice %transpose3A_1212 {offsets = [0, 0], sizes = [16, 128], strides = [1, 1]} : vector<128x128xf32> to vector<16x128xf32>
    %swap3A_1214 = arith.constant 32 : index
    %swap3A_1215 = arith.constant 384 : index
    %swap3A_1216 = arith.constant 0 : index
    %swap3A_1217 = vector.load %arg2[%swap3A_1214, %swap3A_1215, %swap3A_1216] : memref<50x400x128xf32, #tpu.memory_space<vmem>>, vector<1x16x128xf32>
    %swap3A_1218 = vector.shape_cast %swap3A_1217 : vector<1x16x128xf32> to vector<16x128xf32>
    %swap3A_1219 = vector.shape_cast %slice3A_1213 : vector<16x128xf32> to vector<1x16x128xf32>
    tpu.vector_store %arg2[%swap3A_1214, %swap3A_1215, %swap3A_1216], %swap3A_1219 {strides = array<i32>} : memref<50x400x128xf32, #tpu.memory_space<vmem>>, vector<1x16x128xf32>,
    %slice3A_1220 = vector.extract_strided_slice %get3A_2 {offsets = [0, 132, 0], sizes = [128, 1, 128], strides = [1, 1, 1]} : vector<128x200x128xf32> to vector<128x1x128xf32>
    %squeeze3A_1221 = vector.shape_cast %slice3A_1220 : vector<128x1x128xf32> to vector<128x128xf32>
    %transpose3A_1222 = tpu.transpose %squeeze3A_1221, [1, 0] : vector<128x128xf32> -> vector<128x128xf32>
    %swap3A_1223 = arith.constant 33 : index
    %swap3A_1224 = arith.constant 0 : index
    %swap3A_1225 = arith.constant 0 : index
    %swap3A_1226 = vector.load %arg2[%swap3A_1223, %swap3A_1224, %swap3A_1225] : memref<50x400x128xf32, #tpu.memory_space<vmem>>, vector<1x128x128xf32>
    %swap3A_1227 = vector.shape_cast %swap3A_1226 : vector<1x128x128xf32> to vector<128x128xf32>
    %swap3A_1228 = vector.shape_cast %transpose3A_1222 : vector<128x128xf32> to vector<1x128x128xf32>
    tpu.vector_store %arg2[%swap3A_1223, %swap3A_1224, %swap3A_1225], %swap3A_1228 {strides = array<i32>} : memref<50x400x128xf32, #tpu.memory_space<vmem>>, vector<1x128x128xf32>,
    %slice3A_1229 = vector.extract_strided_slice %get3A_2 {offsets = [0, 133, 0], sizes = [128, 1, 128], strides = [1, 1, 1]} : vector<128x200x128xf32> to vector<128x1x128xf32>
    %squeeze3A_1230 = vector.shape_cast %slice3A_1229 : vector<128x1x128xf32> to vector<128x128xf32>
    %transpose3A_1231 = tpu.transpose %squeeze3A_1230, [1, 0] : vector<128x128xf32> -> vector<128x128xf32>
    %swap3A_1232 = arith.constant 33 : index
    %swap3A_1233 = arith.constant 128 : index
    %swap3A_1234 = arith.constant 0 : index
    %swap3A_1235 = vector.load %arg2[%swap3A_1232, %swap3A_1233, %swap3A_1234] : memref<50x400x128xf32, #tpu.memory_space<vmem>>, vector<1x128x128xf32>
    %swap3A_1236 = vector.shape_cast %swap3A_1235 : vector<1x128x128xf32> to vector<128x128xf32>
    %swap3A_1237 = vector.shape_cast %transpose3A_1231 : vector<128x128xf32> to vector<1x128x128xf32>
    tpu.vector_store %arg2[%swap3A_1232, %swap3A_1233, %swap3A_1234], %swap3A_1237 {strides = array<i32>} : memref<50x400x128xf32, #tpu.memory_space<vmem>>, vector<1x128x128xf32>,
    %slice3A_1238 = vector.extract_strided_slice %get3A_2 {offsets = [0, 134, 0], sizes = [128, 1, 128], strides = [1, 1, 1]} : vector<128x200x128xf32> to vector<128x1x128xf32>
    %squeeze3A_1239 = vector.shape_cast %slice3A_1238 : vector<128x1x128xf32> to vector<128x128xf32>
    %transpose3A_1240 = tpu.transpose %squeeze3A_1239, [1, 0] : vector<128x128xf32> -> vector<128x128xf32>
    %swap3A_1241 = arith.constant 33 : index
    %swap3A_1242 = arith.constant 256 : index
    %swap3A_1243 = arith.constant 0 : index
    %swap3A_1244 = vector.load %arg2[%swap3A_1241, %swap3A_1242, %swap3A_1243] : memref<50x400x128xf32, #tpu.memory_space<vmem>>, vector<1x128x128xf32>
    %swap3A_1245 = vector.shape_cast %swap3A_1244 : vector<1x128x128xf32> to vector<128x128xf32>
    %swap3A_1246 = vector.shape_cast %transpose3A_1240 : vector<128x128xf32> to vector<1x128x128xf32>
    tpu.vector_store %arg2[%swap3A_1241, %swap3A_1242, %swap3A_1243], %swap3A_1246 {strides = array<i32>} : memref<50x400x128xf32, #tpu.memory_space<vmem>>, vector<1x128x128xf32>,
    %slice3A_1247 = vector.extract_strided_slice %get3A_2 {offsets = [0, 135, 0], sizes = [128, 1, 128], strides = [1, 1, 1]} : vector<128x200x128xf32> to vector<128x1x128xf32>
    %squeeze3A_1248 = vector.shape_cast %slice3A_1247 : vector<128x1x128xf32> to vector<128x128xf32>
    %transpose3A_1249 = tpu.transpose %squeeze3A_1248, [1, 0] : vector<128x128xf32> -> vector<128x128xf32>
    %slice3A_1250 = vector.extract_strided_slice %transpose3A_1249 {offsets = [0, 0], sizes = [16, 128], strides = [1, 1]} : vector<128x128xf32> to vector<16x128xf32>
    %swap3A_1251 = arith.constant 33 : index
    %swap3A_1252 = arith.constant 384 : index
    %swap3A_1253 = arith.constant 0 : index
    %swap3A_1254 = vector.load %arg2[%swap3A_1251, %swap3A_1252, %swap3A_1253] : memref<50x400x128xf32, #tpu.memory_space<vmem>>, vector<1x16x128xf32>
    %swap3A_1255 = vector.shape_cast %swap3A_1254 : vector<1x16x128xf32> to vector<16x128xf32>
    %swap3A_1256 = vector.shape_cast %slice3A_1250 : vector<16x128xf32> to vector<1x16x128xf32>
    tpu.vector_store %arg2[%swap3A_1251, %swap3A_1252, %swap3A_1253], %swap3A_1256 {strides = array<i32>} : memref<50x400x128xf32, #tpu.memory_space<vmem>>, vector<1x16x128xf32>,
    %slice3A_1257 = vector.extract_strided_slice %get3A_2 {offsets = [0, 136, 0], sizes = [128, 1, 128], strides = [1, 1, 1]} : vector<128x200x128xf32> to vector<128x1x128xf32>
    %squeeze3A_1258 = vector.shape_cast %slice3A_1257 : vector<128x1x128xf32> to vector<128x128xf32>
    %transpose3A_1259 = tpu.transpose %squeeze3A_1258, [1, 0] : vector<128x128xf32> -> vector<128x128xf32>
    %swap3A_1260 = arith.constant 34 : index
    %swap3A_1261 = arith.constant 0 : index
    %swap3A_1262 = arith.constant 0 : index
    %swap3A_1263 = vector.load %arg2[%swap3A_1260, %swap3A_1261, %swap3A_1262] : memref<50x400x128xf32, #tpu.memory_space<vmem>>, vector<1x128x128xf32>
    %swap3A_1264 = vector.shape_cast %swap3A_1263 : vector<1x128x128xf32> to vector<128x128xf32>
    %swap3A_1265 = vector.shape_cast %transpose3A_1259 : vector<128x128xf32> to vector<1x128x128xf32>
    tpu.vector_store %arg2[%swap3A_1260, %swap3A_1261, %swap3A_1262], %swap3A_1265 {strides = array<i32>} : memref<50x400x128xf32, #tpu.memory_space<vmem>>, vector<1x128x128xf32>,
    %slice3A_1266 = vector.extract_strided_slice %get3A_2 {offsets = [0, 137, 0], sizes = [128, 1, 128], strides = [1, 1, 1]} : vector<128x200x128xf32> to vector<128x1x128xf32>
    %squeeze3A_1267 = vector.shape_cast %slice3A_1266 : vector<128x1x128xf32> to vector<128x128xf32>
    %transpose3A_1268 = tpu.transpose %squeeze3A_1267, [1, 0] : vector<128x128xf32> -> vector<128x128xf32>
    %swap3A_1269 = arith.constant 34 : index
    %swap3A_1270 = arith.constant 128 : index
    %swap3A_1271 = arith.constant 0 : index
    %swap3A_1272 = vector.load %arg2[%swap3A_1269, %swap3A_1270, %swap3A_1271] : memref<50x400x128xf32, #tpu.memory_space<vmem>>, vector<1x128x128xf32>
    %swap3A_1273 = vector.shape_cast %swap3A_1272 : vector<1x128x128xf32> to vector<128x128xf32>
    %swap3A_1274 = vector.shape_cast %transpose3A_1268 : vector<128x128xf32> to vector<1x128x128xf32>
    tpu.vector_store %arg2[%swap3A_1269, %swap3A_1270, %swap3A_1271], %swap3A_1274 {strides = array<i32>} : memref<50x400x128xf32, #tpu.memory_space<vmem>>, vector<1x128x128xf32>,
    %slice3A_1275 = vector.extract_strided_slice %get3A_2 {offsets = [0, 138, 0], sizes = [128, 1, 128], strides = [1, 1, 1]} : vector<128x200x128xf32> to vector<128x1x128xf32>
    %squeeze3A_1276 = vector.shape_cast %slice3A_1275 : vector<128x1x128xf32> to vector<128x128xf32>
    %transpose3A_1277 = tpu.transpose %squeeze3A_1276, [1, 0] : vector<128x128xf32> -> vector<128x128xf32>
    %swap3A_1278 = arith.constant 34 : index
    %swap3A_1279 = arith.constant 256 : index
    %swap3A_1280 = arith.constant 0 : index
    %swap3A_1281 = vector.load %arg2[%swap3A_1278, %swap3A_1279, %swap3A_1280] : memref<50x400x128xf32, #tpu.memory_space<vmem>>, vector<1x128x128xf32>
    %swap3A_1282 = vector.shape_cast %swap3A_1281 : vector<1x128x128xf32> to vector<128x128xf32>
    %swap3A_1283 = vector.shape_cast %transpose3A_1277 : vector<128x128xf32> to vector<1x128x128xf32>
    tpu.vector_store %arg2[%swap3A_1278, %swap3A_1279, %swap3A_1280], %swap3A_1283 {strides = array<i32>} : memref<50x400x128xf32, #tpu.memory_space<vmem>>, vector<1x128x128xf32>,
    %slice3A_1284 = vector.extract_strided_slice %get3A_2 {offsets = [0, 139, 0], sizes = [128, 1, 128], strides = [1, 1, 1]} : vector<128x200x128xf32> to vector<128x1x128xf32>
    %squeeze3A_1285 = vector.shape_cast %slice3A_1284 : vector<128x1x128xf32> to vector<128x128xf32>
    %transpose3A_1286 = tpu.transpose %squeeze3A_1285, [1, 0] : vector<128x128xf32> -> vector<128x128xf32>
    %slice3A_1287 = vector.extract_strided_slice %transpose3A_1286 {offsets = [0, 0], sizes = [16, 128], strides = [1, 1]} : vector<128x128xf32> to vector<16x128xf32>
    %swap3A_1288 = arith.constant 34 : index
    %swap3A_1289 = arith.constant 384 : index
    %swap3A_1290 = arith.constant 0 : index
    %swap3A_1291 = vector.load %arg2[%swap3A_1288, %swap3A_1289, %swap3A_1290] : memref<50x400x128xf32, #tpu.memory_space<vmem>>, vector<1x16x128xf32>
    %swap3A_1292 = vector.shape_cast %swap3A_1291 : vector<1x16x128xf32> to vector<16x128xf32>
    %swap3A_1293 = vector.shape_cast %slice3A_1287 : vector<16x128xf32> to vector<1x16x128xf32>
    tpu.vector_store %arg2[%swap3A_1288, %swap3A_1289, %swap3A_1290], %swap3A_1293 {strides = array<i32>} : memref<50x400x128xf32, #tpu.memory_space<vmem>>, vector<1x16x128xf32>,
    %slice3A_1294 = vector.extract_strided_slice %get3A_2 {offsets = [0, 140, 0], sizes = [128, 1, 128], strides = [1, 1, 1]} : vector<128x200x128xf32> to vector<128x1x128xf32>
    %squeeze3A_1295 = vector.shape_cast %slice3A_1294 : vector<128x1x128xf32> to vector<128x128xf32>
    %transpose3A_1296 = tpu.transpose %squeeze3A_1295, [1, 0] : vector<128x128xf32> -> vector<128x128xf32>
    %swap3A_1297 = arith.constant 35 : index
    %swap3A_1298 = arith.constant 0 : index
    %swap3A_1299 = arith.constant 0 : index
    %swap3A_1300 = vector.load %arg2[%swap3A_1297, %swap3A_1298, %swap3A_1299] : memref<50x400x128xf32, #tpu.memory_space<vmem>>, vector<1x128x128xf32>
    %swap3A_1301 = vector.shape_cast %swap3A_1300 : vector<1x128x128xf32> to vector<128x128xf32>
    %swap3A_1302 = vector.shape_cast %transpose3A_1296 : vector<128x128xf32> to vector<1x128x128xf32>
    tpu.vector_store %arg2[%swap3A_1297, %swap3A_1298, %swap3A_1299], %swap3A_1302 {strides = array<i32>} : memref<50x400x128xf32, #tpu.memory_space<vmem>>, vector<1x128x128xf32>,
    %slice3A_1303 = vector.extract_strided_slice %get3A_2 {offsets = [0, 141, 0], sizes = [128, 1, 128], strides = [1, 1, 1]} : vector<128x200x128xf32> to vector<128x1x128xf32>
    %squeeze3A_1304 = vector.shape_cast %slice3A_1303 : vector<128x1x128xf32> to vector<128x128xf32>
    %transpose3A_1305 = tpu.transpose %squeeze3A_1304, [1, 0] : vector<128x128xf32> -> vector<128x128xf32>
    %swap3A_1306 = arith.constant 35 : index
    %swap3A_1307 = arith.constant 128 : index
    %swap3A_1308 = arith.constant 0 : index
    %swap3A_1309 = vector.load %arg2[%swap3A_1306, %swap3A_1307, %swap3A_1308] : memref<50x400x128xf32, #tpu.memory_space<vmem>>, vector<1x128x128xf32>
    %swap3A_1310 = vector.shape_cast %swap3A_1309 : vector<1x128x128xf32> to vector<128x128xf32>
    %swap3A_1311 = vector.shape_cast %transpose3A_1305 : vector<128x128xf32> to vector<1x128x128xf32>
    tpu.vector_store %arg2[%swap3A_1306, %swap3A_1307, %swap3A_1308], %swap3A_1311 {strides = array<i32>} : memref<50x400x128xf32, #tpu.memory_space<vmem>>, vector<1x128x128xf32>,
    %slice3A_1312 = vector.extract_strided_slice %get3A_2 {offsets = [0, 142, 0], sizes = [128, 1, 128], strides = [1, 1, 1]} : vector<128x200x128xf32> to vector<128x1x128xf32>
    %squeeze3A_1313 = vector.shape_cast %slice3A_1312 : vector<128x1x128xf32> to vector<128x128xf32>
    %transpose3A_1314 = tpu.transpose %squeeze3A_1313, [1, 0] : vector<128x128xf32> -> vector<128x128xf32>
    %swap3A_1315 = arith.constant 35 : index
    %swap3A_1316 = arith.constant 256 : index
    %swap3A_1317 = arith.constant 0 : index
    %swap3A_1318 = vector.load %arg2[%swap3A_1315, %swap3A_1316, %swap3A_1317] : memref<50x400x128xf32, #tpu.memory_space<vmem>>, vector<1x128x128xf32>
    %swap3A_1319 = vector.shape_cast %swap3A_1318 : vector<1x128x128xf32> to vector<128x128xf32>
    %swap3A_1320 = vector.shape_cast %transpose3A_1314 : vector<128x128xf32> to vector<1x128x128xf32>
    tpu.vector_store %arg2[%swap3A_1315, %swap3A_1316, %swap3A_1317], %swap3A_1320 {strides = array<i32>} : memref<50x400x128xf32, #tpu.memory_space<vmem>>, vector<1x128x128xf32>,
    %slice3A_1321 = vector.extract_strided_slice %get3A_2 {offsets = [0, 143, 0], sizes = [128, 1, 128], strides = [1, 1, 1]} : vector<128x200x128xf32> to vector<128x1x128xf32>
    %squeeze3A_1322 = vector.shape_cast %slice3A_1321 : vector<128x1x128xf32> to vector<128x128xf32>
    %transpose3A_1323 = tpu.transpose %squeeze3A_1322, [1, 0] : vector<128x128xf32> -> vector<128x128xf32>
    %slice3A_1324 = vector.extract_strided_slice %transpose3A_1323 {offsets = [0, 0], sizes = [16, 128], strides = [1, 1]} : vector<128x128xf32> to vector<16x128xf32>
    %swap3A_1325 = arith.constant 35 : index
    %swap3A_1326 = arith.constant 384 : index
    %swap3A_1327 = arith.constant 0 : index
    %swap3A_1328 = vector.load %arg2[%swap3A_1325, %swap3A_1326, %swap3A_1327] : memref<50x400x128xf32, #tpu.memory_space<vmem>>, vector<1x16x128xf32>
    %swap3A_1329 = vector.shape_cast %swap3A_1328 : vector<1x16x128xf32> to vector<16x128xf32>
    %swap3A_1330 = vector.shape_cast %slice3A_1324 : vector<16x128xf32> to vector<1x16x128xf32>
    tpu.vector_store %arg2[%swap3A_1325, %swap3A_1326, %swap3A_1327], %swap3A_1330 {strides = array<i32>} : memref<50x400x128xf32, #tpu.memory_space<vmem>>, vector<1x16x128xf32>,
    %slice3A_1331 = vector.extract_strided_slice %get3A_2 {offsets = [0, 144, 0], sizes = [128, 1, 128], strides = [1, 1, 1]} : vector<128x200x128xf32> to vector<128x1x128xf32>
    %squeeze3A_1332 = vector.shape_cast %slice3A_1331 : vector<128x1x128xf32> to vector<128x128xf32>
    %transpose3A_1333 = tpu.transpose %squeeze3A_1332, [1, 0] : vector<128x128xf32> -> vector<128x128xf32>
    %swap3A_1334 = arith.constant 36 : index
    %swap3A_1335 = arith.constant 0 : index
    %swap3A_1336 = arith.constant 0 : index
    %swap3A_1337 = vector.load %arg2[%swap3A_1334, %swap3A_1335, %swap3A_1336] : memref<50x400x128xf32, #tpu.memory_space<vmem>>, vector<1x128x128xf32>
    %swap3A_1338 = vector.shape_cast %swap3A_1337 : vector<1x128x128xf32> to vector<128x128xf32>
    %swap3A_1339 = vector.shape_cast %transpose3A_1333 : vector<128x128xf32> to vector<1x128x128xf32>
    tpu.vector_store %arg2[%swap3A_1334, %swap3A_1335, %swap3A_1336], %swap3A_1339 {strides = array<i32>} : memref<50x400x128xf32, #tpu.memory_space<vmem>>, vector<1x128x128xf32>,
    %slice3A_1340 = vector.extract_strided_slice %get3A_2 {offsets = [0, 145, 0], sizes = [128, 1, 128], strides = [1, 1, 1]} : vector<128x200x128xf32> to vector<128x1x128xf32>
    %squeeze3A_1341 = vector.shape_cast %slice3A_1340 : vector<128x1x128xf32> to vector<128x128xf32>
    %transpose3A_1342 = tpu.transpose %squeeze3A_1341, [1, 0] : vector<128x128xf32> -> vector<128x128xf32>
    %swap3A_1343 = arith.constant 36 : index
    %swap3A_1344 = arith.constant 128 : index
    %swap3A_1345 = arith.constant 0 : index
    %swap3A_1346 = vector.load %arg2[%swap3A_1343, %swap3A_1344, %swap3A_1345] : memref<50x400x128xf32, #tpu.memory_space<vmem>>, vector<1x128x128xf32>
    %swap3A_1347 = vector.shape_cast %swap3A_1346 : vector<1x128x128xf32> to vector<128x128xf32>
    %swap3A_1348 = vector.shape_cast %transpose3A_1342 : vector<128x128xf32> to vector<1x128x128xf32>
    tpu.vector_store %arg2[%swap3A_1343, %swap3A_1344, %swap3A_1345], %swap3A_1348 {strides = array<i32>} : memref<50x400x128xf32, #tpu.memory_space<vmem>>, vector<1x128x128xf32>,
    %slice3A_1349 = vector.extract_strided_slice %get3A_2 {offsets = [0, 146, 0], sizes = [128, 1, 128], strides = [1, 1, 1]} : vector<128x200x128xf32> to vector<128x1x128xf32>
    %squeeze3A_1350 = vector.shape_cast %slice3A_1349 : vector<128x1x128xf32> to vector<128x128xf32>
    %transpose3A_1351 = tpu.transpose %squeeze3A_1350, [1, 0] : vector<128x128xf32> -> vector<128x128xf32>
    %swap3A_1352 = arith.constant 36 : index
    %swap3A_1353 = arith.constant 256 : index
    %swap3A_1354 = arith.constant 0 : index
    %swap3A_1355 = vector.load %arg2[%swap3A_1352, %swap3A_1353, %swap3A_1354] : memref<50x400x128xf32, #tpu.memory_space<vmem>>, vector<1x128x128xf32>
    %swap3A_1356 = vector.shape_cast %swap3A_1355 : vector<1x128x128xf32> to vector<128x128xf32>
    %swap3A_1357 = vector.shape_cast %transpose3A_1351 : vector<128x128xf32> to vector<1x128x128xf32>
    tpu.vector_store %arg2[%swap3A_1352, %swap3A_1353, %swap3A_1354], %swap3A_1357 {strides = array<i32>} : memref<50x400x128xf32, #tpu.memory_space<vmem>>, vector<1x128x128xf32>,
    %slice3A_1358 = vector.extract_strided_slice %get3A_2 {offsets = [0, 147, 0], sizes = [128, 1, 128], strides = [1, 1, 1]} : vector<128x200x128xf32> to vector<128x1x128xf32>
    %squeeze3A_1359 = vector.shape_cast %slice3A_1358 : vector<128x1x128xf32> to vector<128x128xf32>
    %transpose3A_1360 = tpu.transpose %squeeze3A_1359, [1, 0] : vector<128x128xf32> -> vector<128x128xf32>
    %slice3A_1361 = vector.extract_strided_slice %transpose3A_1360 {offsets = [0, 0], sizes = [16, 128], strides = [1, 1]} : vector<128x128xf32> to vector<16x128xf32>
    %swap3A_1362 = arith.constant 36 : index
    %swap3A_1363 = arith.constant 384 : index
    %swap3A_1364 = arith.constant 0 : index
    %swap3A_1365 = vector.load %arg2[%swap3A_1362, %swap3A_1363, %swap3A_1364] : memref<50x400x128xf32, #tpu.memory_space<vmem>>, vector<1x16x128xf32>
    %swap3A_1366 = vector.shape_cast %swap3A_1365 : vector<1x16x128xf32> to vector<16x128xf32>
    %swap3A_1367 = vector.shape_cast %slice3A_1361 : vector<16x128xf32> to vector<1x16x128xf32>
    tpu.vector_store %arg2[%swap3A_1362, %swap3A_1363, %swap3A_1364], %swap3A_1367 {strides = array<i32>} : memref<50x400x128xf32, #tpu.memory_space<vmem>>, vector<1x16x128xf32>,
    %slice3A_1368 = vector.extract_strided_slice %get3A_2 {offsets = [0, 148, 0], sizes = [128, 1, 128], strides = [1, 1, 1]} : vector<128x200x128xf32> to vector<128x1x128xf32>
    %squeeze3A_1369 = vector.shape_cast %slice3A_1368 : vector<128x1x128xf32> to vector<128x128xf32>
    %transpose3A_1370 = tpu.transpose %squeeze3A_1369, [1, 0] : vector<128x128xf32> -> vector<128x128xf32>
    %swap3A_1371 = arith.constant 37 : index
    %swap3A_1372 = arith.constant 0 : index
    %swap3A_1373 = arith.constant 0 : index
    %swap3A_1374 = vector.load %arg2[%swap3A_1371, %swap3A_1372, %swap3A_1373] : memref<50x400x128xf32, #tpu.memory_space<vmem>>, vector<1x128x128xf32>
    %swap3A_1375 = vector.shape_cast %swap3A_1374 : vector<1x128x128xf32> to vector<128x128xf32>
    %swap3A_1376 = vector.shape_cast %transpose3A_1370 : vector<128x128xf32> to vector<1x128x128xf32>
    tpu.vector_store %arg2[%swap3A_1371, %swap3A_1372, %swap3A_1373], %swap3A_1376 {strides = array<i32>} : memref<50x400x128xf32, #tpu.memory_space<vmem>>, vector<1x128x128xf32>,
    %slice3A_1377 = vector.extract_strided_slice %get3A_2 {offsets = [0, 149, 0], sizes = [128, 1, 128], strides = [1, 1, 1]} : vector<128x200x128xf32> to vector<128x1x128xf32>
    %squeeze3A_1378 = vector.shape_cast %slice3A_1377 : vector<128x1x128xf32> to vector<128x128xf32>
    %transpose3A_1379 = tpu.transpose %squeeze3A_1378, [1, 0] : vector<128x128xf32> -> vector<128x128xf32>
    %swap3A_1380 = arith.constant 37 : index
    %swap3A_1381 = arith.constant 128 : index
    %swap3A_1382 = arith.constant 0 : index
    %swap3A_1383 = vector.load %arg2[%swap3A_1380, %swap3A_1381, %swap3A_1382] : memref<50x400x128xf32, #tpu.memory_space<vmem>>, vector<1x128x128xf32>
    %swap3A_1384 = vector.shape_cast %swap3A_1383 : vector<1x128x128xf32> to vector<128x128xf32>
    %swap3A_1385 = vector.shape_cast %transpose3A_1379 : vector<128x128xf32> to vector<1x128x128xf32>
    tpu.vector_store %arg2[%swap3A_1380, %swap3A_1381, %swap3A_1382], %swap3A_1385 {strides = array<i32>} : memref<50x400x128xf32, #tpu.memory_space<vmem>>, vector<1x128x128xf32>,
    %slice3A_1386 = vector.extract_strided_slice %get3A_2 {offsets = [0, 150, 0], sizes = [128, 1, 128], strides = [1, 1, 1]} : vector<128x200x128xf32> to vector<128x1x128xf32>
    %squeeze3A_1387 = vector.shape_cast %slice3A_1386 : vector<128x1x128xf32> to vector<128x128xf32>
    %transpose3A_1388 = tpu.transpose %squeeze3A_1387, [1, 0] : vector<128x128xf32> -> vector<128x128xf32>
    %swap3A_1389 = arith.constant 37 : index
    %swap3A_1390 = arith.constant 256 : index
    %swap3A_1391 = arith.constant 0 : index
    %swap3A_1392 = vector.load %arg2[%swap3A_1389, %swap3A_1390, %swap3A_1391] : memref<50x400x128xf32, #tpu.memory_space<vmem>>, vector<1x128x128xf32>
    %swap3A_1393 = vector.shape_cast %swap3A_1392 : vector<1x128x128xf32> to vector<128x128xf32>
    %swap3A_1394 = vector.shape_cast %transpose3A_1388 : vector<128x128xf32> to vector<1x128x128xf32>
    tpu.vector_store %arg2[%swap3A_1389, %swap3A_1390, %swap3A_1391], %swap3A_1394 {strides = array<i32>} : memref<50x400x128xf32, #tpu.memory_space<vmem>>, vector<1x128x128xf32>,
    %slice3A_1395 = vector.extract_strided_slice %get3A_2 {offsets = [0, 151, 0], sizes = [128, 1, 128], strides = [1, 1, 1]} : vector<128x200x128xf32> to vector<128x1x128xf32>
    %squeeze3A_1396 = vector.shape_cast %slice3A_1395 : vector<128x1x128xf32> to vector<128x128xf32>
    %transpose3A_1397 = tpu.transpose %squeeze3A_1396, [1, 0] : vector<128x128xf32> -> vector<128x128xf32>
    %slice3A_1398 = vector.extract_strided_slice %transpose3A_1397 {offsets = [0, 0], sizes = [16, 128], strides = [1, 1]} : vector<128x128xf32> to vector<16x128xf32>
    %swap3A_1399 = arith.constant 37 : index
    %swap3A_1400 = arith.constant 384 : index
    %swap3A_1401 = arith.constant 0 : index
    %swap3A_1402 = vector.load %arg2[%swap3A_1399, %swap3A_1400, %swap3A_1401] : memref<50x400x128xf32, #tpu.memory_space<vmem>>, vector<1x16x128xf32>
    %swap3A_1403 = vector.shape_cast %swap3A_1402 : vector<1x16x128xf32> to vector<16x128xf32>
    %swap3A_1404 = vector.shape_cast %slice3A_1398 : vector<16x128xf32> to vector<1x16x128xf32>
    tpu.vector_store %arg2[%swap3A_1399, %swap3A_1400, %swap3A_1401], %swap3A_1404 {strides = array<i32>} : memref<50x400x128xf32, #tpu.memory_space<vmem>>, vector<1x16x128xf32>,
    %slice3A_1405 = vector.extract_strided_slice %get3A_2 {offsets = [0, 152, 0], sizes = [128, 1, 128], strides = [1, 1, 1]} : vector<128x200x128xf32> to vector<128x1x128xf32>
    %squeeze3A_1406 = vector.shape_cast %slice3A_1405 : vector<128x1x128xf32> to vector<128x128xf32>
    %transpose3A_1407 = tpu.transpose %squeeze3A_1406, [1, 0] : vector<128x128xf32> -> vector<128x128xf32>
    %swap3A_1408 = arith.constant 38 : index
    %swap3A_1409 = arith.constant 0 : index
    %swap3A_1410 = arith.constant 0 : index
    %swap3A_1411 = vector.load %arg2[%swap3A_1408, %swap3A_1409, %swap3A_1410] : memref<50x400x128xf32, #tpu.memory_space<vmem>>, vector<1x128x128xf32>
    %swap3A_1412 = vector.shape_cast %swap3A_1411 : vector<1x128x128xf32> to vector<128x128xf32>
    %swap3A_1413 = vector.shape_cast %transpose3A_1407 : vector<128x128xf32> to vector<1x128x128xf32>
    tpu.vector_store %arg2[%swap3A_1408, %swap3A_1409, %swap3A_1410], %swap3A_1413 {strides = array<i32>} : memref<50x400x128xf32, #tpu.memory_space<vmem>>, vector<1x128x128xf32>,
    %slice3A_1414 = vector.extract_strided_slice %get3A_2 {offsets = [0, 153, 0], sizes = [128, 1, 128], strides = [1, 1, 1]} : vector<128x200x128xf32> to vector<128x1x128xf32>
    %squeeze3A_1415 = vector.shape_cast %slice3A_1414 : vector<128x1x128xf32> to vector<128x128xf32>
    %transpose3A_1416 = tpu.transpose %squeeze3A_1415, [1, 0] : vector<128x128xf32> -> vector<128x128xf32>
    %swap3A_1417 = arith.constant 38 : index
    %swap3A_1418 = arith.constant 128 : index
    %swap3A_1419 = arith.constant 0 : index
    %swap3A_1420 = vector.load %arg2[%swap3A_1417, %swap3A_1418, %swap3A_1419] : memref<50x400x128xf32, #tpu.memory_space<vmem>>, vector<1x128x128xf32>
    %swap3A_1421 = vector.shape_cast %swap3A_1420 : vector<1x128x128xf32> to vector<128x128xf32>
    %swap3A_1422 = vector.shape_cast %transpose3A_1416 : vector<128x128xf32> to vector<1x128x128xf32>
    tpu.vector_store %arg2[%swap3A_1417, %swap3A_1418, %swap3A_1419], %swap3A_1422 {strides = array<i32>} : memref<50x400x128xf32, #tpu.memory_space<vmem>>, vector<1x128x128xf32>,
    %slice3A_1423 = vector.extract_strided_slice %get3A_2 {offsets = [0, 154, 0], sizes = [128, 1, 128], strides = [1, 1, 1]} : vector<128x200x128xf32> to vector<128x1x128xf32>
    %squeeze3A_1424 = vector.shape_cast %slice3A_1423 : vector<128x1x128xf32> to vector<128x128xf32>
    %transpose3A_1425 = tpu.transpose %squeeze3A_1424, [1, 0] : vector<128x128xf32> -> vector<128x128xf32>
    %swap3A_1426 = arith.constant 38 : index
    %swap3A_1427 = arith.constant 256 : index
    %swap3A_1428 = arith.constant 0 : index
    %swap3A_1429 = vector.load %arg2[%swap3A_1426, %swap3A_1427, %swap3A_1428] : memref<50x400x128xf32, #tpu.memory_space<vmem>>, vector<1x128x128xf32>
    %swap3A_1430 = vector.shape_cast %swap3A_1429 : vector<1x128x128xf32> to vector<128x128xf32>
    %swap3A_1431 = vector.shape_cast %transpose3A_1425 : vector<128x128xf32> to vector<1x128x128xf32>
    tpu.vector_store %arg2[%swap3A_1426, %swap3A_1427, %swap3A_1428], %swap3A_1431 {strides = array<i32>} : memref<50x400x128xf32, #tpu.memory_space<vmem>>, vector<1x128x128xf32>,
    %slice3A_1432 = vector.extract_strided_slice %get3A_2 {offsets = [0, 155, 0], sizes = [128, 1, 128], strides = [1, 1, 1]} : vector<128x200x128xf32> to vector<128x1x128xf32>
    %squeeze3A_1433 = vector.shape_cast %slice3A_1432 : vector<128x1x128xf32> to vector<128x128xf32>
    %transpose3A_1434 = tpu.transpose %squeeze3A_1433, [1, 0] : vector<128x128xf32> -> vector<128x128xf32>
    %slice3A_1435 = vector.extract_strided_slice %transpose3A_1434 {offsets = [0, 0], sizes = [16, 128], strides = [1, 1]} : vector<128x128xf32> to vector<16x128xf32>
    %swap3A_1436 = arith.constant 38 : index
    %swap3A_1437 = arith.constant 384 : index
    %swap3A_1438 = arith.constant 0 : index
    %swap3A_1439 = vector.load %arg2[%swap3A_1436, %swap3A_1437, %swap3A_1438] : memref<50x400x128xf32, #tpu.memory_space<vmem>>, vector<1x16x128xf32>
    %swap3A_1440 = vector.shape_cast %swap3A_1439 : vector<1x16x128xf32> to vector<16x128xf32>
    %swap3A_1441 = vector.shape_cast %slice3A_1435 : vector<16x128xf32> to vector<1x16x128xf32>
    tpu.vector_store %arg2[%swap3A_1436, %swap3A_1437, %swap3A_1438], %swap3A_1441 {strides = array<i32>} : memref<50x400x128xf32, #tpu.memory_space<vmem>>, vector<1x16x128xf32>,
    %slice3A_1442 = vector.extract_strided_slice %get3A_2 {offsets = [0, 156, 0], sizes = [128, 1, 128], strides = [1, 1, 1]} : vector<128x200x128xf32> to vector<128x1x128xf32>
    %squeeze3A_1443 = vector.shape_cast %slice3A_1442 : vector<128x1x128xf32> to vector<128x128xf32>
    %transpose3A_1444 = tpu.transpose %squeeze3A_1443, [1, 0] : vector<128x128xf32> -> vector<128x128xf32>
    %swap3A_1445 = arith.constant 39 : index
    %swap3A_1446 = arith.constant 0 : index
    %swap3A_1447 = arith.constant 0 : index
    %swap3A_1448 = vector.load %arg2[%swap3A_1445, %swap3A_1446, %swap3A_1447] : memref<50x400x128xf32, #tpu.memory_space<vmem>>, vector<1x128x128xf32>
    %swap3A_1449 = vector.shape_cast %swap3A_1448 : vector<1x128x128xf32> to vector<128x128xf32>
    %swap3A_1450 = vector.shape_cast %transpose3A_1444 : vector<128x128xf32> to vector<1x128x128xf32>
    tpu.vector_store %arg2[%swap3A_1445, %swap3A_1446, %swap3A_1447], %swap3A_1450 {strides = array<i32>} : memref<50x400x128xf32, #tpu.memory_space<vmem>>, vector<1x128x128xf32>,
    %slice3A_1451 = vector.extract_strided_slice %get3A_2 {offsets = [0, 157, 0], sizes = [128, 1, 128], strides = [1, 1, 1]} : vector<128x200x128xf32> to vector<128x1x128xf32>
    %squeeze3A_1452 = vector.shape_cast %slice3A_1451 : vector<128x1x128xf32> to vector<128x128xf32>
    %transpose3A_1453 = tpu.transpose %squeeze3A_1452, [1, 0] : vector<128x128xf32> -> vector<128x128xf32>
    %swap3A_1454 = arith.constant 39 : index
    %swap3A_1455 = arith.constant 128 : index
    %swap3A_1456 = arith.constant 0 : index
    %swap3A_1457 = vector.load %arg2[%swap3A_1454, %swap3A_1455, %swap3A_1456] : memref<50x400x128xf32, #tpu.memory_space<vmem>>, vector<1x128x128xf32>
    %swap3A_1458 = vector.shape_cast %swap3A_1457 : vector<1x128x128xf32> to vector<128x128xf32>
    %swap3A_1459 = vector.shape_cast %transpose3A_1453 : vector<128x128xf32> to vector<1x128x128xf32>
    tpu.vector_store %arg2[%swap3A_1454, %swap3A_1455, %swap3A_1456], %swap3A_1459 {strides = array<i32>} : memref<50x400x128xf32, #tpu.memory_space<vmem>>, vector<1x128x128xf32>,
    %slice3A_1460 = vector.extract_strided_slice %get3A_2 {offsets = [0, 158, 0], sizes = [128, 1, 128], strides = [1, 1, 1]} : vector<128x200x128xf32> to vector<128x1x128xf32>
    %squeeze3A_1461 = vector.shape_cast %slice3A_1460 : vector<128x1x128xf32> to vector<128x128xf32>
    %transpose3A_1462 = tpu.transpose %squeeze3A_1461, [1, 0] : vector<128x128xf32> -> vector<128x128xf32>
    %swap3A_1463 = arith.constant 39 : index
    %swap3A_1464 = arith.constant 256 : index
    %swap3A_1465 = arith.constant 0 : index
    %swap3A_1466 = vector.load %arg2[%swap3A_1463, %swap3A_1464, %swap3A_1465] : memref<50x400x128xf32, #tpu.memory_space<vmem>>, vector<1x128x128xf32>
    %swap3A_1467 = vector.shape_cast %swap3A_1466 : vector<1x128x128xf32> to vector<128x128xf32>
    %swap3A_1468 = vector.shape_cast %transpose3A_1462 : vector<128x128xf32> to vector<1x128x128xf32>
    tpu.vector_store %arg2[%swap3A_1463, %swap3A_1464, %swap3A_1465], %swap3A_1468 {strides = array<i32>} : memref<50x400x128xf32, #tpu.memory_space<vmem>>, vector<1x128x128xf32>,
    %slice3A_1469 = vector.extract_strided_slice %get3A_2 {offsets = [0, 159, 0], sizes = [128, 1, 128], strides = [1, 1, 1]} : vector<128x200x128xf32> to vector<128x1x128xf32>
    %squeeze3A_1470 = vector.shape_cast %slice3A_1469 : vector<128x1x128xf32> to vector<128x128xf32>
    %transpose3A_1471 = tpu.transpose %squeeze3A_1470, [1, 0] : vector<128x128xf32> -> vector<128x128xf32>
    %slice3A_1472 = vector.extract_strided_slice %transpose3A_1471 {offsets = [0, 0], sizes = [16, 128], strides = [1, 1]} : vector<128x128xf32> to vector<16x128xf32>
    %swap3A_1473 = arith.constant 39 : index
    %swap3A_1474 = arith.constant 384 : index
    %swap3A_1475 = arith.constant 0 : index
    %swap3A_1476 = vector.load %arg2[%swap3A_1473, %swap3A_1474, %swap3A_1475] : memref<50x400x128xf32, #tpu.memory_space<vmem>>, vector<1x16x128xf32>
    %swap3A_1477 = vector.shape_cast %swap3A_1476 : vector<1x16x128xf32> to vector<16x128xf32>
    %swap3A_1478 = vector.shape_cast %slice3A_1472 : vector<16x128xf32> to vector<1x16x128xf32>
    tpu.vector_store %arg2[%swap3A_1473, %swap3A_1474, %swap3A_1475], %swap3A_1478 {strides = array<i32>} : memref<50x400x128xf32, #tpu.memory_space<vmem>>, vector<1x16x128xf32>,
    %slice3A_1479 = vector.extract_strided_slice %get3A_2 {offsets = [0, 160, 0], sizes = [128, 1, 128], strides = [1, 1, 1]} : vector<128x200x128xf32> to vector<128x1x128xf32>
    %squeeze3A_1480 = vector.shape_cast %slice3A_1479 : vector<128x1x128xf32> to vector<128x128xf32>
    %transpose3A_1481 = tpu.transpose %squeeze3A_1480, [1, 0] : vector<128x128xf32> -> vector<128x128xf32>
    %swap3A_1482 = arith.constant 40 : index
    %swap3A_1483 = arith.constant 0 : index
    %swap3A_1484 = arith.constant 0 : index
    %swap3A_1485 = vector.load %arg2[%swap3A_1482, %swap3A_1483, %swap3A_1484] : memref<50x400x128xf32, #tpu.memory_space<vmem>>, vector<1x128x128xf32>
    %swap3A_1486 = vector.shape_cast %swap3A_1485 : vector<1x128x128xf32> to vector<128x128xf32>
    %swap3A_1487 = vector.shape_cast %transpose3A_1481 : vector<128x128xf32> to vector<1x128x128xf32>
    tpu.vector_store %arg2[%swap3A_1482, %swap3A_1483, %swap3A_1484], %swap3A_1487 {strides = array<i32>} : memref<50x400x128xf32, #tpu.memory_space<vmem>>, vector<1x128x128xf32>,
    %slice3A_1488 = vector.extract_strided_slice %get3A_2 {offsets = [0, 161, 0], sizes = [128, 1, 128], strides = [1, 1, 1]} : vector<128x200x128xf32> to vector<128x1x128xf32>
    %squeeze3A_1489 = vector.shape_cast %slice3A_1488 : vector<128x1x128xf32> to vector<128x128xf32>
    %transpose3A_1490 = tpu.transpose %squeeze3A_1489, [1, 0] : vector<128x128xf32> -> vector<128x128xf32>
    %swap3A_1491 = arith.constant 40 : index
    %swap3A_1492 = arith.constant 128 : index
    %swap3A_1493 = arith.constant 0 : index
    %swap3A_1494 = vector.load %arg2[%swap3A_1491, %swap3A_1492, %swap3A_1493] : memref<50x400x128xf32, #tpu.memory_space<vmem>>, vector<1x128x128xf32>
    %swap3A_1495 = vector.shape_cast %swap3A_1494 : vector<1x128x128xf32> to vector<128x128xf32>
    %swap3A_1496 = vector.shape_cast %transpose3A_1490 : vector<128x128xf32> to vector<1x128x128xf32>
    tpu.vector_store %arg2[%swap3A_1491, %swap3A_1492, %swap3A_1493], %swap3A_1496 {strides = array<i32>} : memref<50x400x128xf32, #tpu.memory_space<vmem>>, vector<1x128x128xf32>,
    %slice3A_1497 = vector.extract_strided_slice %get3A_2 {offsets = [0, 162, 0], sizes = [128, 1, 128], strides = [1, 1, 1]} : vector<128x200x128xf32> to vector<128x1x128xf32>
    %squeeze3A_1498 = vector.shape_cast %slice3A_1497 : vector<128x1x128xf32> to vector<128x128xf32>
    %transpose3A_1499 = tpu.transpose %squeeze3A_1498, [1, 0] : vector<128x128xf32> -> vector<128x128xf32>
    %swap3A_1500 = arith.constant 40 : index
    %swap3A_1501 = arith.constant 256 : index
    %swap3A_1502 = arith.constant 0 : index
    %swap3A_1503 = vector.load %arg2[%swap3A_1500, %swap3A_1501, %swap3A_1502] : memref<50x400x128xf32, #tpu.memory_space<vmem>>, vector<1x128x128xf32>
    %swap3A_1504 = vector.shape_cast %swap3A_1503 : vector<1x128x128xf32> to vector<128x128xf32>
    %swap3A_1505 = vector.shape_cast %transpose3A_1499 : vector<128x128xf32> to vector<1x128x128xf32>
    tpu.vector_store %arg2[%swap3A_1500, %swap3A_1501, %swap3A_1502], %swap3A_1505 {strides = array<i32>} : memref<50x400x128xf32, #tpu.memory_space<vmem>>, vector<1x128x128xf32>,
    %slice3A_1506 = vector.extract_strided_slice %get3A_2 {offsets = [0, 163, 0], sizes = [128, 1, 128], strides = [1, 1, 1]} : vector<128x200x128xf32> to vector<128x1x128xf32>
    %squeeze3A_1507 = vector.shape_cast %slice3A_1506 : vector<128x1x128xf32> to vector<128x128xf32>
    %transpose3A_1508 = tpu.transpose %squeeze3A_1507, [1, 0] : vector<128x128xf32> -> vector<128x128xf32>
    %slice3A_1509 = vector.extract_strided_slice %transpose3A_1508 {offsets = [0, 0], sizes = [16, 128], strides = [1, 1]} : vector<128x128xf32> to vector<16x128xf32>
    %swap3A_1510 = arith.constant 40 : index
    %swap3A_1511 = arith.constant 384 : index
    %swap3A_1512 = arith.constant 0 : index
    %swap3A_1513 = vector.load %arg2[%swap3A_1510, %swap3A_1511, %swap3A_1512] : memref<50x400x128xf32, #tpu.memory_space<vmem>>, vector<1x16x128xf32>
    %swap3A_1514 = vector.shape_cast %swap3A_1513 : vector<1x16x128xf32> to vector<16x128xf32>
    %swap3A_1515 = vector.shape_cast %slice3A_1509 : vector<16x128xf32> to vector<1x16x128xf32>
    tpu.vector_store %arg2[%swap3A_1510, %swap3A_1511, %swap3A_1512], %swap3A_1515 {strides = array<i32>} : memref<50x400x128xf32, #tpu.memory_space<vmem>>, vector<1x16x128xf32>,
    %slice3A_1516 = vector.extract_strided_slice %get3A_2 {offsets = [0, 164, 0], sizes = [128, 1, 128], strides = [1, 1, 1]} : vector<128x200x128xf32> to vector<128x1x128xf32>
    %squeeze3A_1517 = vector.shape_cast %slice3A_1516 : vector<128x1x128xf32> to vector<128x128xf32>
    %transpose3A_1518 = tpu.transpose %squeeze3A_1517, [1, 0] : vector<128x128xf32> -> vector<128x128xf32>
    %swap3A_1519 = arith.constant 41 : index
    %swap3A_1520 = arith.constant 0 : index
    %swap3A_1521 = arith.constant 0 : index
    %swap3A_1522 = vector.load %arg2[%swap3A_1519, %swap3A_1520, %swap3A_1521] : memref<50x400x128xf32, #tpu.memory_space<vmem>>, vector<1x128x128xf32>
    %swap3A_1523 = vector.shape_cast %swap3A_1522 : vector<1x128x128xf32> to vector<128x128xf32>
    %swap3A_1524 = vector.shape_cast %transpose3A_1518 : vector<128x128xf32> to vector<1x128x128xf32>
    tpu.vector_store %arg2[%swap3A_1519, %swap3A_1520, %swap3A_1521], %swap3A_1524 {strides = array<i32>} : memref<50x400x128xf32, #tpu.memory_space<vmem>>, vector<1x128x128xf32>,
    %slice3A_1525 = vector.extract_strided_slice %get3A_2 {offsets = [0, 165, 0], sizes = [128, 1, 128], strides = [1, 1, 1]} : vector<128x200x128xf32> to vector<128x1x128xf32>
    %squeeze3A_1526 = vector.shape_cast %slice3A_1525 : vector<128x1x128xf32> to vector<128x128xf32>
    %transpose3A_1527 = tpu.transpose %squeeze3A_1526, [1, 0] : vector<128x128xf32> -> vector<128x128xf32>
    %swap3A_1528 = arith.constant 41 : index
    %swap3A_1529 = arith.constant 128 : index
    %swap3A_1530 = arith.constant 0 : index
    %swap3A_1531 = vector.load %arg2[%swap3A_1528, %swap3A_1529, %swap3A_1530] : memref<50x400x128xf32, #tpu.memory_space<vmem>>, vector<1x128x128xf32>
    %swap3A_1532 = vector.shape_cast %swap3A_1531 : vector<1x128x128xf32> to vector<128x128xf32>
    %swap3A_1533 = vector.shape_cast %transpose3A_1527 : vector<128x128xf32> to vector<1x128x128xf32>
    tpu.vector_store %arg2[%swap3A_1528, %swap3A_1529, %swap3A_1530], %swap3A_1533 {strides = array<i32>} : memref<50x400x128xf32, #tpu.memory_space<vmem>>, vector<1x128x128xf32>,
    %slice3A_1534 = vector.extract_strided_slice %get3A_2 {offsets = [0, 166, 0], sizes = [128, 1, 128], strides = [1, 1, 1]} : vector<128x200x128xf32> to vector<128x1x128xf32>
    %squeeze3A_1535 = vector.shape_cast %slice3A_1534 : vector<128x1x128xf32> to vector<128x128xf32>
    %transpose3A_1536 = tpu.transpose %squeeze3A_1535, [1, 0] : vector<128x128xf32> -> vector<128x128xf32>
    %swap3A_1537 = arith.constant 41 : index
    %swap3A_1538 = arith.constant 256 : index
    %swap3A_1539 = arith.constant 0 : index
    %swap3A_1540 = vector.load %arg2[%swap3A_1537, %swap3A_1538, %swap3A_1539] : memref<50x400x128xf32, #tpu.memory_space<vmem>>, vector<1x128x128xf32>
    %swap3A_1541 = vector.shape_cast %swap3A_1540 : vector<1x128x128xf32> to vector<128x128xf32>
    %swap3A_1542 = vector.shape_cast %transpose3A_1536 : vector<128x128xf32> to vector<1x128x128xf32>
    tpu.vector_store %arg2[%swap3A_1537, %swap3A_1538, %swap3A_1539], %swap3A_1542 {strides = array<i32>} : memref<50x400x128xf32, #tpu.memory_space<vmem>>, vector<1x128x128xf32>,
    %slice3A_1543 = vector.extract_strided_slice %get3A_2 {offsets = [0, 167, 0], sizes = [128, 1, 128], strides = [1, 1, 1]} : vector<128x200x128xf32> to vector<128x1x128xf32>
    %squeeze3A_1544 = vector.shape_cast %slice3A_1543 : vector<128x1x128xf32> to vector<128x128xf32>
    %transpose3A_1545 = tpu.transpose %squeeze3A_1544, [1, 0] : vector<128x128xf32> -> vector<128x128xf32>
    %slice3A_1546 = vector.extract_strided_slice %transpose3A_1545 {offsets = [0, 0], sizes = [16, 128], strides = [1, 1]} : vector<128x128xf32> to vector<16x128xf32>
    %swap3A_1547 = arith.constant 41 : index
    %swap3A_1548 = arith.constant 384 : index
    %swap3A_1549 = arith.constant 0 : index
    %swap3A_1550 = vector.load %arg2[%swap3A_1547, %swap3A_1548, %swap3A_1549] : memref<50x400x128xf32, #tpu.memory_space<vmem>>, vector<1x16x128xf32>
    %swap3A_1551 = vector.shape_cast %swap3A_1550 : vector<1x16x128xf32> to vector<16x128xf32>
    %swap3A_1552 = vector.shape_cast %slice3A_1546 : vector<16x128xf32> to vector<1x16x128xf32>
    tpu.vector_store %arg2[%swap3A_1547, %swap3A_1548, %swap3A_1549], %swap3A_1552 {strides = array<i32>} : memref<50x400x128xf32, #tpu.memory_space<vmem>>, vector<1x16x128xf32>,
    %slice3A_1553 = vector.extract_strided_slice %get3A_2 {offsets = [0, 168, 0], sizes = [128, 1, 128], strides = [1, 1, 1]} : vector<128x200x128xf32> to vector<128x1x128xf32>
    %squeeze3A_1554 = vector.shape_cast %slice3A_1553 : vector<128x1x128xf32> to vector<128x128xf32>
    %transpose3A_1555 = tpu.transpose %squeeze3A_1554, [1, 0] : vector<128x128xf32> -> vector<128x128xf32>
    %swap3A_1556 = arith.constant 42 : index
    %swap3A_1557 = arith.constant 0 : index
    %swap3A_1558 = arith.constant 0 : index
    %swap3A_1559 = vector.load %arg2[%swap3A_1556, %swap3A_1557, %swap3A_1558] : memref<50x400x128xf32, #tpu.memory_space<vmem>>, vector<1x128x128xf32>
    %swap3A_1560 = vector.shape_cast %swap3A_1559 : vector<1x128x128xf32> to vector<128x128xf32>
    %swap3A_1561 = vector.shape_cast %transpose3A_1555 : vector<128x128xf32> to vector<1x128x128xf32>
    tpu.vector_store %arg2[%swap3A_1556, %swap3A_1557, %swap3A_1558], %swap3A_1561 {strides = array<i32>} : memref<50x400x128xf32, #tpu.memory_space<vmem>>, vector<1x128x128xf32>,
    %slice3A_1562 = vector.extract_strided_slice %get3A_2 {offsets = [0, 169, 0], sizes = [128, 1, 128], strides = [1, 1, 1]} : vector<128x200x128xf32> to vector<128x1x128xf32>
    %squeeze3A_1563 = vector.shape_cast %slice3A_1562 : vector<128x1x128xf32> to vector<128x128xf32>
    %transpose3A_1564 = tpu.transpose %squeeze3A_1563, [1, 0] : vector<128x128xf32> -> vector<128x128xf32>
    %swap3A_1565 = arith.constant 42 : index
    %swap3A_1566 = arith.constant 128 : index
    %swap3A_1567 = arith.constant 0 : index
    %swap3A_1568 = vector.load %arg2[%swap3A_1565, %swap3A_1566, %swap3A_1567] : memref<50x400x128xf32, #tpu.memory_space<vmem>>, vector<1x128x128xf32>
    %swap3A_1569 = vector.shape_cast %swap3A_1568 : vector<1x128x128xf32> to vector<128x128xf32>
    %swap3A_1570 = vector.shape_cast %transpose3A_1564 : vector<128x128xf32> to vector<1x128x128xf32>
    tpu.vector_store %arg2[%swap3A_1565, %swap3A_1566, %swap3A_1567], %swap3A_1570 {strides = array<i32>} : memref<50x400x128xf32, #tpu.memory_space<vmem>>, vector<1x128x128xf32>,
    %slice3A_1571 = vector.extract_strided_slice %get3A_2 {offsets = [0, 170, 0], sizes = [128, 1, 128], strides = [1, 1, 1]} : vector<128x200x128xf32> to vector<128x1x128xf32>
    %squeeze3A_1572 = vector.shape_cast %slice3A_1571 : vector<128x1x128xf32> to vector<128x128xf32>
    %transpose3A_1573 = tpu.transpose %squeeze3A_1572, [1, 0] : vector<128x128xf32> -> vector<128x128xf32>
    %swap3A_1574 = arith.constant 42 : index
    %swap3A_1575 = arith.constant 256 : index
    %swap3A_1576 = arith.constant 0 : index
    %swap3A_1577 = vector.load %arg2[%swap3A_1574, %swap3A_1575, %swap3A_1576] : memref<50x400x128xf32, #tpu.memory_space<vmem>>, vector<1x128x128xf32>
    %swap3A_1578 = vector.shape_cast %swap3A_1577 : vector<1x128x128xf32> to vector<128x128xf32>
    %swap3A_1579 = vector.shape_cast %transpose3A_1573 : vector<128x128xf32> to vector<1x128x128xf32>
    tpu.vector_store %arg2[%swap3A_1574, %swap3A_1575, %swap3A_1576], %swap3A_1579 {strides = array<i32>} : memref<50x400x128xf32, #tpu.memory_space<vmem>>, vector<1x128x128xf32>,
    %slice3A_1580 = vector.extract_strided_slice %get3A_2 {offsets = [0, 171, 0], sizes = [128, 1, 128], strides = [1, 1, 1]} : vector<128x200x128xf32> to vector<128x1x128xf32>
    %squeeze3A_1581 = vector.shape_cast %slice3A_1580 : vector<128x1x128xf32> to vector<128x128xf32>
    %transpose3A_1582 = tpu.transpose %squeeze3A_1581, [1, 0] : vector<128x128xf32> -> vector<128x128xf32>
    %slice3A_1583 = vector.extract_strided_slice %transpose3A_1582 {offsets = [0, 0], sizes = [16, 128], strides = [1, 1]} : vector<128x128xf32> to vector<16x128xf32>
    %swap3A_1584 = arith.constant 42 : index
    %swap3A_1585 = arith.constant 384 : index
    %swap3A_1586 = arith.constant 0 : index
    %swap3A_1587 = vector.load %arg2[%swap3A_1584, %swap3A_1585, %swap3A_1586] : memref<50x400x128xf32, #tpu.memory_space<vmem>>, vector<1x16x128xf32>
    %swap3A_1588 = vector.shape_cast %swap3A_1587 : vector<1x16x128xf32> to vector<16x128xf32>
    %swap3A_1589 = vector.shape_cast %slice3A_1583 : vector<16x128xf32> to vector<1x16x128xf32>
    tpu.vector_store %arg2[%swap3A_1584, %swap3A_1585, %swap3A_1586], %swap3A_1589 {strides = array<i32>} : memref<50x400x128xf32, #tpu.memory_space<vmem>>, vector<1x16x128xf32>,
    %slice3A_1590 = vector.extract_strided_slice %get3A_2 {offsets = [0, 172, 0], sizes = [128, 1, 128], strides = [1, 1, 1]} : vector<128x200x128xf32> to vector<128x1x128xf32>
    %squeeze3A_1591 = vector.shape_cast %slice3A_1590 : vector<128x1x128xf32> to vector<128x128xf32>
    %transpose3A_1592 = tpu.transpose %squeeze3A_1591, [1, 0] : vector<128x128xf32> -> vector<128x128xf32>
    %swap3A_1593 = arith.constant 43 : index
    %swap3A_1594 = arith.constant 0 : index
    %swap3A_1595 = arith.constant 0 : index
    %swap3A_1596 = vector.load %arg2[%swap3A_1593, %swap3A_1594, %swap3A_1595] : memref<50x400x128xf32, #tpu.memory_space<vmem>>, vector<1x128x128xf32>
    %swap3A_1597 = vector.shape_cast %swap3A_1596 : vector<1x128x128xf32> to vector<128x128xf32>
    %swap3A_1598 = vector.shape_cast %transpose3A_1592 : vector<128x128xf32> to vector<1x128x128xf32>
    tpu.vector_store %arg2[%swap3A_1593, %swap3A_1594, %swap3A_1595], %swap3A_1598 {strides = array<i32>} : memref<50x400x128xf32, #tpu.memory_space<vmem>>, vector<1x128x128xf32>,
    %slice3A_1599 = vector.extract_strided_slice %get3A_2 {offsets = [0, 173, 0], sizes = [128, 1, 128], strides = [1, 1, 1]} : vector<128x200x128xf32> to vector<128x1x128xf32>
    %squeeze3A_1600 = vector.shape_cast %slice3A_1599 : vector<128x1x128xf32> to vector<128x128xf32>
    %transpose3A_1601 = tpu.transpose %squeeze3A_1600, [1, 0] : vector<128x128xf32> -> vector<128x128xf32>
    %swap3A_1602 = arith.constant 43 : index
    %swap3A_1603 = arith.constant 128 : index
    %swap3A_1604 = arith.constant 0 : index
    %swap3A_1605 = vector.load %arg2[%swap3A_1602, %swap3A_1603, %swap3A_1604] : memref<50x400x128xf32, #tpu.memory_space<vmem>>, vector<1x128x128xf32>
    %swap3A_1606 = vector.shape_cast %swap3A_1605 : vector<1x128x128xf32> to vector<128x128xf32>
    %swap3A_1607 = vector.shape_cast %transpose3A_1601 : vector<128x128xf32> to vector<1x128x128xf32>
    tpu.vector_store %arg2[%swap3A_1602, %swap3A_1603, %swap3A_1604], %swap3A_1607 {strides = array<i32>} : memref<50x400x128xf32, #tpu.memory_space<vmem>>, vector<1x128x128xf32>,
    %slice3A_1608 = vector.extract_strided_slice %get3A_2 {offsets = [0, 174, 0], sizes = [128, 1, 128], strides = [1, 1, 1]} : vector<128x200x128xf32> to vector<128x1x128xf32>
    %squeeze3A_1609 = vector.shape_cast %slice3A_1608 : vector<128x1x128xf32> to vector<128x128xf32>
    %transpose3A_1610 = tpu.transpose %squeeze3A_1609, [1, 0] : vector<128x128xf32> -> vector<128x128xf32>
    %swap3A_1611 = arith.constant 43 : index
    %swap3A_1612 = arith.constant 256 : index
    %swap3A_1613 = arith.constant 0 : index
    %swap3A_1614 = vector.load %arg2[%swap3A_1611, %swap3A_1612, %swap3A_1613] : memref<50x400x128xf32, #tpu.memory_space<vmem>>, vector<1x128x128xf32>
    %swap3A_1615 = vector.shape_cast %swap3A_1614 : vector<1x128x128xf32> to vector<128x128xf32>
    %swap3A_1616 = vector.shape_cast %transpose3A_1610 : vector<128x128xf32> to vector<1x128x128xf32>
    tpu.vector_store %arg2[%swap3A_1611, %swap3A_1612, %swap3A_1613], %swap3A_1616 {strides = array<i32>} : memref<50x400x128xf32, #tpu.memory_space<vmem>>, vector<1x128x128xf32>,
    %slice3A_1617 = vector.extract_strided_slice %get3A_2 {offsets = [0, 175, 0], sizes = [128, 1, 128], strides = [1, 1, 1]} : vector<128x200x128xf32> to vector<128x1x128xf32>
    %squeeze3A_1618 = vector.shape_cast %slice3A_1617 : vector<128x1x128xf32> to vector<128x128xf32>
    %transpose3A_1619 = tpu.transpose %squeeze3A_1618, [1, 0] : vector<128x128xf32> -> vector<128x128xf32>
    %slice3A_1620 = vector.extract_strided_slice %transpose3A_1619 {offsets = [0, 0], sizes = [16, 128], strides = [1, 1]} : vector<128x128xf32> to vector<16x128xf32>
    %swap3A_1621 = arith.constant 43 : index
    %swap3A_1622 = arith.constant 384 : index
    %swap3A_1623 = arith.constant 0 : index
    %swap3A_1624 = vector.load %arg2[%swap3A_1621, %swap3A_1622, %swap3A_1623] : memref<50x400x128xf32, #tpu.memory_space<vmem>>, vector<1x16x128xf32>
    %swap3A_1625 = vector.shape_cast %swap3A_1624 : vector<1x16x128xf32> to vector<16x128xf32>
    %swap3A_1626 = vector.shape_cast %slice3A_1620 : vector<16x128xf32> to vector<1x16x128xf32>
    tpu.vector_store %arg2[%swap3A_1621, %swap3A_1622, %swap3A_1623], %swap3A_1626 {strides = array<i32>} : memref<50x400x128xf32, #tpu.memory_space<vmem>>, vector<1x16x128xf32>,
    %slice3A_1627 = vector.extract_strided_slice %get3A_2 {offsets = [0, 176, 0], sizes = [128, 1, 128], strides = [1, 1, 1]} : vector<128x200x128xf32> to vector<128x1x128xf32>
    %squeeze3A_1628 = vector.shape_cast %slice3A_1627 : vector<128x1x128xf32> to vector<128x128xf32>
    %transpose3A_1629 = tpu.transpose %squeeze3A_1628, [1, 0] : vector<128x128xf32> -> vector<128x128xf32>
    %swap3A_1630 = arith.constant 44 : index
    %swap3A_1631 = arith.constant 0 : index
    %swap3A_1632 = arith.constant 0 : index
    %swap3A_1633 = vector.load %arg2[%swap3A_1630, %swap3A_1631, %swap3A_1632] : memref<50x400x128xf32, #tpu.memory_space<vmem>>, vector<1x128x128xf32>
    %swap3A_1634 = vector.shape_cast %swap3A_1633 : vector<1x128x128xf32> to vector<128x128xf32>
    %swap3A_1635 = vector.shape_cast %transpose3A_1629 : vector<128x128xf32> to vector<1x128x128xf32>
    tpu.vector_store %arg2[%swap3A_1630, %swap3A_1631, %swap3A_1632], %swap3A_1635 {strides = array<i32>} : memref<50x400x128xf32, #tpu.memory_space<vmem>>, vector<1x128x128xf32>,
    %slice3A_1636 = vector.extract_strided_slice %get3A_2 {offsets = [0, 177, 0], sizes = [128, 1, 128], strides = [1, 1, 1]} : vector<128x200x128xf32> to vector<128x1x128xf32>
    %squeeze3A_1637 = vector.shape_cast %slice3A_1636 : vector<128x1x128xf32> to vector<128x128xf32>
    %transpose3A_1638 = tpu.transpose %squeeze3A_1637, [1, 0] : vector<128x128xf32> -> vector<128x128xf32>
    %swap3A_1639 = arith.constant 44 : index
    %swap3A_1640 = arith.constant 128 : index
    %swap3A_1641 = arith.constant 0 : index
    %swap3A_1642 = vector.load %arg2[%swap3A_1639, %swap3A_1640, %swap3A_1641] : memref<50x400x128xf32, #tpu.memory_space<vmem>>, vector<1x128x128xf32>
    %swap3A_1643 = vector.shape_cast %swap3A_1642 : vector<1x128x128xf32> to vector<128x128xf32>
    %swap3A_1644 = vector.shape_cast %transpose3A_1638 : vector<128x128xf32> to vector<1x128x128xf32>
    tpu.vector_store %arg2[%swap3A_1639, %swap3A_1640, %swap3A_1641], %swap3A_1644 {strides = array<i32>} : memref<50x400x128xf32, #tpu.memory_space<vmem>>, vector<1x128x128xf32>,
    %slice3A_1645 = vector.extract_strided_slice %get3A_2 {offsets = [0, 178, 0], sizes = [128, 1, 128], strides = [1, 1, 1]} : vector<128x200x128xf32> to vector<128x1x128xf32>
    %squeeze3A_1646 = vector.shape_cast %slice3A_1645 : vector<128x1x128xf32> to vector<128x128xf32>
    %transpose3A_1647 = tpu.transpose %squeeze3A_1646, [1, 0] : vector<128x128xf32> -> vector<128x128xf32>
    %swap3A_1648 = arith.constant 44 : index
    %swap3A_1649 = arith.constant 256 : index
    %swap3A_1650 = arith.constant 0 : index
    %swap3A_1651 = vector.load %arg2[%swap3A_1648, %swap3A_1649, %swap3A_1650] : memref<50x400x128xf32, #tpu.memory_space<vmem>>, vector<1x128x128xf32>
    %swap3A_1652 = vector.shape_cast %swap3A_1651 : vector<1x128x128xf32> to vector<128x128xf32>
    %swap3A_1653 = vector.shape_cast %transpose3A_1647 : vector<128x128xf32> to vector<1x128x128xf32>
    tpu.vector_store %arg2[%swap3A_1648, %swap3A_1649, %swap3A_1650], %swap3A_1653 {strides = array<i32>} : memref<50x400x128xf32, #tpu.memory_space<vmem>>, vector<1x128x128xf32>,
    %slice3A_1654 = vector.extract_strided_slice %get3A_2 {offsets = [0, 179, 0], sizes = [128, 1, 128], strides = [1, 1, 1]} : vector<128x200x128xf32> to vector<128x1x128xf32>
    %squeeze3A_1655 = vector.shape_cast %slice3A_1654 : vector<128x1x128xf32> to vector<128x128xf32>
    %transpose3A_1656 = tpu.transpose %squeeze3A_1655, [1, 0] : vector<128x128xf32> -> vector<128x128xf32>
    %slice3A_1657 = vector.extract_strided_slice %transpose3A_1656 {offsets = [0, 0], sizes = [16, 128], strides = [1, 1]} : vector<128x128xf32> to vector<16x128xf32>
    %swap3A_1658 = arith.constant 44 : index
    %swap3A_1659 = arith.constant 384 : index
    %swap3A_1660 = arith.constant 0 : index
    %swap3A_1661 = vector.load %arg2[%swap3A_1658, %swap3A_1659, %swap3A_1660] : memref<50x400x128xf32, #tpu.memory_space<vmem>>, vector<1x16x128xf32>
    %swap3A_1662 = vector.shape_cast %swap3A_1661 : vector<1x16x128xf32> to vector<16x128xf32>
    %swap3A_1663 = vector.shape_cast %slice3A_1657 : vector<16x128xf32> to vector<1x16x128xf32>
    tpu.vector_store %arg2[%swap3A_1658, %swap3A_1659, %swap3A_1660], %swap3A_1663 {strides = array<i32>} : memref<50x400x128xf32, #tpu.memory_space<vmem>>, vector<1x16x128xf32>,
    %slice3A_1664 = vector.extract_strided_slice %get3A_2 {offsets = [0, 180, 0], sizes = [128, 1, 128], strides = [1, 1, 1]} : vector<128x200x128xf32> to vector<128x1x128xf32>
    %squeeze3A_1665 = vector.shape_cast %slice3A_1664 : vector<128x1x128xf32> to vector<128x128xf32>
    %transpose3A_1666 = tpu.transpose %squeeze3A_1665, [1, 0] : vector<128x128xf32> -> vector<128x128xf32>
    %swap3A_1667 = arith.constant 45 : index
    %swap3A_1668 = arith.constant 0 : index
    %swap3A_1669 = arith.constant 0 : index
    %swap3A_1670 = vector.load %arg2[%swap3A_1667, %swap3A_1668, %swap3A_1669] : memref<50x400x128xf32, #tpu.memory_space<vmem>>, vector<1x128x128xf32>
    %swap3A_1671 = vector.shape_cast %swap3A_1670 : vector<1x128x128xf32> to vector<128x128xf32>
    %swap3A_1672 = vector.shape_cast %transpose3A_1666 : vector<128x128xf32> to vector<1x128x128xf32>
    tpu.vector_store %arg2[%swap3A_1667, %swap3A_1668, %swap3A_1669], %swap3A_1672 {strides = array<i32>} : memref<50x400x128xf32, #tpu.memory_space<vmem>>, vector<1x128x128xf32>,
    %slice3A_1673 = vector.extract_strided_slice %get3A_2 {offsets = [0, 181, 0], sizes = [128, 1, 128], strides = [1, 1, 1]} : vector<128x200x128xf32> to vector<128x1x128xf32>
    %squeeze3A_1674 = vector.shape_cast %slice3A_1673 : vector<128x1x128xf32> to vector<128x128xf32>
    %transpose3A_1675 = tpu.transpose %squeeze3A_1674, [1, 0] : vector<128x128xf32> -> vector<128x128xf32>
    %swap3A_1676 = arith.constant 45 : index
    %swap3A_1677 = arith.constant 128 : index
    %swap3A_1678 = arith.constant 0 : index
    %swap3A_1679 = vector.load %arg2[%swap3A_1676, %swap3A_1677, %swap3A_1678] : memref<50x400x128xf32, #tpu.memory_space<vmem>>, vector<1x128x128xf32>
    %swap3A_1680 = vector.shape_cast %swap3A_1679 : vector<1x128x128xf32> to vector<128x128xf32>
    %swap3A_1681 = vector.shape_cast %transpose3A_1675 : vector<128x128xf32> to vector<1x128x128xf32>
    tpu.vector_store %arg2[%swap3A_1676, %swap3A_1677, %swap3A_1678], %swap3A_1681 {strides = array<i32>} : memref<50x400x128xf32, #tpu.memory_space<vmem>>, vector<1x128x128xf32>,
    %slice3A_1682 = vector.extract_strided_slice %get3A_2 {offsets = [0, 182, 0], sizes = [128, 1, 128], strides = [1, 1, 1]} : vector<128x200x128xf32> to vector<128x1x128xf32>
    %squeeze3A_1683 = vector.shape_cast %slice3A_1682 : vector<128x1x128xf32> to vector<128x128xf32>
    %transpose3A_1684 = tpu.transpose %squeeze3A_1683, [1, 0] : vector<128x128xf32> -> vector<128x128xf32>
    %swap3A_1685 = arith.constant 45 : index
    %swap3A_1686 = arith.constant 256 : index
    %swap3A_1687 = arith.constant 0 : index
    %swap3A_1688 = vector.load %arg2[%swap3A_1685, %swap3A_1686, %swap3A_1687] : memref<50x400x128xf32, #tpu.memory_space<vmem>>, vector<1x128x128xf32>
    %swap3A_1689 = vector.shape_cast %swap3A_1688 : vector<1x128x128xf32> to vector<128x128xf32>
    %swap3A_1690 = vector.shape_cast %transpose3A_1684 : vector<128x128xf32> to vector<1x128x128xf32>
    tpu.vector_store %arg2[%swap3A_1685, %swap3A_1686, %swap3A_1687], %swap3A_1690 {strides = array<i32>} : memref<50x400x128xf32, #tpu.memory_space<vmem>>, vector<1x128x128xf32>,
    %slice3A_1691 = vector.extract_strided_slice %get3A_2 {offsets = [0, 183, 0], sizes = [128, 1, 128], strides = [1, 1, 1]} : vector<128x200x128xf32> to vector<128x1x128xf32>
    %squeeze3A_1692 = vector.shape_cast %slice3A_1691 : vector<128x1x128xf32> to vector<128x128xf32>
    %transpose3A_1693 = tpu.transpose %squeeze3A_1692, [1, 0] : vector<128x128xf32> -> vector<128x128xf32>
    %slice3A_1694 = vector.extract_strided_slice %transpose3A_1693 {offsets = [0, 0], sizes = [16, 128], strides = [1, 1]} : vector<128x128xf32> to vector<16x128xf32>
    %swap3A_1695 = arith.constant 45 : index
    %swap3A_1696 = arith.constant 384 : index
    %swap3A_1697 = arith.constant 0 : index
    %swap3A_1698 = vector.load %arg2[%swap3A_1695, %swap3A_1696, %swap3A_1697] : memref<50x400x128xf32, #tpu.memory_space<vmem>>, vector<1x16x128xf32>
    %swap3A_1699 = vector.shape_cast %swap3A_1698 : vector<1x16x128xf32> to vector<16x128xf32>
    %swap3A_1700 = vector.shape_cast %slice3A_1694 : vector<16x128xf32> to vector<1x16x128xf32>
    tpu.vector_store %arg2[%swap3A_1695, %swap3A_1696, %swap3A_1697], %swap3A_1700 {strides = array<i32>} : memref<50x400x128xf32, #tpu.memory_space<vmem>>, vector<1x16x128xf32>,
    %slice3A_1701 = vector.extract_strided_slice %get3A_2 {offsets = [0, 184, 0], sizes = [128, 1, 128], strides = [1, 1, 1]} : vector<128x200x128xf32> to vector<128x1x128xf32>
    %squeeze3A_1702 = vector.shape_cast %slice3A_1701 : vector<128x1x128xf32> to vector<128x128xf32>
    %transpose3A_1703 = tpu.transpose %squeeze3A_1702, [1, 0] : vector<128x128xf32> -> vector<128x128xf32>
    %swap3A_1704 = arith.constant 46 : index
    %swap3A_1705 = arith.constant 0 : index
    %swap3A_1706 = arith.constant 0 : index
    %swap3A_1707 = vector.load %arg2[%swap3A_1704, %swap3A_1705, %swap3A_1706] : memref<50x400x128xf32, #tpu.memory_space<vmem>>, vector<1x128x128xf32>
    %swap3A_1708 = vector.shape_cast %swap3A_1707 : vector<1x128x128xf32> to vector<128x128xf32>
    %swap3A_1709 = vector.shape_cast %transpose3A_1703 : vector<128x128xf32> to vector<1x128x128xf32>
    tpu.vector_store %arg2[%swap3A_1704, %swap3A_1705, %swap3A_1706], %swap3A_1709 {strides = array<i32>} : memref<50x400x128xf32, #tpu.memory_space<vmem>>, vector<1x128x128xf32>,
    %slice3A_1710 = vector.extract_strided_slice %get3A_2 {offsets = [0, 185, 0], sizes = [128, 1, 128], strides = [1, 1, 1]} : vector<128x200x128xf32> to vector<128x1x128xf32>
    %squeeze3A_1711 = vector.shape_cast %slice3A_1710 : vector<128x1x128xf32> to vector<128x128xf32>
    %transpose3A_1712 = tpu.transpose %squeeze3A_1711, [1, 0] : vector<128x128xf32> -> vector<128x128xf32>
    %swap3A_1713 = arith.constant 46 : index
    %swap3A_1714 = arith.constant 128 : index
    %swap3A_1715 = arith.constant 0 : index
    %swap3A_1716 = vector.load %arg2[%swap3A_1713, %swap3A_1714, %swap3A_1715] : memref<50x400x128xf32, #tpu.memory_space<vmem>>, vector<1x128x128xf32>
    %swap3A_1717 = vector.shape_cast %swap3A_1716 : vector<1x128x128xf32> to vector<128x128xf32>
    %swap3A_1718 = vector.shape_cast %transpose3A_1712 : vector<128x128xf32> to vector<1x128x128xf32>
    tpu.vector_store %arg2[%swap3A_1713, %swap3A_1714, %swap3A_1715], %swap3A_1718 {strides = array<i32>} : memref<50x400x128xf32, #tpu.memory_space<vmem>>, vector<1x128x128xf32>,
    %slice3A_1719 = vector.extract_strided_slice %get3A_2 {offsets = [0, 186, 0], sizes = [128, 1, 128], strides = [1, 1, 1]} : vector<128x200x128xf32> to vector<128x1x128xf32>
    %squeeze3A_1720 = vector.shape_cast %slice3A_1719 : vector<128x1x128xf32> to vector<128x128xf32>
    %transpose3A_1721 = tpu.transpose %squeeze3A_1720, [1, 0] : vector<128x128xf32> -> vector<128x128xf32>
    %swap3A_1722 = arith.constant 46 : index
    %swap3A_1723 = arith.constant 256 : index
    %swap3A_1724 = arith.constant 0 : index
    %swap3A_1725 = vector.load %arg2[%swap3A_1722, %swap3A_1723, %swap3A_1724] : memref<50x400x128xf32, #tpu.memory_space<vmem>>, vector<1x128x128xf32>
    %swap3A_1726 = vector.shape_cast %swap3A_1725 : vector<1x128x128xf32> to vector<128x128xf32>
    %swap3A_1727 = vector.shape_cast %transpose3A_1721 : vector<128x128xf32> to vector<1x128x128xf32>
    tpu.vector_store %arg2[%swap3A_1722, %swap3A_1723, %swap3A_1724], %swap3A_1727 {strides = array<i32>} : memref<50x400x128xf32, #tpu.memory_space<vmem>>, vector<1x128x128xf32>,
    %slice3A_1728 = vector.extract_strided_slice %get3A_2 {offsets = [0, 187, 0], sizes = [128, 1, 128], strides = [1, 1, 1]} : vector<128x200x128xf32> to vector<128x1x128xf32>
    %squeeze3A_1729 = vector.shape_cast %slice3A_1728 : vector<128x1x128xf32> to vector<128x128xf32>
    %transpose3A_1730 = tpu.transpose %squeeze3A_1729, [1, 0] : vector<128x128xf32> -> vector<128x128xf32>
    %slice3A_1731 = vector.extract_strided_slice %transpose3A_1730 {offsets = [0, 0], sizes = [16, 128], strides = [1, 1]} : vector<128x128xf32> to vector<16x128xf32>
    %swap3A_1732 = arith.constant 46 : index
    %swap3A_1733 = arith.constant 384 : index
    %swap3A_1734 = arith.constant 0 : index
    %swap3A_1735 = vector.load %arg2[%swap3A_1732, %swap3A_1733, %swap3A_1734] : memref<50x400x128xf32, #tpu.memory_space<vmem>>, vector<1x16x128xf32>
    %swap3A_1736 = vector.shape_cast %swap3A_1735 : vector<1x16x128xf32> to vector<16x128xf32>
    %swap3A_1737 = vector.shape_cast %slice3A_1731 : vector<16x128xf32> to vector<1x16x128xf32>
    tpu.vector_store %arg2[%swap3A_1732, %swap3A_1733, %swap3A_1734], %swap3A_1737 {strides = array<i32>} : memref<50x400x128xf32, #tpu.memory_space<vmem>>, vector<1x16x128xf32>,
    %slice3A_1738 = vector.extract_strided_slice %get3A_2 {offsets = [0, 188, 0], sizes = [128, 1, 128], strides = [1, 1, 1]} : vector<128x200x128xf32> to vector<128x1x128xf32>
    %squeeze3A_1739 = vector.shape_cast %slice3A_1738 : vector<128x1x128xf32> to vector<128x128xf32>
    %transpose3A_1740 = tpu.transpose %squeeze3A_1739, [1, 0] : vector<128x128xf32> -> vector<128x128xf32>
    %swap3A_1741 = arith.constant 47 : index
    %swap3A_1742 = arith.constant 0 : index
    %swap3A_1743 = arith.constant 0 : index
    %swap3A_1744 = vector.load %arg2[%swap3A_1741, %swap3A_1742, %swap3A_1743] : memref<50x400x128xf32, #tpu.memory_space<vmem>>, vector<1x128x128xf32>
    %swap3A_1745 = vector.shape_cast %swap3A_1744 : vector<1x128x128xf32> to vector<128x128xf32>
    %swap3A_1746 = vector.shape_cast %transpose3A_1740 : vector<128x128xf32> to vector<1x128x128xf32>
    tpu.vector_store %arg2[%swap3A_1741, %swap3A_1742, %swap3A_1743], %swap3A_1746 {strides = array<i32>} : memref<50x400x128xf32, #tpu.memory_space<vmem>>, vector<1x128x128xf32>,
    %slice3A_1747 = vector.extract_strided_slice %get3A_2 {offsets = [0, 189, 0], sizes = [128, 1, 128], strides = [1, 1, 1]} : vector<128x200x128xf32> to vector<128x1x128xf32>
    %squeeze3A_1748 = vector.shape_cast %slice3A_1747 : vector<128x1x128xf32> to vector<128x128xf32>
    %transpose3A_1749 = tpu.transpose %squeeze3A_1748, [1, 0] : vector<128x128xf32> -> vector<128x128xf32>
    %swap3A_1750 = arith.constant 47 : index
    %swap3A_1751 = arith.constant 128 : index
    %swap3A_1752 = arith.constant 0 : index
    %swap3A_1753 = vector.load %arg2[%swap3A_1750, %swap3A_1751, %swap3A_1752] : memref<50x400x128xf32, #tpu.memory_space<vmem>>, vector<1x128x128xf32>
    %swap3A_1754 = vector.shape_cast %swap3A_1753 : vector<1x128x128xf32> to vector<128x128xf32>
    %swap3A_1755 = vector.shape_cast %transpose3A_1749 : vector<128x128xf32> to vector<1x128x128xf32>
    tpu.vector_store %arg2[%swap3A_1750, %swap3A_1751, %swap3A_1752], %swap3A_1755 {strides = array<i32>} : memref<50x400x128xf32, #tpu.memory_space<vmem>>, vector<1x128x128xf32>,
    %slice3A_1756 = vector.extract_strided_slice %get3A_2 {offsets = [0, 190, 0], sizes = [128, 1, 128], strides = [1, 1, 1]} : vector<128x200x128xf32> to vector<128x1x128xf32>
    %squeeze3A_1757 = vector.shape_cast %slice3A_1756 : vector<128x1x128xf32> to vector<128x128xf32>
    %transpose3A_1758 = tpu.transpose %squeeze3A_1757, [1, 0] : vector<128x128xf32> -> vector<128x128xf32>
    %swap3A_1759 = arith.constant 47 : index
    %swap3A_1760 = arith.constant 256 : index
    %swap3A_1761 = arith.constant 0 : index
    %swap3A_1762 = vector.load %arg2[%swap3A_1759, %swap3A_1760, %swap3A_1761] : memref<50x400x128xf32, #tpu.memory_space<vmem>>, vector<1x128x128xf32>
    %swap3A_1763 = vector.shape_cast %swap3A_1762 : vector<1x128x128xf32> to vector<128x128xf32>
    %swap3A_1764 = vector.shape_cast %transpose3A_1758 : vector<128x128xf32> to vector<1x128x128xf32>
    tpu.vector_store %arg2[%swap3A_1759, %swap3A_1760, %swap3A_1761], %swap3A_1764 {strides = array<i32>} : memref<50x400x128xf32, #tpu.memory_space<vmem>>, vector<1x128x128xf32>,
    %slice3A_1765 = vector.extract_strided_slice %get3A_2 {offsets = [0, 191, 0], sizes = [128, 1, 128], strides = [1, 1, 1]} : vector<128x200x128xf32> to vector<128x1x128xf32>
    %squeeze3A_1766 = vector.shape_cast %slice3A_1765 : vector<128x1x128xf32> to vector<128x128xf32>
    %transpose3A_1767 = tpu.transpose %squeeze3A_1766, [1, 0] : vector<128x128xf32> -> vector<128x128xf32>
    %slice3A_1768 = vector.extract_strided_slice %transpose3A_1767 {offsets = [0, 0], sizes = [16, 128], strides = [1, 1]} : vector<128x128xf32> to vector<16x128xf32>
    %swap3A_1769 = arith.constant 47 : index
    %swap3A_1770 = arith.constant 384 : index
    %swap3A_1771 = arith.constant 0 : index
    %swap3A_1772 = vector.load %arg2[%swap3A_1769, %swap3A_1770, %swap3A_1771] : memref<50x400x128xf32, #tpu.memory_space<vmem>>, vector<1x16x128xf32>
    %swap3A_1773 = vector.shape_cast %swap3A_1772 : vector<1x16x128xf32> to vector<16x128xf32>
    %swap3A_1774 = vector.shape_cast %slice3A_1768 : vector<16x128xf32> to vector<1x16x128xf32>
    tpu.vector_store %arg2[%swap3A_1769, %swap3A_1770, %swap3A_1771], %swap3A_1774 {strides = array<i32>} : memref<50x400x128xf32, #tpu.memory_space<vmem>>, vector<1x16x128xf32>,
    %slice3A_1775 = vector.extract_strided_slice %get3A_2 {offsets = [0, 192, 0], sizes = [128, 1, 128], strides = [1, 1, 1]} : vector<128x200x128xf32> to vector<128x1x128xf32>
    %squeeze3A_1776 = vector.shape_cast %slice3A_1775 : vector<128x1x128xf32> to vector<128x128xf32>
    %transpose3A_1777 = tpu.transpose %squeeze3A_1776, [1, 0] : vector<128x128xf32> -> vector<128x128xf32>
    %swap3A_1778 = arith.constant 48 : index
    %swap3A_1779 = arith.constant 0 : index
    %swap3A_1780 = arith.constant 0 : index
    %swap3A_1781 = vector.load %arg2[%swap3A_1778, %swap3A_1779, %swap3A_1780] : memref<50x400x128xf32, #tpu.memory_space<vmem>>, vector<1x128x128xf32>
    %swap3A_1782 = vector.shape_cast %swap3A_1781 : vector<1x128x128xf32> to vector<128x128xf32>
    %swap3A_1783 = vector.shape_cast %transpose3A_1777 : vector<128x128xf32> to vector<1x128x128xf32>
    tpu.vector_store %arg2[%swap3A_1778, %swap3A_1779, %swap3A_1780], %swap3A_1783 {strides = array<i32>} : memref<50x400x128xf32, #tpu.memory_space<vmem>>, vector<1x128x128xf32>,
    %slice3A_1784 = vector.extract_strided_slice %get3A_2 {offsets = [0, 193, 0], sizes = [128, 1, 128], strides = [1, 1, 1]} : vector<128x200x128xf32> to vector<128x1x128xf32>
    %squeeze3A_1785 = vector.shape_cast %slice3A_1784 : vector<128x1x128xf32> to vector<128x128xf32>
    %transpose3A_1786 = tpu.transpose %squeeze3A_1785, [1, 0] : vector<128x128xf32> -> vector<128x128xf32>
    %swap3A_1787 = arith.constant 48 : index
    %swap3A_1788 = arith.constant 128 : index
    %swap3A_1789 = arith.constant 0 : index
    %swap3A_1790 = vector.load %arg2[%swap3A_1787, %swap3A_1788, %swap3A_1789] : memref<50x400x128xf32, #tpu.memory_space<vmem>>, vector<1x128x128xf32>
    %swap3A_1791 = vector.shape_cast %swap3A_1790 : vector<1x128x128xf32> to vector<128x128xf32>
    %swap3A_1792 = vector.shape_cast %transpose3A_1786 : vector<128x128xf32> to vector<1x128x128xf32>
    tpu.vector_store %arg2[%swap3A_1787, %swap3A_1788, %swap3A_1789], %swap3A_1792 {strides = array<i32>} : memref<50x400x128xf32, #tpu.memory_space<vmem>>, vector<1x128x128xf32>,
    %slice3A_1793 = vector.extract_strided_slice %get3A_2 {offsets = [0, 194, 0], sizes = [128, 1, 128], strides = [1, 1, 1]} : vector<128x200x128xf32> to vector<128x1x128xf32>
    %squeeze3A_1794 = vector.shape_cast %slice3A_1793 : vector<128x1x128xf32> to vector<128x128xf32>
    %transpose3A_1795 = tpu.transpose %squeeze3A_1794, [1, 0] : vector<128x128xf32> -> vector<128x128xf32>
    %swap3A_1796 = arith.constant 48 : index
    %swap3A_1797 = arith.constant 256 : index
    %swap3A_1798 = arith.constant 0 : index
    %swap3A_1799 = vector.load %arg2[%swap3A_1796, %swap3A_1797, %swap3A_1798] : memref<50x400x128xf32, #tpu.memory_space<vmem>>, vector<1x128x128xf32>
    %swap3A_1800 = vector.shape_cast %swap3A_1799 : vector<1x128x128xf32> to vector<128x128xf32>
    %swap3A_1801 = vector.shape_cast %transpose3A_1795 : vector<128x128xf32> to vector<1x128x128xf32>
    tpu.vector_store %arg2[%swap3A_1796, %swap3A_1797, %swap3A_1798], %swap3A_1801 {strides = array<i32>} : memref<50x400x128xf32, #tpu.memory_space<vmem>>, vector<1x128x128xf32>,
    %slice3A_1802 = vector.extract_strided_slice %get3A_2 {offsets = [0, 195, 0], sizes = [128, 1, 128], strides = [1, 1, 1]} : vector<128x200x128xf32> to vector<128x1x128xf32>
    %squeeze3A_1803 = vector.shape_cast %slice3A_1802 : vector<128x1x128xf32> to vector<128x128xf32>
    %transpose3A_1804 = tpu.transpose %squeeze3A_1803, [1, 0] : vector<128x128xf32> -> vector<128x128xf32>
    %slice3A_1805 = vector.extract_strided_slice %transpose3A_1804 {offsets = [0, 0], sizes = [16, 128], strides = [1, 1]} : vector<128x128xf32> to vector<16x128xf32>
    %swap3A_1806 = arith.constant 48 : index
    %swap3A_1807 = arith.constant 384 : index
    %swap3A_1808 = arith.constant 0 : index
    %swap3A_1809 = vector.load %arg2[%swap3A_1806, %swap3A_1807, %swap3A_1808] : memref<50x400x128xf32, #tpu.memory_space<vmem>>, vector<1x16x128xf32>
    %swap3A_1810 = vector.shape_cast %swap3A_1809 : vector<1x16x128xf32> to vector<16x128xf32>
    %swap3A_1811 = vector.shape_cast %slice3A_1805 : vector<16x128xf32> to vector<1x16x128xf32>
    tpu.vector_store %arg2[%swap3A_1806, %swap3A_1807, %swap3A_1808], %swap3A_1811 {strides = array<i32>} : memref<50x400x128xf32, #tpu.memory_space<vmem>>, vector<1x16x128xf32>,
    %slice3A_1812 = vector.extract_strided_slice %get3A_2 {offsets = [0, 196, 0], sizes = [128, 1, 128], strides = [1, 1, 1]} : vector<128x200x128xf32> to vector<128x1x128xf32>
    %squeeze3A_1813 = vector.shape_cast %slice3A_1812 : vector<128x1x128xf32> to vector<128x128xf32>
    %transpose3A_1814 = tpu.transpose %squeeze3A_1813, [1, 0] : vector<128x128xf32> -> vector<128x128xf32>
    %swap3A_1815 = arith.constant 49 : index
    %swap3A_1816 = arith.constant 0 : index
    %swap3A_1817 = arith.constant 0 : index
    %swap3A_1818 = vector.load %arg2[%swap3A_1815, %swap3A_1816, %swap3A_1817] : memref<50x400x128xf32, #tpu.memory_space<vmem>>, vector<1x128x128xf32>
    %swap3A_1819 = vector.shape_cast %swap3A_1818 : vector<1x128x128xf32> to vector<128x128xf32>
    %swap3A_1820 = vector.shape_cast %transpose3A_1814 : vector<128x128xf32> to vector<1x128x128xf32>
    tpu.vector_store %arg2[%swap3A_1815, %swap3A_1816, %swap3A_1817], %swap3A_1820 {strides = array<i32>} : memref<50x400x128xf32, #tpu.memory_space<vmem>>, vector<1x128x128xf32>,
    %slice3A_1821 = vector.extract_strided_slice %get3A_2 {offsets = [0, 197, 0], sizes = [128, 1, 128], strides = [1, 1, 1]} : vector<128x200x128xf32> to vector<128x1x128xf32>
    %squeeze3A_1822 = vector.shape_cast %slice3A_1821 : vector<128x1x128xf32> to vector<128x128xf32>
    %transpose3A_1823 = tpu.transpose %squeeze3A_1822, [1, 0] : vector<128x128xf32> -> vector<128x128xf32>
    %swap3A_1824 = arith.constant 49 : index
    %swap3A_1825 = arith.constant 128 : index
    %swap3A_1826 = arith.constant 0 : index
    %swap3A_1827 = vector.load %arg2[%swap3A_1824, %swap3A_1825, %swap3A_1826] : memref<50x400x128xf32, #tpu.memory_space<vmem>>, vector<1x128x128xf32>
    %swap3A_1828 = vector.shape_cast %swap3A_1827 : vector<1x128x128xf32> to vector<128x128xf32>
    %swap3A_1829 = vector.shape_cast %transpose3A_1823 : vector<128x128xf32> to vector<1x128x128xf32>
    tpu.vector_store %arg2[%swap3A_1824, %swap3A_1825, %swap3A_1826], %swap3A_1829 {strides = array<i32>} : memref<50x400x128xf32, #tpu.memory_space<vmem>>, vector<1x128x128xf32>,
    %slice3A_1830 = vector.extract_strided_slice %get3A_2 {offsets = [0, 198, 0], sizes = [128, 1, 128], strides = [1, 1, 1]} : vector<128x200x128xf32> to vector<128x1x128xf32>
    %squeeze3A_1831 = vector.shape_cast %slice3A_1830 : vector<128x1x128xf32> to vector<128x128xf32>
    %transpose3A_1832 = tpu.transpose %squeeze3A_1831, [1, 0] : vector<128x128xf32> -> vector<128x128xf32>
    %swap3A_1833 = arith.constant 49 : index
    %swap3A_1834 = arith.constant 256 : index
    %swap3A_1835 = arith.constant 0 : index
    %swap3A_1836 = vector.load %arg2[%swap3A_1833, %swap3A_1834, %swap3A_1835] : memref<50x400x128xf32, #tpu.memory_space<vmem>>, vector<1x128x128xf32>
    %swap3A_1837 = vector.shape_cast %swap3A_1836 : vector<1x128x128xf32> to vector<128x128xf32>
    %swap3A_1838 = vector.shape_cast %transpose3A_1832 : vector<128x128xf32> to vector<1x128x128xf32>
    tpu.vector_store %arg2[%swap3A_1833, %swap3A_1834, %swap3A_1835], %swap3A_1838 {strides = array<i32>} : memref<50x400x128xf32, #tpu.memory_space<vmem>>, vector<1x128x128xf32>,
    %slice3A_1839 = vector.extract_strided_slice %get3A_2 {offsets = [0, 199, 0], sizes = [128, 1, 128], strides = [1, 1, 1]} : vector<128x200x128xf32> to vector<128x1x128xf32>
    %squeeze3A_1840 = vector.shape_cast %slice3A_1839 : vector<128x1x128xf32> to vector<128x128xf32>
    %transpose3A_1841 = tpu.transpose %squeeze3A_1840, [1, 0] : vector<128x128xf32> -> vector<128x128xf32>
    %slice3A_1842 = vector.extract_strided_slice %transpose3A_1841 {offsets = [0, 0], sizes = [16, 128], strides = [1, 1]} : vector<128x128xf32> to vector<16x128xf32>
    %swap3A_1843 = arith.constant 49 : index
    %swap3A_1844 = arith.constant 384 : index
    %swap3A_1845 = arith.constant 0 : index
    %swap3A_1846 = vector.load %arg2[%swap3A_1843, %swap3A_1844, %swap3A_1845] : memref<50x400x128xf32, #tpu.memory_space<vmem>>, vector<1x16x128xf32>
    %swap3A_1847 = vector.shape_cast %swap3A_1846 : vector<1x16x128xf32> to vector<16x128xf32>
    %swap3A_1848 = vector.shape_cast %slice3A_1842 : vector<16x128xf32> to vector<1x16x128xf32>
    tpu.vector_store %arg2[%swap3A_1843, %swap3A_1844, %swap3A_1845], %swap3A_1848 {strides = array<i32>} : memref<50x400x128xf32, #tpu.memory_space<vmem>>, vector<1x16x128xf32>,
    return
  }
  func.func @transform_0(%arg0: i32) -> (i32, i32, i32) {
    %c0_i32 = arith.constant 0 : i32
    %c0_i32_0 = arith.constant 0 : i32
    %c0_i32_1 = arith.constant 0 : i32
    return %arg0, %c0_i32, %c0_i32_0 : i32, i32, i32
  }
  func.func @transform_1(%arg0: i32) -> (i32, i32, i32) {
    %add3A = arith.constant 0 : i32
    %add3A_0 = arith.addi %add3A, %arg0 : i32
    %c0_i32 = arith.constant 0 : i32
    %c0_i32_1 = arith.constant 0 : i32
    %c0_i32_2 = arith.constant 0 : i32
    return %c0_i32, %c0_i32_1, %add3A_0 : i32, i32, i32
  }
}

module attributes {stable_mosaic.version = 14 : i64} {
  func.func @_tc_out_acc_body(%arg0: i32, %arg1: memref<128x200x128xf32, #tpu.memory_space<vmem>>, %arg2: memref<50x400x4096xf32, #tpu.memory_space<any>>, %arg3: memref<50x400x128xf32, #tpu.memory_space<vmem>>) attributes {dimension_semantics = [#tpu.dimension_semantics<arbitrary>], iteration_bounds = array<i64: 16>, scalar_prefetch = 0 : i64, scratch_operands = 0 : i64, tpu.core_type = #tpu.core_type<tc>, window_params = [{transform_indices = @transform_0, window_bounds = array<i64: 128, 200, 128>}, {}, {transform_indices = @transform_2, window_bounds = array<i64: 50, 400, 128>}]} {
    %get3A = arith.constant 0 : index
    %get3A_0 = arith.constant 0 : index
    %get3A_1 = arith.constant 0 : index
    %get3A_2 = vector.load %arg1[%get3A, %get3A_0, %get3A_1] : memref<128x200x128xf32, #tpu.memory_space<vmem>>, vector<128x200x128xf32>
    %slice3A = vector.extract_strided_slice %get3A_2 {offsets = [0, 0, 0], sizes = [128, 1, 128], strides = [1, 1, 1]} : vector<128x200x128xf32> to vector<128x1x128xf32>
    %squeeze3A = vector.shape_cast %slice3A : vector<128x1x128xf32> to vector<128x128xf32>
    %transpose3A = tpu.transpose %squeeze3A, [1, 0] : vector<128x128xf32> -> vector<128x128xf32>
    %swap3A = arith.constant 0 : index
    %swap3A_3 = arith.constant 0 : index
    %swap3A_4 = arith.constant 0 : index
    %swap3A_5 = vector.load %arg3[%swap3A, %swap3A_3, %swap3A_4] : memref<50x400x128xf32, #tpu.memory_space<vmem>>, vector<1x128x128xf32>
    %swap3A_6 = vector.shape_cast %swap3A_5 : vector<1x128x128xf32> to vector<128x128xf32>
    %swap3A_7 = vector.shape_cast %transpose3A : vector<128x128xf32> to vector<1x128x128xf32>
    tpu.vector_store %arg3[%swap3A, %swap3A_3, %swap3A_4], %swap3A_7 {strides = array<i32>} : memref<50x400x128xf32, #tpu.memory_space<vmem>>, vector<1x128x128xf32>,
    %slice3A_8 = vector.extract_strided_slice %get3A_2 {offsets = [0, 1, 0], sizes = [128, 1, 128], strides = [1, 1, 1]} : vector<128x200x128xf32> to vector<128x1x128xf32>
    %squeeze3A_9 = vector.shape_cast %slice3A_8 : vector<128x1x128xf32> to vector<128x128xf32>
    %transpose3A_10 = tpu.transpose %squeeze3A_9, [1, 0] : vector<128x128xf32> -> vector<128x128xf32>
    %swap3A_11 = arith.constant 0 : index
    %swap3A_12 = arith.constant 128 : index
    %swap3A_13 = arith.constant 0 : index
    %swap3A_14 = vector.load %arg3[%swap3A_11, %swap3A_12, %swap3A_13] : memref<50x400x128xf32, #tpu.memory_space<vmem>>, vector<1x128x128xf32>
    %swap3A_15 = vector.shape_cast %swap3A_14 : vector<1x128x128xf32> to vector<128x128xf32>
    %swap3A_16 = vector.shape_cast %transpose3A_10 : vector<128x128xf32> to vector<1x128x128xf32>
    tpu.vector_store %arg3[%swap3A_11, %swap3A_12, %swap3A_13], %swap3A_16 {strides = array<i32>} : memref<50x400x128xf32, #tpu.memory_space<vmem>>, vector<1x128x128xf32>,
    %slice3A_17 = vector.extract_strided_slice %get3A_2 {offsets = [0, 2, 0], sizes = [128, 1, 128], strides = [1, 1, 1]} : vector<128x200x128xf32> to vector<128x1x128xf32>
    %squeeze3A_18 = vector.shape_cast %slice3A_17 : vector<128x1x128xf32> to vector<128x128xf32>
    %transpose3A_19 = tpu.transpose %squeeze3A_18, [1, 0] : vector<128x128xf32> -> vector<128x128xf32>
    %swap3A_20 = arith.constant 0 : index
    %swap3A_21 = arith.constant 256 : index
    %swap3A_22 = arith.constant 0 : index
    %swap3A_23 = vector.load %arg3[%swap3A_20, %swap3A_21, %swap3A_22] : memref<50x400x128xf32, #tpu.memory_space<vmem>>, vector<1x128x128xf32>
    %swap3A_24 = vector.shape_cast %swap3A_23 : vector<1x128x128xf32> to vector<128x128xf32>
    %swap3A_25 = vector.shape_cast %transpose3A_19 : vector<128x128xf32> to vector<1x128x128xf32>
    tpu.vector_store %arg3[%swap3A_20, %swap3A_21, %swap3A_22], %swap3A_25 {strides = array<i32>} : memref<50x400x128xf32, #tpu.memory_space<vmem>>, vector<1x128x128xf32>,
    %slice3A_26 = vector.extract_strided_slice %get3A_2 {offsets = [0, 3, 0], sizes = [128, 1, 128], strides = [1, 1, 1]} : vector<128x200x128xf32> to vector<128x1x128xf32>
    %squeeze3A_27 = vector.shape_cast %slice3A_26 : vector<128x1x128xf32> to vector<128x128xf32>
    %transpose3A_28 = tpu.transpose %squeeze3A_27, [1, 0] : vector<128x128xf32> -> vector<128x128xf32>
    %slice3A_29 = vector.extract_strided_slice %transpose3A_28 {offsets = [0, 0], sizes = [16, 128], strides = [1, 1]} : vector<128x128xf32> to vector<16x128xf32>
    %swap3A_30 = arith.constant 0 : index
    %swap3A_31 = arith.constant 384 : index
    %swap3A_32 = arith.constant 0 : index
    %swap3A_33 = vector.load %arg3[%swap3A_30, %swap3A_31, %swap3A_32] : memref<50x400x128xf32, #tpu.memory_space<vmem>>, vector<1x16x128xf32>
    %swap3A_34 = vector.shape_cast %swap3A_33 : vector<1x16x128xf32> to vector<16x128xf32>
    %swap3A_35 = vector.shape_cast %slice3A_29 : vector<16x128xf32> to vector<1x16x128xf32>
    tpu.vector_store %arg3[%swap3A_30, %swap3A_31, %swap3A_32], %swap3A_35 {strides = array<i32>} : memref<50x400x128xf32, #tpu.memory_space<vmem>>, vector<1x16x128xf32>,
    %slice3A_36 = vector.extract_strided_slice %get3A_2 {offsets = [0, 4, 0], sizes = [128, 1, 128], strides = [1, 1, 1]} : vector<128x200x128xf32> to vector<128x1x128xf32>
    %squeeze3A_37 = vector.shape_cast %slice3A_36 : vector<128x1x128xf32> to vector<128x128xf32>
    %transpose3A_38 = tpu.transpose %squeeze3A_37, [1, 0] : vector<128x128xf32> -> vector<128x128xf32>
    %swap3A_39 = arith.constant 1 : index
    %swap3A_40 = arith.constant 0 : index
    %swap3A_41 = arith.constant 0 : index
    %swap3A_42 = vector.load %arg3[%swap3A_39, %swap3A_40, %swap3A_41] : memref<50x400x128xf32, #tpu.memory_space<vmem>>, vector<1x128x128xf32>
    %swap3A_43 = vector.shape_cast %swap3A_42 : vector<1x128x128xf32> to vector<128x128xf32>
    %swap3A_44 = vector.shape_cast %transpose3A_38 : vector<128x128xf32> to vector<1x128x128xf32>
    tpu.vector_store %arg3[%swap3A_39, %swap3A_40, %swap3A_41], %swap3A_44 {strides = array<i32>} : memref<50x400x128xf32, #tpu.memory_space<vmem>>, vector<1x128x128xf32>,
    %slice3A_45 = vector.extract_strided_slice %get3A_2 {offsets = [0, 5, 0], sizes = [128, 1, 128], strides = [1, 1, 1]} : vector<128x200x128xf32> to vector<128x1x128xf32>
    %squeeze3A_46 = vector.shape_cast %slice3A_45 : vector<128x1x128xf32> to vector<128x128xf32>
    %transpose3A_47 = tpu.transpose %squeeze3A_46, [1, 0] : vector<128x128xf32> -> vector<128x128xf32>
    %swap3A_48 = arith.constant 1 : index
    %swap3A_49 = arith.constant 128 : index
    %swap3A_50 = arith.constant 0 : index
    %swap3A_51 = vector.load %arg3[%swap3A_48, %swap3A_49, %swap3A_50] : memref<50x400x128xf32, #tpu.memory_space<vmem>>, vector<1x128x128xf32>
    %swap3A_52 = vector.shape_cast %swap3A_51 : vector<1x128x128xf32> to vector<128x128xf32>
    %swap3A_53 = vector.shape_cast %transpose3A_47 : vector<128x128xf32> to vector<1x128x128xf32>
    tpu.vector_store %arg3[%swap3A_48, %swap3A_49, %swap3A_50], %swap3A_53 {strides = array<i32>} : memref<50x400x128xf32, #tpu.memory_space<vmem>>, vector<1x128x128xf32>,
    %slice3A_54 = vector.extract_strided_slice %get3A_2 {offsets = [0, 6, 0], sizes = [128, 1, 128], strides = [1, 1, 1]} : vector<128x200x128xf32> to vector<128x1x128xf32>
    %squeeze3A_55 = vector.shape_cast %slice3A_54 : vector<128x1x128xf32> to vector<128x128xf32>
    %transpose3A_56 = tpu.transpose %squeeze3A_55, [1, 0] : vector<128x128xf32> -> vector<128x128xf32>
    %swap3A_57 = arith.constant 1 : index
    %swap3A_58 = arith.constant 256 : index
    %swap3A_59 = arith.constant 0 : index
    %swap3A_60 = vector.load %arg3[%swap3A_57, %swap3A_58, %swap3A_59] : memref<50x400x128xf32, #tpu.memory_space<vmem>>, vector<1x128x128xf32>
    %swap3A_61 = vector.shape_cast %swap3A_60 : vector<1x128x128xf32> to vector<128x128xf32>
    %swap3A_62 = vector.shape_cast %transpose3A_56 : vector<128x128xf32> to vector<1x128x128xf32>
    tpu.vector_store %arg3[%swap3A_57, %swap3A_58, %swap3A_59], %swap3A_62 {strides = array<i32>} : memref<50x400x128xf32, #tpu.memory_space<vmem>>, vector<1x128x128xf32>,
    %slice3A_63 = vector.extract_strided_slice %get3A_2 {offsets = [0, 7, 0], sizes = [128, 1, 128], strides = [1, 1, 1]} : vector<128x200x128xf32> to vector<128x1x128xf32>
    %squeeze3A_64 = vector.shape_cast %slice3A_63 : vector<128x1x128xf32> to vector<128x128xf32>
    %transpose3A_65 = tpu.transpose %squeeze3A_64, [1, 0] : vector<128x128xf32> -> vector<128x128xf32>
    %slice3A_66 = vector.extract_strided_slice %transpose3A_65 {offsets = [0, 0], sizes = [16, 128], strides = [1, 1]} : vector<128x128xf32> to vector<16x128xf32>
    %swap3A_67 = arith.constant 1 : index
    %swap3A_68 = arith.constant 384 : index
    %swap3A_69 = arith.constant 0 : index
    %swap3A_70 = vector.load %arg3[%swap3A_67, %swap3A_68, %swap3A_69] : memref<50x400x128xf32, #tpu.memory_space<vmem>>, vector<1x16x128xf32>
    %swap3A_71 = vector.shape_cast %swap3A_70 : vector<1x16x128xf32> to vector<16x128xf32>
    %swap3A_72 = vector.shape_cast %slice3A_66 : vector<16x128xf32> to vector<1x16x128xf32>
    tpu.vector_store %arg3[%swap3A_67, %swap3A_68, %swap3A_69], %swap3A_72 {strides = array<i32>} : memref<50x400x128xf32, #tpu.memory_space<vmem>>, vector<1x16x128xf32>,
    %slice3A_73 = vector.extract_strided_slice %get3A_2 {offsets = [0, 8, 0], sizes = [128, 1, 128], strides = [1, 1, 1]} : vector<128x200x128xf32> to vector<128x1x128xf32>
    %squeeze3A_74 = vector.shape_cast %slice3A_73 : vector<128x1x128xf32> to vector<128x128xf32>
    %transpose3A_75 = tpu.transpose %squeeze3A_74, [1, 0] : vector<128x128xf32> -> vector<128x128xf32>
    %swap3A_76 = arith.constant 2 : index
    %swap3A_77 = arith.constant 0 : index
    %swap3A_78 = arith.constant 0 : index
    %swap3A_79 = vector.load %arg3[%swap3A_76, %swap3A_77, %swap3A_78] : memref<50x400x128xf32, #tpu.memory_space<vmem>>, vector<1x128x128xf32>
    %swap3A_80 = vector.shape_cast %swap3A_79 : vector<1x128x128xf32> to vector<128x128xf32>
    %swap3A_81 = vector.shape_cast %transpose3A_75 : vector<128x128xf32> to vector<1x128x128xf32>
    tpu.vector_store %arg3[%swap3A_76, %swap3A_77, %swap3A_78], %swap3A_81 {strides = array<i32>} : memref<50x400x128xf32, #tpu.memory_space<vmem>>, vector<1x128x128xf32>,
    %slice3A_82 = vector.extract_strided_slice %get3A_2 {offsets = [0, 9, 0], sizes = [128, 1, 128], strides = [1, 1, 1]} : vector<128x200x128xf32> to vector<128x1x128xf32>
    %squeeze3A_83 = vector.shape_cast %slice3A_82 : vector<128x1x128xf32> to vector<128x128xf32>
    %transpose3A_84 = tpu.transpose %squeeze3A_83, [1, 0] : vector<128x128xf32> -> vector<128x128xf32>
    %swap3A_85 = arith.constant 2 : index
    %swap3A_86 = arith.constant 128 : index
    %swap3A_87 = arith.constant 0 : index
    %swap3A_88 = vector.load %arg3[%swap3A_85, %swap3A_86, %swap3A_87] : memref<50x400x128xf32, #tpu.memory_space<vmem>>, vector<1x128x128xf32>
    %swap3A_89 = vector.shape_cast %swap3A_88 : vector<1x128x128xf32> to vector<128x128xf32>
    %swap3A_90 = vector.shape_cast %transpose3A_84 : vector<128x128xf32> to vector<1x128x128xf32>
    tpu.vector_store %arg3[%swap3A_85, %swap3A_86, %swap3A_87], %swap3A_90 {strides = array<i32>} : memref<50x400x128xf32, #tpu.memory_space<vmem>>, vector<1x128x128xf32>,
    %slice3A_91 = vector.extract_strided_slice %get3A_2 {offsets = [0, 10, 0], sizes = [128, 1, 128], strides = [1, 1, 1]} : vector<128x200x128xf32> to vector<128x1x128xf32>
    %squeeze3A_92 = vector.shape_cast %slice3A_91 : vector<128x1x128xf32> to vector<128x128xf32>
    %transpose3A_93 = tpu.transpose %squeeze3A_92, [1, 0] : vector<128x128xf32> -> vector<128x128xf32>
    %swap3A_94 = arith.constant 2 : index
    %swap3A_95 = arith.constant 256 : index
    %swap3A_96 = arith.constant 0 : index
    %swap3A_97 = vector.load %arg3[%swap3A_94, %swap3A_95, %swap3A_96] : memref<50x400x128xf32, #tpu.memory_space<vmem>>, vector<1x128x128xf32>
    %swap3A_98 = vector.shape_cast %swap3A_97 : vector<1x128x128xf32> to vector<128x128xf32>
    %swap3A_99 = vector.shape_cast %transpose3A_93 : vector<128x128xf32> to vector<1x128x128xf32>
    tpu.vector_store %arg3[%swap3A_94, %swap3A_95, %swap3A_96], %swap3A_99 {strides = array<i32>} : memref<50x400x128xf32, #tpu.memory_space<vmem>>, vector<1x128x128xf32>,
    %slice3A_100 = vector.extract_strided_slice %get3A_2 {offsets = [0, 11, 0], sizes = [128, 1, 128], strides = [1, 1, 1]} : vector<128x200x128xf32> to vector<128x1x128xf32>
    %squeeze3A_101 = vector.shape_cast %slice3A_100 : vector<128x1x128xf32> to vector<128x128xf32>
    %transpose3A_102 = tpu.transpose %squeeze3A_101, [1, 0] : vector<128x128xf32> -> vector<128x128xf32>
    %slice3A_103 = vector.extract_strided_slice %transpose3A_102 {offsets = [0, 0], sizes = [16, 128], strides = [1, 1]} : vector<128x128xf32> to vector<16x128xf32>
    %swap3A_104 = arith.constant 2 : index
    %swap3A_105 = arith.constant 384 : index
    %swap3A_106 = arith.constant 0 : index
    %swap3A_107 = vector.load %arg3[%swap3A_104, %swap3A_105, %swap3A_106] : memref<50x400x128xf32, #tpu.memory_space<vmem>>, vector<1x16x128xf32>
    %swap3A_108 = vector.shape_cast %swap3A_107 : vector<1x16x128xf32> to vector<16x128xf32>
    %swap3A_109 = vector.shape_cast %slice3A_103 : vector<16x128xf32> to vector<1x16x128xf32>
    tpu.vector_store %arg3[%swap3A_104, %swap3A_105, %swap3A_106], %swap3A_109 {strides = array<i32>} : memref<50x400x128xf32, #tpu.memory_space<vmem>>, vector<1x16x128xf32>,
    %slice3A_110 = vector.extract_strided_slice %get3A_2 {offsets = [0, 12, 0], sizes = [128, 1, 128], strides = [1, 1, 1]} : vector<128x200x128xf32> to vector<128x1x128xf32>
    %squeeze3A_111 = vector.shape_cast %slice3A_110 : vector<128x1x128xf32> to vector<128x128xf32>
    %transpose3A_112 = tpu.transpose %squeeze3A_111, [1, 0] : vector<128x128xf32> -> vector<128x128xf32>
    %swap3A_113 = arith.constant 3 : index
    %swap3A_114 = arith.constant 0 : index
    %swap3A_115 = arith.constant 0 : index
    %swap3A_116 = vector.load %arg3[%swap3A_113, %swap3A_114, %swap3A_115] : memref<50x400x128xf32, #tpu.memory_space<vmem>>, vector<1x128x128xf32>
    %swap3A_117 = vector.shape_cast %swap3A_116 : vector<1x128x128xf32> to vector<128x128xf32>
    %swap3A_118 = vector.shape_cast %transpose3A_112 : vector<128x128xf32> to vector<1x128x128xf32>
    tpu.vector_store %arg3[%swap3A_113, %swap3A_114, %swap3A_115], %swap3A_118 {strides = array<i32>} : memref<50x400x128xf32, #tpu.memory_space<vmem>>, vector<1x128x128xf32>,
    %slice3A_119 = vector.extract_strided_slice %get3A_2 {offsets = [0, 13, 0], sizes = [128, 1, 128], strides = [1, 1, 1]} : vector<128x200x128xf32> to vector<128x1x128xf32>
    %squeeze3A_120 = vector.shape_cast %slice3A_119 : vector<128x1x128xf32> to vector<128x128xf32>
    %transpose3A_121 = tpu.transpose %squeeze3A_120, [1, 0] : vector<128x128xf32> -> vector<128x128xf32>
    %swap3A_122 = arith.constant 3 : index
    %swap3A_123 = arith.constant 128 : index
    %swap3A_124 = arith.constant 0 : index
    %swap3A_125 = vector.load %arg3[%swap3A_122, %swap3A_123, %swap3A_124] : memref<50x400x128xf32, #tpu.memory_space<vmem>>, vector<1x128x128xf32>
    %swap3A_126 = vector.shape_cast %swap3A_125 : vector<1x128x128xf32> to vector<128x128xf32>
    %swap3A_127 = vector.shape_cast %transpose3A_121 : vector<128x128xf32> to vector<1x128x128xf32>
    tpu.vector_store %arg3[%swap3A_122, %swap3A_123, %swap3A_124], %swap3A_127 {strides = array<i32>} : memref<50x400x128xf32, #tpu.memory_space<vmem>>, vector<1x128x128xf32>,
    %slice3A_128 = vector.extract_strided_slice %get3A_2 {offsets = [0, 14, 0], sizes = [128, 1, 128], strides = [1, 1, 1]} : vector<128x200x128xf32> to vector<128x1x128xf32>
    %squeeze3A_129 = vector.shape_cast %slice3A_128 : vector<128x1x128xf32> to vector<128x128xf32>
    %transpose3A_130 = tpu.transpose %squeeze3A_129, [1, 0] : vector<128x128xf32> -> vector<128x128xf32>
    %swap3A_131 = arith.constant 3 : index
    %swap3A_132 = arith.constant 256 : index
    %swap3A_133 = arith.constant 0 : index
    %swap3A_134 = vector.load %arg3[%swap3A_131, %swap3A_132, %swap3A_133] : memref<50x400x128xf32, #tpu.memory_space<vmem>>, vector<1x128x128xf32>
    %swap3A_135 = vector.shape_cast %swap3A_134 : vector<1x128x128xf32> to vector<128x128xf32>
    %swap3A_136 = vector.shape_cast %transpose3A_130 : vector<128x128xf32> to vector<1x128x128xf32>
    tpu.vector_store %arg3[%swap3A_131, %swap3A_132, %swap3A_133], %swap3A_136 {strides = array<i32>} : memref<50x400x128xf32, #tpu.memory_space<vmem>>, vector<1x128x128xf32>,
    %slice3A_137 = vector.extract_strided_slice %get3A_2 {offsets = [0, 15, 0], sizes = [128, 1, 128], strides = [1, 1, 1]} : vector<128x200x128xf32> to vector<128x1x128xf32>
    %squeeze3A_138 = vector.shape_cast %slice3A_137 : vector<128x1x128xf32> to vector<128x128xf32>
    %transpose3A_139 = tpu.transpose %squeeze3A_138, [1, 0] : vector<128x128xf32> -> vector<128x128xf32>
    %slice3A_140 = vector.extract_strided_slice %transpose3A_139 {offsets = [0, 0], sizes = [16, 128], strides = [1, 1]} : vector<128x128xf32> to vector<16x128xf32>
    %swap3A_141 = arith.constant 3 : index
    %swap3A_142 = arith.constant 384 : index
    %swap3A_143 = arith.constant 0 : index
    %swap3A_144 = vector.load %arg3[%swap3A_141, %swap3A_142, %swap3A_143] : memref<50x400x128xf32, #tpu.memory_space<vmem>>, vector<1x16x128xf32>
    %swap3A_145 = vector.shape_cast %swap3A_144 : vector<1x16x128xf32> to vector<16x128xf32>
    %swap3A_146 = vector.shape_cast %slice3A_140 : vector<16x128xf32> to vector<1x16x128xf32>
    tpu.vector_store %arg3[%swap3A_141, %swap3A_142, %swap3A_143], %swap3A_146 {strides = array<i32>} : memref<50x400x128xf32, #tpu.memory_space<vmem>>, vector<1x16x128xf32>,
    %slice3A_147 = vector.extract_strided_slice %get3A_2 {offsets = [0, 16, 0], sizes = [128, 1, 128], strides = [1, 1, 1]} : vector<128x200x128xf32> to vector<128x1x128xf32>
    %squeeze3A_148 = vector.shape_cast %slice3A_147 : vector<128x1x128xf32> to vector<128x128xf32>
    %transpose3A_149 = tpu.transpose %squeeze3A_148, [1, 0] : vector<128x128xf32> -> vector<128x128xf32>
    %swap3A_150 = arith.constant 4 : index
    %swap3A_151 = arith.constant 0 : index
    %swap3A_152 = arith.constant 0 : index
    %swap3A_153 = vector.load %arg3[%swap3A_150, %swap3A_151, %swap3A_152] : memref<50x400x128xf32, #tpu.memory_space<vmem>>, vector<1x128x128xf32>
    %swap3A_154 = vector.shape_cast %swap3A_153 : vector<1x128x128xf32> to vector<128x128xf32>
    %swap3A_155 = vector.shape_cast %transpose3A_149 : vector<128x128xf32> to vector<1x128x128xf32>
    tpu.vector_store %arg3[%swap3A_150, %swap3A_151, %swap3A_152], %swap3A_155 {strides = array<i32>} : memref<50x400x128xf32, #tpu.memory_space<vmem>>, vector<1x128x128xf32>,
    %slice3A_156 = vector.extract_strided_slice %get3A_2 {offsets = [0, 17, 0], sizes = [128, 1, 128], strides = [1, 1, 1]} : vector<128x200x128xf32> to vector<128x1x128xf32>
    %squeeze3A_157 = vector.shape_cast %slice3A_156 : vector<128x1x128xf32> to vector<128x128xf32>
    %transpose3A_158 = tpu.transpose %squeeze3A_157, [1, 0] : vector<128x128xf32> -> vector<128x128xf32>
    %swap3A_159 = arith.constant 4 : index
    %swap3A_160 = arith.constant 128 : index
    %swap3A_161 = arith.constant 0 : index
    %swap3A_162 = vector.load %arg3[%swap3A_159, %swap3A_160, %swap3A_161] : memref<50x400x128xf32, #tpu.memory_space<vmem>>, vector<1x128x128xf32>
    %swap3A_163 = vector.shape_cast %swap3A_162 : vector<1x128x128xf32> to vector<128x128xf32>
    %swap3A_164 = vector.shape_cast %transpose3A_158 : vector<128x128xf32> to vector<1x128x128xf32>
    tpu.vector_store %arg3[%swap3A_159, %swap3A_160, %swap3A_161], %swap3A_164 {strides = array<i32>} : memref<50x400x128xf32, #tpu.memory_space<vmem>>, vector<1x128x128xf32>,
    %slice3A_165 = vector.extract_strided_slice %get3A_2 {offsets = [0, 18, 0], sizes = [128, 1, 128], strides = [1, 1, 1]} : vector<128x200x128xf32> to vector<128x1x128xf32>
    %squeeze3A_166 = vector.shape_cast %slice3A_165 : vector<128x1x128xf32> to vector<128x128xf32>
    %transpose3A_167 = tpu.transpose %squeeze3A_166, [1, 0] : vector<128x128xf32> -> vector<128x128xf32>
    %swap3A_168 = arith.constant 4 : index
    %swap3A_169 = arith.constant 256 : index
    %swap3A_170 = arith.constant 0 : index
    %swap3A_171 = vector.load %arg3[%swap3A_168, %swap3A_169, %swap3A_170] : memref<50x400x128xf32, #tpu.memory_space<vmem>>, vector<1x128x128xf32>
    %swap3A_172 = vector.shape_cast %swap3A_171 : vector<1x128x128xf32> to vector<128x128xf32>
    %swap3A_173 = vector.shape_cast %transpose3A_167 : vector<128x128xf32> to vector<1x128x128xf32>
    tpu.vector_store %arg3[%swap3A_168, %swap3A_169, %swap3A_170], %swap3A_173 {strides = array<i32>} : memref<50x400x128xf32, #tpu.memory_space<vmem>>, vector<1x128x128xf32>,
    %slice3A_174 = vector.extract_strided_slice %get3A_2 {offsets = [0, 19, 0], sizes = [128, 1, 128], strides = [1, 1, 1]} : vector<128x200x128xf32> to vector<128x1x128xf32>
    %squeeze3A_175 = vector.shape_cast %slice3A_174 : vector<128x1x128xf32> to vector<128x128xf32>
    %transpose3A_176 = tpu.transpose %squeeze3A_175, [1, 0] : vector<128x128xf32> -> vector<128x128xf32>
    %slice3A_177 = vector.extract_strided_slice %transpose3A_176 {offsets = [0, 0], sizes = [16, 128], strides = [1, 1]} : vector<128x128xf32> to vector<16x128xf32>
    %swap3A_178 = arith.constant 4 : index
    %swap3A_179 = arith.constant 384 : index
    %swap3A_180 = arith.constant 0 : index
    %swap3A_181 = vector.load %arg3[%swap3A_178, %swap3A_179, %swap3A_180] : memref<50x400x128xf32, #tpu.memory_space<vmem>>, vector<1x16x128xf32>
    %swap3A_182 = vector.shape_cast %swap3A_181 : vector<1x16x128xf32> to vector<16x128xf32>
    %swap3A_183 = vector.shape_cast %slice3A_177 : vector<16x128xf32> to vector<1x16x128xf32>
    tpu.vector_store %arg3[%swap3A_178, %swap3A_179, %swap3A_180], %swap3A_183 {strides = array<i32>} : memref<50x400x128xf32, #tpu.memory_space<vmem>>, vector<1x16x128xf32>,
    %slice3A_184 = vector.extract_strided_slice %get3A_2 {offsets = [0, 20, 0], sizes = [128, 1, 128], strides = [1, 1, 1]} : vector<128x200x128xf32> to vector<128x1x128xf32>
    %squeeze3A_185 = vector.shape_cast %slice3A_184 : vector<128x1x128xf32> to vector<128x128xf32>
    %transpose3A_186 = tpu.transpose %squeeze3A_185, [1, 0] : vector<128x128xf32> -> vector<128x128xf32>
    %swap3A_187 = arith.constant 5 : index
    %swap3A_188 = arith.constant 0 : index
    %swap3A_189 = arith.constant 0 : index
    %swap3A_190 = vector.load %arg3[%swap3A_187, %swap3A_188, %swap3A_189] : memref<50x400x128xf32, #tpu.memory_space<vmem>>, vector<1x128x128xf32>
    %swap3A_191 = vector.shape_cast %swap3A_190 : vector<1x128x128xf32> to vector<128x128xf32>
    %swap3A_192 = vector.shape_cast %transpose3A_186 : vector<128x128xf32> to vector<1x128x128xf32>
    tpu.vector_store %arg3[%swap3A_187, %swap3A_188, %swap3A_189], %swap3A_192 {strides = array<i32>} : memref<50x400x128xf32, #tpu.memory_space<vmem>>, vector<1x128x128xf32>,
    %slice3A_193 = vector.extract_strided_slice %get3A_2 {offsets = [0, 21, 0], sizes = [128, 1, 128], strides = [1, 1, 1]} : vector<128x200x128xf32> to vector<128x1x128xf32>
    %squeeze3A_194 = vector.shape_cast %slice3A_193 : vector<128x1x128xf32> to vector<128x128xf32>
    %transpose3A_195 = tpu.transpose %squeeze3A_194, [1, 0] : vector<128x128xf32> -> vector<128x128xf32>
    %swap3A_196 = arith.constant 5 : index
    %swap3A_197 = arith.constant 128 : index
    %swap3A_198 = arith.constant 0 : index
    %swap3A_199 = vector.load %arg3[%swap3A_196, %swap3A_197, %swap3A_198] : memref<50x400x128xf32, #tpu.memory_space<vmem>>, vector<1x128x128xf32>
    %swap3A_200 = vector.shape_cast %swap3A_199 : vector<1x128x128xf32> to vector<128x128xf32>
    %swap3A_201 = vector.shape_cast %transpose3A_195 : vector<128x128xf32> to vector<1x128x128xf32>
    tpu.vector_store %arg3[%swap3A_196, %swap3A_197, %swap3A_198], %swap3A_201 {strides = array<i32>} : memref<50x400x128xf32, #tpu.memory_space<vmem>>, vector<1x128x128xf32>,
    %slice3A_202 = vector.extract_strided_slice %get3A_2 {offsets = [0, 22, 0], sizes = [128, 1, 128], strides = [1, 1, 1]} : vector<128x200x128xf32> to vector<128x1x128xf32>
    %squeeze3A_203 = vector.shape_cast %slice3A_202 : vector<128x1x128xf32> to vector<128x128xf32>
    %transpose3A_204 = tpu.transpose %squeeze3A_203, [1, 0] : vector<128x128xf32> -> vector<128x128xf32>
    %swap3A_205 = arith.constant 5 : index
    %swap3A_206 = arith.constant 256 : index
    %swap3A_207 = arith.constant 0 : index
    %swap3A_208 = vector.load %arg3[%swap3A_205, %swap3A_206, %swap3A_207] : memref<50x400x128xf32, #tpu.memory_space<vmem>>, vector<1x128x128xf32>
    %swap3A_209 = vector.shape_cast %swap3A_208 : vector<1x128x128xf32> to vector<128x128xf32>
    %swap3A_210 = vector.shape_cast %transpose3A_204 : vector<128x128xf32> to vector<1x128x128xf32>
    tpu.vector_store %arg3[%swap3A_205, %swap3A_206, %swap3A_207], %swap3A_210 {strides = array<i32>} : memref<50x400x128xf32, #tpu.memory_space<vmem>>, vector<1x128x128xf32>,
    %slice3A_211 = vector.extract_strided_slice %get3A_2 {offsets = [0, 23, 0], sizes = [128, 1, 128], strides = [1, 1, 1]} : vector<128x200x128xf32> to vector<128x1x128xf32>
    %squeeze3A_212 = vector.shape_cast %slice3A_211 : vector<128x1x128xf32> to vector<128x128xf32>
    %transpose3A_213 = tpu.transpose %squeeze3A_212, [1, 0] : vector<128x128xf32> -> vector<128x128xf32>
    %slice3A_214 = vector.extract_strided_slice %transpose3A_213 {offsets = [0, 0], sizes = [16, 128], strides = [1, 1]} : vector<128x128xf32> to vector<16x128xf32>
    %swap3A_215 = arith.constant 5 : index
    %swap3A_216 = arith.constant 384 : index
    %swap3A_217 = arith.constant 0 : index
    %swap3A_218 = vector.load %arg3[%swap3A_215, %swap3A_216, %swap3A_217] : memref<50x400x128xf32, #tpu.memory_space<vmem>>, vector<1x16x128xf32>
    %swap3A_219 = vector.shape_cast %swap3A_218 : vector<1x16x128xf32> to vector<16x128xf32>
    %swap3A_220 = vector.shape_cast %slice3A_214 : vector<16x128xf32> to vector<1x16x128xf32>
    tpu.vector_store %arg3[%swap3A_215, %swap3A_216, %swap3A_217], %swap3A_220 {strides = array<i32>} : memref<50x400x128xf32, #tpu.memory_space<vmem>>, vector<1x16x128xf32>,
    %slice3A_221 = vector.extract_strided_slice %get3A_2 {offsets = [0, 24, 0], sizes = [128, 1, 128], strides = [1, 1, 1]} : vector<128x200x128xf32> to vector<128x1x128xf32>
    %squeeze3A_222 = vector.shape_cast %slice3A_221 : vector<128x1x128xf32> to vector<128x128xf32>
    %transpose3A_223 = tpu.transpose %squeeze3A_222, [1, 0] : vector<128x128xf32> -> vector<128x128xf32>
    %swap3A_224 = arith.constant 6 : index
    %swap3A_225 = arith.constant 0 : index
    %swap3A_226 = arith.constant 0 : index
    %swap3A_227 = vector.load %arg3[%swap3A_224, %swap3A_225, %swap3A_226] : memref<50x400x128xf32, #tpu.memory_space<vmem>>, vector<1x128x128xf32>
    %swap3A_228 = vector.shape_cast %swap3A_227 : vector<1x128x128xf32> to vector<128x128xf32>
    %swap3A_229 = vector.shape_cast %transpose3A_223 : vector<128x128xf32> to vector<1x128x128xf32>
    tpu.vector_store %arg3[%swap3A_224, %swap3A_225, %swap3A_226], %swap3A_229 {strides = array<i32>} : memref<50x400x128xf32, #tpu.memory_space<vmem>>, vector<1x128x128xf32>,
    %slice3A_230 = vector.extract_strided_slice %get3A_2 {offsets = [0, 25, 0], sizes = [128, 1, 128], strides = [1, 1, 1]} : vector<128x200x128xf32> to vector<128x1x128xf32>
    %squeeze3A_231 = vector.shape_cast %slice3A_230 : vector<128x1x128xf32> to vector<128x128xf32>
    %transpose3A_232 = tpu.transpose %squeeze3A_231, [1, 0] : vector<128x128xf32> -> vector<128x128xf32>
    %swap3A_233 = arith.constant 6 : index
    %swap3A_234 = arith.constant 128 : index
    %swap3A_235 = arith.constant 0 : index
    %swap3A_236 = vector.load %arg3[%swap3A_233, %swap3A_234, %swap3A_235] : memref<50x400x128xf32, #tpu.memory_space<vmem>>, vector<1x128x128xf32>
    %swap3A_237 = vector.shape_cast %swap3A_236 : vector<1x128x128xf32> to vector<128x128xf32>
    %swap3A_238 = vector.shape_cast %transpose3A_232 : vector<128x128xf32> to vector<1x128x128xf32>
    tpu.vector_store %arg3[%swap3A_233, %swap3A_234, %swap3A_235], %swap3A_238 {strides = array<i32>} : memref<50x400x128xf32, #tpu.memory_space<vmem>>, vector<1x128x128xf32>,
    %slice3A_239 = vector.extract_strided_slice %get3A_2 {offsets = [0, 26, 0], sizes = [128, 1, 128], strides = [1, 1, 1]} : vector<128x200x128xf32> to vector<128x1x128xf32>
    %squeeze3A_240 = vector.shape_cast %slice3A_239 : vector<128x1x128xf32> to vector<128x128xf32>
    %transpose3A_241 = tpu.transpose %squeeze3A_240, [1, 0] : vector<128x128xf32> -> vector<128x128xf32>
    %swap3A_242 = arith.constant 6 : index
    %swap3A_243 = arith.constant 256 : index
    %swap3A_244 = arith.constant 0 : index
    %swap3A_245 = vector.load %arg3[%swap3A_242, %swap3A_243, %swap3A_244] : memref<50x400x128xf32, #tpu.memory_space<vmem>>, vector<1x128x128xf32>
    %swap3A_246 = vector.shape_cast %swap3A_245 : vector<1x128x128xf32> to vector<128x128xf32>
    %swap3A_247 = vector.shape_cast %transpose3A_241 : vector<128x128xf32> to vector<1x128x128xf32>
    tpu.vector_store %arg3[%swap3A_242, %swap3A_243, %swap3A_244], %swap3A_247 {strides = array<i32>} : memref<50x400x128xf32, #tpu.memory_space<vmem>>, vector<1x128x128xf32>,
    %slice3A_248 = vector.extract_strided_slice %get3A_2 {offsets = [0, 27, 0], sizes = [128, 1, 128], strides = [1, 1, 1]} : vector<128x200x128xf32> to vector<128x1x128xf32>
    %squeeze3A_249 = vector.shape_cast %slice3A_248 : vector<128x1x128xf32> to vector<128x128xf32>
    %transpose3A_250 = tpu.transpose %squeeze3A_249, [1, 0] : vector<128x128xf32> -> vector<128x128xf32>
    %slice3A_251 = vector.extract_strided_slice %transpose3A_250 {offsets = [0, 0], sizes = [16, 128], strides = [1, 1]} : vector<128x128xf32> to vector<16x128xf32>
    %swap3A_252 = arith.constant 6 : index
    %swap3A_253 = arith.constant 384 : index
    %swap3A_254 = arith.constant 0 : index
    %swap3A_255 = vector.load %arg3[%swap3A_252, %swap3A_253, %swap3A_254] : memref<50x400x128xf32, #tpu.memory_space<vmem>>, vector<1x16x128xf32>
    %swap3A_256 = vector.shape_cast %swap3A_255 : vector<1x16x128xf32> to vector<16x128xf32>
    %swap3A_257 = vector.shape_cast %slice3A_251 : vector<16x128xf32> to vector<1x16x128xf32>
    tpu.vector_store %arg3[%swap3A_252, %swap3A_253, %swap3A_254], %swap3A_257 {strides = array<i32>} : memref<50x400x128xf32, #tpu.memory_space<vmem>>, vector<1x16x128xf32>,
    %slice3A_258 = vector.extract_strided_slice %get3A_2 {offsets = [0, 28, 0], sizes = [128, 1, 128], strides = [1, 1, 1]} : vector<128x200x128xf32> to vector<128x1x128xf32>
    %squeeze3A_259 = vector.shape_cast %slice3A_258 : vector<128x1x128xf32> to vector<128x128xf32>
    %transpose3A_260 = tpu.transpose %squeeze3A_259, [1, 0] : vector<128x128xf32> -> vector<128x128xf32>
    %swap3A_261 = arith.constant 7 : index
    %swap3A_262 = arith.constant 0 : index
    %swap3A_263 = arith.constant 0 : index
    %swap3A_264 = vector.load %arg3[%swap3A_261, %swap3A_262, %swap3A_263] : memref<50x400x128xf32, #tpu.memory_space<vmem>>, vector<1x128x128xf32>
    %swap3A_265 = vector.shape_cast %swap3A_264 : vector<1x128x128xf32> to vector<128x128xf32>
    %swap3A_266 = vector.shape_cast %transpose3A_260 : vector<128x128xf32> to vector<1x128x128xf32>
    tpu.vector_store %arg3[%swap3A_261, %swap3A_262, %swap3A_263], %swap3A_266 {strides = array<i32>} : memref<50x400x128xf32, #tpu.memory_space<vmem>>, vector<1x128x128xf32>,
    %slice3A_267 = vector.extract_strided_slice %get3A_2 {offsets = [0, 29, 0], sizes = [128, 1, 128], strides = [1, 1, 1]} : vector<128x200x128xf32> to vector<128x1x128xf32>
    %squeeze3A_268 = vector.shape_cast %slice3A_267 : vector<128x1x128xf32> to vector<128x128xf32>
    %transpose3A_269 = tpu.transpose %squeeze3A_268, [1, 0] : vector<128x128xf32> -> vector<128x128xf32>
    %swap3A_270 = arith.constant 7 : index
    %swap3A_271 = arith.constant 128 : index
    %swap3A_272 = arith.constant 0 : index
    %swap3A_273 = vector.load %arg3[%swap3A_270, %swap3A_271, %swap3A_272] : memref<50x400x128xf32, #tpu.memory_space<vmem>>, vector<1x128x128xf32>
    %swap3A_274 = vector.shape_cast %swap3A_273 : vector<1x128x128xf32> to vector<128x128xf32>
    %swap3A_275 = vector.shape_cast %transpose3A_269 : vector<128x128xf32> to vector<1x128x128xf32>
    tpu.vector_store %arg3[%swap3A_270, %swap3A_271, %swap3A_272], %swap3A_275 {strides = array<i32>} : memref<50x400x128xf32, #tpu.memory_space<vmem>>, vector<1x128x128xf32>,
    %slice3A_276 = vector.extract_strided_slice %get3A_2 {offsets = [0, 30, 0], sizes = [128, 1, 128], strides = [1, 1, 1]} : vector<128x200x128xf32> to vector<128x1x128xf32>
    %squeeze3A_277 = vector.shape_cast %slice3A_276 : vector<128x1x128xf32> to vector<128x128xf32>
    %transpose3A_278 = tpu.transpose %squeeze3A_277, [1, 0] : vector<128x128xf32> -> vector<128x128xf32>
    %swap3A_279 = arith.constant 7 : index
    %swap3A_280 = arith.constant 256 : index
    %swap3A_281 = arith.constant 0 : index
    %swap3A_282 = vector.load %arg3[%swap3A_279, %swap3A_280, %swap3A_281] : memref<50x400x128xf32, #tpu.memory_space<vmem>>, vector<1x128x128xf32>
    %swap3A_283 = vector.shape_cast %swap3A_282 : vector<1x128x128xf32> to vector<128x128xf32>
    %swap3A_284 = vector.shape_cast %transpose3A_278 : vector<128x128xf32> to vector<1x128x128xf32>
    tpu.vector_store %arg3[%swap3A_279, %swap3A_280, %swap3A_281], %swap3A_284 {strides = array<i32>} : memref<50x400x128xf32, #tpu.memory_space<vmem>>, vector<1x128x128xf32>,
    %slice3A_285 = vector.extract_strided_slice %get3A_2 {offsets = [0, 31, 0], sizes = [128, 1, 128], strides = [1, 1, 1]} : vector<128x200x128xf32> to vector<128x1x128xf32>
    %squeeze3A_286 = vector.shape_cast %slice3A_285 : vector<128x1x128xf32> to vector<128x128xf32>
    %transpose3A_287 = tpu.transpose %squeeze3A_286, [1, 0] : vector<128x128xf32> -> vector<128x128xf32>
    %slice3A_288 = vector.extract_strided_slice %transpose3A_287 {offsets = [0, 0], sizes = [16, 128], strides = [1, 1]} : vector<128x128xf32> to vector<16x128xf32>
    %swap3A_289 = arith.constant 7 : index
    %swap3A_290 = arith.constant 384 : index
    %swap3A_291 = arith.constant 0 : index
    %swap3A_292 = vector.load %arg3[%swap3A_289, %swap3A_290, %swap3A_291] : memref<50x400x128xf32, #tpu.memory_space<vmem>>, vector<1x16x128xf32>
    %swap3A_293 = vector.shape_cast %swap3A_292 : vector<1x16x128xf32> to vector<16x128xf32>
    %swap3A_294 = vector.shape_cast %slice3A_288 : vector<16x128xf32> to vector<1x16x128xf32>
    tpu.vector_store %arg3[%swap3A_289, %swap3A_290, %swap3A_291], %swap3A_294 {strides = array<i32>} : memref<50x400x128xf32, #tpu.memory_space<vmem>>, vector<1x16x128xf32>,
    %slice3A_295 = vector.extract_strided_slice %get3A_2 {offsets = [0, 32, 0], sizes = [128, 1, 128], strides = [1, 1, 1]} : vector<128x200x128xf32> to vector<128x1x128xf32>
    %squeeze3A_296 = vector.shape_cast %slice3A_295 : vector<128x1x128xf32> to vector<128x128xf32>
    %transpose3A_297 = tpu.transpose %squeeze3A_296, [1, 0] : vector<128x128xf32> -> vector<128x128xf32>
    %swap3A_298 = arith.constant 8 : index
    %swap3A_299 = arith.constant 0 : index
    %swap3A_300 = arith.constant 0 : index
    %swap3A_301 = vector.load %arg3[%swap3A_298, %swap3A_299, %swap3A_300] : memref<50x400x128xf32, #tpu.memory_space<vmem>>, vector<1x128x128xf32>
    %swap3A_302 = vector.shape_cast %swap3A_301 : vector<1x128x128xf32> to vector<128x128xf32>
    %swap3A_303 = vector.shape_cast %transpose3A_297 : vector<128x128xf32> to vector<1x128x128xf32>
    tpu.vector_store %arg3[%swap3A_298, %swap3A_299, %swap3A_300], %swap3A_303 {strides = array<i32>} : memref<50x400x128xf32, #tpu.memory_space<vmem>>, vector<1x128x128xf32>,
    %slice3A_304 = vector.extract_strided_slice %get3A_2 {offsets = [0, 33, 0], sizes = [128, 1, 128], strides = [1, 1, 1]} : vector<128x200x128xf32> to vector<128x1x128xf32>
    %squeeze3A_305 = vector.shape_cast %slice3A_304 : vector<128x1x128xf32> to vector<128x128xf32>
    %transpose3A_306 = tpu.transpose %squeeze3A_305, [1, 0] : vector<128x128xf32> -> vector<128x128xf32>
    %swap3A_307 = arith.constant 8 : index
    %swap3A_308 = arith.constant 128 : index
    %swap3A_309 = arith.constant 0 : index
    %swap3A_310 = vector.load %arg3[%swap3A_307, %swap3A_308, %swap3A_309] : memref<50x400x128xf32, #tpu.memory_space<vmem>>, vector<1x128x128xf32>
    %swap3A_311 = vector.shape_cast %swap3A_310 : vector<1x128x128xf32> to vector<128x128xf32>
    %swap3A_312 = vector.shape_cast %transpose3A_306 : vector<128x128xf32> to vector<1x128x128xf32>
    tpu.vector_store %arg3[%swap3A_307, %swap3A_308, %swap3A_309], %swap3A_312 {strides = array<i32>} : memref<50x400x128xf32, #tpu.memory_space<vmem>>, vector<1x128x128xf32>,
    %slice3A_313 = vector.extract_strided_slice %get3A_2 {offsets = [0, 34, 0], sizes = [128, 1, 128], strides = [1, 1, 1]} : vector<128x200x128xf32> to vector<128x1x128xf32>
    %squeeze3A_314 = vector.shape_cast %slice3A_313 : vector<128x1x128xf32> to vector<128x128xf32>
    %transpose3A_315 = tpu.transpose %squeeze3A_314, [1, 0] : vector<128x128xf32> -> vector<128x128xf32>
    %swap3A_316 = arith.constant 8 : index
    %swap3A_317 = arith.constant 256 : index
    %swap3A_318 = arith.constant 0 : index
    %swap3A_319 = vector.load %arg3[%swap3A_316, %swap3A_317, %swap3A_318] : memref<50x400x128xf32, #tpu.memory_space<vmem>>, vector<1x128x128xf32>
    %swap3A_320 = vector.shape_cast %swap3A_319 : vector<1x128x128xf32> to vector<128x128xf32>
    %swap3A_321 = vector.shape_cast %transpose3A_315 : vector<128x128xf32> to vector<1x128x128xf32>
    tpu.vector_store %arg3[%swap3A_316, %swap3A_317, %swap3A_318], %swap3A_321 {strides = array<i32>} : memref<50x400x128xf32, #tpu.memory_space<vmem>>, vector<1x128x128xf32>,
    %slice3A_322 = vector.extract_strided_slice %get3A_2 {offsets = [0, 35, 0], sizes = [128, 1, 128], strides = [1, 1, 1]} : vector<128x200x128xf32> to vector<128x1x128xf32>
    %squeeze3A_323 = vector.shape_cast %slice3A_322 : vector<128x1x128xf32> to vector<128x128xf32>
    %transpose3A_324 = tpu.transpose %squeeze3A_323, [1, 0] : vector<128x128xf32> -> vector<128x128xf32>
    %slice3A_325 = vector.extract_strided_slice %transpose3A_324 {offsets = [0, 0], sizes = [16, 128], strides = [1, 1]} : vector<128x128xf32> to vector<16x128xf32>
    %swap3A_326 = arith.constant 8 : index
    %swap3A_327 = arith.constant 384 : index
    %swap3A_328 = arith.constant 0 : index
    %swap3A_329 = vector.load %arg3[%swap3A_326, %swap3A_327, %swap3A_328] : memref<50x400x128xf32, #tpu.memory_space<vmem>>, vector<1x16x128xf32>
    %swap3A_330 = vector.shape_cast %swap3A_329 : vector<1x16x128xf32> to vector<16x128xf32>
    %swap3A_331 = vector.shape_cast %slice3A_325 : vector<16x128xf32> to vector<1x16x128xf32>
    tpu.vector_store %arg3[%swap3A_326, %swap3A_327, %swap3A_328], %swap3A_331 {strides = array<i32>} : memref<50x400x128xf32, #tpu.memory_space<vmem>>, vector<1x16x128xf32>,
    %slice3A_332 = vector.extract_strided_slice %get3A_2 {offsets = [0, 36, 0], sizes = [128, 1, 128], strides = [1, 1, 1]} : vector<128x200x128xf32> to vector<128x1x128xf32>
    %squeeze3A_333 = vector.shape_cast %slice3A_332 : vector<128x1x128xf32> to vector<128x128xf32>
    %transpose3A_334 = tpu.transpose %squeeze3A_333, [1, 0] : vector<128x128xf32> -> vector<128x128xf32>
    %swap3A_335 = arith.constant 9 : index
    %swap3A_336 = arith.constant 0 : index
    %swap3A_337 = arith.constant 0 : index
    %swap3A_338 = vector.load %arg3[%swap3A_335, %swap3A_336, %swap3A_337] : memref<50x400x128xf32, #tpu.memory_space<vmem>>, vector<1x128x128xf32>
    %swap3A_339 = vector.shape_cast %swap3A_338 : vector<1x128x128xf32> to vector<128x128xf32>
    %swap3A_340 = vector.shape_cast %transpose3A_334 : vector<128x128xf32> to vector<1x128x128xf32>
    tpu.vector_store %arg3[%swap3A_335, %swap3A_336, %swap3A_337], %swap3A_340 {strides = array<i32>} : memref<50x400x128xf32, #tpu.memory_space<vmem>>, vector<1x128x128xf32>,
    %slice3A_341 = vector.extract_strided_slice %get3A_2 {offsets = [0, 37, 0], sizes = [128, 1, 128], strides = [1, 1, 1]} : vector<128x200x128xf32> to vector<128x1x128xf32>
    %squeeze3A_342 = vector.shape_cast %slice3A_341 : vector<128x1x128xf32> to vector<128x128xf32>
    %transpose3A_343 = tpu.transpose %squeeze3A_342, [1, 0] : vector<128x128xf32> -> vector<128x128xf32>
    %swap3A_344 = arith.constant 9 : index
    %swap3A_345 = arith.constant 128 : index
    %swap3A_346 = arith.constant 0 : index
    %swap3A_347 = vector.load %arg3[%swap3A_344, %swap3A_345, %swap3A_346] : memref<50x400x128xf32, #tpu.memory_space<vmem>>, vector<1x128x128xf32>
    %swap3A_348 = vector.shape_cast %swap3A_347 : vector<1x128x128xf32> to vector<128x128xf32>
    %swap3A_349 = vector.shape_cast %transpose3A_343 : vector<128x128xf32> to vector<1x128x128xf32>
    tpu.vector_store %arg3[%swap3A_344, %swap3A_345, %swap3A_346], %swap3A_349 {strides = array<i32>} : memref<50x400x128xf32, #tpu.memory_space<vmem>>, vector<1x128x128xf32>,
    %slice3A_350 = vector.extract_strided_slice %get3A_2 {offsets = [0, 38, 0], sizes = [128, 1, 128], strides = [1, 1, 1]} : vector<128x200x128xf32> to vector<128x1x128xf32>
    %squeeze3A_351 = vector.shape_cast %slice3A_350 : vector<128x1x128xf32> to vector<128x128xf32>
    %transpose3A_352 = tpu.transpose %squeeze3A_351, [1, 0] : vector<128x128xf32> -> vector<128x128xf32>
    %swap3A_353 = arith.constant 9 : index
    %swap3A_354 = arith.constant 256 : index
    %swap3A_355 = arith.constant 0 : index
    %swap3A_356 = vector.load %arg3[%swap3A_353, %swap3A_354, %swap3A_355] : memref<50x400x128xf32, #tpu.memory_space<vmem>>, vector<1x128x128xf32>
    %swap3A_357 = vector.shape_cast %swap3A_356 : vector<1x128x128xf32> to vector<128x128xf32>
    %swap3A_358 = vector.shape_cast %transpose3A_352 : vector<128x128xf32> to vector<1x128x128xf32>
    tpu.vector_store %arg3[%swap3A_353, %swap3A_354, %swap3A_355], %swap3A_358 {strides = array<i32>} : memref<50x400x128xf32, #tpu.memory_space<vmem>>, vector<1x128x128xf32>,
    %slice3A_359 = vector.extract_strided_slice %get3A_2 {offsets = [0, 39, 0], sizes = [128, 1, 128], strides = [1, 1, 1]} : vector<128x200x128xf32> to vector<128x1x128xf32>
    %squeeze3A_360 = vector.shape_cast %slice3A_359 : vector<128x1x128xf32> to vector<128x128xf32>
    %transpose3A_361 = tpu.transpose %squeeze3A_360, [1, 0] : vector<128x128xf32> -> vector<128x128xf32>
    %slice3A_362 = vector.extract_strided_slice %transpose3A_361 {offsets = [0, 0], sizes = [16, 128], strides = [1, 1]} : vector<128x128xf32> to vector<16x128xf32>
    %swap3A_363 = arith.constant 9 : index
    %swap3A_364 = arith.constant 384 : index
    %swap3A_365 = arith.constant 0 : index
    %swap3A_366 = vector.load %arg3[%swap3A_363, %swap3A_364, %swap3A_365] : memref<50x400x128xf32, #tpu.memory_space<vmem>>, vector<1x16x128xf32>
    %swap3A_367 = vector.shape_cast %swap3A_366 : vector<1x16x128xf32> to vector<16x128xf32>
    %swap3A_368 = vector.shape_cast %slice3A_362 : vector<16x128xf32> to vector<1x16x128xf32>
    tpu.vector_store %arg3[%swap3A_363, %swap3A_364, %swap3A_365], %swap3A_368 {strides = array<i32>} : memref<50x400x128xf32, #tpu.memory_space<vmem>>, vector<1x16x128xf32>,
    %slice3A_369 = vector.extract_strided_slice %get3A_2 {offsets = [0, 40, 0], sizes = [128, 1, 128], strides = [1, 1, 1]} : vector<128x200x128xf32> to vector<128x1x128xf32>
    %squeeze3A_370 = vector.shape_cast %slice3A_369 : vector<128x1x128xf32> to vector<128x128xf32>
    %transpose3A_371 = tpu.transpose %squeeze3A_370, [1, 0] : vector<128x128xf32> -> vector<128x128xf32>
    %swap3A_372 = arith.constant 10 : index
    %swap3A_373 = arith.constant 0 : index
    %swap3A_374 = arith.constant 0 : index
    %swap3A_375 = vector.load %arg3[%swap3A_372, %swap3A_373, %swap3A_374] : memref<50x400x128xf32, #tpu.memory_space<vmem>>, vector<1x128x128xf32>
    %swap3A_376 = vector.shape_cast %swap3A_375 : vector<1x128x128xf32> to vector<128x128xf32>
    %swap3A_377 = vector.shape_cast %transpose3A_371 : vector<128x128xf32> to vector<1x128x128xf32>
    tpu.vector_store %arg3[%swap3A_372, %swap3A_373, %swap3A_374], %swap3A_377 {strides = array<i32>} : memref<50x400x128xf32, #tpu.memory_space<vmem>>, vector<1x128x128xf32>,
    %slice3A_378 = vector.extract_strided_slice %get3A_2 {offsets = [0, 41, 0], sizes = [128, 1, 128], strides = [1, 1, 1]} : vector<128x200x128xf32> to vector<128x1x128xf32>
    %squeeze3A_379 = vector.shape_cast %slice3A_378 : vector<128x1x128xf32> to vector<128x128xf32>
    %transpose3A_380 = tpu.transpose %squeeze3A_379, [1, 0] : vector<128x128xf32> -> vector<128x128xf32>
    %swap3A_381 = arith.constant 10 : index
    %swap3A_382 = arith.constant 128 : index
    %swap3A_383 = arith.constant 0 : index
    %swap3A_384 = vector.load %arg3[%swap3A_381, %swap3A_382, %swap3A_383] : memref<50x400x128xf32, #tpu.memory_space<vmem>>, vector<1x128x128xf32>
    %swap3A_385 = vector.shape_cast %swap3A_384 : vector<1x128x128xf32> to vector<128x128xf32>
    %swap3A_386 = vector.shape_cast %transpose3A_380 : vector<128x128xf32> to vector<1x128x128xf32>
    tpu.vector_store %arg3[%swap3A_381, %swap3A_382, %swap3A_383], %swap3A_386 {strides = array<i32>} : memref<50x400x128xf32, #tpu.memory_space<vmem>>, vector<1x128x128xf32>,
    %slice3A_387 = vector.extract_strided_slice %get3A_2 {offsets = [0, 42, 0], sizes = [128, 1, 128], strides = [1, 1, 1]} : vector<128x200x128xf32> to vector<128x1x128xf32>
    %squeeze3A_388 = vector.shape_cast %slice3A_387 : vector<128x1x128xf32> to vector<128x128xf32>
    %transpose3A_389 = tpu.transpose %squeeze3A_388, [1, 0] : vector<128x128xf32> -> vector<128x128xf32>
    %swap3A_390 = arith.constant 10 : index
    %swap3A_391 = arith.constant 256 : index
    %swap3A_392 = arith.constant 0 : index
    %swap3A_393 = vector.load %arg3[%swap3A_390, %swap3A_391, %swap3A_392] : memref<50x400x128xf32, #tpu.memory_space<vmem>>, vector<1x128x128xf32>
    %swap3A_394 = vector.shape_cast %swap3A_393 : vector<1x128x128xf32> to vector<128x128xf32>
    %swap3A_395 = vector.shape_cast %transpose3A_389 : vector<128x128xf32> to vector<1x128x128xf32>
    tpu.vector_store %arg3[%swap3A_390, %swap3A_391, %swap3A_392], %swap3A_395 {strides = array<i32>} : memref<50x400x128xf32, #tpu.memory_space<vmem>>, vector<1x128x128xf32>,
    %slice3A_396 = vector.extract_strided_slice %get3A_2 {offsets = [0, 43, 0], sizes = [128, 1, 128], strides = [1, 1, 1]} : vector<128x200x128xf32> to vector<128x1x128xf32>
    %squeeze3A_397 = vector.shape_cast %slice3A_396 : vector<128x1x128xf32> to vector<128x128xf32>
    %transpose3A_398 = tpu.transpose %squeeze3A_397, [1, 0] : vector<128x128xf32> -> vector<128x128xf32>
    %slice3A_399 = vector.extract_strided_slice %transpose3A_398 {offsets = [0, 0], sizes = [16, 128], strides = [1, 1]} : vector<128x128xf32> to vector<16x128xf32>
    %swap3A_400 = arith.constant 10 : index
    %swap3A_401 = arith.constant 384 : index
    %swap3A_402 = arith.constant 0 : index
    %swap3A_403 = vector.load %arg3[%swap3A_400, %swap3A_401, %swap3A_402] : memref<50x400x128xf32, #tpu.memory_space<vmem>>, vector<1x16x128xf32>
    %swap3A_404 = vector.shape_cast %swap3A_403 : vector<1x16x128xf32> to vector<16x128xf32>
    %swap3A_405 = vector.shape_cast %slice3A_399 : vector<16x128xf32> to vector<1x16x128xf32>
    tpu.vector_store %arg3[%swap3A_400, %swap3A_401, %swap3A_402], %swap3A_405 {strides = array<i32>} : memref<50x400x128xf32, #tpu.memory_space<vmem>>, vector<1x16x128xf32>,
    %slice3A_406 = vector.extract_strided_slice %get3A_2 {offsets = [0, 44, 0], sizes = [128, 1, 128], strides = [1, 1, 1]} : vector<128x200x128xf32> to vector<128x1x128xf32>
    %squeeze3A_407 = vector.shape_cast %slice3A_406 : vector<128x1x128xf32> to vector<128x128xf32>
    %transpose3A_408 = tpu.transpose %squeeze3A_407, [1, 0] : vector<128x128xf32> -> vector<128x128xf32>
    %swap3A_409 = arith.constant 11 : index
    %swap3A_410 = arith.constant 0 : index
    %swap3A_411 = arith.constant 0 : index
    %swap3A_412 = vector.load %arg3[%swap3A_409, %swap3A_410, %swap3A_411] : memref<50x400x128xf32, #tpu.memory_space<vmem>>, vector<1x128x128xf32>
    %swap3A_413 = vector.shape_cast %swap3A_412 : vector<1x128x128xf32> to vector<128x128xf32>
    %swap3A_414 = vector.shape_cast %transpose3A_408 : vector<128x128xf32> to vector<1x128x128xf32>
    tpu.vector_store %arg3[%swap3A_409, %swap3A_410, %swap3A_411], %swap3A_414 {strides = array<i32>} : memref<50x400x128xf32, #tpu.memory_space<vmem>>, vector<1x128x128xf32>,
    %slice3A_415 = vector.extract_strided_slice %get3A_2 {offsets = [0, 45, 0], sizes = [128, 1, 128], strides = [1, 1, 1]} : vector<128x200x128xf32> to vector<128x1x128xf32>
    %squeeze3A_416 = vector.shape_cast %slice3A_415 : vector<128x1x128xf32> to vector<128x128xf32>
    %transpose3A_417 = tpu.transpose %squeeze3A_416, [1, 0] : vector<128x128xf32> -> vector<128x128xf32>
    %swap3A_418 = arith.constant 11 : index
    %swap3A_419 = arith.constant 128 : index
    %swap3A_420 = arith.constant 0 : index
    %swap3A_421 = vector.load %arg3[%swap3A_418, %swap3A_419, %swap3A_420] : memref<50x400x128xf32, #tpu.memory_space<vmem>>, vector<1x128x128xf32>
    %swap3A_422 = vector.shape_cast %swap3A_421 : vector<1x128x128xf32> to vector<128x128xf32>
    %swap3A_423 = vector.shape_cast %transpose3A_417 : vector<128x128xf32> to vector<1x128x128xf32>
    tpu.vector_store %arg3[%swap3A_418, %swap3A_419, %swap3A_420], %swap3A_423 {strides = array<i32>} : memref<50x400x128xf32, #tpu.memory_space<vmem>>, vector<1x128x128xf32>,
    %slice3A_424 = vector.extract_strided_slice %get3A_2 {offsets = [0, 46, 0], sizes = [128, 1, 128], strides = [1, 1, 1]} : vector<128x200x128xf32> to vector<128x1x128xf32>
    %squeeze3A_425 = vector.shape_cast %slice3A_424 : vector<128x1x128xf32> to vector<128x128xf32>
    %transpose3A_426 = tpu.transpose %squeeze3A_425, [1, 0] : vector<128x128xf32> -> vector<128x128xf32>
    %swap3A_427 = arith.constant 11 : index
    %swap3A_428 = arith.constant 256 : index
    %swap3A_429 = arith.constant 0 : index
    %swap3A_430 = vector.load %arg3[%swap3A_427, %swap3A_428, %swap3A_429] : memref<50x400x128xf32, #tpu.memory_space<vmem>>, vector<1x128x128xf32>
    %swap3A_431 = vector.shape_cast %swap3A_430 : vector<1x128x128xf32> to vector<128x128xf32>
    %swap3A_432 = vector.shape_cast %transpose3A_426 : vector<128x128xf32> to vector<1x128x128xf32>
    tpu.vector_store %arg3[%swap3A_427, %swap3A_428, %swap3A_429], %swap3A_432 {strides = array<i32>} : memref<50x400x128xf32, #tpu.memory_space<vmem>>, vector<1x128x128xf32>,
    %slice3A_433 = vector.extract_strided_slice %get3A_2 {offsets = [0, 47, 0], sizes = [128, 1, 128], strides = [1, 1, 1]} : vector<128x200x128xf32> to vector<128x1x128xf32>
    %squeeze3A_434 = vector.shape_cast %slice3A_433 : vector<128x1x128xf32> to vector<128x128xf32>
    %transpose3A_435 = tpu.transpose %squeeze3A_434, [1, 0] : vector<128x128xf32> -> vector<128x128xf32>
    %slice3A_436 = vector.extract_strided_slice %transpose3A_435 {offsets = [0, 0], sizes = [16, 128], strides = [1, 1]} : vector<128x128xf32> to vector<16x128xf32>
    %swap3A_437 = arith.constant 11 : index
    %swap3A_438 = arith.constant 384 : index
    %swap3A_439 = arith.constant 0 : index
    %swap3A_440 = vector.load %arg3[%swap3A_437, %swap3A_438, %swap3A_439] : memref<50x400x128xf32, #tpu.memory_space<vmem>>, vector<1x16x128xf32>
    %swap3A_441 = vector.shape_cast %swap3A_440 : vector<1x16x128xf32> to vector<16x128xf32>
    %swap3A_442 = vector.shape_cast %slice3A_436 : vector<16x128xf32> to vector<1x16x128xf32>
    tpu.vector_store %arg3[%swap3A_437, %swap3A_438, %swap3A_439], %swap3A_442 {strides = array<i32>} : memref<50x400x128xf32, #tpu.memory_space<vmem>>, vector<1x16x128xf32>,
    %slice3A_443 = vector.extract_strided_slice %get3A_2 {offsets = [0, 48, 0], sizes = [128, 1, 128], strides = [1, 1, 1]} : vector<128x200x128xf32> to vector<128x1x128xf32>
    %squeeze3A_444 = vector.shape_cast %slice3A_443 : vector<128x1x128xf32> to vector<128x128xf32>
    %transpose3A_445 = tpu.transpose %squeeze3A_444, [1, 0] : vector<128x128xf32> -> vector<128x128xf32>
    %swap3A_446 = arith.constant 12 : index
    %swap3A_447 = arith.constant 0 : index
    %swap3A_448 = arith.constant 0 : index
    %swap3A_449 = vector.load %arg3[%swap3A_446, %swap3A_447, %swap3A_448] : memref<50x400x128xf32, #tpu.memory_space<vmem>>, vector<1x128x128xf32>
    %swap3A_450 = vector.shape_cast %swap3A_449 : vector<1x128x128xf32> to vector<128x128xf32>
    %swap3A_451 = vector.shape_cast %transpose3A_445 : vector<128x128xf32> to vector<1x128x128xf32>
    tpu.vector_store %arg3[%swap3A_446, %swap3A_447, %swap3A_448], %swap3A_451 {strides = array<i32>} : memref<50x400x128xf32, #tpu.memory_space<vmem>>, vector<1x128x128xf32>,
    %slice3A_452 = vector.extract_strided_slice %get3A_2 {offsets = [0, 49, 0], sizes = [128, 1, 128], strides = [1, 1, 1]} : vector<128x200x128xf32> to vector<128x1x128xf32>
    %squeeze3A_453 = vector.shape_cast %slice3A_452 : vector<128x1x128xf32> to vector<128x128xf32>
    %transpose3A_454 = tpu.transpose %squeeze3A_453, [1, 0] : vector<128x128xf32> -> vector<128x128xf32>
    %swap3A_455 = arith.constant 12 : index
    %swap3A_456 = arith.constant 128 : index
    %swap3A_457 = arith.constant 0 : index
    %swap3A_458 = vector.load %arg3[%swap3A_455, %swap3A_456, %swap3A_457] : memref<50x400x128xf32, #tpu.memory_space<vmem>>, vector<1x128x128xf32>
    %swap3A_459 = vector.shape_cast %swap3A_458 : vector<1x128x128xf32> to vector<128x128xf32>
    %swap3A_460 = vector.shape_cast %transpose3A_454 : vector<128x128xf32> to vector<1x128x128xf32>
    tpu.vector_store %arg3[%swap3A_455, %swap3A_456, %swap3A_457], %swap3A_460 {strides = array<i32>} : memref<50x400x128xf32, #tpu.memory_space<vmem>>, vector<1x128x128xf32>,
    %slice3A_461 = vector.extract_strided_slice %get3A_2 {offsets = [0, 50, 0], sizes = [128, 1, 128], strides = [1, 1, 1]} : vector<128x200x128xf32> to vector<128x1x128xf32>
    %squeeze3A_462 = vector.shape_cast %slice3A_461 : vector<128x1x128xf32> to vector<128x128xf32>
    %transpose3A_463 = tpu.transpose %squeeze3A_462, [1, 0] : vector<128x128xf32> -> vector<128x128xf32>
    %swap3A_464 = arith.constant 12 : index
    %swap3A_465 = arith.constant 256 : index
    %swap3A_466 = arith.constant 0 : index
    %swap3A_467 = vector.load %arg3[%swap3A_464, %swap3A_465, %swap3A_466] : memref<50x400x128xf32, #tpu.memory_space<vmem>>, vector<1x128x128xf32>
    %swap3A_468 = vector.shape_cast %swap3A_467 : vector<1x128x128xf32> to vector<128x128xf32>
    %swap3A_469 = vector.shape_cast %transpose3A_463 : vector<128x128xf32> to vector<1x128x128xf32>
    tpu.vector_store %arg3[%swap3A_464, %swap3A_465, %swap3A_466], %swap3A_469 {strides = array<i32>} : memref<50x400x128xf32, #tpu.memory_space<vmem>>, vector<1x128x128xf32>,
    %slice3A_470 = vector.extract_strided_slice %get3A_2 {offsets = [0, 51, 0], sizes = [128, 1, 128], strides = [1, 1, 1]} : vector<128x200x128xf32> to vector<128x1x128xf32>
    %squeeze3A_471 = vector.shape_cast %slice3A_470 : vector<128x1x128xf32> to vector<128x128xf32>
    %transpose3A_472 = tpu.transpose %squeeze3A_471, [1, 0] : vector<128x128xf32> -> vector<128x128xf32>
    %slice3A_473 = vector.extract_strided_slice %transpose3A_472 {offsets = [0, 0], sizes = [16, 128], strides = [1, 1]} : vector<128x128xf32> to vector<16x128xf32>
    %swap3A_474 = arith.constant 12 : index
    %swap3A_475 = arith.constant 384 : index
    %swap3A_476 = arith.constant 0 : index
    %swap3A_477 = vector.load %arg3[%swap3A_474, %swap3A_475, %swap3A_476] : memref<50x400x128xf32, #tpu.memory_space<vmem>>, vector<1x16x128xf32>
    %swap3A_478 = vector.shape_cast %swap3A_477 : vector<1x16x128xf32> to vector<16x128xf32>
    %swap3A_479 = vector.shape_cast %slice3A_473 : vector<16x128xf32> to vector<1x16x128xf32>
    tpu.vector_store %arg3[%swap3A_474, %swap3A_475, %swap3A_476], %swap3A_479 {strides = array<i32>} : memref<50x400x128xf32, #tpu.memory_space<vmem>>, vector<1x16x128xf32>,
    %slice3A_480 = vector.extract_strided_slice %get3A_2 {offsets = [0, 52, 0], sizes = [128, 1, 128], strides = [1, 1, 1]} : vector<128x200x128xf32> to vector<128x1x128xf32>
    %squeeze3A_481 = vector.shape_cast %slice3A_480 : vector<128x1x128xf32> to vector<128x128xf32>
    %transpose3A_482 = tpu.transpose %squeeze3A_481, [1, 0] : vector<128x128xf32> -> vector<128x128xf32>
    %swap3A_483 = arith.constant 13 : index
    %swap3A_484 = arith.constant 0 : index
    %swap3A_485 = arith.constant 0 : index
    %swap3A_486 = vector.load %arg3[%swap3A_483, %swap3A_484, %swap3A_485] : memref<50x400x128xf32, #tpu.memory_space<vmem>>, vector<1x128x128xf32>
    %swap3A_487 = vector.shape_cast %swap3A_486 : vector<1x128x128xf32> to vector<128x128xf32>
    %swap3A_488 = vector.shape_cast %transpose3A_482 : vector<128x128xf32> to vector<1x128x128xf32>
    tpu.vector_store %arg3[%swap3A_483, %swap3A_484, %swap3A_485], %swap3A_488 {strides = array<i32>} : memref<50x400x128xf32, #tpu.memory_space<vmem>>, vector<1x128x128xf32>,
    %slice3A_489 = vector.extract_strided_slice %get3A_2 {offsets = [0, 53, 0], sizes = [128, 1, 128], strides = [1, 1, 1]} : vector<128x200x128xf32> to vector<128x1x128xf32>
    %squeeze3A_490 = vector.shape_cast %slice3A_489 : vector<128x1x128xf32> to vector<128x128xf32>
    %transpose3A_491 = tpu.transpose %squeeze3A_490, [1, 0] : vector<128x128xf32> -> vector<128x128xf32>
    %swap3A_492 = arith.constant 13 : index
    %swap3A_493 = arith.constant 128 : index
    %swap3A_494 = arith.constant 0 : index
    %swap3A_495 = vector.load %arg3[%swap3A_492, %swap3A_493, %swap3A_494] : memref<50x400x128xf32, #tpu.memory_space<vmem>>, vector<1x128x128xf32>
    %swap3A_496 = vector.shape_cast %swap3A_495 : vector<1x128x128xf32> to vector<128x128xf32>
    %swap3A_497 = vector.shape_cast %transpose3A_491 : vector<128x128xf32> to vector<1x128x128xf32>
    tpu.vector_store %arg3[%swap3A_492, %swap3A_493, %swap3A_494], %swap3A_497 {strides = array<i32>} : memref<50x400x128xf32, #tpu.memory_space<vmem>>, vector<1x128x128xf32>,
    %slice3A_498 = vector.extract_strided_slice %get3A_2 {offsets = [0, 54, 0], sizes = [128, 1, 128], strides = [1, 1, 1]} : vector<128x200x128xf32> to vector<128x1x128xf32>
    %squeeze3A_499 = vector.shape_cast %slice3A_498 : vector<128x1x128xf32> to vector<128x128xf32>
    %transpose3A_500 = tpu.transpose %squeeze3A_499, [1, 0] : vector<128x128xf32> -> vector<128x128xf32>
    %swap3A_501 = arith.constant 13 : index
    %swap3A_502 = arith.constant 256 : index
    %swap3A_503 = arith.constant 0 : index
    %swap3A_504 = vector.load %arg3[%swap3A_501, %swap3A_502, %swap3A_503] : memref<50x400x128xf32, #tpu.memory_space<vmem>>, vector<1x128x128xf32>
    %swap3A_505 = vector.shape_cast %swap3A_504 : vector<1x128x128xf32> to vector<128x128xf32>
    %swap3A_506 = vector.shape_cast %transpose3A_500 : vector<128x128xf32> to vector<1x128x128xf32>
    tpu.vector_store %arg3[%swap3A_501, %swap3A_502, %swap3A_503], %swap3A_506 {strides = array<i32>} : memref<50x400x128xf32, #tpu.memory_space<vmem>>, vector<1x128x128xf32>,
    %slice3A_507 = vector.extract_strided_slice %get3A_2 {offsets = [0, 55, 0], sizes = [128, 1, 128], strides = [1, 1, 1]} : vector<128x200x128xf32> to vector<128x1x128xf32>
    %squeeze3A_508 = vector.shape_cast %slice3A_507 : vector<128x1x128xf32> to vector<128x128xf32>
    %transpose3A_509 = tpu.transpose %squeeze3A_508, [1, 0] : vector<128x128xf32> -> vector<128x128xf32>
    %slice3A_510 = vector.extract_strided_slice %transpose3A_509 {offsets = [0, 0], sizes = [16, 128], strides = [1, 1]} : vector<128x128xf32> to vector<16x128xf32>
    %swap3A_511 = arith.constant 13 : index
    %swap3A_512 = arith.constant 384 : index
    %swap3A_513 = arith.constant 0 : index
    %swap3A_514 = vector.load %arg3[%swap3A_511, %swap3A_512, %swap3A_513] : memref<50x400x128xf32, #tpu.memory_space<vmem>>, vector<1x16x128xf32>
    %swap3A_515 = vector.shape_cast %swap3A_514 : vector<1x16x128xf32> to vector<16x128xf32>
    %swap3A_516 = vector.shape_cast %slice3A_510 : vector<16x128xf32> to vector<1x16x128xf32>
    tpu.vector_store %arg3[%swap3A_511, %swap3A_512, %swap3A_513], %swap3A_516 {strides = array<i32>} : memref<50x400x128xf32, #tpu.memory_space<vmem>>, vector<1x16x128xf32>,
    %slice3A_517 = vector.extract_strided_slice %get3A_2 {offsets = [0, 56, 0], sizes = [128, 1, 128], strides = [1, 1, 1]} : vector<128x200x128xf32> to vector<128x1x128xf32>
    %squeeze3A_518 = vector.shape_cast %slice3A_517 : vector<128x1x128xf32> to vector<128x128xf32>
    %transpose3A_519 = tpu.transpose %squeeze3A_518, [1, 0] : vector<128x128xf32> -> vector<128x128xf32>
    %swap3A_520 = arith.constant 14 : index
    %swap3A_521 = arith.constant 0 : index
    %swap3A_522 = arith.constant 0 : index
    %swap3A_523 = vector.load %arg3[%swap3A_520, %swap3A_521, %swap3A_522] : memref<50x400x128xf32, #tpu.memory_space<vmem>>, vector<1x128x128xf32>
    %swap3A_524 = vector.shape_cast %swap3A_523 : vector<1x128x128xf32> to vector<128x128xf32>
    %swap3A_525 = vector.shape_cast %transpose3A_519 : vector<128x128xf32> to vector<1x128x128xf32>
    tpu.vector_store %arg3[%swap3A_520, %swap3A_521, %swap3A_522], %swap3A_525 {strides = array<i32>} : memref<50x400x128xf32, #tpu.memory_space<vmem>>, vector<1x128x128xf32>,
    %slice3A_526 = vector.extract_strided_slice %get3A_2 {offsets = [0, 57, 0], sizes = [128, 1, 128], strides = [1, 1, 1]} : vector<128x200x128xf32> to vector<128x1x128xf32>
    %squeeze3A_527 = vector.shape_cast %slice3A_526 : vector<128x1x128xf32> to vector<128x128xf32>
    %transpose3A_528 = tpu.transpose %squeeze3A_527, [1, 0] : vector<128x128xf32> -> vector<128x128xf32>
    %swap3A_529 = arith.constant 14 : index
    %swap3A_530 = arith.constant 128 : index
    %swap3A_531 = arith.constant 0 : index
    %swap3A_532 = vector.load %arg3[%swap3A_529, %swap3A_530, %swap3A_531] : memref<50x400x128xf32, #tpu.memory_space<vmem>>, vector<1x128x128xf32>
    %swap3A_533 = vector.shape_cast %swap3A_532 : vector<1x128x128xf32> to vector<128x128xf32>
    %swap3A_534 = vector.shape_cast %transpose3A_528 : vector<128x128xf32> to vector<1x128x128xf32>
    tpu.vector_store %arg3[%swap3A_529, %swap3A_530, %swap3A_531], %swap3A_534 {strides = array<i32>} : memref<50x400x128xf32, #tpu.memory_space<vmem>>, vector<1x128x128xf32>,
    %slice3A_535 = vector.extract_strided_slice %get3A_2 {offsets = [0, 58, 0], sizes = [128, 1, 128], strides = [1, 1, 1]} : vector<128x200x128xf32> to vector<128x1x128xf32>
    %squeeze3A_536 = vector.shape_cast %slice3A_535 : vector<128x1x128xf32> to vector<128x128xf32>
    %transpose3A_537 = tpu.transpose %squeeze3A_536, [1, 0] : vector<128x128xf32> -> vector<128x128xf32>
    %swap3A_538 = arith.constant 14 : index
    %swap3A_539 = arith.constant 256 : index
    %swap3A_540 = arith.constant 0 : index
    %swap3A_541 = vector.load %arg3[%swap3A_538, %swap3A_539, %swap3A_540] : memref<50x400x128xf32, #tpu.memory_space<vmem>>, vector<1x128x128xf32>
    %swap3A_542 = vector.shape_cast %swap3A_541 : vector<1x128x128xf32> to vector<128x128xf32>
    %swap3A_543 = vector.shape_cast %transpose3A_537 : vector<128x128xf32> to vector<1x128x128xf32>
    tpu.vector_store %arg3[%swap3A_538, %swap3A_539, %swap3A_540], %swap3A_543 {strides = array<i32>} : memref<50x400x128xf32, #tpu.memory_space<vmem>>, vector<1x128x128xf32>,
    %slice3A_544 = vector.extract_strided_slice %get3A_2 {offsets = [0, 59, 0], sizes = [128, 1, 128], strides = [1, 1, 1]} : vector<128x200x128xf32> to vector<128x1x128xf32>
    %squeeze3A_545 = vector.shape_cast %slice3A_544 : vector<128x1x128xf32> to vector<128x128xf32>
    %transpose3A_546 = tpu.transpose %squeeze3A_545, [1, 0] : vector<128x128xf32> -> vector<128x128xf32>
    %slice3A_547 = vector.extract_strided_slice %transpose3A_546 {offsets = [0, 0], sizes = [16, 128], strides = [1, 1]} : vector<128x128xf32> to vector<16x128xf32>
    %swap3A_548 = arith.constant 14 : index
    %swap3A_549 = arith.constant 384 : index
    %swap3A_550 = arith.constant 0 : index
    %swap3A_551 = vector.load %arg3[%swap3A_548, %swap3A_549, %swap3A_550] : memref<50x400x128xf32, #tpu.memory_space<vmem>>, vector<1x16x128xf32>
    %swap3A_552 = vector.shape_cast %swap3A_551 : vector<1x16x128xf32> to vector<16x128xf32>
    %swap3A_553 = vector.shape_cast %slice3A_547 : vector<16x128xf32> to vector<1x16x128xf32>
    tpu.vector_store %arg3[%swap3A_548, %swap3A_549, %swap3A_550], %swap3A_553 {strides = array<i32>} : memref<50x400x128xf32, #tpu.memory_space<vmem>>, vector<1x16x128xf32>,
    %slice3A_554 = vector.extract_strided_slice %get3A_2 {offsets = [0, 60, 0], sizes = [128, 1, 128], strides = [1, 1, 1]} : vector<128x200x128xf32> to vector<128x1x128xf32>
    %squeeze3A_555 = vector.shape_cast %slice3A_554 : vector<128x1x128xf32> to vector<128x128xf32>
    %transpose3A_556 = tpu.transpose %squeeze3A_555, [1, 0] : vector<128x128xf32> -> vector<128x128xf32>
    %swap3A_557 = arith.constant 15 : index
    %swap3A_558 = arith.constant 0 : index
    %swap3A_559 = arith.constant 0 : index
    %swap3A_560 = vector.load %arg3[%swap3A_557, %swap3A_558, %swap3A_559] : memref<50x400x128xf32, #tpu.memory_space<vmem>>, vector<1x128x128xf32>
    %swap3A_561 = vector.shape_cast %swap3A_560 : vector<1x128x128xf32> to vector<128x128xf32>
    %swap3A_562 = vector.shape_cast %transpose3A_556 : vector<128x128xf32> to vector<1x128x128xf32>
    tpu.vector_store %arg3[%swap3A_557, %swap3A_558, %swap3A_559], %swap3A_562 {strides = array<i32>} : memref<50x400x128xf32, #tpu.memory_space<vmem>>, vector<1x128x128xf32>,
    %slice3A_563 = vector.extract_strided_slice %get3A_2 {offsets = [0, 61, 0], sizes = [128, 1, 128], strides = [1, 1, 1]} : vector<128x200x128xf32> to vector<128x1x128xf32>
    %squeeze3A_564 = vector.shape_cast %slice3A_563 : vector<128x1x128xf32> to vector<128x128xf32>
    %transpose3A_565 = tpu.transpose %squeeze3A_564, [1, 0] : vector<128x128xf32> -> vector<128x128xf32>
    %swap3A_566 = arith.constant 15 : index
    %swap3A_567 = arith.constant 128 : index
    %swap3A_568 = arith.constant 0 : index
    %swap3A_569 = vector.load %arg3[%swap3A_566, %swap3A_567, %swap3A_568] : memref<50x400x128xf32, #tpu.memory_space<vmem>>, vector<1x128x128xf32>
    %swap3A_570 = vector.shape_cast %swap3A_569 : vector<1x128x128xf32> to vector<128x128xf32>
    %swap3A_571 = vector.shape_cast %transpose3A_565 : vector<128x128xf32> to vector<1x128x128xf32>
    tpu.vector_store %arg3[%swap3A_566, %swap3A_567, %swap3A_568], %swap3A_571 {strides = array<i32>} : memref<50x400x128xf32, #tpu.memory_space<vmem>>, vector<1x128x128xf32>,
    %slice3A_572 = vector.extract_strided_slice %get3A_2 {offsets = [0, 62, 0], sizes = [128, 1, 128], strides = [1, 1, 1]} : vector<128x200x128xf32> to vector<128x1x128xf32>
    %squeeze3A_573 = vector.shape_cast %slice3A_572 : vector<128x1x128xf32> to vector<128x128xf32>
    %transpose3A_574 = tpu.transpose %squeeze3A_573, [1, 0] : vector<128x128xf32> -> vector<128x128xf32>
    %swap3A_575 = arith.constant 15 : index
    %swap3A_576 = arith.constant 256 : index
    %swap3A_577 = arith.constant 0 : index
    %swap3A_578 = vector.load %arg3[%swap3A_575, %swap3A_576, %swap3A_577] : memref<50x400x128xf32, #tpu.memory_space<vmem>>, vector<1x128x128xf32>
    %swap3A_579 = vector.shape_cast %swap3A_578 : vector<1x128x128xf32> to vector<128x128xf32>
    %swap3A_580 = vector.shape_cast %transpose3A_574 : vector<128x128xf32> to vector<1x128x128xf32>
    tpu.vector_store %arg3[%swap3A_575, %swap3A_576, %swap3A_577], %swap3A_580 {strides = array<i32>} : memref<50x400x128xf32, #tpu.memory_space<vmem>>, vector<1x128x128xf32>,
    %slice3A_581 = vector.extract_strided_slice %get3A_2 {offsets = [0, 63, 0], sizes = [128, 1, 128], strides = [1, 1, 1]} : vector<128x200x128xf32> to vector<128x1x128xf32>
    %squeeze3A_582 = vector.shape_cast %slice3A_581 : vector<128x1x128xf32> to vector<128x128xf32>
    %transpose3A_583 = tpu.transpose %squeeze3A_582, [1, 0] : vector<128x128xf32> -> vector<128x128xf32>
    %slice3A_584 = vector.extract_strided_slice %transpose3A_583 {offsets = [0, 0], sizes = [16, 128], strides = [1, 1]} : vector<128x128xf32> to vector<16x128xf32>
    %swap3A_585 = arith.constant 15 : index
    %swap3A_586 = arith.constant 384 : index
    %swap3A_587 = arith.constant 0 : index
    %swap3A_588 = vector.load %arg3[%swap3A_585, %swap3A_586, %swap3A_587] : memref<50x400x128xf32, #tpu.memory_space<vmem>>, vector<1x16x128xf32>
    %swap3A_589 = vector.shape_cast %swap3A_588 : vector<1x16x128xf32> to vector<16x128xf32>
    %swap3A_590 = vector.shape_cast %slice3A_584 : vector<16x128xf32> to vector<1x16x128xf32>
    tpu.vector_store %arg3[%swap3A_585, %swap3A_586, %swap3A_587], %swap3A_590 {strides = array<i32>} : memref<50x400x128xf32, #tpu.memory_space<vmem>>, vector<1x16x128xf32>,
    %slice3A_591 = vector.extract_strided_slice %get3A_2 {offsets = [0, 64, 0], sizes = [128, 1, 128], strides = [1, 1, 1]} : vector<128x200x128xf32> to vector<128x1x128xf32>
    %squeeze3A_592 = vector.shape_cast %slice3A_591 : vector<128x1x128xf32> to vector<128x128xf32>
    %transpose3A_593 = tpu.transpose %squeeze3A_592, [1, 0] : vector<128x128xf32> -> vector<128x128xf32>
    %swap3A_594 = arith.constant 16 : index
    %swap3A_595 = arith.constant 0 : index
    %swap3A_596 = arith.constant 0 : index
    %swap3A_597 = vector.load %arg3[%swap3A_594, %swap3A_595, %swap3A_596] : memref<50x400x128xf32, #tpu.memory_space<vmem>>, vector<1x128x128xf32>
    %swap3A_598 = vector.shape_cast %swap3A_597 : vector<1x128x128xf32> to vector<128x128xf32>
    %swap3A_599 = vector.shape_cast %transpose3A_593 : vector<128x128xf32> to vector<1x128x128xf32>
    tpu.vector_store %arg3[%swap3A_594, %swap3A_595, %swap3A_596], %swap3A_599 {strides = array<i32>} : memref<50x400x128xf32, #tpu.memory_space<vmem>>, vector<1x128x128xf32>,
    %slice3A_600 = vector.extract_strided_slice %get3A_2 {offsets = [0, 65, 0], sizes = [128, 1, 128], strides = [1, 1, 1]} : vector<128x200x128xf32> to vector<128x1x128xf32>
    %squeeze3A_601 = vector.shape_cast %slice3A_600 : vector<128x1x128xf32> to vector<128x128xf32>
    %transpose3A_602 = tpu.transpose %squeeze3A_601, [1, 0] : vector<128x128xf32> -> vector<128x128xf32>
    %swap3A_603 = arith.constant 16 : index
    %swap3A_604 = arith.constant 128 : index
    %swap3A_605 = arith.constant 0 : index
    %swap3A_606 = vector.load %arg3[%swap3A_603, %swap3A_604, %swap3A_605] : memref<50x400x128xf32, #tpu.memory_space<vmem>>, vector<1x128x128xf32>
    %swap3A_607 = vector.shape_cast %swap3A_606 : vector<1x128x128xf32> to vector<128x128xf32>
    %swap3A_608 = vector.shape_cast %transpose3A_602 : vector<128x128xf32> to vector<1x128x128xf32>
    tpu.vector_store %arg3[%swap3A_603, %swap3A_604, %swap3A_605], %swap3A_608 {strides = array<i32>} : memref<50x400x128xf32, #tpu.memory_space<vmem>>, vector<1x128x128xf32>,
    %slice3A_609 = vector.extract_strided_slice %get3A_2 {offsets = [0, 66, 0], sizes = [128, 1, 128], strides = [1, 1, 1]} : vector<128x200x128xf32> to vector<128x1x128xf32>
    %squeeze3A_610 = vector.shape_cast %slice3A_609 : vector<128x1x128xf32> to vector<128x128xf32>
    %transpose3A_611 = tpu.transpose %squeeze3A_610, [1, 0] : vector<128x128xf32> -> vector<128x128xf32>
    %swap3A_612 = arith.constant 16 : index
    %swap3A_613 = arith.constant 256 : index
    %swap3A_614 = arith.constant 0 : index
    %swap3A_615 = vector.load %arg3[%swap3A_612, %swap3A_613, %swap3A_614] : memref<50x400x128xf32, #tpu.memory_space<vmem>>, vector<1x128x128xf32>
    %swap3A_616 = vector.shape_cast %swap3A_615 : vector<1x128x128xf32> to vector<128x128xf32>
    %swap3A_617 = vector.shape_cast %transpose3A_611 : vector<128x128xf32> to vector<1x128x128xf32>
    tpu.vector_store %arg3[%swap3A_612, %swap3A_613, %swap3A_614], %swap3A_617 {strides = array<i32>} : memref<50x400x128xf32, #tpu.memory_space<vmem>>, vector<1x128x128xf32>,
    %slice3A_618 = vector.extract_strided_slice %get3A_2 {offsets = [0, 67, 0], sizes = [128, 1, 128], strides = [1, 1, 1]} : vector<128x200x128xf32> to vector<128x1x128xf32>
    %squeeze3A_619 = vector.shape_cast %slice3A_618 : vector<128x1x128xf32> to vector<128x128xf32>
    %transpose3A_620 = tpu.transpose %squeeze3A_619, [1, 0] : vector<128x128xf32> -> vector<128x128xf32>
    %slice3A_621 = vector.extract_strided_slice %transpose3A_620 {offsets = [0, 0], sizes = [16, 128], strides = [1, 1]} : vector<128x128xf32> to vector<16x128xf32>
    %swap3A_622 = arith.constant 16 : index
    %swap3A_623 = arith.constant 384 : index
    %swap3A_624 = arith.constant 0 : index
    %swap3A_625 = vector.load %arg3[%swap3A_622, %swap3A_623, %swap3A_624] : memref<50x400x128xf32, #tpu.memory_space<vmem>>, vector<1x16x128xf32>
    %swap3A_626 = vector.shape_cast %swap3A_625 : vector<1x16x128xf32> to vector<16x128xf32>
    %swap3A_627 = vector.shape_cast %slice3A_621 : vector<16x128xf32> to vector<1x16x128xf32>
    tpu.vector_store %arg3[%swap3A_622, %swap3A_623, %swap3A_624], %swap3A_627 {strides = array<i32>} : memref<50x400x128xf32, #tpu.memory_space<vmem>>, vector<1x16x128xf32>,
    %slice3A_628 = vector.extract_strided_slice %get3A_2 {offsets = [0, 68, 0], sizes = [128, 1, 128], strides = [1, 1, 1]} : vector<128x200x128xf32> to vector<128x1x128xf32>
    %squeeze3A_629 = vector.shape_cast %slice3A_628 : vector<128x1x128xf32> to vector<128x128xf32>
    %transpose3A_630 = tpu.transpose %squeeze3A_629, [1, 0] : vector<128x128xf32> -> vector<128x128xf32>
    %swap3A_631 = arith.constant 17 : index
    %swap3A_632 = arith.constant 0 : index
    %swap3A_633 = arith.constant 0 : index
    %swap3A_634 = vector.load %arg3[%swap3A_631, %swap3A_632, %swap3A_633] : memref<50x400x128xf32, #tpu.memory_space<vmem>>, vector<1x128x128xf32>
    %swap3A_635 = vector.shape_cast %swap3A_634 : vector<1x128x128xf32> to vector<128x128xf32>
    %swap3A_636 = vector.shape_cast %transpose3A_630 : vector<128x128xf32> to vector<1x128x128xf32>
    tpu.vector_store %arg3[%swap3A_631, %swap3A_632, %swap3A_633], %swap3A_636 {strides = array<i32>} : memref<50x400x128xf32, #tpu.memory_space<vmem>>, vector<1x128x128xf32>,
    %slice3A_637 = vector.extract_strided_slice %get3A_2 {offsets = [0, 69, 0], sizes = [128, 1, 128], strides = [1, 1, 1]} : vector<128x200x128xf32> to vector<128x1x128xf32>
    %squeeze3A_638 = vector.shape_cast %slice3A_637 : vector<128x1x128xf32> to vector<128x128xf32>
    %transpose3A_639 = tpu.transpose %squeeze3A_638, [1, 0] : vector<128x128xf32> -> vector<128x128xf32>
    %swap3A_640 = arith.constant 17 : index
    %swap3A_641 = arith.constant 128 : index
    %swap3A_642 = arith.constant 0 : index
    %swap3A_643 = vector.load %arg3[%swap3A_640, %swap3A_641, %swap3A_642] : memref<50x400x128xf32, #tpu.memory_space<vmem>>, vector<1x128x128xf32>
    %swap3A_644 = vector.shape_cast %swap3A_643 : vector<1x128x128xf32> to vector<128x128xf32>
    %swap3A_645 = vector.shape_cast %transpose3A_639 : vector<128x128xf32> to vector<1x128x128xf32>
    tpu.vector_store %arg3[%swap3A_640, %swap3A_641, %swap3A_642], %swap3A_645 {strides = array<i32>} : memref<50x400x128xf32, #tpu.memory_space<vmem>>, vector<1x128x128xf32>,
    %slice3A_646 = vector.extract_strided_slice %get3A_2 {offsets = [0, 70, 0], sizes = [128, 1, 128], strides = [1, 1, 1]} : vector<128x200x128xf32> to vector<128x1x128xf32>
    %squeeze3A_647 = vector.shape_cast %slice3A_646 : vector<128x1x128xf32> to vector<128x128xf32>
    %transpose3A_648 = tpu.transpose %squeeze3A_647, [1, 0] : vector<128x128xf32> -> vector<128x128xf32>
    %swap3A_649 = arith.constant 17 : index
    %swap3A_650 = arith.constant 256 : index
    %swap3A_651 = arith.constant 0 : index
    %swap3A_652 = vector.load %arg3[%swap3A_649, %swap3A_650, %swap3A_651] : memref<50x400x128xf32, #tpu.memory_space<vmem>>, vector<1x128x128xf32>
    %swap3A_653 = vector.shape_cast %swap3A_652 : vector<1x128x128xf32> to vector<128x128xf32>
    %swap3A_654 = vector.shape_cast %transpose3A_648 : vector<128x128xf32> to vector<1x128x128xf32>
    tpu.vector_store %arg3[%swap3A_649, %swap3A_650, %swap3A_651], %swap3A_654 {strides = array<i32>} : memref<50x400x128xf32, #tpu.memory_space<vmem>>, vector<1x128x128xf32>,
    %slice3A_655 = vector.extract_strided_slice %get3A_2 {offsets = [0, 71, 0], sizes = [128, 1, 128], strides = [1, 1, 1]} : vector<128x200x128xf32> to vector<128x1x128xf32>
    %squeeze3A_656 = vector.shape_cast %slice3A_655 : vector<128x1x128xf32> to vector<128x128xf32>
    %transpose3A_657 = tpu.transpose %squeeze3A_656, [1, 0] : vector<128x128xf32> -> vector<128x128xf32>
    %slice3A_658 = vector.extract_strided_slice %transpose3A_657 {offsets = [0, 0], sizes = [16, 128], strides = [1, 1]} : vector<128x128xf32> to vector<16x128xf32>
    %swap3A_659 = arith.constant 17 : index
    %swap3A_660 = arith.constant 384 : index
    %swap3A_661 = arith.constant 0 : index
    %swap3A_662 = vector.load %arg3[%swap3A_659, %swap3A_660, %swap3A_661] : memref<50x400x128xf32, #tpu.memory_space<vmem>>, vector<1x16x128xf32>
    %swap3A_663 = vector.shape_cast %swap3A_662 : vector<1x16x128xf32> to vector<16x128xf32>
    %swap3A_664 = vector.shape_cast %slice3A_658 : vector<16x128xf32> to vector<1x16x128xf32>
    tpu.vector_store %arg3[%swap3A_659, %swap3A_660, %swap3A_661], %swap3A_664 {strides = array<i32>} : memref<50x400x128xf32, #tpu.memory_space<vmem>>, vector<1x16x128xf32>,
    %slice3A_665 = vector.extract_strided_slice %get3A_2 {offsets = [0, 72, 0], sizes = [128, 1, 128], strides = [1, 1, 1]} : vector<128x200x128xf32> to vector<128x1x128xf32>
    %squeeze3A_666 = vector.shape_cast %slice3A_665 : vector<128x1x128xf32> to vector<128x128xf32>
    %transpose3A_667 = tpu.transpose %squeeze3A_666, [1, 0] : vector<128x128xf32> -> vector<128x128xf32>
    %swap3A_668 = arith.constant 18 : index
    %swap3A_669 = arith.constant 0 : index
    %swap3A_670 = arith.constant 0 : index
    %swap3A_671 = vector.load %arg3[%swap3A_668, %swap3A_669, %swap3A_670] : memref<50x400x128xf32, #tpu.memory_space<vmem>>, vector<1x128x128xf32>
    %swap3A_672 = vector.shape_cast %swap3A_671 : vector<1x128x128xf32> to vector<128x128xf32>
    %swap3A_673 = vector.shape_cast %transpose3A_667 : vector<128x128xf32> to vector<1x128x128xf32>
    tpu.vector_store %arg3[%swap3A_668, %swap3A_669, %swap3A_670], %swap3A_673 {strides = array<i32>} : memref<50x400x128xf32, #tpu.memory_space<vmem>>, vector<1x128x128xf32>,
    %slice3A_674 = vector.extract_strided_slice %get3A_2 {offsets = [0, 73, 0], sizes = [128, 1, 128], strides = [1, 1, 1]} : vector<128x200x128xf32> to vector<128x1x128xf32>
    %squeeze3A_675 = vector.shape_cast %slice3A_674 : vector<128x1x128xf32> to vector<128x128xf32>
    %transpose3A_676 = tpu.transpose %squeeze3A_675, [1, 0] : vector<128x128xf32> -> vector<128x128xf32>
    %swap3A_677 = arith.constant 18 : index
    %swap3A_678 = arith.constant 128 : index
    %swap3A_679 = arith.constant 0 : index
    %swap3A_680 = vector.load %arg3[%swap3A_677, %swap3A_678, %swap3A_679] : memref<50x400x128xf32, #tpu.memory_space<vmem>>, vector<1x128x128xf32>
    %swap3A_681 = vector.shape_cast %swap3A_680 : vector<1x128x128xf32> to vector<128x128xf32>
    %swap3A_682 = vector.shape_cast %transpose3A_676 : vector<128x128xf32> to vector<1x128x128xf32>
    tpu.vector_store %arg3[%swap3A_677, %swap3A_678, %swap3A_679], %swap3A_682 {strides = array<i32>} : memref<50x400x128xf32, #tpu.memory_space<vmem>>, vector<1x128x128xf32>,
    %slice3A_683 = vector.extract_strided_slice %get3A_2 {offsets = [0, 74, 0], sizes = [128, 1, 128], strides = [1, 1, 1]} : vector<128x200x128xf32> to vector<128x1x128xf32>
    %squeeze3A_684 = vector.shape_cast %slice3A_683 : vector<128x1x128xf32> to vector<128x128xf32>
    %transpose3A_685 = tpu.transpose %squeeze3A_684, [1, 0] : vector<128x128xf32> -> vector<128x128xf32>
    %swap3A_686 = arith.constant 18 : index
    %swap3A_687 = arith.constant 256 : index
    %swap3A_688 = arith.constant 0 : index
    %swap3A_689 = vector.load %arg3[%swap3A_686, %swap3A_687, %swap3A_688] : memref<50x400x128xf32, #tpu.memory_space<vmem>>, vector<1x128x128xf32>
    %swap3A_690 = vector.shape_cast %swap3A_689 : vector<1x128x128xf32> to vector<128x128xf32>
    %swap3A_691 = vector.shape_cast %transpose3A_685 : vector<128x128xf32> to vector<1x128x128xf32>
    tpu.vector_store %arg3[%swap3A_686, %swap3A_687, %swap3A_688], %swap3A_691 {strides = array<i32>} : memref<50x400x128xf32, #tpu.memory_space<vmem>>, vector<1x128x128xf32>,
    %slice3A_692 = vector.extract_strided_slice %get3A_2 {offsets = [0, 75, 0], sizes = [128, 1, 128], strides = [1, 1, 1]} : vector<128x200x128xf32> to vector<128x1x128xf32>
    %squeeze3A_693 = vector.shape_cast %slice3A_692 : vector<128x1x128xf32> to vector<128x128xf32>
    %transpose3A_694 = tpu.transpose %squeeze3A_693, [1, 0] : vector<128x128xf32> -> vector<128x128xf32>
    %slice3A_695 = vector.extract_strided_slice %transpose3A_694 {offsets = [0, 0], sizes = [16, 128], strides = [1, 1]} : vector<128x128xf32> to vector<16x128xf32>
    %swap3A_696 = arith.constant 18 : index
    %swap3A_697 = arith.constant 384 : index
    %swap3A_698 = arith.constant 0 : index
    %swap3A_699 = vector.load %arg3[%swap3A_696, %swap3A_697, %swap3A_698] : memref<50x400x128xf32, #tpu.memory_space<vmem>>, vector<1x16x128xf32>
    %swap3A_700 = vector.shape_cast %swap3A_699 : vector<1x16x128xf32> to vector<16x128xf32>
    %swap3A_701 = vector.shape_cast %slice3A_695 : vector<16x128xf32> to vector<1x16x128xf32>
    tpu.vector_store %arg3[%swap3A_696, %swap3A_697, %swap3A_698], %swap3A_701 {strides = array<i32>} : memref<50x400x128xf32, #tpu.memory_space<vmem>>, vector<1x16x128xf32>,
    %slice3A_702 = vector.extract_strided_slice %get3A_2 {offsets = [0, 76, 0], sizes = [128, 1, 128], strides = [1, 1, 1]} : vector<128x200x128xf32> to vector<128x1x128xf32>
    %squeeze3A_703 = vector.shape_cast %slice3A_702 : vector<128x1x128xf32> to vector<128x128xf32>
    %transpose3A_704 = tpu.transpose %squeeze3A_703, [1, 0] : vector<128x128xf32> -> vector<128x128xf32>
    %swap3A_705 = arith.constant 19 : index
    %swap3A_706 = arith.constant 0 : index
    %swap3A_707 = arith.constant 0 : index
    %swap3A_708 = vector.load %arg3[%swap3A_705, %swap3A_706, %swap3A_707] : memref<50x400x128xf32, #tpu.memory_space<vmem>>, vector<1x128x128xf32>
    %swap3A_709 = vector.shape_cast %swap3A_708 : vector<1x128x128xf32> to vector<128x128xf32>
    %swap3A_710 = vector.shape_cast %transpose3A_704 : vector<128x128xf32> to vector<1x128x128xf32>
    tpu.vector_store %arg3[%swap3A_705, %swap3A_706, %swap3A_707], %swap3A_710 {strides = array<i32>} : memref<50x400x128xf32, #tpu.memory_space<vmem>>, vector<1x128x128xf32>,
    %slice3A_711 = vector.extract_strided_slice %get3A_2 {offsets = [0, 77, 0], sizes = [128, 1, 128], strides = [1, 1, 1]} : vector<128x200x128xf32> to vector<128x1x128xf32>
    %squeeze3A_712 = vector.shape_cast %slice3A_711 : vector<128x1x128xf32> to vector<128x128xf32>
    %transpose3A_713 = tpu.transpose %squeeze3A_712, [1, 0] : vector<128x128xf32> -> vector<128x128xf32>
    %swap3A_714 = arith.constant 19 : index
    %swap3A_715 = arith.constant 128 : index
    %swap3A_716 = arith.constant 0 : index
    %swap3A_717 = vector.load %arg3[%swap3A_714, %swap3A_715, %swap3A_716] : memref<50x400x128xf32, #tpu.memory_space<vmem>>, vector<1x128x128xf32>
    %swap3A_718 = vector.shape_cast %swap3A_717 : vector<1x128x128xf32> to vector<128x128xf32>
    %swap3A_719 = vector.shape_cast %transpose3A_713 : vector<128x128xf32> to vector<1x128x128xf32>
    tpu.vector_store %arg3[%swap3A_714, %swap3A_715, %swap3A_716], %swap3A_719 {strides = array<i32>} : memref<50x400x128xf32, #tpu.memory_space<vmem>>, vector<1x128x128xf32>,
    %slice3A_720 = vector.extract_strided_slice %get3A_2 {offsets = [0, 78, 0], sizes = [128, 1, 128], strides = [1, 1, 1]} : vector<128x200x128xf32> to vector<128x1x128xf32>
    %squeeze3A_721 = vector.shape_cast %slice3A_720 : vector<128x1x128xf32> to vector<128x128xf32>
    %transpose3A_722 = tpu.transpose %squeeze3A_721, [1, 0] : vector<128x128xf32> -> vector<128x128xf32>
    %swap3A_723 = arith.constant 19 : index
    %swap3A_724 = arith.constant 256 : index
    %swap3A_725 = arith.constant 0 : index
    %swap3A_726 = vector.load %arg3[%swap3A_723, %swap3A_724, %swap3A_725] : memref<50x400x128xf32, #tpu.memory_space<vmem>>, vector<1x128x128xf32>
    %swap3A_727 = vector.shape_cast %swap3A_726 : vector<1x128x128xf32> to vector<128x128xf32>
    %swap3A_728 = vector.shape_cast %transpose3A_722 : vector<128x128xf32> to vector<1x128x128xf32>
    tpu.vector_store %arg3[%swap3A_723, %swap3A_724, %swap3A_725], %swap3A_728 {strides = array<i32>} : memref<50x400x128xf32, #tpu.memory_space<vmem>>, vector<1x128x128xf32>,
    %slice3A_729 = vector.extract_strided_slice %get3A_2 {offsets = [0, 79, 0], sizes = [128, 1, 128], strides = [1, 1, 1]} : vector<128x200x128xf32> to vector<128x1x128xf32>
    %squeeze3A_730 = vector.shape_cast %slice3A_729 : vector<128x1x128xf32> to vector<128x128xf32>
    %transpose3A_731 = tpu.transpose %squeeze3A_730, [1, 0] : vector<128x128xf32> -> vector<128x128xf32>
    %slice3A_732 = vector.extract_strided_slice %transpose3A_731 {offsets = [0, 0], sizes = [16, 128], strides = [1, 1]} : vector<128x128xf32> to vector<16x128xf32>
    %swap3A_733 = arith.constant 19 : index
    %swap3A_734 = arith.constant 384 : index
    %swap3A_735 = arith.constant 0 : index
    %swap3A_736 = vector.load %arg3[%swap3A_733, %swap3A_734, %swap3A_735] : memref<50x400x128xf32, #tpu.memory_space<vmem>>, vector<1x16x128xf32>
    %swap3A_737 = vector.shape_cast %swap3A_736 : vector<1x16x128xf32> to vector<16x128xf32>
    %swap3A_738 = vector.shape_cast %slice3A_732 : vector<16x128xf32> to vector<1x16x128xf32>
    tpu.vector_store %arg3[%swap3A_733, %swap3A_734, %swap3A_735], %swap3A_738 {strides = array<i32>} : memref<50x400x128xf32, #tpu.memory_space<vmem>>, vector<1x16x128xf32>,
    %slice3A_739 = vector.extract_strided_slice %get3A_2 {offsets = [0, 80, 0], sizes = [128, 1, 128], strides = [1, 1, 1]} : vector<128x200x128xf32> to vector<128x1x128xf32>
    %squeeze3A_740 = vector.shape_cast %slice3A_739 : vector<128x1x128xf32> to vector<128x128xf32>
    %transpose3A_741 = tpu.transpose %squeeze3A_740, [1, 0] : vector<128x128xf32> -> vector<128x128xf32>
    %swap3A_742 = arith.constant 20 : index
    %swap3A_743 = arith.constant 0 : index
    %swap3A_744 = arith.constant 0 : index
    %swap3A_745 = vector.load %arg3[%swap3A_742, %swap3A_743, %swap3A_744] : memref<50x400x128xf32, #tpu.memory_space<vmem>>, vector<1x128x128xf32>
    %swap3A_746 = vector.shape_cast %swap3A_745 : vector<1x128x128xf32> to vector<128x128xf32>
    %swap3A_747 = vector.shape_cast %transpose3A_741 : vector<128x128xf32> to vector<1x128x128xf32>
    tpu.vector_store %arg3[%swap3A_742, %swap3A_743, %swap3A_744], %swap3A_747 {strides = array<i32>} : memref<50x400x128xf32, #tpu.memory_space<vmem>>, vector<1x128x128xf32>,
    %slice3A_748 = vector.extract_strided_slice %get3A_2 {offsets = [0, 81, 0], sizes = [128, 1, 128], strides = [1, 1, 1]} : vector<128x200x128xf32> to vector<128x1x128xf32>
    %squeeze3A_749 = vector.shape_cast %slice3A_748 : vector<128x1x128xf32> to vector<128x128xf32>
    %transpose3A_750 = tpu.transpose %squeeze3A_749, [1, 0] : vector<128x128xf32> -> vector<128x128xf32>
    %swap3A_751 = arith.constant 20 : index
    %swap3A_752 = arith.constant 128 : index
    %swap3A_753 = arith.constant 0 : index
    %swap3A_754 = vector.load %arg3[%swap3A_751, %swap3A_752, %swap3A_753] : memref<50x400x128xf32, #tpu.memory_space<vmem>>, vector<1x128x128xf32>
    %swap3A_755 = vector.shape_cast %swap3A_754 : vector<1x128x128xf32> to vector<128x128xf32>
    %swap3A_756 = vector.shape_cast %transpose3A_750 : vector<128x128xf32> to vector<1x128x128xf32>
    tpu.vector_store %arg3[%swap3A_751, %swap3A_752, %swap3A_753], %swap3A_756 {strides = array<i32>} : memref<50x400x128xf32, #tpu.memory_space<vmem>>, vector<1x128x128xf32>,
    %slice3A_757 = vector.extract_strided_slice %get3A_2 {offsets = [0, 82, 0], sizes = [128, 1, 128], strides = [1, 1, 1]} : vector<128x200x128xf32> to vector<128x1x128xf32>
    %squeeze3A_758 = vector.shape_cast %slice3A_757 : vector<128x1x128xf32> to vector<128x128xf32>
    %transpose3A_759 = tpu.transpose %squeeze3A_758, [1, 0] : vector<128x128xf32> -> vector<128x128xf32>
    %swap3A_760 = arith.constant 20 : index
    %swap3A_761 = arith.constant 256 : index
    %swap3A_762 = arith.constant 0 : index
    %swap3A_763 = vector.load %arg3[%swap3A_760, %swap3A_761, %swap3A_762] : memref<50x400x128xf32, #tpu.memory_space<vmem>>, vector<1x128x128xf32>
    %swap3A_764 = vector.shape_cast %swap3A_763 : vector<1x128x128xf32> to vector<128x128xf32>
    %swap3A_765 = vector.shape_cast %transpose3A_759 : vector<128x128xf32> to vector<1x128x128xf32>
    tpu.vector_store %arg3[%swap3A_760, %swap3A_761, %swap3A_762], %swap3A_765 {strides = array<i32>} : memref<50x400x128xf32, #tpu.memory_space<vmem>>, vector<1x128x128xf32>,
    %slice3A_766 = vector.extract_strided_slice %get3A_2 {offsets = [0, 83, 0], sizes = [128, 1, 128], strides = [1, 1, 1]} : vector<128x200x128xf32> to vector<128x1x128xf32>
    %squeeze3A_767 = vector.shape_cast %slice3A_766 : vector<128x1x128xf32> to vector<128x128xf32>
    %transpose3A_768 = tpu.transpose %squeeze3A_767, [1, 0] : vector<128x128xf32> -> vector<128x128xf32>
    %slice3A_769 = vector.extract_strided_slice %transpose3A_768 {offsets = [0, 0], sizes = [16, 128], strides = [1, 1]} : vector<128x128xf32> to vector<16x128xf32>
    %swap3A_770 = arith.constant 20 : index
    %swap3A_771 = arith.constant 384 : index
    %swap3A_772 = arith.constant 0 : index
    %swap3A_773 = vector.load %arg3[%swap3A_770, %swap3A_771, %swap3A_772] : memref<50x400x128xf32, #tpu.memory_space<vmem>>, vector<1x16x128xf32>
    %swap3A_774 = vector.shape_cast %swap3A_773 : vector<1x16x128xf32> to vector<16x128xf32>
    %swap3A_775 = vector.shape_cast %slice3A_769 : vector<16x128xf32> to vector<1x16x128xf32>
    tpu.vector_store %arg3[%swap3A_770, %swap3A_771, %swap3A_772], %swap3A_775 {strides = array<i32>} : memref<50x400x128xf32, #tpu.memory_space<vmem>>, vector<1x16x128xf32>,
    %slice3A_776 = vector.extract_strided_slice %get3A_2 {offsets = [0, 84, 0], sizes = [128, 1, 128], strides = [1, 1, 1]} : vector<128x200x128xf32> to vector<128x1x128xf32>
    %squeeze3A_777 = vector.shape_cast %slice3A_776 : vector<128x1x128xf32> to vector<128x128xf32>
    %transpose3A_778 = tpu.transpose %squeeze3A_777, [1, 0] : vector<128x128xf32> -> vector<128x128xf32>
    %swap3A_779 = arith.constant 21 : index
    %swap3A_780 = arith.constant 0 : index
    %swap3A_781 = arith.constant 0 : index
    %swap3A_782 = vector.load %arg3[%swap3A_779, %swap3A_780, %swap3A_781] : memref<50x400x128xf32, #tpu.memory_space<vmem>>, vector<1x128x128xf32>
    %swap3A_783 = vector.shape_cast %swap3A_782 : vector<1x128x128xf32> to vector<128x128xf32>
    %swap3A_784 = vector.shape_cast %transpose3A_778 : vector<128x128xf32> to vector<1x128x128xf32>
    tpu.vector_store %arg3[%swap3A_779, %swap3A_780, %swap3A_781], %swap3A_784 {strides = array<i32>} : memref<50x400x128xf32, #tpu.memory_space<vmem>>, vector<1x128x128xf32>,
    %slice3A_785 = vector.extract_strided_slice %get3A_2 {offsets = [0, 85, 0], sizes = [128, 1, 128], strides = [1, 1, 1]} : vector<128x200x128xf32> to vector<128x1x128xf32>
    %squeeze3A_786 = vector.shape_cast %slice3A_785 : vector<128x1x128xf32> to vector<128x128xf32>
    %transpose3A_787 = tpu.transpose %squeeze3A_786, [1, 0] : vector<128x128xf32> -> vector<128x128xf32>
    %swap3A_788 = arith.constant 21 : index
    %swap3A_789 = arith.constant 128 : index
    %swap3A_790 = arith.constant 0 : index
    %swap3A_791 = vector.load %arg3[%swap3A_788, %swap3A_789, %swap3A_790] : memref<50x400x128xf32, #tpu.memory_space<vmem>>, vector<1x128x128xf32>
    %swap3A_792 = vector.shape_cast %swap3A_791 : vector<1x128x128xf32> to vector<128x128xf32>
    %swap3A_793 = vector.shape_cast %transpose3A_787 : vector<128x128xf32> to vector<1x128x128xf32>
    tpu.vector_store %arg3[%swap3A_788, %swap3A_789, %swap3A_790], %swap3A_793 {strides = array<i32>} : memref<50x400x128xf32, #tpu.memory_space<vmem>>, vector<1x128x128xf32>,
    %slice3A_794 = vector.extract_strided_slice %get3A_2 {offsets = [0, 86, 0], sizes = [128, 1, 128], strides = [1, 1, 1]} : vector<128x200x128xf32> to vector<128x1x128xf32>
    %squeeze3A_795 = vector.shape_cast %slice3A_794 : vector<128x1x128xf32> to vector<128x128xf32>
    %transpose3A_796 = tpu.transpose %squeeze3A_795, [1, 0] : vector<128x128xf32> -> vector<128x128xf32>
    %swap3A_797 = arith.constant 21 : index
    %swap3A_798 = arith.constant 256 : index
    %swap3A_799 = arith.constant 0 : index
    %swap3A_800 = vector.load %arg3[%swap3A_797, %swap3A_798, %swap3A_799] : memref<50x400x128xf32, #tpu.memory_space<vmem>>, vector<1x128x128xf32>
    %swap3A_801 = vector.shape_cast %swap3A_800 : vector<1x128x128xf32> to vector<128x128xf32>
    %swap3A_802 = vector.shape_cast %transpose3A_796 : vector<128x128xf32> to vector<1x128x128xf32>
    tpu.vector_store %arg3[%swap3A_797, %swap3A_798, %swap3A_799], %swap3A_802 {strides = array<i32>} : memref<50x400x128xf32, #tpu.memory_space<vmem>>, vector<1x128x128xf32>,
    %slice3A_803 = vector.extract_strided_slice %get3A_2 {offsets = [0, 87, 0], sizes = [128, 1, 128], strides = [1, 1, 1]} : vector<128x200x128xf32> to vector<128x1x128xf32>
    %squeeze3A_804 = vector.shape_cast %slice3A_803 : vector<128x1x128xf32> to vector<128x128xf32>
    %transpose3A_805 = tpu.transpose %squeeze3A_804, [1, 0] : vector<128x128xf32> -> vector<128x128xf32>
    %slice3A_806 = vector.extract_strided_slice %transpose3A_805 {offsets = [0, 0], sizes = [16, 128], strides = [1, 1]} : vector<128x128xf32> to vector<16x128xf32>
    %swap3A_807 = arith.constant 21 : index
    %swap3A_808 = arith.constant 384 : index
    %swap3A_809 = arith.constant 0 : index
    %swap3A_810 = vector.load %arg3[%swap3A_807, %swap3A_808, %swap3A_809] : memref<50x400x128xf32, #tpu.memory_space<vmem>>, vector<1x16x128xf32>
    %swap3A_811 = vector.shape_cast %swap3A_810 : vector<1x16x128xf32> to vector<16x128xf32>
    %swap3A_812 = vector.shape_cast %slice3A_806 : vector<16x128xf32> to vector<1x16x128xf32>
    tpu.vector_store %arg3[%swap3A_807, %swap3A_808, %swap3A_809], %swap3A_812 {strides = array<i32>} : memref<50x400x128xf32, #tpu.memory_space<vmem>>, vector<1x16x128xf32>,
    %slice3A_813 = vector.extract_strided_slice %get3A_2 {offsets = [0, 88, 0], sizes = [128, 1, 128], strides = [1, 1, 1]} : vector<128x200x128xf32> to vector<128x1x128xf32>
    %squeeze3A_814 = vector.shape_cast %slice3A_813 : vector<128x1x128xf32> to vector<128x128xf32>
    %transpose3A_815 = tpu.transpose %squeeze3A_814, [1, 0] : vector<128x128xf32> -> vector<128x128xf32>
    %swap3A_816 = arith.constant 22 : index
    %swap3A_817 = arith.constant 0 : index
    %swap3A_818 = arith.constant 0 : index
    %swap3A_819 = vector.load %arg3[%swap3A_816, %swap3A_817, %swap3A_818] : memref<50x400x128xf32, #tpu.memory_space<vmem>>, vector<1x128x128xf32>
    %swap3A_820 = vector.shape_cast %swap3A_819 : vector<1x128x128xf32> to vector<128x128xf32>
    %swap3A_821 = vector.shape_cast %transpose3A_815 : vector<128x128xf32> to vector<1x128x128xf32>
    tpu.vector_store %arg3[%swap3A_816, %swap3A_817, %swap3A_818], %swap3A_821 {strides = array<i32>} : memref<50x400x128xf32, #tpu.memory_space<vmem>>, vector<1x128x128xf32>,
    %slice3A_822 = vector.extract_strided_slice %get3A_2 {offsets = [0, 89, 0], sizes = [128, 1, 128], strides = [1, 1, 1]} : vector<128x200x128xf32> to vector<128x1x128xf32>
    %squeeze3A_823 = vector.shape_cast %slice3A_822 : vector<128x1x128xf32> to vector<128x128xf32>
    %transpose3A_824 = tpu.transpose %squeeze3A_823, [1, 0] : vector<128x128xf32> -> vector<128x128xf32>
    %swap3A_825 = arith.constant 22 : index
    %swap3A_826 = arith.constant 128 : index
    %swap3A_827 = arith.constant 0 : index
    %swap3A_828 = vector.load %arg3[%swap3A_825, %swap3A_826, %swap3A_827] : memref<50x400x128xf32, #tpu.memory_space<vmem>>, vector<1x128x128xf32>
    %swap3A_829 = vector.shape_cast %swap3A_828 : vector<1x128x128xf32> to vector<128x128xf32>
    %swap3A_830 = vector.shape_cast %transpose3A_824 : vector<128x128xf32> to vector<1x128x128xf32>
    tpu.vector_store %arg3[%swap3A_825, %swap3A_826, %swap3A_827], %swap3A_830 {strides = array<i32>} : memref<50x400x128xf32, #tpu.memory_space<vmem>>, vector<1x128x128xf32>,
    %slice3A_831 = vector.extract_strided_slice %get3A_2 {offsets = [0, 90, 0], sizes = [128, 1, 128], strides = [1, 1, 1]} : vector<128x200x128xf32> to vector<128x1x128xf32>
    %squeeze3A_832 = vector.shape_cast %slice3A_831 : vector<128x1x128xf32> to vector<128x128xf32>
    %transpose3A_833 = tpu.transpose %squeeze3A_832, [1, 0] : vector<128x128xf32> -> vector<128x128xf32>
    %swap3A_834 = arith.constant 22 : index
    %swap3A_835 = arith.constant 256 : index
    %swap3A_836 = arith.constant 0 : index
    %swap3A_837 = vector.load %arg3[%swap3A_834, %swap3A_835, %swap3A_836] : memref<50x400x128xf32, #tpu.memory_space<vmem>>, vector<1x128x128xf32>
    %swap3A_838 = vector.shape_cast %swap3A_837 : vector<1x128x128xf32> to vector<128x128xf32>
    %swap3A_839 = vector.shape_cast %transpose3A_833 : vector<128x128xf32> to vector<1x128x128xf32>
    tpu.vector_store %arg3[%swap3A_834, %swap3A_835, %swap3A_836], %swap3A_839 {strides = array<i32>} : memref<50x400x128xf32, #tpu.memory_space<vmem>>, vector<1x128x128xf32>,
    %slice3A_840 = vector.extract_strided_slice %get3A_2 {offsets = [0, 91, 0], sizes = [128, 1, 128], strides = [1, 1, 1]} : vector<128x200x128xf32> to vector<128x1x128xf32>
    %squeeze3A_841 = vector.shape_cast %slice3A_840 : vector<128x1x128xf32> to vector<128x128xf32>
    %transpose3A_842 = tpu.transpose %squeeze3A_841, [1, 0] : vector<128x128xf32> -> vector<128x128xf32>
    %slice3A_843 = vector.extract_strided_slice %transpose3A_842 {offsets = [0, 0], sizes = [16, 128], strides = [1, 1]} : vector<128x128xf32> to vector<16x128xf32>
    %swap3A_844 = arith.constant 22 : index
    %swap3A_845 = arith.constant 384 : index
    %swap3A_846 = arith.constant 0 : index
    %swap3A_847 = vector.load %arg3[%swap3A_844, %swap3A_845, %swap3A_846] : memref<50x400x128xf32, #tpu.memory_space<vmem>>, vector<1x16x128xf32>
    %swap3A_848 = vector.shape_cast %swap3A_847 : vector<1x16x128xf32> to vector<16x128xf32>
    %swap3A_849 = vector.shape_cast %slice3A_843 : vector<16x128xf32> to vector<1x16x128xf32>
    tpu.vector_store %arg3[%swap3A_844, %swap3A_845, %swap3A_846], %swap3A_849 {strides = array<i32>} : memref<50x400x128xf32, #tpu.memory_space<vmem>>, vector<1x16x128xf32>,
    %slice3A_850 = vector.extract_strided_slice %get3A_2 {offsets = [0, 92, 0], sizes = [128, 1, 128], strides = [1, 1, 1]} : vector<128x200x128xf32> to vector<128x1x128xf32>
    %squeeze3A_851 = vector.shape_cast %slice3A_850 : vector<128x1x128xf32> to vector<128x128xf32>
    %transpose3A_852 = tpu.transpose %squeeze3A_851, [1, 0] : vector<128x128xf32> -> vector<128x128xf32>
    %swap3A_853 = arith.constant 23 : index
    %swap3A_854 = arith.constant 0 : index
    %swap3A_855 = arith.constant 0 : index
    %swap3A_856 = vector.load %arg3[%swap3A_853, %swap3A_854, %swap3A_855] : memref<50x400x128xf32, #tpu.memory_space<vmem>>, vector<1x128x128xf32>
    %swap3A_857 = vector.shape_cast %swap3A_856 : vector<1x128x128xf32> to vector<128x128xf32>
    %swap3A_858 = vector.shape_cast %transpose3A_852 : vector<128x128xf32> to vector<1x128x128xf32>
    tpu.vector_store %arg3[%swap3A_853, %swap3A_854, %swap3A_855], %swap3A_858 {strides = array<i32>} : memref<50x400x128xf32, #tpu.memory_space<vmem>>, vector<1x128x128xf32>,
    %slice3A_859 = vector.extract_strided_slice %get3A_2 {offsets = [0, 93, 0], sizes = [128, 1, 128], strides = [1, 1, 1]} : vector<128x200x128xf32> to vector<128x1x128xf32>
    %squeeze3A_860 = vector.shape_cast %slice3A_859 : vector<128x1x128xf32> to vector<128x128xf32>
    %transpose3A_861 = tpu.transpose %squeeze3A_860, [1, 0] : vector<128x128xf32> -> vector<128x128xf32>
    %swap3A_862 = arith.constant 23 : index
    %swap3A_863 = arith.constant 128 : index
    %swap3A_864 = arith.constant 0 : index
    %swap3A_865 = vector.load %arg3[%swap3A_862, %swap3A_863, %swap3A_864] : memref<50x400x128xf32, #tpu.memory_space<vmem>>, vector<1x128x128xf32>
    %swap3A_866 = vector.shape_cast %swap3A_865 : vector<1x128x128xf32> to vector<128x128xf32>
    %swap3A_867 = vector.shape_cast %transpose3A_861 : vector<128x128xf32> to vector<1x128x128xf32>
    tpu.vector_store %arg3[%swap3A_862, %swap3A_863, %swap3A_864], %swap3A_867 {strides = array<i32>} : memref<50x400x128xf32, #tpu.memory_space<vmem>>, vector<1x128x128xf32>,
    %slice3A_868 = vector.extract_strided_slice %get3A_2 {offsets = [0, 94, 0], sizes = [128, 1, 128], strides = [1, 1, 1]} : vector<128x200x128xf32> to vector<128x1x128xf32>
    %squeeze3A_869 = vector.shape_cast %slice3A_868 : vector<128x1x128xf32> to vector<128x128xf32>
    %transpose3A_870 = tpu.transpose %squeeze3A_869, [1, 0] : vector<128x128xf32> -> vector<128x128xf32>
    %swap3A_871 = arith.constant 23 : index
    %swap3A_872 = arith.constant 256 : index
    %swap3A_873 = arith.constant 0 : index
    %swap3A_874 = vector.load %arg3[%swap3A_871, %swap3A_872, %swap3A_873] : memref<50x400x128xf32, #tpu.memory_space<vmem>>, vector<1x128x128xf32>
    %swap3A_875 = vector.shape_cast %swap3A_874 : vector<1x128x128xf32> to vector<128x128xf32>
    %swap3A_876 = vector.shape_cast %transpose3A_870 : vector<128x128xf32> to vector<1x128x128xf32>
    tpu.vector_store %arg3[%swap3A_871, %swap3A_872, %swap3A_873], %swap3A_876 {strides = array<i32>} : memref<50x400x128xf32, #tpu.memory_space<vmem>>, vector<1x128x128xf32>,
    %slice3A_877 = vector.extract_strided_slice %get3A_2 {offsets = [0, 95, 0], sizes = [128, 1, 128], strides = [1, 1, 1]} : vector<128x200x128xf32> to vector<128x1x128xf32>
    %squeeze3A_878 = vector.shape_cast %slice3A_877 : vector<128x1x128xf32> to vector<128x128xf32>
    %transpose3A_879 = tpu.transpose %squeeze3A_878, [1, 0] : vector<128x128xf32> -> vector<128x128xf32>
    %slice3A_880 = vector.extract_strided_slice %transpose3A_879 {offsets = [0, 0], sizes = [16, 128], strides = [1, 1]} : vector<128x128xf32> to vector<16x128xf32>
    %swap3A_881 = arith.constant 23 : index
    %swap3A_882 = arith.constant 384 : index
    %swap3A_883 = arith.constant 0 : index
    %swap3A_884 = vector.load %arg3[%swap3A_881, %swap3A_882, %swap3A_883] : memref<50x400x128xf32, #tpu.memory_space<vmem>>, vector<1x16x128xf32>
    %swap3A_885 = vector.shape_cast %swap3A_884 : vector<1x16x128xf32> to vector<16x128xf32>
    %swap3A_886 = vector.shape_cast %slice3A_880 : vector<16x128xf32> to vector<1x16x128xf32>
    tpu.vector_store %arg3[%swap3A_881, %swap3A_882, %swap3A_883], %swap3A_886 {strides = array<i32>} : memref<50x400x128xf32, #tpu.memory_space<vmem>>, vector<1x16x128xf32>,
    %slice3A_887 = vector.extract_strided_slice %get3A_2 {offsets = [0, 96, 0], sizes = [128, 1, 128], strides = [1, 1, 1]} : vector<128x200x128xf32> to vector<128x1x128xf32>
    %squeeze3A_888 = vector.shape_cast %slice3A_887 : vector<128x1x128xf32> to vector<128x128xf32>
    %transpose3A_889 = tpu.transpose %squeeze3A_888, [1, 0] : vector<128x128xf32> -> vector<128x128xf32>
    %swap3A_890 = arith.constant 24 : index
    %swap3A_891 = arith.constant 0 : index
    %swap3A_892 = arith.constant 0 : index
    %swap3A_893 = vector.load %arg3[%swap3A_890, %swap3A_891, %swap3A_892] : memref<50x400x128xf32, #tpu.memory_space<vmem>>, vector<1x128x128xf32>
    %swap3A_894 = vector.shape_cast %swap3A_893 : vector<1x128x128xf32> to vector<128x128xf32>
    %swap3A_895 = vector.shape_cast %transpose3A_889 : vector<128x128xf32> to vector<1x128x128xf32>
    tpu.vector_store %arg3[%swap3A_890, %swap3A_891, %swap3A_892], %swap3A_895 {strides = array<i32>} : memref<50x400x128xf32, #tpu.memory_space<vmem>>, vector<1x128x128xf32>,
    %slice3A_896 = vector.extract_strided_slice %get3A_2 {offsets = [0, 97, 0], sizes = [128, 1, 128], strides = [1, 1, 1]} : vector<128x200x128xf32> to vector<128x1x128xf32>
    %squeeze3A_897 = vector.shape_cast %slice3A_896 : vector<128x1x128xf32> to vector<128x128xf32>
    %transpose3A_898 = tpu.transpose %squeeze3A_897, [1, 0] : vector<128x128xf32> -> vector<128x128xf32>
    %swap3A_899 = arith.constant 24 : index
    %swap3A_900 = arith.constant 128 : index
    %swap3A_901 = arith.constant 0 : index
    %swap3A_902 = vector.load %arg3[%swap3A_899, %swap3A_900, %swap3A_901] : memref<50x400x128xf32, #tpu.memory_space<vmem>>, vector<1x128x128xf32>
    %swap3A_903 = vector.shape_cast %swap3A_902 : vector<1x128x128xf32> to vector<128x128xf32>
    %swap3A_904 = vector.shape_cast %transpose3A_898 : vector<128x128xf32> to vector<1x128x128xf32>
    tpu.vector_store %arg3[%swap3A_899, %swap3A_900, %swap3A_901], %swap3A_904 {strides = array<i32>} : memref<50x400x128xf32, #tpu.memory_space<vmem>>, vector<1x128x128xf32>,
    %slice3A_905 = vector.extract_strided_slice %get3A_2 {offsets = [0, 98, 0], sizes = [128, 1, 128], strides = [1, 1, 1]} : vector<128x200x128xf32> to vector<128x1x128xf32>
    %squeeze3A_906 = vector.shape_cast %slice3A_905 : vector<128x1x128xf32> to vector<128x128xf32>
    %transpose3A_907 = tpu.transpose %squeeze3A_906, [1, 0] : vector<128x128xf32> -> vector<128x128xf32>
    %swap3A_908 = arith.constant 24 : index
    %swap3A_909 = arith.constant 256 : index
    %swap3A_910 = arith.constant 0 : index
    %swap3A_911 = vector.load %arg3[%swap3A_908, %swap3A_909, %swap3A_910] : memref<50x400x128xf32, #tpu.memory_space<vmem>>, vector<1x128x128xf32>
    %swap3A_912 = vector.shape_cast %swap3A_911 : vector<1x128x128xf32> to vector<128x128xf32>
    %swap3A_913 = vector.shape_cast %transpose3A_907 : vector<128x128xf32> to vector<1x128x128xf32>
    tpu.vector_store %arg3[%swap3A_908, %swap3A_909, %swap3A_910], %swap3A_913 {strides = array<i32>} : memref<50x400x128xf32, #tpu.memory_space<vmem>>, vector<1x128x128xf32>,
    %slice3A_914 = vector.extract_strided_slice %get3A_2 {offsets = [0, 99, 0], sizes = [128, 1, 128], strides = [1, 1, 1]} : vector<128x200x128xf32> to vector<128x1x128xf32>
    %squeeze3A_915 = vector.shape_cast %slice3A_914 : vector<128x1x128xf32> to vector<128x128xf32>
    %transpose3A_916 = tpu.transpose %squeeze3A_915, [1, 0] : vector<128x128xf32> -> vector<128x128xf32>
    %slice3A_917 = vector.extract_strided_slice %transpose3A_916 {offsets = [0, 0], sizes = [16, 128], strides = [1, 1]} : vector<128x128xf32> to vector<16x128xf32>
    %swap3A_918 = arith.constant 24 : index
    %swap3A_919 = arith.constant 384 : index
    %swap3A_920 = arith.constant 0 : index
    %swap3A_921 = vector.load %arg3[%swap3A_918, %swap3A_919, %swap3A_920] : memref<50x400x128xf32, #tpu.memory_space<vmem>>, vector<1x16x128xf32>
    %swap3A_922 = vector.shape_cast %swap3A_921 : vector<1x16x128xf32> to vector<16x128xf32>
    %swap3A_923 = vector.shape_cast %slice3A_917 : vector<16x128xf32> to vector<1x16x128xf32>
    tpu.vector_store %arg3[%swap3A_918, %swap3A_919, %swap3A_920], %swap3A_923 {strides = array<i32>} : memref<50x400x128xf32, #tpu.memory_space<vmem>>, vector<1x16x128xf32>,
    %slice3A_924 = vector.extract_strided_slice %get3A_2 {offsets = [0, 100, 0], sizes = [128, 1, 128], strides = [1, 1, 1]} : vector<128x200x128xf32> to vector<128x1x128xf32>
    %squeeze3A_925 = vector.shape_cast %slice3A_924 : vector<128x1x128xf32> to vector<128x128xf32>
    %transpose3A_926 = tpu.transpose %squeeze3A_925, [1, 0] : vector<128x128xf32> -> vector<128x128xf32>
    %swap3A_927 = arith.constant 25 : index
    %swap3A_928 = arith.constant 0 : index
    %swap3A_929 = arith.constant 0 : index
    %swap3A_930 = vector.load %arg3[%swap3A_927, %swap3A_928, %swap3A_929] : memref<50x400x128xf32, #tpu.memory_space<vmem>>, vector<1x128x128xf32>
    %swap3A_931 = vector.shape_cast %swap3A_930 : vector<1x128x128xf32> to vector<128x128xf32>
    %swap3A_932 = vector.shape_cast %transpose3A_926 : vector<128x128xf32> to vector<1x128x128xf32>
    tpu.vector_store %arg3[%swap3A_927, %swap3A_928, %swap3A_929], %swap3A_932 {strides = array<i32>} : memref<50x400x128xf32, #tpu.memory_space<vmem>>, vector<1x128x128xf32>,
    %slice3A_933 = vector.extract_strided_slice %get3A_2 {offsets = [0, 101, 0], sizes = [128, 1, 128], strides = [1, 1, 1]} : vector<128x200x128xf32> to vector<128x1x128xf32>
    %squeeze3A_934 = vector.shape_cast %slice3A_933 : vector<128x1x128xf32> to vector<128x128xf32>
    %transpose3A_935 = tpu.transpose %squeeze3A_934, [1, 0] : vector<128x128xf32> -> vector<128x128xf32>
    %swap3A_936 = arith.constant 25 : index
    %swap3A_937 = arith.constant 128 : index
    %swap3A_938 = arith.constant 0 : index
    %swap3A_939 = vector.load %arg3[%swap3A_936, %swap3A_937, %swap3A_938] : memref<50x400x128xf32, #tpu.memory_space<vmem>>, vector<1x128x128xf32>
    %swap3A_940 = vector.shape_cast %swap3A_939 : vector<1x128x128xf32> to vector<128x128xf32>
    %swap3A_941 = vector.shape_cast %transpose3A_935 : vector<128x128xf32> to vector<1x128x128xf32>
    tpu.vector_store %arg3[%swap3A_936, %swap3A_937, %swap3A_938], %swap3A_941 {strides = array<i32>} : memref<50x400x128xf32, #tpu.memory_space<vmem>>, vector<1x128x128xf32>,
    %slice3A_942 = vector.extract_strided_slice %get3A_2 {offsets = [0, 102, 0], sizes = [128, 1, 128], strides = [1, 1, 1]} : vector<128x200x128xf32> to vector<128x1x128xf32>
    %squeeze3A_943 = vector.shape_cast %slice3A_942 : vector<128x1x128xf32> to vector<128x128xf32>
    %transpose3A_944 = tpu.transpose %squeeze3A_943, [1, 0] : vector<128x128xf32> -> vector<128x128xf32>
    %swap3A_945 = arith.constant 25 : index
    %swap3A_946 = arith.constant 256 : index
    %swap3A_947 = arith.constant 0 : index
    %swap3A_948 = vector.load %arg3[%swap3A_945, %swap3A_946, %swap3A_947] : memref<50x400x128xf32, #tpu.memory_space<vmem>>, vector<1x128x128xf32>
    %swap3A_949 = vector.shape_cast %swap3A_948 : vector<1x128x128xf32> to vector<128x128xf32>
    %swap3A_950 = vector.shape_cast %transpose3A_944 : vector<128x128xf32> to vector<1x128x128xf32>
    tpu.vector_store %arg3[%swap3A_945, %swap3A_946, %swap3A_947], %swap3A_950 {strides = array<i32>} : memref<50x400x128xf32, #tpu.memory_space<vmem>>, vector<1x128x128xf32>,
    %slice3A_951 = vector.extract_strided_slice %get3A_2 {offsets = [0, 103, 0], sizes = [128, 1, 128], strides = [1, 1, 1]} : vector<128x200x128xf32> to vector<128x1x128xf32>
    %squeeze3A_952 = vector.shape_cast %slice3A_951 : vector<128x1x128xf32> to vector<128x128xf32>
    %transpose3A_953 = tpu.transpose %squeeze3A_952, [1, 0] : vector<128x128xf32> -> vector<128x128xf32>
    %slice3A_954 = vector.extract_strided_slice %transpose3A_953 {offsets = [0, 0], sizes = [16, 128], strides = [1, 1]} : vector<128x128xf32> to vector<16x128xf32>
    %swap3A_955 = arith.constant 25 : index
    %swap3A_956 = arith.constant 384 : index
    %swap3A_957 = arith.constant 0 : index
    %swap3A_958 = vector.load %arg3[%swap3A_955, %swap3A_956, %swap3A_957] : memref<50x400x128xf32, #tpu.memory_space<vmem>>, vector<1x16x128xf32>
    %swap3A_959 = vector.shape_cast %swap3A_958 : vector<1x16x128xf32> to vector<16x128xf32>
    %swap3A_960 = vector.shape_cast %slice3A_954 : vector<16x128xf32> to vector<1x16x128xf32>
    tpu.vector_store %arg3[%swap3A_955, %swap3A_956, %swap3A_957], %swap3A_960 {strides = array<i32>} : memref<50x400x128xf32, #tpu.memory_space<vmem>>, vector<1x16x128xf32>,
    %slice3A_961 = vector.extract_strided_slice %get3A_2 {offsets = [0, 104, 0], sizes = [128, 1, 128], strides = [1, 1, 1]} : vector<128x200x128xf32> to vector<128x1x128xf32>
    %squeeze3A_962 = vector.shape_cast %slice3A_961 : vector<128x1x128xf32> to vector<128x128xf32>
    %transpose3A_963 = tpu.transpose %squeeze3A_962, [1, 0] : vector<128x128xf32> -> vector<128x128xf32>
    %swap3A_964 = arith.constant 26 : index
    %swap3A_965 = arith.constant 0 : index
    %swap3A_966 = arith.constant 0 : index
    %swap3A_967 = vector.load %arg3[%swap3A_964, %swap3A_965, %swap3A_966] : memref<50x400x128xf32, #tpu.memory_space<vmem>>, vector<1x128x128xf32>
    %swap3A_968 = vector.shape_cast %swap3A_967 : vector<1x128x128xf32> to vector<128x128xf32>
    %swap3A_969 = vector.shape_cast %transpose3A_963 : vector<128x128xf32> to vector<1x128x128xf32>
    tpu.vector_store %arg3[%swap3A_964, %swap3A_965, %swap3A_966], %swap3A_969 {strides = array<i32>} : memref<50x400x128xf32, #tpu.memory_space<vmem>>, vector<1x128x128xf32>,
    %slice3A_970 = vector.extract_strided_slice %get3A_2 {offsets = [0, 105, 0], sizes = [128, 1, 128], strides = [1, 1, 1]} : vector<128x200x128xf32> to vector<128x1x128xf32>
    %squeeze3A_971 = vector.shape_cast %slice3A_970 : vector<128x1x128xf32> to vector<128x128xf32>
    %transpose3A_972 = tpu.transpose %squeeze3A_971, [1, 0] : vector<128x128xf32> -> vector<128x128xf32>
    %swap3A_973 = arith.constant 26 : index
    %swap3A_974 = arith.constant 128 : index
    %swap3A_975 = arith.constant 0 : index
    %swap3A_976 = vector.load %arg3[%swap3A_973, %swap3A_974, %swap3A_975] : memref<50x400x128xf32, #tpu.memory_space<vmem>>, vector<1x128x128xf32>
    %swap3A_977 = vector.shape_cast %swap3A_976 : vector<1x128x128xf32> to vector<128x128xf32>
    %swap3A_978 = vector.shape_cast %transpose3A_972 : vector<128x128xf32> to vector<1x128x128xf32>
    tpu.vector_store %arg3[%swap3A_973, %swap3A_974, %swap3A_975], %swap3A_978 {strides = array<i32>} : memref<50x400x128xf32, #tpu.memory_space<vmem>>, vector<1x128x128xf32>,
    %slice3A_979 = vector.extract_strided_slice %get3A_2 {offsets = [0, 106, 0], sizes = [128, 1, 128], strides = [1, 1, 1]} : vector<128x200x128xf32> to vector<128x1x128xf32>
    %squeeze3A_980 = vector.shape_cast %slice3A_979 : vector<128x1x128xf32> to vector<128x128xf32>
    %transpose3A_981 = tpu.transpose %squeeze3A_980, [1, 0] : vector<128x128xf32> -> vector<128x128xf32>
    %swap3A_982 = arith.constant 26 : index
    %swap3A_983 = arith.constant 256 : index
    %swap3A_984 = arith.constant 0 : index
    %swap3A_985 = vector.load %arg3[%swap3A_982, %swap3A_983, %swap3A_984] : memref<50x400x128xf32, #tpu.memory_space<vmem>>, vector<1x128x128xf32>
    %swap3A_986 = vector.shape_cast %swap3A_985 : vector<1x128x128xf32> to vector<128x128xf32>
    %swap3A_987 = vector.shape_cast %transpose3A_981 : vector<128x128xf32> to vector<1x128x128xf32>
    tpu.vector_store %arg3[%swap3A_982, %swap3A_983, %swap3A_984], %swap3A_987 {strides = array<i32>} : memref<50x400x128xf32, #tpu.memory_space<vmem>>, vector<1x128x128xf32>,
    %slice3A_988 = vector.extract_strided_slice %get3A_2 {offsets = [0, 107, 0], sizes = [128, 1, 128], strides = [1, 1, 1]} : vector<128x200x128xf32> to vector<128x1x128xf32>
    %squeeze3A_989 = vector.shape_cast %slice3A_988 : vector<128x1x128xf32> to vector<128x128xf32>
    %transpose3A_990 = tpu.transpose %squeeze3A_989, [1, 0] : vector<128x128xf32> -> vector<128x128xf32>
    %slice3A_991 = vector.extract_strided_slice %transpose3A_990 {offsets = [0, 0], sizes = [16, 128], strides = [1, 1]} : vector<128x128xf32> to vector<16x128xf32>
    %swap3A_992 = arith.constant 26 : index
    %swap3A_993 = arith.constant 384 : index
    %swap3A_994 = arith.constant 0 : index
    %swap3A_995 = vector.load %arg3[%swap3A_992, %swap3A_993, %swap3A_994] : memref<50x400x128xf32, #tpu.memory_space<vmem>>, vector<1x16x128xf32>
    %swap3A_996 = vector.shape_cast %swap3A_995 : vector<1x16x128xf32> to vector<16x128xf32>
    %swap3A_997 = vector.shape_cast %slice3A_991 : vector<16x128xf32> to vector<1x16x128xf32>
    tpu.vector_store %arg3[%swap3A_992, %swap3A_993, %swap3A_994], %swap3A_997 {strides = array<i32>} : memref<50x400x128xf32, #tpu.memory_space<vmem>>, vector<1x16x128xf32>,
    %slice3A_998 = vector.extract_strided_slice %get3A_2 {offsets = [0, 108, 0], sizes = [128, 1, 128], strides = [1, 1, 1]} : vector<128x200x128xf32> to vector<128x1x128xf32>
    %squeeze3A_999 = vector.shape_cast %slice3A_998 : vector<128x1x128xf32> to vector<128x128xf32>
    %transpose3A_1000 = tpu.transpose %squeeze3A_999, [1, 0] : vector<128x128xf32> -> vector<128x128xf32>
    %swap3A_1001 = arith.constant 27 : index
    %swap3A_1002 = arith.constant 0 : index
    %swap3A_1003 = arith.constant 0 : index
    %swap3A_1004 = vector.load %arg3[%swap3A_1001, %swap3A_1002, %swap3A_1003] : memref<50x400x128xf32, #tpu.memory_space<vmem>>, vector<1x128x128xf32>
    %swap3A_1005 = vector.shape_cast %swap3A_1004 : vector<1x128x128xf32> to vector<128x128xf32>
    %swap3A_1006 = vector.shape_cast %transpose3A_1000 : vector<128x128xf32> to vector<1x128x128xf32>
    tpu.vector_store %arg3[%swap3A_1001, %swap3A_1002, %swap3A_1003], %swap3A_1006 {strides = array<i32>} : memref<50x400x128xf32, #tpu.memory_space<vmem>>, vector<1x128x128xf32>,
    %slice3A_1007 = vector.extract_strided_slice %get3A_2 {offsets = [0, 109, 0], sizes = [128, 1, 128], strides = [1, 1, 1]} : vector<128x200x128xf32> to vector<128x1x128xf32>
    %squeeze3A_1008 = vector.shape_cast %slice3A_1007 : vector<128x1x128xf32> to vector<128x128xf32>
    %transpose3A_1009 = tpu.transpose %squeeze3A_1008, [1, 0] : vector<128x128xf32> -> vector<128x128xf32>
    %swap3A_1010 = arith.constant 27 : index
    %swap3A_1011 = arith.constant 128 : index
    %swap3A_1012 = arith.constant 0 : index
    %swap3A_1013 = vector.load %arg3[%swap3A_1010, %swap3A_1011, %swap3A_1012] : memref<50x400x128xf32, #tpu.memory_space<vmem>>, vector<1x128x128xf32>
    %swap3A_1014 = vector.shape_cast %swap3A_1013 : vector<1x128x128xf32> to vector<128x128xf32>
    %swap3A_1015 = vector.shape_cast %transpose3A_1009 : vector<128x128xf32> to vector<1x128x128xf32>
    tpu.vector_store %arg3[%swap3A_1010, %swap3A_1011, %swap3A_1012], %swap3A_1015 {strides = array<i32>} : memref<50x400x128xf32, #tpu.memory_space<vmem>>, vector<1x128x128xf32>,
    %slice3A_1016 = vector.extract_strided_slice %get3A_2 {offsets = [0, 110, 0], sizes = [128, 1, 128], strides = [1, 1, 1]} : vector<128x200x128xf32> to vector<128x1x128xf32>
    %squeeze3A_1017 = vector.shape_cast %slice3A_1016 : vector<128x1x128xf32> to vector<128x128xf32>
    %transpose3A_1018 = tpu.transpose %squeeze3A_1017, [1, 0] : vector<128x128xf32> -> vector<128x128xf32>
    %swap3A_1019 = arith.constant 27 : index
    %swap3A_1020 = arith.constant 256 : index
    %swap3A_1021 = arith.constant 0 : index
    %swap3A_1022 = vector.load %arg3[%swap3A_1019, %swap3A_1020, %swap3A_1021] : memref<50x400x128xf32, #tpu.memory_space<vmem>>, vector<1x128x128xf32>
    %swap3A_1023 = vector.shape_cast %swap3A_1022 : vector<1x128x128xf32> to vector<128x128xf32>
    %swap3A_1024 = vector.shape_cast %transpose3A_1018 : vector<128x128xf32> to vector<1x128x128xf32>
    tpu.vector_store %arg3[%swap3A_1019, %swap3A_1020, %swap3A_1021], %swap3A_1024 {strides = array<i32>} : memref<50x400x128xf32, #tpu.memory_space<vmem>>, vector<1x128x128xf32>,
    %slice3A_1025 = vector.extract_strided_slice %get3A_2 {offsets = [0, 111, 0], sizes = [128, 1, 128], strides = [1, 1, 1]} : vector<128x200x128xf32> to vector<128x1x128xf32>
    %squeeze3A_1026 = vector.shape_cast %slice3A_1025 : vector<128x1x128xf32> to vector<128x128xf32>
    %transpose3A_1027 = tpu.transpose %squeeze3A_1026, [1, 0] : vector<128x128xf32> -> vector<128x128xf32>
    %slice3A_1028 = vector.extract_strided_slice %transpose3A_1027 {offsets = [0, 0], sizes = [16, 128], strides = [1, 1]} : vector<128x128xf32> to vector<16x128xf32>
    %swap3A_1029 = arith.constant 27 : index
    %swap3A_1030 = arith.constant 384 : index
    %swap3A_1031 = arith.constant 0 : index
    %swap3A_1032 = vector.load %arg3[%swap3A_1029, %swap3A_1030, %swap3A_1031] : memref<50x400x128xf32, #tpu.memory_space<vmem>>, vector<1x16x128xf32>
    %swap3A_1033 = vector.shape_cast %swap3A_1032 : vector<1x16x128xf32> to vector<16x128xf32>
    %swap3A_1034 = vector.shape_cast %slice3A_1028 : vector<16x128xf32> to vector<1x16x128xf32>
    tpu.vector_store %arg3[%swap3A_1029, %swap3A_1030, %swap3A_1031], %swap3A_1034 {strides = array<i32>} : memref<50x400x128xf32, #tpu.memory_space<vmem>>, vector<1x16x128xf32>,
    %slice3A_1035 = vector.extract_strided_slice %get3A_2 {offsets = [0, 112, 0], sizes = [128, 1, 128], strides = [1, 1, 1]} : vector<128x200x128xf32> to vector<128x1x128xf32>
    %squeeze3A_1036 = vector.shape_cast %slice3A_1035 : vector<128x1x128xf32> to vector<128x128xf32>
    %transpose3A_1037 = tpu.transpose %squeeze3A_1036, [1, 0] : vector<128x128xf32> -> vector<128x128xf32>
    %swap3A_1038 = arith.constant 28 : index
    %swap3A_1039 = arith.constant 0 : index
    %swap3A_1040 = arith.constant 0 : index
    %swap3A_1041 = vector.load %arg3[%swap3A_1038, %swap3A_1039, %swap3A_1040] : memref<50x400x128xf32, #tpu.memory_space<vmem>>, vector<1x128x128xf32>
    %swap3A_1042 = vector.shape_cast %swap3A_1041 : vector<1x128x128xf32> to vector<128x128xf32>
    %swap3A_1043 = vector.shape_cast %transpose3A_1037 : vector<128x128xf32> to vector<1x128x128xf32>
    tpu.vector_store %arg3[%swap3A_1038, %swap3A_1039, %swap3A_1040], %swap3A_1043 {strides = array<i32>} : memref<50x400x128xf32, #tpu.memory_space<vmem>>, vector<1x128x128xf32>,
    %slice3A_1044 = vector.extract_strided_slice %get3A_2 {offsets = [0, 113, 0], sizes = [128, 1, 128], strides = [1, 1, 1]} : vector<128x200x128xf32> to vector<128x1x128xf32>
    %squeeze3A_1045 = vector.shape_cast %slice3A_1044 : vector<128x1x128xf32> to vector<128x128xf32>
    %transpose3A_1046 = tpu.transpose %squeeze3A_1045, [1, 0] : vector<128x128xf32> -> vector<128x128xf32>
    %swap3A_1047 = arith.constant 28 : index
    %swap3A_1048 = arith.constant 128 : index
    %swap3A_1049 = arith.constant 0 : index
    %swap3A_1050 = vector.load %arg3[%swap3A_1047, %swap3A_1048, %swap3A_1049] : memref<50x400x128xf32, #tpu.memory_space<vmem>>, vector<1x128x128xf32>
    %swap3A_1051 = vector.shape_cast %swap3A_1050 : vector<1x128x128xf32> to vector<128x128xf32>
    %swap3A_1052 = vector.shape_cast %transpose3A_1046 : vector<128x128xf32> to vector<1x128x128xf32>
    tpu.vector_store %arg3[%swap3A_1047, %swap3A_1048, %swap3A_1049], %swap3A_1052 {strides = array<i32>} : memref<50x400x128xf32, #tpu.memory_space<vmem>>, vector<1x128x128xf32>,
    %slice3A_1053 = vector.extract_strided_slice %get3A_2 {offsets = [0, 114, 0], sizes = [128, 1, 128], strides = [1, 1, 1]} : vector<128x200x128xf32> to vector<128x1x128xf32>
    %squeeze3A_1054 = vector.shape_cast %slice3A_1053 : vector<128x1x128xf32> to vector<128x128xf32>
    %transpose3A_1055 = tpu.transpose %squeeze3A_1054, [1, 0] : vector<128x128xf32> -> vector<128x128xf32>
    %swap3A_1056 = arith.constant 28 : index
    %swap3A_1057 = arith.constant 256 : index
    %swap3A_1058 = arith.constant 0 : index
    %swap3A_1059 = vector.load %arg3[%swap3A_1056, %swap3A_1057, %swap3A_1058] : memref<50x400x128xf32, #tpu.memory_space<vmem>>, vector<1x128x128xf32>
    %swap3A_1060 = vector.shape_cast %swap3A_1059 : vector<1x128x128xf32> to vector<128x128xf32>
    %swap3A_1061 = vector.shape_cast %transpose3A_1055 : vector<128x128xf32> to vector<1x128x128xf32>
    tpu.vector_store %arg3[%swap3A_1056, %swap3A_1057, %swap3A_1058], %swap3A_1061 {strides = array<i32>} : memref<50x400x128xf32, #tpu.memory_space<vmem>>, vector<1x128x128xf32>,
    %slice3A_1062 = vector.extract_strided_slice %get3A_2 {offsets = [0, 115, 0], sizes = [128, 1, 128], strides = [1, 1, 1]} : vector<128x200x128xf32> to vector<128x1x128xf32>
    %squeeze3A_1063 = vector.shape_cast %slice3A_1062 : vector<128x1x128xf32> to vector<128x128xf32>
    %transpose3A_1064 = tpu.transpose %squeeze3A_1063, [1, 0] : vector<128x128xf32> -> vector<128x128xf32>
    %slice3A_1065 = vector.extract_strided_slice %transpose3A_1064 {offsets = [0, 0], sizes = [16, 128], strides = [1, 1]} : vector<128x128xf32> to vector<16x128xf32>
    %swap3A_1066 = arith.constant 28 : index
    %swap3A_1067 = arith.constant 384 : index
    %swap3A_1068 = arith.constant 0 : index
    %swap3A_1069 = vector.load %arg3[%swap3A_1066, %swap3A_1067, %swap3A_1068] : memref<50x400x128xf32, #tpu.memory_space<vmem>>, vector<1x16x128xf32>
    %swap3A_1070 = vector.shape_cast %swap3A_1069 : vector<1x16x128xf32> to vector<16x128xf32>
    %swap3A_1071 = vector.shape_cast %slice3A_1065 : vector<16x128xf32> to vector<1x16x128xf32>
    tpu.vector_store %arg3[%swap3A_1066, %swap3A_1067, %swap3A_1068], %swap3A_1071 {strides = array<i32>} : memref<50x400x128xf32, #tpu.memory_space<vmem>>, vector<1x16x128xf32>,
    %slice3A_1072 = vector.extract_strided_slice %get3A_2 {offsets = [0, 116, 0], sizes = [128, 1, 128], strides = [1, 1, 1]} : vector<128x200x128xf32> to vector<128x1x128xf32>
    %squeeze3A_1073 = vector.shape_cast %slice3A_1072 : vector<128x1x128xf32> to vector<128x128xf32>
    %transpose3A_1074 = tpu.transpose %squeeze3A_1073, [1, 0] : vector<128x128xf32> -> vector<128x128xf32>
    %swap3A_1075 = arith.constant 29 : index
    %swap3A_1076 = arith.constant 0 : index
    %swap3A_1077 = arith.constant 0 : index
    %swap3A_1078 = vector.load %arg3[%swap3A_1075, %swap3A_1076, %swap3A_1077] : memref<50x400x128xf32, #tpu.memory_space<vmem>>, vector<1x128x128xf32>
    %swap3A_1079 = vector.shape_cast %swap3A_1078 : vector<1x128x128xf32> to vector<128x128xf32>
    %swap3A_1080 = vector.shape_cast %transpose3A_1074 : vector<128x128xf32> to vector<1x128x128xf32>
    tpu.vector_store %arg3[%swap3A_1075, %swap3A_1076, %swap3A_1077], %swap3A_1080 {strides = array<i32>} : memref<50x400x128xf32, #tpu.memory_space<vmem>>, vector<1x128x128xf32>,
    %slice3A_1081 = vector.extract_strided_slice %get3A_2 {offsets = [0, 117, 0], sizes = [128, 1, 128], strides = [1, 1, 1]} : vector<128x200x128xf32> to vector<128x1x128xf32>
    %squeeze3A_1082 = vector.shape_cast %slice3A_1081 : vector<128x1x128xf32> to vector<128x128xf32>
    %transpose3A_1083 = tpu.transpose %squeeze3A_1082, [1, 0] : vector<128x128xf32> -> vector<128x128xf32>
    %swap3A_1084 = arith.constant 29 : index
    %swap3A_1085 = arith.constant 128 : index
    %swap3A_1086 = arith.constant 0 : index
    %swap3A_1087 = vector.load %arg3[%swap3A_1084, %swap3A_1085, %swap3A_1086] : memref<50x400x128xf32, #tpu.memory_space<vmem>>, vector<1x128x128xf32>
    %swap3A_1088 = vector.shape_cast %swap3A_1087 : vector<1x128x128xf32> to vector<128x128xf32>
    %swap3A_1089 = vector.shape_cast %transpose3A_1083 : vector<128x128xf32> to vector<1x128x128xf32>
    tpu.vector_store %arg3[%swap3A_1084, %swap3A_1085, %swap3A_1086], %swap3A_1089 {strides = array<i32>} : memref<50x400x128xf32, #tpu.memory_space<vmem>>, vector<1x128x128xf32>,
    %slice3A_1090 = vector.extract_strided_slice %get3A_2 {offsets = [0, 118, 0], sizes = [128, 1, 128], strides = [1, 1, 1]} : vector<128x200x128xf32> to vector<128x1x128xf32>
    %squeeze3A_1091 = vector.shape_cast %slice3A_1090 : vector<128x1x128xf32> to vector<128x128xf32>
    %transpose3A_1092 = tpu.transpose %squeeze3A_1091, [1, 0] : vector<128x128xf32> -> vector<128x128xf32>
    %swap3A_1093 = arith.constant 29 : index
    %swap3A_1094 = arith.constant 256 : index
    %swap3A_1095 = arith.constant 0 : index
    %swap3A_1096 = vector.load %arg3[%swap3A_1093, %swap3A_1094, %swap3A_1095] : memref<50x400x128xf32, #tpu.memory_space<vmem>>, vector<1x128x128xf32>
    %swap3A_1097 = vector.shape_cast %swap3A_1096 : vector<1x128x128xf32> to vector<128x128xf32>
    %swap3A_1098 = vector.shape_cast %transpose3A_1092 : vector<128x128xf32> to vector<1x128x128xf32>
    tpu.vector_store %arg3[%swap3A_1093, %swap3A_1094, %swap3A_1095], %swap3A_1098 {strides = array<i32>} : memref<50x400x128xf32, #tpu.memory_space<vmem>>, vector<1x128x128xf32>,
    %slice3A_1099 = vector.extract_strided_slice %get3A_2 {offsets = [0, 119, 0], sizes = [128, 1, 128], strides = [1, 1, 1]} : vector<128x200x128xf32> to vector<128x1x128xf32>
    %squeeze3A_1100 = vector.shape_cast %slice3A_1099 : vector<128x1x128xf32> to vector<128x128xf32>
    %transpose3A_1101 = tpu.transpose %squeeze3A_1100, [1, 0] : vector<128x128xf32> -> vector<128x128xf32>
    %slice3A_1102 = vector.extract_strided_slice %transpose3A_1101 {offsets = [0, 0], sizes = [16, 128], strides = [1, 1]} : vector<128x128xf32> to vector<16x128xf32>
    %swap3A_1103 = arith.constant 29 : index
    %swap3A_1104 = arith.constant 384 : index
    %swap3A_1105 = arith.constant 0 : index
    %swap3A_1106 = vector.load %arg3[%swap3A_1103, %swap3A_1104, %swap3A_1105] : memref<50x400x128xf32, #tpu.memory_space<vmem>>, vector<1x16x128xf32>
    %swap3A_1107 = vector.shape_cast %swap3A_1106 : vector<1x16x128xf32> to vector<16x128xf32>
    %swap3A_1108 = vector.shape_cast %slice3A_1102 : vector<16x128xf32> to vector<1x16x128xf32>
    tpu.vector_store %arg3[%swap3A_1103, %swap3A_1104, %swap3A_1105], %swap3A_1108 {strides = array<i32>} : memref<50x400x128xf32, #tpu.memory_space<vmem>>, vector<1x16x128xf32>,
    %slice3A_1109 = vector.extract_strided_slice %get3A_2 {offsets = [0, 120, 0], sizes = [128, 1, 128], strides = [1, 1, 1]} : vector<128x200x128xf32> to vector<128x1x128xf32>
    %squeeze3A_1110 = vector.shape_cast %slice3A_1109 : vector<128x1x128xf32> to vector<128x128xf32>
    %transpose3A_1111 = tpu.transpose %squeeze3A_1110, [1, 0] : vector<128x128xf32> -> vector<128x128xf32>
    %swap3A_1112 = arith.constant 30 : index
    %swap3A_1113 = arith.constant 0 : index
    %swap3A_1114 = arith.constant 0 : index
    %swap3A_1115 = vector.load %arg3[%swap3A_1112, %swap3A_1113, %swap3A_1114] : memref<50x400x128xf32, #tpu.memory_space<vmem>>, vector<1x128x128xf32>
    %swap3A_1116 = vector.shape_cast %swap3A_1115 : vector<1x128x128xf32> to vector<128x128xf32>
    %swap3A_1117 = vector.shape_cast %transpose3A_1111 : vector<128x128xf32> to vector<1x128x128xf32>
    tpu.vector_store %arg3[%swap3A_1112, %swap3A_1113, %swap3A_1114], %swap3A_1117 {strides = array<i32>} : memref<50x400x128xf32, #tpu.memory_space<vmem>>, vector<1x128x128xf32>,
    %slice3A_1118 = vector.extract_strided_slice %get3A_2 {offsets = [0, 121, 0], sizes = [128, 1, 128], strides = [1, 1, 1]} : vector<128x200x128xf32> to vector<128x1x128xf32>
    %squeeze3A_1119 = vector.shape_cast %slice3A_1118 : vector<128x1x128xf32> to vector<128x128xf32>
    %transpose3A_1120 = tpu.transpose %squeeze3A_1119, [1, 0] : vector<128x128xf32> -> vector<128x128xf32>
    %swap3A_1121 = arith.constant 30 : index
    %swap3A_1122 = arith.constant 128 : index
    %swap3A_1123 = arith.constant 0 : index
    %swap3A_1124 = vector.load %arg3[%swap3A_1121, %swap3A_1122, %swap3A_1123] : memref<50x400x128xf32, #tpu.memory_space<vmem>>, vector<1x128x128xf32>
    %swap3A_1125 = vector.shape_cast %swap3A_1124 : vector<1x128x128xf32> to vector<128x128xf32>
    %swap3A_1126 = vector.shape_cast %transpose3A_1120 : vector<128x128xf32> to vector<1x128x128xf32>
    tpu.vector_store %arg3[%swap3A_1121, %swap3A_1122, %swap3A_1123], %swap3A_1126 {strides = array<i32>} : memref<50x400x128xf32, #tpu.memory_space<vmem>>, vector<1x128x128xf32>,
    %slice3A_1127 = vector.extract_strided_slice %get3A_2 {offsets = [0, 122, 0], sizes = [128, 1, 128], strides = [1, 1, 1]} : vector<128x200x128xf32> to vector<128x1x128xf32>
    %squeeze3A_1128 = vector.shape_cast %slice3A_1127 : vector<128x1x128xf32> to vector<128x128xf32>
    %transpose3A_1129 = tpu.transpose %squeeze3A_1128, [1, 0] : vector<128x128xf32> -> vector<128x128xf32>
    %swap3A_1130 = arith.constant 30 : index
    %swap3A_1131 = arith.constant 256 : index
    %swap3A_1132 = arith.constant 0 : index
    %swap3A_1133 = vector.load %arg3[%swap3A_1130, %swap3A_1131, %swap3A_1132] : memref<50x400x128xf32, #tpu.memory_space<vmem>>, vector<1x128x128xf32>
    %swap3A_1134 = vector.shape_cast %swap3A_1133 : vector<1x128x128xf32> to vector<128x128xf32>
    %swap3A_1135 = vector.shape_cast %transpose3A_1129 : vector<128x128xf32> to vector<1x128x128xf32>
    tpu.vector_store %arg3[%swap3A_1130, %swap3A_1131, %swap3A_1132], %swap3A_1135 {strides = array<i32>} : memref<50x400x128xf32, #tpu.memory_space<vmem>>, vector<1x128x128xf32>,
    %slice3A_1136 = vector.extract_strided_slice %get3A_2 {offsets = [0, 123, 0], sizes = [128, 1, 128], strides = [1, 1, 1]} : vector<128x200x128xf32> to vector<128x1x128xf32>
    %squeeze3A_1137 = vector.shape_cast %slice3A_1136 : vector<128x1x128xf32> to vector<128x128xf32>
    %transpose3A_1138 = tpu.transpose %squeeze3A_1137, [1, 0] : vector<128x128xf32> -> vector<128x128xf32>
    %slice3A_1139 = vector.extract_strided_slice %transpose3A_1138 {offsets = [0, 0], sizes = [16, 128], strides = [1, 1]} : vector<128x128xf32> to vector<16x128xf32>
    %swap3A_1140 = arith.constant 30 : index
    %swap3A_1141 = arith.constant 384 : index
    %swap3A_1142 = arith.constant 0 : index
    %swap3A_1143 = vector.load %arg3[%swap3A_1140, %swap3A_1141, %swap3A_1142] : memref<50x400x128xf32, #tpu.memory_space<vmem>>, vector<1x16x128xf32>
    %swap3A_1144 = vector.shape_cast %swap3A_1143 : vector<1x16x128xf32> to vector<16x128xf32>
    %swap3A_1145 = vector.shape_cast %slice3A_1139 : vector<16x128xf32> to vector<1x16x128xf32>
    tpu.vector_store %arg3[%swap3A_1140, %swap3A_1141, %swap3A_1142], %swap3A_1145 {strides = array<i32>} : memref<50x400x128xf32, #tpu.memory_space<vmem>>, vector<1x16x128xf32>,
    %slice3A_1146 = vector.extract_strided_slice %get3A_2 {offsets = [0, 124, 0], sizes = [128, 1, 128], strides = [1, 1, 1]} : vector<128x200x128xf32> to vector<128x1x128xf32>
    %squeeze3A_1147 = vector.shape_cast %slice3A_1146 : vector<128x1x128xf32> to vector<128x128xf32>
    %transpose3A_1148 = tpu.transpose %squeeze3A_1147, [1, 0] : vector<128x128xf32> -> vector<128x128xf32>
    %swap3A_1149 = arith.constant 31 : index
    %swap3A_1150 = arith.constant 0 : index
    %swap3A_1151 = arith.constant 0 : index
    %swap3A_1152 = vector.load %arg3[%swap3A_1149, %swap3A_1150, %swap3A_1151] : memref<50x400x128xf32, #tpu.memory_space<vmem>>, vector<1x128x128xf32>
    %swap3A_1153 = vector.shape_cast %swap3A_1152 : vector<1x128x128xf32> to vector<128x128xf32>
    %swap3A_1154 = vector.shape_cast %transpose3A_1148 : vector<128x128xf32> to vector<1x128x128xf32>
    tpu.vector_store %arg3[%swap3A_1149, %swap3A_1150, %swap3A_1151], %swap3A_1154 {strides = array<i32>} : memref<50x400x128xf32, #tpu.memory_space<vmem>>, vector<1x128x128xf32>,
    %slice3A_1155 = vector.extract_strided_slice %get3A_2 {offsets = [0, 125, 0], sizes = [128, 1, 128], strides = [1, 1, 1]} : vector<128x200x128xf32> to vector<128x1x128xf32>
    %squeeze3A_1156 = vector.shape_cast %slice3A_1155 : vector<128x1x128xf32> to vector<128x128xf32>
    %transpose3A_1157 = tpu.transpose %squeeze3A_1156, [1, 0] : vector<128x128xf32> -> vector<128x128xf32>
    %swap3A_1158 = arith.constant 31 : index
    %swap3A_1159 = arith.constant 128 : index
    %swap3A_1160 = arith.constant 0 : index
    %swap3A_1161 = vector.load %arg3[%swap3A_1158, %swap3A_1159, %swap3A_1160] : memref<50x400x128xf32, #tpu.memory_space<vmem>>, vector<1x128x128xf32>
    %swap3A_1162 = vector.shape_cast %swap3A_1161 : vector<1x128x128xf32> to vector<128x128xf32>
    %swap3A_1163 = vector.shape_cast %transpose3A_1157 : vector<128x128xf32> to vector<1x128x128xf32>
    tpu.vector_store %arg3[%swap3A_1158, %swap3A_1159, %swap3A_1160], %swap3A_1163 {strides = array<i32>} : memref<50x400x128xf32, #tpu.memory_space<vmem>>, vector<1x128x128xf32>,
    %slice3A_1164 = vector.extract_strided_slice %get3A_2 {offsets = [0, 126, 0], sizes = [128, 1, 128], strides = [1, 1, 1]} : vector<128x200x128xf32> to vector<128x1x128xf32>
    %squeeze3A_1165 = vector.shape_cast %slice3A_1164 : vector<128x1x128xf32> to vector<128x128xf32>
    %transpose3A_1166 = tpu.transpose %squeeze3A_1165, [1, 0] : vector<128x128xf32> -> vector<128x128xf32>
    %swap3A_1167 = arith.constant 31 : index
    %swap3A_1168 = arith.constant 256 : index
    %swap3A_1169 = arith.constant 0 : index
    %swap3A_1170 = vector.load %arg3[%swap3A_1167, %swap3A_1168, %swap3A_1169] : memref<50x400x128xf32, #tpu.memory_space<vmem>>, vector<1x128x128xf32>
    %swap3A_1171 = vector.shape_cast %swap3A_1170 : vector<1x128x128xf32> to vector<128x128xf32>
    %swap3A_1172 = vector.shape_cast %transpose3A_1166 : vector<128x128xf32> to vector<1x128x128xf32>
    tpu.vector_store %arg3[%swap3A_1167, %swap3A_1168, %swap3A_1169], %swap3A_1172 {strides = array<i32>} : memref<50x400x128xf32, #tpu.memory_space<vmem>>, vector<1x128x128xf32>,
    %slice3A_1173 = vector.extract_strided_slice %get3A_2 {offsets = [0, 127, 0], sizes = [128, 1, 128], strides = [1, 1, 1]} : vector<128x200x128xf32> to vector<128x1x128xf32>
    %squeeze3A_1174 = vector.shape_cast %slice3A_1173 : vector<128x1x128xf32> to vector<128x128xf32>
    %transpose3A_1175 = tpu.transpose %squeeze3A_1174, [1, 0] : vector<128x128xf32> -> vector<128x128xf32>
    %slice3A_1176 = vector.extract_strided_slice %transpose3A_1175 {offsets = [0, 0], sizes = [16, 128], strides = [1, 1]} : vector<128x128xf32> to vector<16x128xf32>
    %swap3A_1177 = arith.constant 31 : index
    %swap3A_1178 = arith.constant 384 : index
    %swap3A_1179 = arith.constant 0 : index
    %swap3A_1180 = vector.load %arg3[%swap3A_1177, %swap3A_1178, %swap3A_1179] : memref<50x400x128xf32, #tpu.memory_space<vmem>>, vector<1x16x128xf32>
    %swap3A_1181 = vector.shape_cast %swap3A_1180 : vector<1x16x128xf32> to vector<16x128xf32>
    %swap3A_1182 = vector.shape_cast %slice3A_1176 : vector<16x128xf32> to vector<1x16x128xf32>
    tpu.vector_store %arg3[%swap3A_1177, %swap3A_1178, %swap3A_1179], %swap3A_1182 {strides = array<i32>} : memref<50x400x128xf32, #tpu.memory_space<vmem>>, vector<1x16x128xf32>,
    %slice3A_1183 = vector.extract_strided_slice %get3A_2 {offsets = [0, 128, 0], sizes = [128, 1, 128], strides = [1, 1, 1]} : vector<128x200x128xf32> to vector<128x1x128xf32>
    %squeeze3A_1184 = vector.shape_cast %slice3A_1183 : vector<128x1x128xf32> to vector<128x128xf32>
    %transpose3A_1185 = tpu.transpose %squeeze3A_1184, [1, 0] : vector<128x128xf32> -> vector<128x128xf32>
    %swap3A_1186 = arith.constant 32 : index
    %swap3A_1187 = arith.constant 0 : index
    %swap3A_1188 = arith.constant 0 : index
    %swap3A_1189 = vector.load %arg3[%swap3A_1186, %swap3A_1187, %swap3A_1188] : memref<50x400x128xf32, #tpu.memory_space<vmem>>, vector<1x128x128xf32>
    %swap3A_1190 = vector.shape_cast %swap3A_1189 : vector<1x128x128xf32> to vector<128x128xf32>
    %swap3A_1191 = vector.shape_cast %transpose3A_1185 : vector<128x128xf32> to vector<1x128x128xf32>
    tpu.vector_store %arg3[%swap3A_1186, %swap3A_1187, %swap3A_1188], %swap3A_1191 {strides = array<i32>} : memref<50x400x128xf32, #tpu.memory_space<vmem>>, vector<1x128x128xf32>,
    %slice3A_1192 = vector.extract_strided_slice %get3A_2 {offsets = [0, 129, 0], sizes = [128, 1, 128], strides = [1, 1, 1]} : vector<128x200x128xf32> to vector<128x1x128xf32>
    %squeeze3A_1193 = vector.shape_cast %slice3A_1192 : vector<128x1x128xf32> to vector<128x128xf32>
    %transpose3A_1194 = tpu.transpose %squeeze3A_1193, [1, 0] : vector<128x128xf32> -> vector<128x128xf32>
    %swap3A_1195 = arith.constant 32 : index
    %swap3A_1196 = arith.constant 128 : index
    %swap3A_1197 = arith.constant 0 : index
    %swap3A_1198 = vector.load %arg3[%swap3A_1195, %swap3A_1196, %swap3A_1197] : memref<50x400x128xf32, #tpu.memory_space<vmem>>, vector<1x128x128xf32>
    %swap3A_1199 = vector.shape_cast %swap3A_1198 : vector<1x128x128xf32> to vector<128x128xf32>
    %swap3A_1200 = vector.shape_cast %transpose3A_1194 : vector<128x128xf32> to vector<1x128x128xf32>
    tpu.vector_store %arg3[%swap3A_1195, %swap3A_1196, %swap3A_1197], %swap3A_1200 {strides = array<i32>} : memref<50x400x128xf32, #tpu.memory_space<vmem>>, vector<1x128x128xf32>,
    %slice3A_1201 = vector.extract_strided_slice %get3A_2 {offsets = [0, 130, 0], sizes = [128, 1, 128], strides = [1, 1, 1]} : vector<128x200x128xf32> to vector<128x1x128xf32>
    %squeeze3A_1202 = vector.shape_cast %slice3A_1201 : vector<128x1x128xf32> to vector<128x128xf32>
    %transpose3A_1203 = tpu.transpose %squeeze3A_1202, [1, 0] : vector<128x128xf32> -> vector<128x128xf32>
    %swap3A_1204 = arith.constant 32 : index
    %swap3A_1205 = arith.constant 256 : index
    %swap3A_1206 = arith.constant 0 : index
    %swap3A_1207 = vector.load %arg3[%swap3A_1204, %swap3A_1205, %swap3A_1206] : memref<50x400x128xf32, #tpu.memory_space<vmem>>, vector<1x128x128xf32>
    %swap3A_1208 = vector.shape_cast %swap3A_1207 : vector<1x128x128xf32> to vector<128x128xf32>
    %swap3A_1209 = vector.shape_cast %transpose3A_1203 : vector<128x128xf32> to vector<1x128x128xf32>
    tpu.vector_store %arg3[%swap3A_1204, %swap3A_1205, %swap3A_1206], %swap3A_1209 {strides = array<i32>} : memref<50x400x128xf32, #tpu.memory_space<vmem>>, vector<1x128x128xf32>,
    %slice3A_1210 = vector.extract_strided_slice %get3A_2 {offsets = [0, 131, 0], sizes = [128, 1, 128], strides = [1, 1, 1]} : vector<128x200x128xf32> to vector<128x1x128xf32>
    %squeeze3A_1211 = vector.shape_cast %slice3A_1210 : vector<128x1x128xf32> to vector<128x128xf32>
    %transpose3A_1212 = tpu.transpose %squeeze3A_1211, [1, 0] : vector<128x128xf32> -> vector<128x128xf32>
    %slice3A_1213 = vector.extract_strided_slice %transpose3A_1212 {offsets = [0, 0], sizes = [16, 128], strides = [1, 1]} : vector<128x128xf32> to vector<16x128xf32>
    %swap3A_1214 = arith.constant 32 : index
    %swap3A_1215 = arith.constant 384 : index
    %swap3A_1216 = arith.constant 0 : index
    %swap3A_1217 = vector.load %arg3[%swap3A_1214, %swap3A_1215, %swap3A_1216] : memref<50x400x128xf32, #tpu.memory_space<vmem>>, vector<1x16x128xf32>
    %swap3A_1218 = vector.shape_cast %swap3A_1217 : vector<1x16x128xf32> to vector<16x128xf32>
    %swap3A_1219 = vector.shape_cast %slice3A_1213 : vector<16x128xf32> to vector<1x16x128xf32>
    tpu.vector_store %arg3[%swap3A_1214, %swap3A_1215, %swap3A_1216], %swap3A_1219 {strides = array<i32>} : memref<50x400x128xf32, #tpu.memory_space<vmem>>, vector<1x16x128xf32>,
    %slice3A_1220 = vector.extract_strided_slice %get3A_2 {offsets = [0, 132, 0], sizes = [128, 1, 128], strides = [1, 1, 1]} : vector<128x200x128xf32> to vector<128x1x128xf32>
    %squeeze3A_1221 = vector.shape_cast %slice3A_1220 : vector<128x1x128xf32> to vector<128x128xf32>
    %transpose3A_1222 = tpu.transpose %squeeze3A_1221, [1, 0] : vector<128x128xf32> -> vector<128x128xf32>
    %swap3A_1223 = arith.constant 33 : index
    %swap3A_1224 = arith.constant 0 : index
    %swap3A_1225 = arith.constant 0 : index
    %swap3A_1226 = vector.load %arg3[%swap3A_1223, %swap3A_1224, %swap3A_1225] : memref<50x400x128xf32, #tpu.memory_space<vmem>>, vector<1x128x128xf32>
    %swap3A_1227 = vector.shape_cast %swap3A_1226 : vector<1x128x128xf32> to vector<128x128xf32>
    %swap3A_1228 = vector.shape_cast %transpose3A_1222 : vector<128x128xf32> to vector<1x128x128xf32>
    tpu.vector_store %arg3[%swap3A_1223, %swap3A_1224, %swap3A_1225], %swap3A_1228 {strides = array<i32>} : memref<50x400x128xf32, #tpu.memory_space<vmem>>, vector<1x128x128xf32>,
    %slice3A_1229 = vector.extract_strided_slice %get3A_2 {offsets = [0, 133, 0], sizes = [128, 1, 128], strides = [1, 1, 1]} : vector<128x200x128xf32> to vector<128x1x128xf32>
    %squeeze3A_1230 = vector.shape_cast %slice3A_1229 : vector<128x1x128xf32> to vector<128x128xf32>
    %transpose3A_1231 = tpu.transpose %squeeze3A_1230, [1, 0] : vector<128x128xf32> -> vector<128x128xf32>
    %swap3A_1232 = arith.constant 33 : index
    %swap3A_1233 = arith.constant 128 : index
    %swap3A_1234 = arith.constant 0 : index
    %swap3A_1235 = vector.load %arg3[%swap3A_1232, %swap3A_1233, %swap3A_1234] : memref<50x400x128xf32, #tpu.memory_space<vmem>>, vector<1x128x128xf32>
    %swap3A_1236 = vector.shape_cast %swap3A_1235 : vector<1x128x128xf32> to vector<128x128xf32>
    %swap3A_1237 = vector.shape_cast %transpose3A_1231 : vector<128x128xf32> to vector<1x128x128xf32>
    tpu.vector_store %arg3[%swap3A_1232, %swap3A_1233, %swap3A_1234], %swap3A_1237 {strides = array<i32>} : memref<50x400x128xf32, #tpu.memory_space<vmem>>, vector<1x128x128xf32>,
    %slice3A_1238 = vector.extract_strided_slice %get3A_2 {offsets = [0, 134, 0], sizes = [128, 1, 128], strides = [1, 1, 1]} : vector<128x200x128xf32> to vector<128x1x128xf32>
    %squeeze3A_1239 = vector.shape_cast %slice3A_1238 : vector<128x1x128xf32> to vector<128x128xf32>
    %transpose3A_1240 = tpu.transpose %squeeze3A_1239, [1, 0] : vector<128x128xf32> -> vector<128x128xf32>
    %swap3A_1241 = arith.constant 33 : index
    %swap3A_1242 = arith.constant 256 : index
    %swap3A_1243 = arith.constant 0 : index
    %swap3A_1244 = vector.load %arg3[%swap3A_1241, %swap3A_1242, %swap3A_1243] : memref<50x400x128xf32, #tpu.memory_space<vmem>>, vector<1x128x128xf32>
    %swap3A_1245 = vector.shape_cast %swap3A_1244 : vector<1x128x128xf32> to vector<128x128xf32>
    %swap3A_1246 = vector.shape_cast %transpose3A_1240 : vector<128x128xf32> to vector<1x128x128xf32>
    tpu.vector_store %arg3[%swap3A_1241, %swap3A_1242, %swap3A_1243], %swap3A_1246 {strides = array<i32>} : memref<50x400x128xf32, #tpu.memory_space<vmem>>, vector<1x128x128xf32>,
    %slice3A_1247 = vector.extract_strided_slice %get3A_2 {offsets = [0, 135, 0], sizes = [128, 1, 128], strides = [1, 1, 1]} : vector<128x200x128xf32> to vector<128x1x128xf32>
    %squeeze3A_1248 = vector.shape_cast %slice3A_1247 : vector<128x1x128xf32> to vector<128x128xf32>
    %transpose3A_1249 = tpu.transpose %squeeze3A_1248, [1, 0] : vector<128x128xf32> -> vector<128x128xf32>
    %slice3A_1250 = vector.extract_strided_slice %transpose3A_1249 {offsets = [0, 0], sizes = [16, 128], strides = [1, 1]} : vector<128x128xf32> to vector<16x128xf32>
    %swap3A_1251 = arith.constant 33 : index
    %swap3A_1252 = arith.constant 384 : index
    %swap3A_1253 = arith.constant 0 : index
    %swap3A_1254 = vector.load %arg3[%swap3A_1251, %swap3A_1252, %swap3A_1253] : memref<50x400x128xf32, #tpu.memory_space<vmem>>, vector<1x16x128xf32>
    %swap3A_1255 = vector.shape_cast %swap3A_1254 : vector<1x16x128xf32> to vector<16x128xf32>
    %swap3A_1256 = vector.shape_cast %slice3A_1250 : vector<16x128xf32> to vector<1x16x128xf32>
    tpu.vector_store %arg3[%swap3A_1251, %swap3A_1252, %swap3A_1253], %swap3A_1256 {strides = array<i32>} : memref<50x400x128xf32, #tpu.memory_space<vmem>>, vector<1x16x128xf32>,
    %slice3A_1257 = vector.extract_strided_slice %get3A_2 {offsets = [0, 136, 0], sizes = [128, 1, 128], strides = [1, 1, 1]} : vector<128x200x128xf32> to vector<128x1x128xf32>
    %squeeze3A_1258 = vector.shape_cast %slice3A_1257 : vector<128x1x128xf32> to vector<128x128xf32>
    %transpose3A_1259 = tpu.transpose %squeeze3A_1258, [1, 0] : vector<128x128xf32> -> vector<128x128xf32>
    %swap3A_1260 = arith.constant 34 : index
    %swap3A_1261 = arith.constant 0 : index
    %swap3A_1262 = arith.constant 0 : index
    %swap3A_1263 = vector.load %arg3[%swap3A_1260, %swap3A_1261, %swap3A_1262] : memref<50x400x128xf32, #tpu.memory_space<vmem>>, vector<1x128x128xf32>
    %swap3A_1264 = vector.shape_cast %swap3A_1263 : vector<1x128x128xf32> to vector<128x128xf32>
    %swap3A_1265 = vector.shape_cast %transpose3A_1259 : vector<128x128xf32> to vector<1x128x128xf32>
    tpu.vector_store %arg3[%swap3A_1260, %swap3A_1261, %swap3A_1262], %swap3A_1265 {strides = array<i32>} : memref<50x400x128xf32, #tpu.memory_space<vmem>>, vector<1x128x128xf32>,
    %slice3A_1266 = vector.extract_strided_slice %get3A_2 {offsets = [0, 137, 0], sizes = [128, 1, 128], strides = [1, 1, 1]} : vector<128x200x128xf32> to vector<128x1x128xf32>
    %squeeze3A_1267 = vector.shape_cast %slice3A_1266 : vector<128x1x128xf32> to vector<128x128xf32>
    %transpose3A_1268 = tpu.transpose %squeeze3A_1267, [1, 0] : vector<128x128xf32> -> vector<128x128xf32>
    %swap3A_1269 = arith.constant 34 : index
    %swap3A_1270 = arith.constant 128 : index
    %swap3A_1271 = arith.constant 0 : index
    %swap3A_1272 = vector.load %arg3[%swap3A_1269, %swap3A_1270, %swap3A_1271] : memref<50x400x128xf32, #tpu.memory_space<vmem>>, vector<1x128x128xf32>
    %swap3A_1273 = vector.shape_cast %swap3A_1272 : vector<1x128x128xf32> to vector<128x128xf32>
    %swap3A_1274 = vector.shape_cast %transpose3A_1268 : vector<128x128xf32> to vector<1x128x128xf32>
    tpu.vector_store %arg3[%swap3A_1269, %swap3A_1270, %swap3A_1271], %swap3A_1274 {strides = array<i32>} : memref<50x400x128xf32, #tpu.memory_space<vmem>>, vector<1x128x128xf32>,
    %slice3A_1275 = vector.extract_strided_slice %get3A_2 {offsets = [0, 138, 0], sizes = [128, 1, 128], strides = [1, 1, 1]} : vector<128x200x128xf32> to vector<128x1x128xf32>
    %squeeze3A_1276 = vector.shape_cast %slice3A_1275 : vector<128x1x128xf32> to vector<128x128xf32>
    %transpose3A_1277 = tpu.transpose %squeeze3A_1276, [1, 0] : vector<128x128xf32> -> vector<128x128xf32>
    %swap3A_1278 = arith.constant 34 : index
    %swap3A_1279 = arith.constant 256 : index
    %swap3A_1280 = arith.constant 0 : index
    %swap3A_1281 = vector.load %arg3[%swap3A_1278, %swap3A_1279, %swap3A_1280] : memref<50x400x128xf32, #tpu.memory_space<vmem>>, vector<1x128x128xf32>
    %swap3A_1282 = vector.shape_cast %swap3A_1281 : vector<1x128x128xf32> to vector<128x128xf32>
    %swap3A_1283 = vector.shape_cast %transpose3A_1277 : vector<128x128xf32> to vector<1x128x128xf32>
    tpu.vector_store %arg3[%swap3A_1278, %swap3A_1279, %swap3A_1280], %swap3A_1283 {strides = array<i32>} : memref<50x400x128xf32, #tpu.memory_space<vmem>>, vector<1x128x128xf32>,
    %slice3A_1284 = vector.extract_strided_slice %get3A_2 {offsets = [0, 139, 0], sizes = [128, 1, 128], strides = [1, 1, 1]} : vector<128x200x128xf32> to vector<128x1x128xf32>
    %squeeze3A_1285 = vector.shape_cast %slice3A_1284 : vector<128x1x128xf32> to vector<128x128xf32>
    %transpose3A_1286 = tpu.transpose %squeeze3A_1285, [1, 0] : vector<128x128xf32> -> vector<128x128xf32>
    %slice3A_1287 = vector.extract_strided_slice %transpose3A_1286 {offsets = [0, 0], sizes = [16, 128], strides = [1, 1]} : vector<128x128xf32> to vector<16x128xf32>
    %swap3A_1288 = arith.constant 34 : index
    %swap3A_1289 = arith.constant 384 : index
    %swap3A_1290 = arith.constant 0 : index
    %swap3A_1291 = vector.load %arg3[%swap3A_1288, %swap3A_1289, %swap3A_1290] : memref<50x400x128xf32, #tpu.memory_space<vmem>>, vector<1x16x128xf32>
    %swap3A_1292 = vector.shape_cast %swap3A_1291 : vector<1x16x128xf32> to vector<16x128xf32>
    %swap3A_1293 = vector.shape_cast %slice3A_1287 : vector<16x128xf32> to vector<1x16x128xf32>
    tpu.vector_store %arg3[%swap3A_1288, %swap3A_1289, %swap3A_1290], %swap3A_1293 {strides = array<i32>} : memref<50x400x128xf32, #tpu.memory_space<vmem>>, vector<1x16x128xf32>,
    %slice3A_1294 = vector.extract_strided_slice %get3A_2 {offsets = [0, 140, 0], sizes = [128, 1, 128], strides = [1, 1, 1]} : vector<128x200x128xf32> to vector<128x1x128xf32>
    %squeeze3A_1295 = vector.shape_cast %slice3A_1294 : vector<128x1x128xf32> to vector<128x128xf32>
    %transpose3A_1296 = tpu.transpose %squeeze3A_1295, [1, 0] : vector<128x128xf32> -> vector<128x128xf32>
    %swap3A_1297 = arith.constant 35 : index
    %swap3A_1298 = arith.constant 0 : index
    %swap3A_1299 = arith.constant 0 : index
    %swap3A_1300 = vector.load %arg3[%swap3A_1297, %swap3A_1298, %swap3A_1299] : memref<50x400x128xf32, #tpu.memory_space<vmem>>, vector<1x128x128xf32>
    %swap3A_1301 = vector.shape_cast %swap3A_1300 : vector<1x128x128xf32> to vector<128x128xf32>
    %swap3A_1302 = vector.shape_cast %transpose3A_1296 : vector<128x128xf32> to vector<1x128x128xf32>
    tpu.vector_store %arg3[%swap3A_1297, %swap3A_1298, %swap3A_1299], %swap3A_1302 {strides = array<i32>} : memref<50x400x128xf32, #tpu.memory_space<vmem>>, vector<1x128x128xf32>,
    %slice3A_1303 = vector.extract_strided_slice %get3A_2 {offsets = [0, 141, 0], sizes = [128, 1, 128], strides = [1, 1, 1]} : vector<128x200x128xf32> to vector<128x1x128xf32>
    %squeeze3A_1304 = vector.shape_cast %slice3A_1303 : vector<128x1x128xf32> to vector<128x128xf32>
    %transpose3A_1305 = tpu.transpose %squeeze3A_1304, [1, 0] : vector<128x128xf32> -> vector<128x128xf32>
    %swap3A_1306 = arith.constant 35 : index
    %swap3A_1307 = arith.constant 128 : index
    %swap3A_1308 = arith.constant 0 : index
    %swap3A_1309 = vector.load %arg3[%swap3A_1306, %swap3A_1307, %swap3A_1308] : memref<50x400x128xf32, #tpu.memory_space<vmem>>, vector<1x128x128xf32>
    %swap3A_1310 = vector.shape_cast %swap3A_1309 : vector<1x128x128xf32> to vector<128x128xf32>
    %swap3A_1311 = vector.shape_cast %transpose3A_1305 : vector<128x128xf32> to vector<1x128x128xf32>
    tpu.vector_store %arg3[%swap3A_1306, %swap3A_1307, %swap3A_1308], %swap3A_1311 {strides = array<i32>} : memref<50x400x128xf32, #tpu.memory_space<vmem>>, vector<1x128x128xf32>,
    %slice3A_1312 = vector.extract_strided_slice %get3A_2 {offsets = [0, 142, 0], sizes = [128, 1, 128], strides = [1, 1, 1]} : vector<128x200x128xf32> to vector<128x1x128xf32>
    %squeeze3A_1313 = vector.shape_cast %slice3A_1312 : vector<128x1x128xf32> to vector<128x128xf32>
    %transpose3A_1314 = tpu.transpose %squeeze3A_1313, [1, 0] : vector<128x128xf32> -> vector<128x128xf32>
    %swap3A_1315 = arith.constant 35 : index
    %swap3A_1316 = arith.constant 256 : index
    %swap3A_1317 = arith.constant 0 : index
    %swap3A_1318 = vector.load %arg3[%swap3A_1315, %swap3A_1316, %swap3A_1317] : memref<50x400x128xf32, #tpu.memory_space<vmem>>, vector<1x128x128xf32>
    %swap3A_1319 = vector.shape_cast %swap3A_1318 : vector<1x128x128xf32> to vector<128x128xf32>
    %swap3A_1320 = vector.shape_cast %transpose3A_1314 : vector<128x128xf32> to vector<1x128x128xf32>
    tpu.vector_store %arg3[%swap3A_1315, %swap3A_1316, %swap3A_1317], %swap3A_1320 {strides = array<i32>} : memref<50x400x128xf32, #tpu.memory_space<vmem>>, vector<1x128x128xf32>,
    %slice3A_1321 = vector.extract_strided_slice %get3A_2 {offsets = [0, 143, 0], sizes = [128, 1, 128], strides = [1, 1, 1]} : vector<128x200x128xf32> to vector<128x1x128xf32>
    %squeeze3A_1322 = vector.shape_cast %slice3A_1321 : vector<128x1x128xf32> to vector<128x128xf32>
    %transpose3A_1323 = tpu.transpose %squeeze3A_1322, [1, 0] : vector<128x128xf32> -> vector<128x128xf32>
    %slice3A_1324 = vector.extract_strided_slice %transpose3A_1323 {offsets = [0, 0], sizes = [16, 128], strides = [1, 1]} : vector<128x128xf32> to vector<16x128xf32>
    %swap3A_1325 = arith.constant 35 : index
    %swap3A_1326 = arith.constant 384 : index
    %swap3A_1327 = arith.constant 0 : index
    %swap3A_1328 = vector.load %arg3[%swap3A_1325, %swap3A_1326, %swap3A_1327] : memref<50x400x128xf32, #tpu.memory_space<vmem>>, vector<1x16x128xf32>
    %swap3A_1329 = vector.shape_cast %swap3A_1328 : vector<1x16x128xf32> to vector<16x128xf32>
    %swap3A_1330 = vector.shape_cast %slice3A_1324 : vector<16x128xf32> to vector<1x16x128xf32>
    tpu.vector_store %arg3[%swap3A_1325, %swap3A_1326, %swap3A_1327], %swap3A_1330 {strides = array<i32>} : memref<50x400x128xf32, #tpu.memory_space<vmem>>, vector<1x16x128xf32>,
    %slice3A_1331 = vector.extract_strided_slice %get3A_2 {offsets = [0, 144, 0], sizes = [128, 1, 128], strides = [1, 1, 1]} : vector<128x200x128xf32> to vector<128x1x128xf32>
    %squeeze3A_1332 = vector.shape_cast %slice3A_1331 : vector<128x1x128xf32> to vector<128x128xf32>
    %transpose3A_1333 = tpu.transpose %squeeze3A_1332, [1, 0] : vector<128x128xf32> -> vector<128x128xf32>
    %swap3A_1334 = arith.constant 36 : index
    %swap3A_1335 = arith.constant 0 : index
    %swap3A_1336 = arith.constant 0 : index
    %swap3A_1337 = vector.load %arg3[%swap3A_1334, %swap3A_1335, %swap3A_1336] : memref<50x400x128xf32, #tpu.memory_space<vmem>>, vector<1x128x128xf32>
    %swap3A_1338 = vector.shape_cast %swap3A_1337 : vector<1x128x128xf32> to vector<128x128xf32>
    %swap3A_1339 = vector.shape_cast %transpose3A_1333 : vector<128x128xf32> to vector<1x128x128xf32>
    tpu.vector_store %arg3[%swap3A_1334, %swap3A_1335, %swap3A_1336], %swap3A_1339 {strides = array<i32>} : memref<50x400x128xf32, #tpu.memory_space<vmem>>, vector<1x128x128xf32>,
    %slice3A_1340 = vector.extract_strided_slice %get3A_2 {offsets = [0, 145, 0], sizes = [128, 1, 128], strides = [1, 1, 1]} : vector<128x200x128xf32> to vector<128x1x128xf32>
    %squeeze3A_1341 = vector.shape_cast %slice3A_1340 : vector<128x1x128xf32> to vector<128x128xf32>
    %transpose3A_1342 = tpu.transpose %squeeze3A_1341, [1, 0] : vector<128x128xf32> -> vector<128x128xf32>
    %swap3A_1343 = arith.constant 36 : index
    %swap3A_1344 = arith.constant 128 : index
    %swap3A_1345 = arith.constant 0 : index
    %swap3A_1346 = vector.load %arg3[%swap3A_1343, %swap3A_1344, %swap3A_1345] : memref<50x400x128xf32, #tpu.memory_space<vmem>>, vector<1x128x128xf32>
    %swap3A_1347 = vector.shape_cast %swap3A_1346 : vector<1x128x128xf32> to vector<128x128xf32>
    %swap3A_1348 = vector.shape_cast %transpose3A_1342 : vector<128x128xf32> to vector<1x128x128xf32>
    tpu.vector_store %arg3[%swap3A_1343, %swap3A_1344, %swap3A_1345], %swap3A_1348 {strides = array<i32>} : memref<50x400x128xf32, #tpu.memory_space<vmem>>, vector<1x128x128xf32>,
    %slice3A_1349 = vector.extract_strided_slice %get3A_2 {offsets = [0, 146, 0], sizes = [128, 1, 128], strides = [1, 1, 1]} : vector<128x200x128xf32> to vector<128x1x128xf32>
    %squeeze3A_1350 = vector.shape_cast %slice3A_1349 : vector<128x1x128xf32> to vector<128x128xf32>
    %transpose3A_1351 = tpu.transpose %squeeze3A_1350, [1, 0] : vector<128x128xf32> -> vector<128x128xf32>
    %swap3A_1352 = arith.constant 36 : index
    %swap3A_1353 = arith.constant 256 : index
    %swap3A_1354 = arith.constant 0 : index
    %swap3A_1355 = vector.load %arg3[%swap3A_1352, %swap3A_1353, %swap3A_1354] : memref<50x400x128xf32, #tpu.memory_space<vmem>>, vector<1x128x128xf32>
    %swap3A_1356 = vector.shape_cast %swap3A_1355 : vector<1x128x128xf32> to vector<128x128xf32>
    %swap3A_1357 = vector.shape_cast %transpose3A_1351 : vector<128x128xf32> to vector<1x128x128xf32>
    tpu.vector_store %arg3[%swap3A_1352, %swap3A_1353, %swap3A_1354], %swap3A_1357 {strides = array<i32>} : memref<50x400x128xf32, #tpu.memory_space<vmem>>, vector<1x128x128xf32>,
    %slice3A_1358 = vector.extract_strided_slice %get3A_2 {offsets = [0, 147, 0], sizes = [128, 1, 128], strides = [1, 1, 1]} : vector<128x200x128xf32> to vector<128x1x128xf32>
    %squeeze3A_1359 = vector.shape_cast %slice3A_1358 : vector<128x1x128xf32> to vector<128x128xf32>
    %transpose3A_1360 = tpu.transpose %squeeze3A_1359, [1, 0] : vector<128x128xf32> -> vector<128x128xf32>
    %slice3A_1361 = vector.extract_strided_slice %transpose3A_1360 {offsets = [0, 0], sizes = [16, 128], strides = [1, 1]} : vector<128x128xf32> to vector<16x128xf32>
    %swap3A_1362 = arith.constant 36 : index
    %swap3A_1363 = arith.constant 384 : index
    %swap3A_1364 = arith.constant 0 : index
    %swap3A_1365 = vector.load %arg3[%swap3A_1362, %swap3A_1363, %swap3A_1364] : memref<50x400x128xf32, #tpu.memory_space<vmem>>, vector<1x16x128xf32>
    %swap3A_1366 = vector.shape_cast %swap3A_1365 : vector<1x16x128xf32> to vector<16x128xf32>
    %swap3A_1367 = vector.shape_cast %slice3A_1361 : vector<16x128xf32> to vector<1x16x128xf32>
    tpu.vector_store %arg3[%swap3A_1362, %swap3A_1363, %swap3A_1364], %swap3A_1367 {strides = array<i32>} : memref<50x400x128xf32, #tpu.memory_space<vmem>>, vector<1x16x128xf32>,
    %slice3A_1368 = vector.extract_strided_slice %get3A_2 {offsets = [0, 148, 0], sizes = [128, 1, 128], strides = [1, 1, 1]} : vector<128x200x128xf32> to vector<128x1x128xf32>
    %squeeze3A_1369 = vector.shape_cast %slice3A_1368 : vector<128x1x128xf32> to vector<128x128xf32>
    %transpose3A_1370 = tpu.transpose %squeeze3A_1369, [1, 0] : vector<128x128xf32> -> vector<128x128xf32>
    %swap3A_1371 = arith.constant 37 : index
    %swap3A_1372 = arith.constant 0 : index
    %swap3A_1373 = arith.constant 0 : index
    %swap3A_1374 = vector.load %arg3[%swap3A_1371, %swap3A_1372, %swap3A_1373] : memref<50x400x128xf32, #tpu.memory_space<vmem>>, vector<1x128x128xf32>
    %swap3A_1375 = vector.shape_cast %swap3A_1374 : vector<1x128x128xf32> to vector<128x128xf32>
    %swap3A_1376 = vector.shape_cast %transpose3A_1370 : vector<128x128xf32> to vector<1x128x128xf32>
    tpu.vector_store %arg3[%swap3A_1371, %swap3A_1372, %swap3A_1373], %swap3A_1376 {strides = array<i32>} : memref<50x400x128xf32, #tpu.memory_space<vmem>>, vector<1x128x128xf32>,
    %slice3A_1377 = vector.extract_strided_slice %get3A_2 {offsets = [0, 149, 0], sizes = [128, 1, 128], strides = [1, 1, 1]} : vector<128x200x128xf32> to vector<128x1x128xf32>
    %squeeze3A_1378 = vector.shape_cast %slice3A_1377 : vector<128x1x128xf32> to vector<128x128xf32>
    %transpose3A_1379 = tpu.transpose %squeeze3A_1378, [1, 0] : vector<128x128xf32> -> vector<128x128xf32>
    %swap3A_1380 = arith.constant 37 : index
    %swap3A_1381 = arith.constant 128 : index
    %swap3A_1382 = arith.constant 0 : index
    %swap3A_1383 = vector.load %arg3[%swap3A_1380, %swap3A_1381, %swap3A_1382] : memref<50x400x128xf32, #tpu.memory_space<vmem>>, vector<1x128x128xf32>
    %swap3A_1384 = vector.shape_cast %swap3A_1383 : vector<1x128x128xf32> to vector<128x128xf32>
    %swap3A_1385 = vector.shape_cast %transpose3A_1379 : vector<128x128xf32> to vector<1x128x128xf32>
    tpu.vector_store %arg3[%swap3A_1380, %swap3A_1381, %swap3A_1382], %swap3A_1385 {strides = array<i32>} : memref<50x400x128xf32, #tpu.memory_space<vmem>>, vector<1x128x128xf32>,
    %slice3A_1386 = vector.extract_strided_slice %get3A_2 {offsets = [0, 150, 0], sizes = [128, 1, 128], strides = [1, 1, 1]} : vector<128x200x128xf32> to vector<128x1x128xf32>
    %squeeze3A_1387 = vector.shape_cast %slice3A_1386 : vector<128x1x128xf32> to vector<128x128xf32>
    %transpose3A_1388 = tpu.transpose %squeeze3A_1387, [1, 0] : vector<128x128xf32> -> vector<128x128xf32>
    %swap3A_1389 = arith.constant 37 : index
    %swap3A_1390 = arith.constant 256 : index
    %swap3A_1391 = arith.constant 0 : index
    %swap3A_1392 = vector.load %arg3[%swap3A_1389, %swap3A_1390, %swap3A_1391] : memref<50x400x128xf32, #tpu.memory_space<vmem>>, vector<1x128x128xf32>
    %swap3A_1393 = vector.shape_cast %swap3A_1392 : vector<1x128x128xf32> to vector<128x128xf32>
    %swap3A_1394 = vector.shape_cast %transpose3A_1388 : vector<128x128xf32> to vector<1x128x128xf32>
    tpu.vector_store %arg3[%swap3A_1389, %swap3A_1390, %swap3A_1391], %swap3A_1394 {strides = array<i32>} : memref<50x400x128xf32, #tpu.memory_space<vmem>>, vector<1x128x128xf32>,
    %slice3A_1395 = vector.extract_strided_slice %get3A_2 {offsets = [0, 151, 0], sizes = [128, 1, 128], strides = [1, 1, 1]} : vector<128x200x128xf32> to vector<128x1x128xf32>
    %squeeze3A_1396 = vector.shape_cast %slice3A_1395 : vector<128x1x128xf32> to vector<128x128xf32>
    %transpose3A_1397 = tpu.transpose %squeeze3A_1396, [1, 0] : vector<128x128xf32> -> vector<128x128xf32>
    %slice3A_1398 = vector.extract_strided_slice %transpose3A_1397 {offsets = [0, 0], sizes = [16, 128], strides = [1, 1]} : vector<128x128xf32> to vector<16x128xf32>
    %swap3A_1399 = arith.constant 37 : index
    %swap3A_1400 = arith.constant 384 : index
    %swap3A_1401 = arith.constant 0 : index
    %swap3A_1402 = vector.load %arg3[%swap3A_1399, %swap3A_1400, %swap3A_1401] : memref<50x400x128xf32, #tpu.memory_space<vmem>>, vector<1x16x128xf32>
    %swap3A_1403 = vector.shape_cast %swap3A_1402 : vector<1x16x128xf32> to vector<16x128xf32>
    %swap3A_1404 = vector.shape_cast %slice3A_1398 : vector<16x128xf32> to vector<1x16x128xf32>
    tpu.vector_store %arg3[%swap3A_1399, %swap3A_1400, %swap3A_1401], %swap3A_1404 {strides = array<i32>} : memref<50x400x128xf32, #tpu.memory_space<vmem>>, vector<1x16x128xf32>,
    %slice3A_1405 = vector.extract_strided_slice %get3A_2 {offsets = [0, 152, 0], sizes = [128, 1, 128], strides = [1, 1, 1]} : vector<128x200x128xf32> to vector<128x1x128xf32>
    %squeeze3A_1406 = vector.shape_cast %slice3A_1405 : vector<128x1x128xf32> to vector<128x128xf32>
    %transpose3A_1407 = tpu.transpose %squeeze3A_1406, [1, 0] : vector<128x128xf32> -> vector<128x128xf32>
    %swap3A_1408 = arith.constant 38 : index
    %swap3A_1409 = arith.constant 0 : index
    %swap3A_1410 = arith.constant 0 : index
    %swap3A_1411 = vector.load %arg3[%swap3A_1408, %swap3A_1409, %swap3A_1410] : memref<50x400x128xf32, #tpu.memory_space<vmem>>, vector<1x128x128xf32>
    %swap3A_1412 = vector.shape_cast %swap3A_1411 : vector<1x128x128xf32> to vector<128x128xf32>
    %swap3A_1413 = vector.shape_cast %transpose3A_1407 : vector<128x128xf32> to vector<1x128x128xf32>
    tpu.vector_store %arg3[%swap3A_1408, %swap3A_1409, %swap3A_1410], %swap3A_1413 {strides = array<i32>} : memref<50x400x128xf32, #tpu.memory_space<vmem>>, vector<1x128x128xf32>,
    %slice3A_1414 = vector.extract_strided_slice %get3A_2 {offsets = [0, 153, 0], sizes = [128, 1, 128], strides = [1, 1, 1]} : vector<128x200x128xf32> to vector<128x1x128xf32>
    %squeeze3A_1415 = vector.shape_cast %slice3A_1414 : vector<128x1x128xf32> to vector<128x128xf32>
    %transpose3A_1416 = tpu.transpose %squeeze3A_1415, [1, 0] : vector<128x128xf32> -> vector<128x128xf32>
    %swap3A_1417 = arith.constant 38 : index
    %swap3A_1418 = arith.constant 128 : index
    %swap3A_1419 = arith.constant 0 : index
    %swap3A_1420 = vector.load %arg3[%swap3A_1417, %swap3A_1418, %swap3A_1419] : memref<50x400x128xf32, #tpu.memory_space<vmem>>, vector<1x128x128xf32>
    %swap3A_1421 = vector.shape_cast %swap3A_1420 : vector<1x128x128xf32> to vector<128x128xf32>
    %swap3A_1422 = vector.shape_cast %transpose3A_1416 : vector<128x128xf32> to vector<1x128x128xf32>
    tpu.vector_store %arg3[%swap3A_1417, %swap3A_1418, %swap3A_1419], %swap3A_1422 {strides = array<i32>} : memref<50x400x128xf32, #tpu.memory_space<vmem>>, vector<1x128x128xf32>,
    %slice3A_1423 = vector.extract_strided_slice %get3A_2 {offsets = [0, 154, 0], sizes = [128, 1, 128], strides = [1, 1, 1]} : vector<128x200x128xf32> to vector<128x1x128xf32>
    %squeeze3A_1424 = vector.shape_cast %slice3A_1423 : vector<128x1x128xf32> to vector<128x128xf32>
    %transpose3A_1425 = tpu.transpose %squeeze3A_1424, [1, 0] : vector<128x128xf32> -> vector<128x128xf32>
    %swap3A_1426 = arith.constant 38 : index
    %swap3A_1427 = arith.constant 256 : index
    %swap3A_1428 = arith.constant 0 : index
    %swap3A_1429 = vector.load %arg3[%swap3A_1426, %swap3A_1427, %swap3A_1428] : memref<50x400x128xf32, #tpu.memory_space<vmem>>, vector<1x128x128xf32>
    %swap3A_1430 = vector.shape_cast %swap3A_1429 : vector<1x128x128xf32> to vector<128x128xf32>
    %swap3A_1431 = vector.shape_cast %transpose3A_1425 : vector<128x128xf32> to vector<1x128x128xf32>
    tpu.vector_store %arg3[%swap3A_1426, %swap3A_1427, %swap3A_1428], %swap3A_1431 {strides = array<i32>} : memref<50x400x128xf32, #tpu.memory_space<vmem>>, vector<1x128x128xf32>,
    %slice3A_1432 = vector.extract_strided_slice %get3A_2 {offsets = [0, 155, 0], sizes = [128, 1, 128], strides = [1, 1, 1]} : vector<128x200x128xf32> to vector<128x1x128xf32>
    %squeeze3A_1433 = vector.shape_cast %slice3A_1432 : vector<128x1x128xf32> to vector<128x128xf32>
    %transpose3A_1434 = tpu.transpose %squeeze3A_1433, [1, 0] : vector<128x128xf32> -> vector<128x128xf32>
    %slice3A_1435 = vector.extract_strided_slice %transpose3A_1434 {offsets = [0, 0], sizes = [16, 128], strides = [1, 1]} : vector<128x128xf32> to vector<16x128xf32>
    %swap3A_1436 = arith.constant 38 : index
    %swap3A_1437 = arith.constant 384 : index
    %swap3A_1438 = arith.constant 0 : index
    %swap3A_1439 = vector.load %arg3[%swap3A_1436, %swap3A_1437, %swap3A_1438] : memref<50x400x128xf32, #tpu.memory_space<vmem>>, vector<1x16x128xf32>
    %swap3A_1440 = vector.shape_cast %swap3A_1439 : vector<1x16x128xf32> to vector<16x128xf32>
    %swap3A_1441 = vector.shape_cast %slice3A_1435 : vector<16x128xf32> to vector<1x16x128xf32>
    tpu.vector_store %arg3[%swap3A_1436, %swap3A_1437, %swap3A_1438], %swap3A_1441 {strides = array<i32>} : memref<50x400x128xf32, #tpu.memory_space<vmem>>, vector<1x16x128xf32>,
    %slice3A_1442 = vector.extract_strided_slice %get3A_2 {offsets = [0, 156, 0], sizes = [128, 1, 128], strides = [1, 1, 1]} : vector<128x200x128xf32> to vector<128x1x128xf32>
    %squeeze3A_1443 = vector.shape_cast %slice3A_1442 : vector<128x1x128xf32> to vector<128x128xf32>
    %transpose3A_1444 = tpu.transpose %squeeze3A_1443, [1, 0] : vector<128x128xf32> -> vector<128x128xf32>
    %swap3A_1445 = arith.constant 39 : index
    %swap3A_1446 = arith.constant 0 : index
    %swap3A_1447 = arith.constant 0 : index
    %swap3A_1448 = vector.load %arg3[%swap3A_1445, %swap3A_1446, %swap3A_1447] : memref<50x400x128xf32, #tpu.memory_space<vmem>>, vector<1x128x128xf32>
    %swap3A_1449 = vector.shape_cast %swap3A_1448 : vector<1x128x128xf32> to vector<128x128xf32>
    %swap3A_1450 = vector.shape_cast %transpose3A_1444 : vector<128x128xf32> to vector<1x128x128xf32>
    tpu.vector_store %arg3[%swap3A_1445, %swap3A_1446, %swap3A_1447], %swap3A_1450 {strides = array<i32>} : memref<50x400x128xf32, #tpu.memory_space<vmem>>, vector<1x128x128xf32>,
    %slice3A_1451 = vector.extract_strided_slice %get3A_2 {offsets = [0, 157, 0], sizes = [128, 1, 128], strides = [1, 1, 1]} : vector<128x200x128xf32> to vector<128x1x128xf32>
    %squeeze3A_1452 = vector.shape_cast %slice3A_1451 : vector<128x1x128xf32> to vector<128x128xf32>
    %transpose3A_1453 = tpu.transpose %squeeze3A_1452, [1, 0] : vector<128x128xf32> -> vector<128x128xf32>
    %swap3A_1454 = arith.constant 39 : index
    %swap3A_1455 = arith.constant 128 : index
    %swap3A_1456 = arith.constant 0 : index
    %swap3A_1457 = vector.load %arg3[%swap3A_1454, %swap3A_1455, %swap3A_1456] : memref<50x400x128xf32, #tpu.memory_space<vmem>>, vector<1x128x128xf32>
    %swap3A_1458 = vector.shape_cast %swap3A_1457 : vector<1x128x128xf32> to vector<128x128xf32>
    %swap3A_1459 = vector.shape_cast %transpose3A_1453 : vector<128x128xf32> to vector<1x128x128xf32>
    tpu.vector_store %arg3[%swap3A_1454, %swap3A_1455, %swap3A_1456], %swap3A_1459 {strides = array<i32>} : memref<50x400x128xf32, #tpu.memory_space<vmem>>, vector<1x128x128xf32>,
    %slice3A_1460 = vector.extract_strided_slice %get3A_2 {offsets = [0, 158, 0], sizes = [128, 1, 128], strides = [1, 1, 1]} : vector<128x200x128xf32> to vector<128x1x128xf32>
    %squeeze3A_1461 = vector.shape_cast %slice3A_1460 : vector<128x1x128xf32> to vector<128x128xf32>
    %transpose3A_1462 = tpu.transpose %squeeze3A_1461, [1, 0] : vector<128x128xf32> -> vector<128x128xf32>
    %swap3A_1463 = arith.constant 39 : index
    %swap3A_1464 = arith.constant 256 : index
    %swap3A_1465 = arith.constant 0 : index
    %swap3A_1466 = vector.load %arg3[%swap3A_1463, %swap3A_1464, %swap3A_1465] : memref<50x400x128xf32, #tpu.memory_space<vmem>>, vector<1x128x128xf32>
    %swap3A_1467 = vector.shape_cast %swap3A_1466 : vector<1x128x128xf32> to vector<128x128xf32>
    %swap3A_1468 = vector.shape_cast %transpose3A_1462 : vector<128x128xf32> to vector<1x128x128xf32>
    tpu.vector_store %arg3[%swap3A_1463, %swap3A_1464, %swap3A_1465], %swap3A_1468 {strides = array<i32>} : memref<50x400x128xf32, #tpu.memory_space<vmem>>, vector<1x128x128xf32>,
    %slice3A_1469 = vector.extract_strided_slice %get3A_2 {offsets = [0, 159, 0], sizes = [128, 1, 128], strides = [1, 1, 1]} : vector<128x200x128xf32> to vector<128x1x128xf32>
    %squeeze3A_1470 = vector.shape_cast %slice3A_1469 : vector<128x1x128xf32> to vector<128x128xf32>
    %transpose3A_1471 = tpu.transpose %squeeze3A_1470, [1, 0] : vector<128x128xf32> -> vector<128x128xf32>
    %slice3A_1472 = vector.extract_strided_slice %transpose3A_1471 {offsets = [0, 0], sizes = [16, 128], strides = [1, 1]} : vector<128x128xf32> to vector<16x128xf32>
    %swap3A_1473 = arith.constant 39 : index
    %swap3A_1474 = arith.constant 384 : index
    %swap3A_1475 = arith.constant 0 : index
    %swap3A_1476 = vector.load %arg3[%swap3A_1473, %swap3A_1474, %swap3A_1475] : memref<50x400x128xf32, #tpu.memory_space<vmem>>, vector<1x16x128xf32>
    %swap3A_1477 = vector.shape_cast %swap3A_1476 : vector<1x16x128xf32> to vector<16x128xf32>
    %swap3A_1478 = vector.shape_cast %slice3A_1472 : vector<16x128xf32> to vector<1x16x128xf32>
    tpu.vector_store %arg3[%swap3A_1473, %swap3A_1474, %swap3A_1475], %swap3A_1478 {strides = array<i32>} : memref<50x400x128xf32, #tpu.memory_space<vmem>>, vector<1x16x128xf32>,
    %slice3A_1479 = vector.extract_strided_slice %get3A_2 {offsets = [0, 160, 0], sizes = [128, 1, 128], strides = [1, 1, 1]} : vector<128x200x128xf32> to vector<128x1x128xf32>
    %squeeze3A_1480 = vector.shape_cast %slice3A_1479 : vector<128x1x128xf32> to vector<128x128xf32>
    %transpose3A_1481 = tpu.transpose %squeeze3A_1480, [1, 0] : vector<128x128xf32> -> vector<128x128xf32>
    %swap3A_1482 = arith.constant 40 : index
    %swap3A_1483 = arith.constant 0 : index
    %swap3A_1484 = arith.constant 0 : index
    %swap3A_1485 = vector.load %arg3[%swap3A_1482, %swap3A_1483, %swap3A_1484] : memref<50x400x128xf32, #tpu.memory_space<vmem>>, vector<1x128x128xf32>
    %swap3A_1486 = vector.shape_cast %swap3A_1485 : vector<1x128x128xf32> to vector<128x128xf32>
    %swap3A_1487 = vector.shape_cast %transpose3A_1481 : vector<128x128xf32> to vector<1x128x128xf32>
    tpu.vector_store %arg3[%swap3A_1482, %swap3A_1483, %swap3A_1484], %swap3A_1487 {strides = array<i32>} : memref<50x400x128xf32, #tpu.memory_space<vmem>>, vector<1x128x128xf32>,
    %slice3A_1488 = vector.extract_strided_slice %get3A_2 {offsets = [0, 161, 0], sizes = [128, 1, 128], strides = [1, 1, 1]} : vector<128x200x128xf32> to vector<128x1x128xf32>
    %squeeze3A_1489 = vector.shape_cast %slice3A_1488 : vector<128x1x128xf32> to vector<128x128xf32>
    %transpose3A_1490 = tpu.transpose %squeeze3A_1489, [1, 0] : vector<128x128xf32> -> vector<128x128xf32>
    %swap3A_1491 = arith.constant 40 : index
    %swap3A_1492 = arith.constant 128 : index
    %swap3A_1493 = arith.constant 0 : index
    %swap3A_1494 = vector.load %arg3[%swap3A_1491, %swap3A_1492, %swap3A_1493] : memref<50x400x128xf32, #tpu.memory_space<vmem>>, vector<1x128x128xf32>
    %swap3A_1495 = vector.shape_cast %swap3A_1494 : vector<1x128x128xf32> to vector<128x128xf32>
    %swap3A_1496 = vector.shape_cast %transpose3A_1490 : vector<128x128xf32> to vector<1x128x128xf32>
    tpu.vector_store %arg3[%swap3A_1491, %swap3A_1492, %swap3A_1493], %swap3A_1496 {strides = array<i32>} : memref<50x400x128xf32, #tpu.memory_space<vmem>>, vector<1x128x128xf32>,
    %slice3A_1497 = vector.extract_strided_slice %get3A_2 {offsets = [0, 162, 0], sizes = [128, 1, 128], strides = [1, 1, 1]} : vector<128x200x128xf32> to vector<128x1x128xf32>
    %squeeze3A_1498 = vector.shape_cast %slice3A_1497 : vector<128x1x128xf32> to vector<128x128xf32>
    %transpose3A_1499 = tpu.transpose %squeeze3A_1498, [1, 0] : vector<128x128xf32> -> vector<128x128xf32>
    %swap3A_1500 = arith.constant 40 : index
    %swap3A_1501 = arith.constant 256 : index
    %swap3A_1502 = arith.constant 0 : index
    %swap3A_1503 = vector.load %arg3[%swap3A_1500, %swap3A_1501, %swap3A_1502] : memref<50x400x128xf32, #tpu.memory_space<vmem>>, vector<1x128x128xf32>
    %swap3A_1504 = vector.shape_cast %swap3A_1503 : vector<1x128x128xf32> to vector<128x128xf32>
    %swap3A_1505 = vector.shape_cast %transpose3A_1499 : vector<128x128xf32> to vector<1x128x128xf32>
    tpu.vector_store %arg3[%swap3A_1500, %swap3A_1501, %swap3A_1502], %swap3A_1505 {strides = array<i32>} : memref<50x400x128xf32, #tpu.memory_space<vmem>>, vector<1x128x128xf32>,
    %slice3A_1506 = vector.extract_strided_slice %get3A_2 {offsets = [0, 163, 0], sizes = [128, 1, 128], strides = [1, 1, 1]} : vector<128x200x128xf32> to vector<128x1x128xf32>
    %squeeze3A_1507 = vector.shape_cast %slice3A_1506 : vector<128x1x128xf32> to vector<128x128xf32>
    %transpose3A_1508 = tpu.transpose %squeeze3A_1507, [1, 0] : vector<128x128xf32> -> vector<128x128xf32>
    %slice3A_1509 = vector.extract_strided_slice %transpose3A_1508 {offsets = [0, 0], sizes = [16, 128], strides = [1, 1]} : vector<128x128xf32> to vector<16x128xf32>
    %swap3A_1510 = arith.constant 40 : index
    %swap3A_1511 = arith.constant 384 : index
    %swap3A_1512 = arith.constant 0 : index
    %swap3A_1513 = vector.load %arg3[%swap3A_1510, %swap3A_1511, %swap3A_1512] : memref<50x400x128xf32, #tpu.memory_space<vmem>>, vector<1x16x128xf32>
    %swap3A_1514 = vector.shape_cast %swap3A_1513 : vector<1x16x128xf32> to vector<16x128xf32>
    %swap3A_1515 = vector.shape_cast %slice3A_1509 : vector<16x128xf32> to vector<1x16x128xf32>
    tpu.vector_store %arg3[%swap3A_1510, %swap3A_1511, %swap3A_1512], %swap3A_1515 {strides = array<i32>} : memref<50x400x128xf32, #tpu.memory_space<vmem>>, vector<1x16x128xf32>,
    %slice3A_1516 = vector.extract_strided_slice %get3A_2 {offsets = [0, 164, 0], sizes = [128, 1, 128], strides = [1, 1, 1]} : vector<128x200x128xf32> to vector<128x1x128xf32>
    %squeeze3A_1517 = vector.shape_cast %slice3A_1516 : vector<128x1x128xf32> to vector<128x128xf32>
    %transpose3A_1518 = tpu.transpose %squeeze3A_1517, [1, 0] : vector<128x128xf32> -> vector<128x128xf32>
    %swap3A_1519 = arith.constant 41 : index
    %swap3A_1520 = arith.constant 0 : index
    %swap3A_1521 = arith.constant 0 : index
    %swap3A_1522 = vector.load %arg3[%swap3A_1519, %swap3A_1520, %swap3A_1521] : memref<50x400x128xf32, #tpu.memory_space<vmem>>, vector<1x128x128xf32>
    %swap3A_1523 = vector.shape_cast %swap3A_1522 : vector<1x128x128xf32> to vector<128x128xf32>
    %swap3A_1524 = vector.shape_cast %transpose3A_1518 : vector<128x128xf32> to vector<1x128x128xf32>
    tpu.vector_store %arg3[%swap3A_1519, %swap3A_1520, %swap3A_1521], %swap3A_1524 {strides = array<i32>} : memref<50x400x128xf32, #tpu.memory_space<vmem>>, vector<1x128x128xf32>,
    %slice3A_1525 = vector.extract_strided_slice %get3A_2 {offsets = [0, 165, 0], sizes = [128, 1, 128], strides = [1, 1, 1]} : vector<128x200x128xf32> to vector<128x1x128xf32>
    %squeeze3A_1526 = vector.shape_cast %slice3A_1525 : vector<128x1x128xf32> to vector<128x128xf32>
    %transpose3A_1527 = tpu.transpose %squeeze3A_1526, [1, 0] : vector<128x128xf32> -> vector<128x128xf32>
    %swap3A_1528 = arith.constant 41 : index
    %swap3A_1529 = arith.constant 128 : index
    %swap3A_1530 = arith.constant 0 : index
    %swap3A_1531 = vector.load %arg3[%swap3A_1528, %swap3A_1529, %swap3A_1530] : memref<50x400x128xf32, #tpu.memory_space<vmem>>, vector<1x128x128xf32>
    %swap3A_1532 = vector.shape_cast %swap3A_1531 : vector<1x128x128xf32> to vector<128x128xf32>
    %swap3A_1533 = vector.shape_cast %transpose3A_1527 : vector<128x128xf32> to vector<1x128x128xf32>
    tpu.vector_store %arg3[%swap3A_1528, %swap3A_1529, %swap3A_1530], %swap3A_1533 {strides = array<i32>} : memref<50x400x128xf32, #tpu.memory_space<vmem>>, vector<1x128x128xf32>,
    %slice3A_1534 = vector.extract_strided_slice %get3A_2 {offsets = [0, 166, 0], sizes = [128, 1, 128], strides = [1, 1, 1]} : vector<128x200x128xf32> to vector<128x1x128xf32>
    %squeeze3A_1535 = vector.shape_cast %slice3A_1534 : vector<128x1x128xf32> to vector<128x128xf32>
    %transpose3A_1536 = tpu.transpose %squeeze3A_1535, [1, 0] : vector<128x128xf32> -> vector<128x128xf32>
    %swap3A_1537 = arith.constant 41 : index
    %swap3A_1538 = arith.constant 256 : index
    %swap3A_1539 = arith.constant 0 : index
    %swap3A_1540 = vector.load %arg3[%swap3A_1537, %swap3A_1538, %swap3A_1539] : memref<50x400x128xf32, #tpu.memory_space<vmem>>, vector<1x128x128xf32>
    %swap3A_1541 = vector.shape_cast %swap3A_1540 : vector<1x128x128xf32> to vector<128x128xf32>
    %swap3A_1542 = vector.shape_cast %transpose3A_1536 : vector<128x128xf32> to vector<1x128x128xf32>
    tpu.vector_store %arg3[%swap3A_1537, %swap3A_1538, %swap3A_1539], %swap3A_1542 {strides = array<i32>} : memref<50x400x128xf32, #tpu.memory_space<vmem>>, vector<1x128x128xf32>,
    %slice3A_1543 = vector.extract_strided_slice %get3A_2 {offsets = [0, 167, 0], sizes = [128, 1, 128], strides = [1, 1, 1]} : vector<128x200x128xf32> to vector<128x1x128xf32>
    %squeeze3A_1544 = vector.shape_cast %slice3A_1543 : vector<128x1x128xf32> to vector<128x128xf32>
    %transpose3A_1545 = tpu.transpose %squeeze3A_1544, [1, 0] : vector<128x128xf32> -> vector<128x128xf32>
    %slice3A_1546 = vector.extract_strided_slice %transpose3A_1545 {offsets = [0, 0], sizes = [16, 128], strides = [1, 1]} : vector<128x128xf32> to vector<16x128xf32>
    %swap3A_1547 = arith.constant 41 : index
    %swap3A_1548 = arith.constant 384 : index
    %swap3A_1549 = arith.constant 0 : index
    %swap3A_1550 = vector.load %arg3[%swap3A_1547, %swap3A_1548, %swap3A_1549] : memref<50x400x128xf32, #tpu.memory_space<vmem>>, vector<1x16x128xf32>
    %swap3A_1551 = vector.shape_cast %swap3A_1550 : vector<1x16x128xf32> to vector<16x128xf32>
    %swap3A_1552 = vector.shape_cast %slice3A_1546 : vector<16x128xf32> to vector<1x16x128xf32>
    tpu.vector_store %arg3[%swap3A_1547, %swap3A_1548, %swap3A_1549], %swap3A_1552 {strides = array<i32>} : memref<50x400x128xf32, #tpu.memory_space<vmem>>, vector<1x16x128xf32>,
    %slice3A_1553 = vector.extract_strided_slice %get3A_2 {offsets = [0, 168, 0], sizes = [128, 1, 128], strides = [1, 1, 1]} : vector<128x200x128xf32> to vector<128x1x128xf32>
    %squeeze3A_1554 = vector.shape_cast %slice3A_1553 : vector<128x1x128xf32> to vector<128x128xf32>
    %transpose3A_1555 = tpu.transpose %squeeze3A_1554, [1, 0] : vector<128x128xf32> -> vector<128x128xf32>
    %swap3A_1556 = arith.constant 42 : index
    %swap3A_1557 = arith.constant 0 : index
    %swap3A_1558 = arith.constant 0 : index
    %swap3A_1559 = vector.load %arg3[%swap3A_1556, %swap3A_1557, %swap3A_1558] : memref<50x400x128xf32, #tpu.memory_space<vmem>>, vector<1x128x128xf32>
    %swap3A_1560 = vector.shape_cast %swap3A_1559 : vector<1x128x128xf32> to vector<128x128xf32>
    %swap3A_1561 = vector.shape_cast %transpose3A_1555 : vector<128x128xf32> to vector<1x128x128xf32>
    tpu.vector_store %arg3[%swap3A_1556, %swap3A_1557, %swap3A_1558], %swap3A_1561 {strides = array<i32>} : memref<50x400x128xf32, #tpu.memory_space<vmem>>, vector<1x128x128xf32>,
    %slice3A_1562 = vector.extract_strided_slice %get3A_2 {offsets = [0, 169, 0], sizes = [128, 1, 128], strides = [1, 1, 1]} : vector<128x200x128xf32> to vector<128x1x128xf32>
    %squeeze3A_1563 = vector.shape_cast %slice3A_1562 : vector<128x1x128xf32> to vector<128x128xf32>
    %transpose3A_1564 = tpu.transpose %squeeze3A_1563, [1, 0] : vector<128x128xf32> -> vector<128x128xf32>
    %swap3A_1565 = arith.constant 42 : index
    %swap3A_1566 = arith.constant 128 : index
    %swap3A_1567 = arith.constant 0 : index
    %swap3A_1568 = vector.load %arg3[%swap3A_1565, %swap3A_1566, %swap3A_1567] : memref<50x400x128xf32, #tpu.memory_space<vmem>>, vector<1x128x128xf32>
    %swap3A_1569 = vector.shape_cast %swap3A_1568 : vector<1x128x128xf32> to vector<128x128xf32>
    %swap3A_1570 = vector.shape_cast %transpose3A_1564 : vector<128x128xf32> to vector<1x128x128xf32>
    tpu.vector_store %arg3[%swap3A_1565, %swap3A_1566, %swap3A_1567], %swap3A_1570 {strides = array<i32>} : memref<50x400x128xf32, #tpu.memory_space<vmem>>, vector<1x128x128xf32>,
    %slice3A_1571 = vector.extract_strided_slice %get3A_2 {offsets = [0, 170, 0], sizes = [128, 1, 128], strides = [1, 1, 1]} : vector<128x200x128xf32> to vector<128x1x128xf32>
    %squeeze3A_1572 = vector.shape_cast %slice3A_1571 : vector<128x1x128xf32> to vector<128x128xf32>
    %transpose3A_1573 = tpu.transpose %squeeze3A_1572, [1, 0] : vector<128x128xf32> -> vector<128x128xf32>
    %swap3A_1574 = arith.constant 42 : index
    %swap3A_1575 = arith.constant 256 : index
    %swap3A_1576 = arith.constant 0 : index
    %swap3A_1577 = vector.load %arg3[%swap3A_1574, %swap3A_1575, %swap3A_1576] : memref<50x400x128xf32, #tpu.memory_space<vmem>>, vector<1x128x128xf32>
    %swap3A_1578 = vector.shape_cast %swap3A_1577 : vector<1x128x128xf32> to vector<128x128xf32>
    %swap3A_1579 = vector.shape_cast %transpose3A_1573 : vector<128x128xf32> to vector<1x128x128xf32>
    tpu.vector_store %arg3[%swap3A_1574, %swap3A_1575, %swap3A_1576], %swap3A_1579 {strides = array<i32>} : memref<50x400x128xf32, #tpu.memory_space<vmem>>, vector<1x128x128xf32>,
    %slice3A_1580 = vector.extract_strided_slice %get3A_2 {offsets = [0, 171, 0], sizes = [128, 1, 128], strides = [1, 1, 1]} : vector<128x200x128xf32> to vector<128x1x128xf32>
    %squeeze3A_1581 = vector.shape_cast %slice3A_1580 : vector<128x1x128xf32> to vector<128x128xf32>
    %transpose3A_1582 = tpu.transpose %squeeze3A_1581, [1, 0] : vector<128x128xf32> -> vector<128x128xf32>
    %slice3A_1583 = vector.extract_strided_slice %transpose3A_1582 {offsets = [0, 0], sizes = [16, 128], strides = [1, 1]} : vector<128x128xf32> to vector<16x128xf32>
    %swap3A_1584 = arith.constant 42 : index
    %swap3A_1585 = arith.constant 384 : index
    %swap3A_1586 = arith.constant 0 : index
    %swap3A_1587 = vector.load %arg3[%swap3A_1584, %swap3A_1585, %swap3A_1586] : memref<50x400x128xf32, #tpu.memory_space<vmem>>, vector<1x16x128xf32>
    %swap3A_1588 = vector.shape_cast %swap3A_1587 : vector<1x16x128xf32> to vector<16x128xf32>
    %swap3A_1589 = vector.shape_cast %slice3A_1583 : vector<16x128xf32> to vector<1x16x128xf32>
    tpu.vector_store %arg3[%swap3A_1584, %swap3A_1585, %swap3A_1586], %swap3A_1589 {strides = array<i32>} : memref<50x400x128xf32, #tpu.memory_space<vmem>>, vector<1x16x128xf32>,
    %slice3A_1590 = vector.extract_strided_slice %get3A_2 {offsets = [0, 172, 0], sizes = [128, 1, 128], strides = [1, 1, 1]} : vector<128x200x128xf32> to vector<128x1x128xf32>
    %squeeze3A_1591 = vector.shape_cast %slice3A_1590 : vector<128x1x128xf32> to vector<128x128xf32>
    %transpose3A_1592 = tpu.transpose %squeeze3A_1591, [1, 0] : vector<128x128xf32> -> vector<128x128xf32>
    %swap3A_1593 = arith.constant 43 : index
    %swap3A_1594 = arith.constant 0 : index
    %swap3A_1595 = arith.constant 0 : index
    %swap3A_1596 = vector.load %arg3[%swap3A_1593, %swap3A_1594, %swap3A_1595] : memref<50x400x128xf32, #tpu.memory_space<vmem>>, vector<1x128x128xf32>
    %swap3A_1597 = vector.shape_cast %swap3A_1596 : vector<1x128x128xf32> to vector<128x128xf32>
    %swap3A_1598 = vector.shape_cast %transpose3A_1592 : vector<128x128xf32> to vector<1x128x128xf32>
    tpu.vector_store %arg3[%swap3A_1593, %swap3A_1594, %swap3A_1595], %swap3A_1598 {strides = array<i32>} : memref<50x400x128xf32, #tpu.memory_space<vmem>>, vector<1x128x128xf32>,
    %slice3A_1599 = vector.extract_strided_slice %get3A_2 {offsets = [0, 173, 0], sizes = [128, 1, 128], strides = [1, 1, 1]} : vector<128x200x128xf32> to vector<128x1x128xf32>
    %squeeze3A_1600 = vector.shape_cast %slice3A_1599 : vector<128x1x128xf32> to vector<128x128xf32>
    %transpose3A_1601 = tpu.transpose %squeeze3A_1600, [1, 0] : vector<128x128xf32> -> vector<128x128xf32>
    %swap3A_1602 = arith.constant 43 : index
    %swap3A_1603 = arith.constant 128 : index
    %swap3A_1604 = arith.constant 0 : index
    %swap3A_1605 = vector.load %arg3[%swap3A_1602, %swap3A_1603, %swap3A_1604] : memref<50x400x128xf32, #tpu.memory_space<vmem>>, vector<1x128x128xf32>
    %swap3A_1606 = vector.shape_cast %swap3A_1605 : vector<1x128x128xf32> to vector<128x128xf32>
    %swap3A_1607 = vector.shape_cast %transpose3A_1601 : vector<128x128xf32> to vector<1x128x128xf32>
    tpu.vector_store %arg3[%swap3A_1602, %swap3A_1603, %swap3A_1604], %swap3A_1607 {strides = array<i32>} : memref<50x400x128xf32, #tpu.memory_space<vmem>>, vector<1x128x128xf32>,
    %slice3A_1608 = vector.extract_strided_slice %get3A_2 {offsets = [0, 174, 0], sizes = [128, 1, 128], strides = [1, 1, 1]} : vector<128x200x128xf32> to vector<128x1x128xf32>
    %squeeze3A_1609 = vector.shape_cast %slice3A_1608 : vector<128x1x128xf32> to vector<128x128xf32>
    %transpose3A_1610 = tpu.transpose %squeeze3A_1609, [1, 0] : vector<128x128xf32> -> vector<128x128xf32>
    %swap3A_1611 = arith.constant 43 : index
    %swap3A_1612 = arith.constant 256 : index
    %swap3A_1613 = arith.constant 0 : index
    %swap3A_1614 = vector.load %arg3[%swap3A_1611, %swap3A_1612, %swap3A_1613] : memref<50x400x128xf32, #tpu.memory_space<vmem>>, vector<1x128x128xf32>
    %swap3A_1615 = vector.shape_cast %swap3A_1614 : vector<1x128x128xf32> to vector<128x128xf32>
    %swap3A_1616 = vector.shape_cast %transpose3A_1610 : vector<128x128xf32> to vector<1x128x128xf32>
    tpu.vector_store %arg3[%swap3A_1611, %swap3A_1612, %swap3A_1613], %swap3A_1616 {strides = array<i32>} : memref<50x400x128xf32, #tpu.memory_space<vmem>>, vector<1x128x128xf32>,
    %slice3A_1617 = vector.extract_strided_slice %get3A_2 {offsets = [0, 175, 0], sizes = [128, 1, 128], strides = [1, 1, 1]} : vector<128x200x128xf32> to vector<128x1x128xf32>
    %squeeze3A_1618 = vector.shape_cast %slice3A_1617 : vector<128x1x128xf32> to vector<128x128xf32>
    %transpose3A_1619 = tpu.transpose %squeeze3A_1618, [1, 0] : vector<128x128xf32> -> vector<128x128xf32>
    %slice3A_1620 = vector.extract_strided_slice %transpose3A_1619 {offsets = [0, 0], sizes = [16, 128], strides = [1, 1]} : vector<128x128xf32> to vector<16x128xf32>
    %swap3A_1621 = arith.constant 43 : index
    %swap3A_1622 = arith.constant 384 : index
    %swap3A_1623 = arith.constant 0 : index
    %swap3A_1624 = vector.load %arg3[%swap3A_1621, %swap3A_1622, %swap3A_1623] : memref<50x400x128xf32, #tpu.memory_space<vmem>>, vector<1x16x128xf32>
    %swap3A_1625 = vector.shape_cast %swap3A_1624 : vector<1x16x128xf32> to vector<16x128xf32>
    %swap3A_1626 = vector.shape_cast %slice3A_1620 : vector<16x128xf32> to vector<1x16x128xf32>
    tpu.vector_store %arg3[%swap3A_1621, %swap3A_1622, %swap3A_1623], %swap3A_1626 {strides = array<i32>} : memref<50x400x128xf32, #tpu.memory_space<vmem>>, vector<1x16x128xf32>,
    %slice3A_1627 = vector.extract_strided_slice %get3A_2 {offsets = [0, 176, 0], sizes = [128, 1, 128], strides = [1, 1, 1]} : vector<128x200x128xf32> to vector<128x1x128xf32>
    %squeeze3A_1628 = vector.shape_cast %slice3A_1627 : vector<128x1x128xf32> to vector<128x128xf32>
    %transpose3A_1629 = tpu.transpose %squeeze3A_1628, [1, 0] : vector<128x128xf32> -> vector<128x128xf32>
    %swap3A_1630 = arith.constant 44 : index
    %swap3A_1631 = arith.constant 0 : index
    %swap3A_1632 = arith.constant 0 : index
    %swap3A_1633 = vector.load %arg3[%swap3A_1630, %swap3A_1631, %swap3A_1632] : memref<50x400x128xf32, #tpu.memory_space<vmem>>, vector<1x128x128xf32>
    %swap3A_1634 = vector.shape_cast %swap3A_1633 : vector<1x128x128xf32> to vector<128x128xf32>
    %swap3A_1635 = vector.shape_cast %transpose3A_1629 : vector<128x128xf32> to vector<1x128x128xf32>
    tpu.vector_store %arg3[%swap3A_1630, %swap3A_1631, %swap3A_1632], %swap3A_1635 {strides = array<i32>} : memref<50x400x128xf32, #tpu.memory_space<vmem>>, vector<1x128x128xf32>,
    %slice3A_1636 = vector.extract_strided_slice %get3A_2 {offsets = [0, 177, 0], sizes = [128, 1, 128], strides = [1, 1, 1]} : vector<128x200x128xf32> to vector<128x1x128xf32>
    %squeeze3A_1637 = vector.shape_cast %slice3A_1636 : vector<128x1x128xf32> to vector<128x128xf32>
    %transpose3A_1638 = tpu.transpose %squeeze3A_1637, [1, 0] : vector<128x128xf32> -> vector<128x128xf32>
    %swap3A_1639 = arith.constant 44 : index
    %swap3A_1640 = arith.constant 128 : index
    %swap3A_1641 = arith.constant 0 : index
    %swap3A_1642 = vector.load %arg3[%swap3A_1639, %swap3A_1640, %swap3A_1641] : memref<50x400x128xf32, #tpu.memory_space<vmem>>, vector<1x128x128xf32>
    %swap3A_1643 = vector.shape_cast %swap3A_1642 : vector<1x128x128xf32> to vector<128x128xf32>
    %swap3A_1644 = vector.shape_cast %transpose3A_1638 : vector<128x128xf32> to vector<1x128x128xf32>
    tpu.vector_store %arg3[%swap3A_1639, %swap3A_1640, %swap3A_1641], %swap3A_1644 {strides = array<i32>} : memref<50x400x128xf32, #tpu.memory_space<vmem>>, vector<1x128x128xf32>,
    %slice3A_1645 = vector.extract_strided_slice %get3A_2 {offsets = [0, 178, 0], sizes = [128, 1, 128], strides = [1, 1, 1]} : vector<128x200x128xf32> to vector<128x1x128xf32>
    %squeeze3A_1646 = vector.shape_cast %slice3A_1645 : vector<128x1x128xf32> to vector<128x128xf32>
    %transpose3A_1647 = tpu.transpose %squeeze3A_1646, [1, 0] : vector<128x128xf32> -> vector<128x128xf32>
    %swap3A_1648 = arith.constant 44 : index
    %swap3A_1649 = arith.constant 256 : index
    %swap3A_1650 = arith.constant 0 : index
    %swap3A_1651 = vector.load %arg3[%swap3A_1648, %swap3A_1649, %swap3A_1650] : memref<50x400x128xf32, #tpu.memory_space<vmem>>, vector<1x128x128xf32>
    %swap3A_1652 = vector.shape_cast %swap3A_1651 : vector<1x128x128xf32> to vector<128x128xf32>
    %swap3A_1653 = vector.shape_cast %transpose3A_1647 : vector<128x128xf32> to vector<1x128x128xf32>
    tpu.vector_store %arg3[%swap3A_1648, %swap3A_1649, %swap3A_1650], %swap3A_1653 {strides = array<i32>} : memref<50x400x128xf32, #tpu.memory_space<vmem>>, vector<1x128x128xf32>,
    %slice3A_1654 = vector.extract_strided_slice %get3A_2 {offsets = [0, 179, 0], sizes = [128, 1, 128], strides = [1, 1, 1]} : vector<128x200x128xf32> to vector<128x1x128xf32>
    %squeeze3A_1655 = vector.shape_cast %slice3A_1654 : vector<128x1x128xf32> to vector<128x128xf32>
    %transpose3A_1656 = tpu.transpose %squeeze3A_1655, [1, 0] : vector<128x128xf32> -> vector<128x128xf32>
    %slice3A_1657 = vector.extract_strided_slice %transpose3A_1656 {offsets = [0, 0], sizes = [16, 128], strides = [1, 1]} : vector<128x128xf32> to vector<16x128xf32>
    %swap3A_1658 = arith.constant 44 : index
    %swap3A_1659 = arith.constant 384 : index
    %swap3A_1660 = arith.constant 0 : index
    %swap3A_1661 = vector.load %arg3[%swap3A_1658, %swap3A_1659, %swap3A_1660] : memref<50x400x128xf32, #tpu.memory_space<vmem>>, vector<1x16x128xf32>
    %swap3A_1662 = vector.shape_cast %swap3A_1661 : vector<1x16x128xf32> to vector<16x128xf32>
    %swap3A_1663 = vector.shape_cast %slice3A_1657 : vector<16x128xf32> to vector<1x16x128xf32>
    tpu.vector_store %arg3[%swap3A_1658, %swap3A_1659, %swap3A_1660], %swap3A_1663 {strides = array<i32>} : memref<50x400x128xf32, #tpu.memory_space<vmem>>, vector<1x16x128xf32>,
    %slice3A_1664 = vector.extract_strided_slice %get3A_2 {offsets = [0, 180, 0], sizes = [128, 1, 128], strides = [1, 1, 1]} : vector<128x200x128xf32> to vector<128x1x128xf32>
    %squeeze3A_1665 = vector.shape_cast %slice3A_1664 : vector<128x1x128xf32> to vector<128x128xf32>
    %transpose3A_1666 = tpu.transpose %squeeze3A_1665, [1, 0] : vector<128x128xf32> -> vector<128x128xf32>
    %swap3A_1667 = arith.constant 45 : index
    %swap3A_1668 = arith.constant 0 : index
    %swap3A_1669 = arith.constant 0 : index
    %swap3A_1670 = vector.load %arg3[%swap3A_1667, %swap3A_1668, %swap3A_1669] : memref<50x400x128xf32, #tpu.memory_space<vmem>>, vector<1x128x128xf32>
    %swap3A_1671 = vector.shape_cast %swap3A_1670 : vector<1x128x128xf32> to vector<128x128xf32>
    %swap3A_1672 = vector.shape_cast %transpose3A_1666 : vector<128x128xf32> to vector<1x128x128xf32>
    tpu.vector_store %arg3[%swap3A_1667, %swap3A_1668, %swap3A_1669], %swap3A_1672 {strides = array<i32>} : memref<50x400x128xf32, #tpu.memory_space<vmem>>, vector<1x128x128xf32>,
    %slice3A_1673 = vector.extract_strided_slice %get3A_2 {offsets = [0, 181, 0], sizes = [128, 1, 128], strides = [1, 1, 1]} : vector<128x200x128xf32> to vector<128x1x128xf32>
    %squeeze3A_1674 = vector.shape_cast %slice3A_1673 : vector<128x1x128xf32> to vector<128x128xf32>
    %transpose3A_1675 = tpu.transpose %squeeze3A_1674, [1, 0] : vector<128x128xf32> -> vector<128x128xf32>
    %swap3A_1676 = arith.constant 45 : index
    %swap3A_1677 = arith.constant 128 : index
    %swap3A_1678 = arith.constant 0 : index
    %swap3A_1679 = vector.load %arg3[%swap3A_1676, %swap3A_1677, %swap3A_1678] : memref<50x400x128xf32, #tpu.memory_space<vmem>>, vector<1x128x128xf32>
    %swap3A_1680 = vector.shape_cast %swap3A_1679 : vector<1x128x128xf32> to vector<128x128xf32>
    %swap3A_1681 = vector.shape_cast %transpose3A_1675 : vector<128x128xf32> to vector<1x128x128xf32>
    tpu.vector_store %arg3[%swap3A_1676, %swap3A_1677, %swap3A_1678], %swap3A_1681 {strides = array<i32>} : memref<50x400x128xf32, #tpu.memory_space<vmem>>, vector<1x128x128xf32>,
    %slice3A_1682 = vector.extract_strided_slice %get3A_2 {offsets = [0, 182, 0], sizes = [128, 1, 128], strides = [1, 1, 1]} : vector<128x200x128xf32> to vector<128x1x128xf32>
    %squeeze3A_1683 = vector.shape_cast %slice3A_1682 : vector<128x1x128xf32> to vector<128x128xf32>
    %transpose3A_1684 = tpu.transpose %squeeze3A_1683, [1, 0] : vector<128x128xf32> -> vector<128x128xf32>
    %swap3A_1685 = arith.constant 45 : index
    %swap3A_1686 = arith.constant 256 : index
    %swap3A_1687 = arith.constant 0 : index
    %swap3A_1688 = vector.load %arg3[%swap3A_1685, %swap3A_1686, %swap3A_1687] : memref<50x400x128xf32, #tpu.memory_space<vmem>>, vector<1x128x128xf32>
    %swap3A_1689 = vector.shape_cast %swap3A_1688 : vector<1x128x128xf32> to vector<128x128xf32>
    %swap3A_1690 = vector.shape_cast %transpose3A_1684 : vector<128x128xf32> to vector<1x128x128xf32>
    tpu.vector_store %arg3[%swap3A_1685, %swap3A_1686, %swap3A_1687], %swap3A_1690 {strides = array<i32>} : memref<50x400x128xf32, #tpu.memory_space<vmem>>, vector<1x128x128xf32>,
    %slice3A_1691 = vector.extract_strided_slice %get3A_2 {offsets = [0, 183, 0], sizes = [128, 1, 128], strides = [1, 1, 1]} : vector<128x200x128xf32> to vector<128x1x128xf32>
    %squeeze3A_1692 = vector.shape_cast %slice3A_1691 : vector<128x1x128xf32> to vector<128x128xf32>
    %transpose3A_1693 = tpu.transpose %squeeze3A_1692, [1, 0] : vector<128x128xf32> -> vector<128x128xf32>
    %slice3A_1694 = vector.extract_strided_slice %transpose3A_1693 {offsets = [0, 0], sizes = [16, 128], strides = [1, 1]} : vector<128x128xf32> to vector<16x128xf32>
    %swap3A_1695 = arith.constant 45 : index
    %swap3A_1696 = arith.constant 384 : index
    %swap3A_1697 = arith.constant 0 : index
    %swap3A_1698 = vector.load %arg3[%swap3A_1695, %swap3A_1696, %swap3A_1697] : memref<50x400x128xf32, #tpu.memory_space<vmem>>, vector<1x16x128xf32>
    %swap3A_1699 = vector.shape_cast %swap3A_1698 : vector<1x16x128xf32> to vector<16x128xf32>
    %swap3A_1700 = vector.shape_cast %slice3A_1694 : vector<16x128xf32> to vector<1x16x128xf32>
    tpu.vector_store %arg3[%swap3A_1695, %swap3A_1696, %swap3A_1697], %swap3A_1700 {strides = array<i32>} : memref<50x400x128xf32, #tpu.memory_space<vmem>>, vector<1x16x128xf32>,
    %slice3A_1701 = vector.extract_strided_slice %get3A_2 {offsets = [0, 184, 0], sizes = [128, 1, 128], strides = [1, 1, 1]} : vector<128x200x128xf32> to vector<128x1x128xf32>
    %squeeze3A_1702 = vector.shape_cast %slice3A_1701 : vector<128x1x128xf32> to vector<128x128xf32>
    %transpose3A_1703 = tpu.transpose %squeeze3A_1702, [1, 0] : vector<128x128xf32> -> vector<128x128xf32>
    %swap3A_1704 = arith.constant 46 : index
    %swap3A_1705 = arith.constant 0 : index
    %swap3A_1706 = arith.constant 0 : index
    %swap3A_1707 = vector.load %arg3[%swap3A_1704, %swap3A_1705, %swap3A_1706] : memref<50x400x128xf32, #tpu.memory_space<vmem>>, vector<1x128x128xf32>
    %swap3A_1708 = vector.shape_cast %swap3A_1707 : vector<1x128x128xf32> to vector<128x128xf32>
    %swap3A_1709 = vector.shape_cast %transpose3A_1703 : vector<128x128xf32> to vector<1x128x128xf32>
    tpu.vector_store %arg3[%swap3A_1704, %swap3A_1705, %swap3A_1706], %swap3A_1709 {strides = array<i32>} : memref<50x400x128xf32, #tpu.memory_space<vmem>>, vector<1x128x128xf32>,
    %slice3A_1710 = vector.extract_strided_slice %get3A_2 {offsets = [0, 185, 0], sizes = [128, 1, 128], strides = [1, 1, 1]} : vector<128x200x128xf32> to vector<128x1x128xf32>
    %squeeze3A_1711 = vector.shape_cast %slice3A_1710 : vector<128x1x128xf32> to vector<128x128xf32>
    %transpose3A_1712 = tpu.transpose %squeeze3A_1711, [1, 0] : vector<128x128xf32> -> vector<128x128xf32>
    %swap3A_1713 = arith.constant 46 : index
    %swap3A_1714 = arith.constant 128 : index
    %swap3A_1715 = arith.constant 0 : index
    %swap3A_1716 = vector.load %arg3[%swap3A_1713, %swap3A_1714, %swap3A_1715] : memref<50x400x128xf32, #tpu.memory_space<vmem>>, vector<1x128x128xf32>
    %swap3A_1717 = vector.shape_cast %swap3A_1716 : vector<1x128x128xf32> to vector<128x128xf32>
    %swap3A_1718 = vector.shape_cast %transpose3A_1712 : vector<128x128xf32> to vector<1x128x128xf32>
    tpu.vector_store %arg3[%swap3A_1713, %swap3A_1714, %swap3A_1715], %swap3A_1718 {strides = array<i32>} : memref<50x400x128xf32, #tpu.memory_space<vmem>>, vector<1x128x128xf32>,
    %slice3A_1719 = vector.extract_strided_slice %get3A_2 {offsets = [0, 186, 0], sizes = [128, 1, 128], strides = [1, 1, 1]} : vector<128x200x128xf32> to vector<128x1x128xf32>
    %squeeze3A_1720 = vector.shape_cast %slice3A_1719 : vector<128x1x128xf32> to vector<128x128xf32>
    %transpose3A_1721 = tpu.transpose %squeeze3A_1720, [1, 0] : vector<128x128xf32> -> vector<128x128xf32>
    %swap3A_1722 = arith.constant 46 : index
    %swap3A_1723 = arith.constant 256 : index
    %swap3A_1724 = arith.constant 0 : index
    %swap3A_1725 = vector.load %arg3[%swap3A_1722, %swap3A_1723, %swap3A_1724] : memref<50x400x128xf32, #tpu.memory_space<vmem>>, vector<1x128x128xf32>
    %swap3A_1726 = vector.shape_cast %swap3A_1725 : vector<1x128x128xf32> to vector<128x128xf32>
    %swap3A_1727 = vector.shape_cast %transpose3A_1721 : vector<128x128xf32> to vector<1x128x128xf32>
    tpu.vector_store %arg3[%swap3A_1722, %swap3A_1723, %swap3A_1724], %swap3A_1727 {strides = array<i32>} : memref<50x400x128xf32, #tpu.memory_space<vmem>>, vector<1x128x128xf32>,
    %slice3A_1728 = vector.extract_strided_slice %get3A_2 {offsets = [0, 187, 0], sizes = [128, 1, 128], strides = [1, 1, 1]} : vector<128x200x128xf32> to vector<128x1x128xf32>
    %squeeze3A_1729 = vector.shape_cast %slice3A_1728 : vector<128x1x128xf32> to vector<128x128xf32>
    %transpose3A_1730 = tpu.transpose %squeeze3A_1729, [1, 0] : vector<128x128xf32> -> vector<128x128xf32>
    %slice3A_1731 = vector.extract_strided_slice %transpose3A_1730 {offsets = [0, 0], sizes = [16, 128], strides = [1, 1]} : vector<128x128xf32> to vector<16x128xf32>
    %swap3A_1732 = arith.constant 46 : index
    %swap3A_1733 = arith.constant 384 : index
    %swap3A_1734 = arith.constant 0 : index
    %swap3A_1735 = vector.load %arg3[%swap3A_1732, %swap3A_1733, %swap3A_1734] : memref<50x400x128xf32, #tpu.memory_space<vmem>>, vector<1x16x128xf32>
    %swap3A_1736 = vector.shape_cast %swap3A_1735 : vector<1x16x128xf32> to vector<16x128xf32>
    %swap3A_1737 = vector.shape_cast %slice3A_1731 : vector<16x128xf32> to vector<1x16x128xf32>
    tpu.vector_store %arg3[%swap3A_1732, %swap3A_1733, %swap3A_1734], %swap3A_1737 {strides = array<i32>} : memref<50x400x128xf32, #tpu.memory_space<vmem>>, vector<1x16x128xf32>,
    %slice3A_1738 = vector.extract_strided_slice %get3A_2 {offsets = [0, 188, 0], sizes = [128, 1, 128], strides = [1, 1, 1]} : vector<128x200x128xf32> to vector<128x1x128xf32>
    %squeeze3A_1739 = vector.shape_cast %slice3A_1738 : vector<128x1x128xf32> to vector<128x128xf32>
    %transpose3A_1740 = tpu.transpose %squeeze3A_1739, [1, 0] : vector<128x128xf32> -> vector<128x128xf32>
    %swap3A_1741 = arith.constant 47 : index
    %swap3A_1742 = arith.constant 0 : index
    %swap3A_1743 = arith.constant 0 : index
    %swap3A_1744 = vector.load %arg3[%swap3A_1741, %swap3A_1742, %swap3A_1743] : memref<50x400x128xf32, #tpu.memory_space<vmem>>, vector<1x128x128xf32>
    %swap3A_1745 = vector.shape_cast %swap3A_1744 : vector<1x128x128xf32> to vector<128x128xf32>
    %swap3A_1746 = vector.shape_cast %transpose3A_1740 : vector<128x128xf32> to vector<1x128x128xf32>
    tpu.vector_store %arg3[%swap3A_1741, %swap3A_1742, %swap3A_1743], %swap3A_1746 {strides = array<i32>} : memref<50x400x128xf32, #tpu.memory_space<vmem>>, vector<1x128x128xf32>,
    %slice3A_1747 = vector.extract_strided_slice %get3A_2 {offsets = [0, 189, 0], sizes = [128, 1, 128], strides = [1, 1, 1]} : vector<128x200x128xf32> to vector<128x1x128xf32>
    %squeeze3A_1748 = vector.shape_cast %slice3A_1747 : vector<128x1x128xf32> to vector<128x128xf32>
    %transpose3A_1749 = tpu.transpose %squeeze3A_1748, [1, 0] : vector<128x128xf32> -> vector<128x128xf32>
    %swap3A_1750 = arith.constant 47 : index
    %swap3A_1751 = arith.constant 128 : index
    %swap3A_1752 = arith.constant 0 : index
    %swap3A_1753 = vector.load %arg3[%swap3A_1750, %swap3A_1751, %swap3A_1752] : memref<50x400x128xf32, #tpu.memory_space<vmem>>, vector<1x128x128xf32>
    %swap3A_1754 = vector.shape_cast %swap3A_1753 : vector<1x128x128xf32> to vector<128x128xf32>
    %swap3A_1755 = vector.shape_cast %transpose3A_1749 : vector<128x128xf32> to vector<1x128x128xf32>
    tpu.vector_store %arg3[%swap3A_1750, %swap3A_1751, %swap3A_1752], %swap3A_1755 {strides = array<i32>} : memref<50x400x128xf32, #tpu.memory_space<vmem>>, vector<1x128x128xf32>,
    %slice3A_1756 = vector.extract_strided_slice %get3A_2 {offsets = [0, 190, 0], sizes = [128, 1, 128], strides = [1, 1, 1]} : vector<128x200x128xf32> to vector<128x1x128xf32>
    %squeeze3A_1757 = vector.shape_cast %slice3A_1756 : vector<128x1x128xf32> to vector<128x128xf32>
    %transpose3A_1758 = tpu.transpose %squeeze3A_1757, [1, 0] : vector<128x128xf32> -> vector<128x128xf32>
    %swap3A_1759 = arith.constant 47 : index
    %swap3A_1760 = arith.constant 256 : index
    %swap3A_1761 = arith.constant 0 : index
    %swap3A_1762 = vector.load %arg3[%swap3A_1759, %swap3A_1760, %swap3A_1761] : memref<50x400x128xf32, #tpu.memory_space<vmem>>, vector<1x128x128xf32>
    %swap3A_1763 = vector.shape_cast %swap3A_1762 : vector<1x128x128xf32> to vector<128x128xf32>
    %swap3A_1764 = vector.shape_cast %transpose3A_1758 : vector<128x128xf32> to vector<1x128x128xf32>
    tpu.vector_store %arg3[%swap3A_1759, %swap3A_1760, %swap3A_1761], %swap3A_1764 {strides = array<i32>} : memref<50x400x128xf32, #tpu.memory_space<vmem>>, vector<1x128x128xf32>,
    %slice3A_1765 = vector.extract_strided_slice %get3A_2 {offsets = [0, 191, 0], sizes = [128, 1, 128], strides = [1, 1, 1]} : vector<128x200x128xf32> to vector<128x1x128xf32>
    %squeeze3A_1766 = vector.shape_cast %slice3A_1765 : vector<128x1x128xf32> to vector<128x128xf32>
    %transpose3A_1767 = tpu.transpose %squeeze3A_1766, [1, 0] : vector<128x128xf32> -> vector<128x128xf32>
    %slice3A_1768 = vector.extract_strided_slice %transpose3A_1767 {offsets = [0, 0], sizes = [16, 128], strides = [1, 1]} : vector<128x128xf32> to vector<16x128xf32>
    %swap3A_1769 = arith.constant 47 : index
    %swap3A_1770 = arith.constant 384 : index
    %swap3A_1771 = arith.constant 0 : index
    %swap3A_1772 = vector.load %arg3[%swap3A_1769, %swap3A_1770, %swap3A_1771] : memref<50x400x128xf32, #tpu.memory_space<vmem>>, vector<1x16x128xf32>
    %swap3A_1773 = vector.shape_cast %swap3A_1772 : vector<1x16x128xf32> to vector<16x128xf32>
    %swap3A_1774 = vector.shape_cast %slice3A_1768 : vector<16x128xf32> to vector<1x16x128xf32>
    tpu.vector_store %arg3[%swap3A_1769, %swap3A_1770, %swap3A_1771], %swap3A_1774 {strides = array<i32>} : memref<50x400x128xf32, #tpu.memory_space<vmem>>, vector<1x16x128xf32>,
    %slice3A_1775 = vector.extract_strided_slice %get3A_2 {offsets = [0, 192, 0], sizes = [128, 1, 128], strides = [1, 1, 1]} : vector<128x200x128xf32> to vector<128x1x128xf32>
    %squeeze3A_1776 = vector.shape_cast %slice3A_1775 : vector<128x1x128xf32> to vector<128x128xf32>
    %transpose3A_1777 = tpu.transpose %squeeze3A_1776, [1, 0] : vector<128x128xf32> -> vector<128x128xf32>
    %swap3A_1778 = arith.constant 48 : index
    %swap3A_1779 = arith.constant 0 : index
    %swap3A_1780 = arith.constant 0 : index
    %swap3A_1781 = vector.load %arg3[%swap3A_1778, %swap3A_1779, %swap3A_1780] : memref<50x400x128xf32, #tpu.memory_space<vmem>>, vector<1x128x128xf32>
    %swap3A_1782 = vector.shape_cast %swap3A_1781 : vector<1x128x128xf32> to vector<128x128xf32>
    %swap3A_1783 = vector.shape_cast %transpose3A_1777 : vector<128x128xf32> to vector<1x128x128xf32>
    tpu.vector_store %arg3[%swap3A_1778, %swap3A_1779, %swap3A_1780], %swap3A_1783 {strides = array<i32>} : memref<50x400x128xf32, #tpu.memory_space<vmem>>, vector<1x128x128xf32>,
    %slice3A_1784 = vector.extract_strided_slice %get3A_2 {offsets = [0, 193, 0], sizes = [128, 1, 128], strides = [1, 1, 1]} : vector<128x200x128xf32> to vector<128x1x128xf32>
    %squeeze3A_1785 = vector.shape_cast %slice3A_1784 : vector<128x1x128xf32> to vector<128x128xf32>
    %transpose3A_1786 = tpu.transpose %squeeze3A_1785, [1, 0] : vector<128x128xf32> -> vector<128x128xf32>
    %swap3A_1787 = arith.constant 48 : index
    %swap3A_1788 = arith.constant 128 : index
    %swap3A_1789 = arith.constant 0 : index
    %swap3A_1790 = vector.load %arg3[%swap3A_1787, %swap3A_1788, %swap3A_1789] : memref<50x400x128xf32, #tpu.memory_space<vmem>>, vector<1x128x128xf32>
    %swap3A_1791 = vector.shape_cast %swap3A_1790 : vector<1x128x128xf32> to vector<128x128xf32>
    %swap3A_1792 = vector.shape_cast %transpose3A_1786 : vector<128x128xf32> to vector<1x128x128xf32>
    tpu.vector_store %arg3[%swap3A_1787, %swap3A_1788, %swap3A_1789], %swap3A_1792 {strides = array<i32>} : memref<50x400x128xf32, #tpu.memory_space<vmem>>, vector<1x128x128xf32>,
    %slice3A_1793 = vector.extract_strided_slice %get3A_2 {offsets = [0, 194, 0], sizes = [128, 1, 128], strides = [1, 1, 1]} : vector<128x200x128xf32> to vector<128x1x128xf32>
    %squeeze3A_1794 = vector.shape_cast %slice3A_1793 : vector<128x1x128xf32> to vector<128x128xf32>
    %transpose3A_1795 = tpu.transpose %squeeze3A_1794, [1, 0] : vector<128x128xf32> -> vector<128x128xf32>
    %swap3A_1796 = arith.constant 48 : index
    %swap3A_1797 = arith.constant 256 : index
    %swap3A_1798 = arith.constant 0 : index
    %swap3A_1799 = vector.load %arg3[%swap3A_1796, %swap3A_1797, %swap3A_1798] : memref<50x400x128xf32, #tpu.memory_space<vmem>>, vector<1x128x128xf32>
    %swap3A_1800 = vector.shape_cast %swap3A_1799 : vector<1x128x128xf32> to vector<128x128xf32>
    %swap3A_1801 = vector.shape_cast %transpose3A_1795 : vector<128x128xf32> to vector<1x128x128xf32>
    tpu.vector_store %arg3[%swap3A_1796, %swap3A_1797, %swap3A_1798], %swap3A_1801 {strides = array<i32>} : memref<50x400x128xf32, #tpu.memory_space<vmem>>, vector<1x128x128xf32>,
    %slice3A_1802 = vector.extract_strided_slice %get3A_2 {offsets = [0, 195, 0], sizes = [128, 1, 128], strides = [1, 1, 1]} : vector<128x200x128xf32> to vector<128x1x128xf32>
    %squeeze3A_1803 = vector.shape_cast %slice3A_1802 : vector<128x1x128xf32> to vector<128x128xf32>
    %transpose3A_1804 = tpu.transpose %squeeze3A_1803, [1, 0] : vector<128x128xf32> -> vector<128x128xf32>
    %slice3A_1805 = vector.extract_strided_slice %transpose3A_1804 {offsets = [0, 0], sizes = [16, 128], strides = [1, 1]} : vector<128x128xf32> to vector<16x128xf32>
    %swap3A_1806 = arith.constant 48 : index
    %swap3A_1807 = arith.constant 384 : index
    %swap3A_1808 = arith.constant 0 : index
    %swap3A_1809 = vector.load %arg3[%swap3A_1806, %swap3A_1807, %swap3A_1808] : memref<50x400x128xf32, #tpu.memory_space<vmem>>, vector<1x16x128xf32>
    %swap3A_1810 = vector.shape_cast %swap3A_1809 : vector<1x16x128xf32> to vector<16x128xf32>
    %swap3A_1811 = vector.shape_cast %slice3A_1805 : vector<16x128xf32> to vector<1x16x128xf32>
    tpu.vector_store %arg3[%swap3A_1806, %swap3A_1807, %swap3A_1808], %swap3A_1811 {strides = array<i32>} : memref<50x400x128xf32, #tpu.memory_space<vmem>>, vector<1x16x128xf32>,
    %slice3A_1812 = vector.extract_strided_slice %get3A_2 {offsets = [0, 196, 0], sizes = [128, 1, 128], strides = [1, 1, 1]} : vector<128x200x128xf32> to vector<128x1x128xf32>
    %squeeze3A_1813 = vector.shape_cast %slice3A_1812 : vector<128x1x128xf32> to vector<128x128xf32>
    %transpose3A_1814 = tpu.transpose %squeeze3A_1813, [1, 0] : vector<128x128xf32> -> vector<128x128xf32>
    %swap3A_1815 = arith.constant 49 : index
    %swap3A_1816 = arith.constant 0 : index
    %swap3A_1817 = arith.constant 0 : index
    %swap3A_1818 = vector.load %arg3[%swap3A_1815, %swap3A_1816, %swap3A_1817] : memref<50x400x128xf32, #tpu.memory_space<vmem>>, vector<1x128x128xf32>
    %swap3A_1819 = vector.shape_cast %swap3A_1818 : vector<1x128x128xf32> to vector<128x128xf32>
    %swap3A_1820 = vector.shape_cast %transpose3A_1814 : vector<128x128xf32> to vector<1x128x128xf32>
    tpu.vector_store %arg3[%swap3A_1815, %swap3A_1816, %swap3A_1817], %swap3A_1820 {strides = array<i32>} : memref<50x400x128xf32, #tpu.memory_space<vmem>>, vector<1x128x128xf32>,
    %slice3A_1821 = vector.extract_strided_slice %get3A_2 {offsets = [0, 197, 0], sizes = [128, 1, 128], strides = [1, 1, 1]} : vector<128x200x128xf32> to vector<128x1x128xf32>
    %squeeze3A_1822 = vector.shape_cast %slice3A_1821 : vector<128x1x128xf32> to vector<128x128xf32>
    %transpose3A_1823 = tpu.transpose %squeeze3A_1822, [1, 0] : vector<128x128xf32> -> vector<128x128xf32>
    %swap3A_1824 = arith.constant 49 : index
    %swap3A_1825 = arith.constant 128 : index
    %swap3A_1826 = arith.constant 0 : index
    %swap3A_1827 = vector.load %arg3[%swap3A_1824, %swap3A_1825, %swap3A_1826] : memref<50x400x128xf32, #tpu.memory_space<vmem>>, vector<1x128x128xf32>
    %swap3A_1828 = vector.shape_cast %swap3A_1827 : vector<1x128x128xf32> to vector<128x128xf32>
    %swap3A_1829 = vector.shape_cast %transpose3A_1823 : vector<128x128xf32> to vector<1x128x128xf32>
    tpu.vector_store %arg3[%swap3A_1824, %swap3A_1825, %swap3A_1826], %swap3A_1829 {strides = array<i32>} : memref<50x400x128xf32, #tpu.memory_space<vmem>>, vector<1x128x128xf32>,
    %slice3A_1830 = vector.extract_strided_slice %get3A_2 {offsets = [0, 198, 0], sizes = [128, 1, 128], strides = [1, 1, 1]} : vector<128x200x128xf32> to vector<128x1x128xf32>
    %squeeze3A_1831 = vector.shape_cast %slice3A_1830 : vector<128x1x128xf32> to vector<128x128xf32>
    %transpose3A_1832 = tpu.transpose %squeeze3A_1831, [1, 0] : vector<128x128xf32> -> vector<128x128xf32>
    %swap3A_1833 = arith.constant 49 : index
    %swap3A_1834 = arith.constant 256 : index
    %swap3A_1835 = arith.constant 0 : index
    %swap3A_1836 = vector.load %arg3[%swap3A_1833, %swap3A_1834, %swap3A_1835] : memref<50x400x128xf32, #tpu.memory_space<vmem>>, vector<1x128x128xf32>
    %swap3A_1837 = vector.shape_cast %swap3A_1836 : vector<1x128x128xf32> to vector<128x128xf32>
    %swap3A_1838 = vector.shape_cast %transpose3A_1832 : vector<128x128xf32> to vector<1x128x128xf32>
    tpu.vector_store %arg3[%swap3A_1833, %swap3A_1834, %swap3A_1835], %swap3A_1838 {strides = array<i32>} : memref<50x400x128xf32, #tpu.memory_space<vmem>>, vector<1x128x128xf32>,
    %slice3A_1839 = vector.extract_strided_slice %get3A_2 {offsets = [0, 199, 0], sizes = [128, 1, 128], strides = [1, 1, 1]} : vector<128x200x128xf32> to vector<128x1x128xf32>
    %squeeze3A_1840 = vector.shape_cast %slice3A_1839 : vector<128x1x128xf32> to vector<128x128xf32>
    %transpose3A_1841 = tpu.transpose %squeeze3A_1840, [1, 0] : vector<128x128xf32> -> vector<128x128xf32>
    %slice3A_1842 = vector.extract_strided_slice %transpose3A_1841 {offsets = [0, 0], sizes = [16, 128], strides = [1, 1]} : vector<128x128xf32> to vector<16x128xf32>
    %swap3A_1843 = arith.constant 49 : index
    %swap3A_1844 = arith.constant 384 : index
    %swap3A_1845 = arith.constant 0 : index
    %swap3A_1846 = vector.load %arg3[%swap3A_1843, %swap3A_1844, %swap3A_1845] : memref<50x400x128xf32, #tpu.memory_space<vmem>>, vector<1x16x128xf32>
    %swap3A_1847 = vector.shape_cast %swap3A_1846 : vector<1x16x128xf32> to vector<16x128xf32>
    %swap3A_1848 = vector.shape_cast %slice3A_1842 : vector<16x128xf32> to vector<1x16x128xf32>
    tpu.vector_store %arg3[%swap3A_1843, %swap3A_1844, %swap3A_1845], %swap3A_1848 {strides = array<i32>} : memref<50x400x128xf32, #tpu.memory_space<vmem>>, vector<1x16x128xf32>,
    return
  }
  func.func @transform_0(%arg0: i32) -> (i32, i32, i32) {
    %c0_i32 = arith.constant 0 : i32
    %c0_i32_0 = arith.constant 0 : i32
    %c0_i32_1 = arith.constant 0 : i32
    return %arg0, %c0_i32, %c0_i32_0 : i32, i32, i32
  }
  func.func @transform_2(%arg0: i32) -> (i32, i32, i32) {
    %add3A = arith.constant 16 : i32
    %add3A_0 = arith.addi %add3A, %arg0 : i32
    %c0_i32 = arith.constant 0 : i32
    %c0_i32_1 = arith.constant 0 : i32
    %c0_i32_2 = arith.constant 0 : i32
    return %c0_i32, %c0_i32_1, %add3A_0 : i32, i32, i32
  }
}

</mosaic_0001>

<sc_bundles>
// kernel: kernel.10.cloned.1.call-start
scs
__scs_entry_jumppad:
0x0: {  	(pc) =	sbr.rel $0x88, $3  }
0x1: {  	(tag) =	ssettag $0x0;
	lr =	simm.s32 $0x1  }
0x2: {  	[smem:$0x3F9F] =	sst lr;
	_ =	strace $0xD0000000  }
0x3: {  	_ = 	snop  }
0x4: {  	_ = 	snop  }
0x5: {  	_ = 	snop  }
0x6: {  	_ = 	snop  }
0x7: {  	_ = 	snop  }
__scs_overlays_trampoline_lowered:
0x8: {  	[smem:$0x3FAE] =	sst s0  }
0x9: {  	[smem:$0x3FAF] =	sst s1  }
0xa: {  	[smem:$0x3FB0] =	sst s2  }
0xb: {  	[smem:$0x3FB1] =	sst s3  }
0xc: {  	[smem:$0x3FB2] =	sst s4  }
0xd: {  	[smem:$0x3FB3] =	sst s5  }
0xe: {  	[smem:$0x3FB4] =	sst s6  }
0xf: {  	[smem:$0x3FB5] =	sst s7  }
0x10: {  	[smem:$0x3FB6] =	sst s8  }
0x11: {  	[smem:$0x3FB7] =	sst s9;
	s0 =	simm.s32 @!p0 $0x0  }
0x12: {  	s1 =	sld [smem:$0x3F9D];
	s0 =	simm.s32 @p0 $0x1  }
0x13: {  	[smem:$0x3FB8] =	sst s0;
	s0 =	simm.s32 @!p1 $0x0  }
0x14: {  	s2 =	sld [smem:$0x3F9C];
	s0 =	simm.s32 @p1 $0x1  }
0x15: {  	[smem:$0x3FB9] =	sst s0;
	s0 =	simm.s32 @!p2 $0x0  }
0x16: {  	s3 =	sld [smem:$0x3FDB];
	s0 =	simm.s32 @p2 $0x1  }
0x17: {  	s4 =	simm.s32 $0x1BF5;
	[smem:$0x3FBB] =	sst s0  }
0x18: {  	s0 =	sld [smem:$0x3F9E];
	_ =	swait.ge [sflag:s4], $0x0  }
0x19: {  	s7 =	sld [smem:$0x3F9F]  }
0x1a: {  	s8 =	sadd.s32 $0xFFFFE003, lr  }
0x1b: {  	s9 =	sadd.s32 $0xFFFFFEF7, lr;
	s5 =	simm.s32 $0xFFFFFFFF;
	p2 =	slt.u32 s8, $0xFFFFF086  }
0x1c: {  	p1 =	slt.u32 s9, $0xF7A;
	s5 =	simm.s32 @!p2 $0x0  }
0x1d: {  	s5 =	simm.s32 @p1 $0x1;
	p0 =	seq.s32 s7, s2  }
0x1e: {  	s7 =	smul.u32 @!p0 $0xF7A, s2;
	p2 =	seq.s32 @!p0 s5, $0x0  }
0x1f: {  	s9 =	smul.u32 $0xF7A, s1;
	s8 =	simm.s32 @!p0 $0x1BF5;
	p2 =	por !p2, p0  }
0x20: {  	[sflag:s8] =	ssyncset.s32 @!p0 $0xFFFFF086;
	s6 =	sadd.s32 @!p0 s3, s7;
	s7 =	simm.s32 @!p0 $0x108  }
0x21: {  	s3 =	sadd.s32 s3, s9;
	s6 =	sadd.s32 @!p0 $0x88, s6;
	s7 =	simm.s32 @p2 $0x1082  }
0x22: {  	[simem:s7], [sflag:s8] =	dma.local @!p0 [hbm:s6], $0xF7A  }
0x23: {  	s9 =	sor.u32 $0xD0000000, s2;
	s6 =	simm.s32 $0x108;
	_ =	swait.ge @!p0 [sflag:s8], $0x0  }
0x24: {  	s3 =	sadd.s32 $0x88, s3;
	s6 =	simm.s32 @!p1 $0x1082;
	[sflag:s4] =	ssyncset.s32 $0xFFFFF086  }
0x25: {  	[simem:s6], [sflag:s4] =	dma.local [hbm:s3], $0xF7A  }
0x26: {  	[smem:$0x3F9F] =	sst s1;
	(tag) =	ssettag s2;
	_ =	strace s9  }
0x27: {  	s1 =	sld [smem:$0x3FAF]  }
0x28: {  	s2 =	sld [smem:$0x3FB0]  }
0x29: {  	s4 =	sld [smem:$0x3FB2]  }
0x2a: {  	p0 =	seq.s32 s5, $0x0;
	s5 =	sld [smem:$0x3FB3]  }
0x2b: {  	s6 =	sld [smem:$0x3FB4]  }
0x2c: {  	s7 =	sld [smem:$0x3FB5]  }
0x2d: {  	s3 =	simm.s32 $0x108;
	s8 =	sld [smem:$0x3FB6]  }
0x2e: {  	s3 =	simm.s32 @!p0 $0x1082;
	s9 =	sld [smem:$0x3FB7]  }
0x2f: {  	lr =	sadd.s32 s0, s3;
	s0 =	sld [smem:$0x3FAE]  }
0x30: {  	s3 =	sld [smem:$0x3FB1]  }
0x31: {  	[smem:$0x3FBA] =	sst s10  }
0x32: {  	s10 =	sld [smem:$0x3FB8];
	_ =	sdelay $0x3  }
0x33: {  	p0 =	seq.s32 s10, $0x1;
	s10 =	sld [smem:$0x3FBA];
	_ =	sdelay $0x3  }
0x34: {  	[smem:$0x3FBA] =	sst s10  }
0x35: {  	s10 =	sld [smem:$0x3FB9];
	_ =	sdelay $0x3  }
0x36: {  	p1 =	seq.s32 s10, $0x1;
	s10 =	sld [smem:$0x3FBA];
	_ =	sdelay $0x3  }
0x37: {  	[smem:$0x3FBA] =	sst s10  }
0x38: {  	s10 =	sld [smem:$0x3FBB]  }
0x39: {  	_ = 	snop;
	(pc) =	sbr.ind lr, $3  }
0x3a: {  	_ = 	snop  }
0x3b: {  	_ = 	snop  }
0x3c: {  	p2 =	seq.s32 s10, $0x1;
	s10 =	sld [smem:$0x3FBA]  }
0x3d: {  	_ =	shalt  }
0x3e: {  	_ =	shalt  }
0x3f: {  	_ =	shalt  }
0x40: {  	_ =	shalt  }
0x41: {  	_ =	shalt  }
0x42: {  	_ =	shalt  }
0x43: {  	_ =	shalt  }
0x44: {  	_ =	shalt  }
0x45: {  	_ =	shalt  }
0x46: {  	_ =	shalt  }
0x47: {  	_ =	shalt  }
0x48: {  	_ =	shalt  }
0x49: {  	_ =	shalt  }
0x4a: {  	_ =	shalt  }
0x4b: {  	_ =	shalt  }
0x4c: {  	_ =	shalt  }
0x4d: {  	_ =	shalt  }
0x4e: {  	_ =	shalt  }
0x4f: {  	_ =	shalt  }
0x50: {  	_ =	shalt  }
0x51: {  	_ =	shalt  }
0x52: {  	_ =	shalt  }
0x53: {  	_ =	shalt  }
0x54: {  	_ =	shalt  }
0x55: {  	_ =	shalt  }
0x56: {  	_ =	shalt  }
0x57: {  	_ =	shalt  }
0x58: {  	_ =	shalt  }
0x59: {  	_ =	shalt  }
0x5a: {  	_ =	shalt  }
0x5b: {  	_ =	shalt  }
0x5c: {  	_ =	shalt  }
0x5d: {  	_ =	shalt  }
0x5e: {  	_ =	shalt  }
0x5f: {  	_ =	shalt  }
0x60: {  	_ =	shalt  }
0x61: {  	_ =	shalt  }
0x62: {  	_ =	shalt  }
0x63: {  	_ =	shalt  }
0x64: {  	_ =	shalt  }
0x65: {  	_ =	shalt  }
0x66: {  	_ =	shalt  }
0x67: {  	_ =	shalt  }
0x68: {  	_ =	shalt  }
0x69: {  	_ =	shalt  }
0x6a: {  	_ =	shalt  }
0x6b: {  	_ =	shalt  }
0x6c: {  	_ =	shalt  }
0x6d: {  	_ =	shalt  }
0x6e: {  	_ =	shalt  }
0x6f: {  	_ =	shalt  }
0x70: {  	_ =	shalt  }
0x71: {  	_ =	shalt  }
0x72: {  	_ =	shalt  }
0x73: {  	_ =	shalt  }
0x74: {  	_ =	shalt  }
0x75: {  	_ =	shalt  }
0x76: {  	_ =	shalt  }
0x77: {  	_ =	shalt  }
0x78: {  	_ =	shalt  }
0x79: {  	_ =	shalt  }
0x7a: {  	_ =	shalt  }
0x7b: {  	_ =	shalt  }
0x7c: {  	_ =	shalt  }
0x7d: {  	_ =	shalt  }
0x7e: {  	_ =	shalt  }
0x7f: {  	_ =	shalt  }
0x80: {  	_ =	shalt  }
0x81: {  	_ =	shalt  }
0x82: {  	_ =	shalt  }
0x83: {  	_ =	shalt  }
0x84: {  	_ =	shalt  }
0x85: {  	_ =	shalt  }
0x86: {  	_ =	shalt  }
0x87: {  	_ =	shalt  }
.Lfunc_end0:
.L_simem_size_0:
called_computation.1_lowered:
.L_overlay_start_0:
0x88: {  	s2 =	sld [smem:$0x3FD9]  }
0x89: {  	s3 =	sld [smem:$0x3FFE];
	_ =	sdelay $0x1  }
0x8a: {  	s1 =	srdreg.scid  }
0x8b: {  	s0 =	sand.u32 $0x1, s1  }
0x8c: {  	s17 =	sshll.u32 s0, $0xA;
	s2 =	sadd.s32 s3, s2  }
0x8d: {  	s2 =	sadd.s32 s2, s17  }
0x8e: {  	[smem:$0x3FC6] =	sst s2  }
0x8f: {  	_ = 	snop  }
0x90: {  	(tm) =	ssettm $0x1  }
0x91: {  	s18 =	sld [smem:$0x3FFB];
	_ =	sdelay $0x3  }
0x92: {  	_ =	strace s18  }
0x93: {  	s2 =	sld [smem:$0x3FFC];
	_ =	sdelay $0x3  }
0x94: {  	_ =	strace s2  }
0x95: {  	s2 =	sld [smem:$0x3FFD];
	_ =	sdelay $0x3  }
0x96: {  	_ =	strace s2  }
0x97: {  	_ =	strace $0x8FFFFFFF  }
0x98: {  	s19 =	sld [smem:$0x3FDB];
	_ =	sdelay $0x1  }
0x99: {  	s20 =	simm.s32 $_scs_section_size  }
0x9a: {  	s4 =	simm.s32 $_size__tile_overlayer_lowered;
	s5 =	simm.s32 $_tile_overlayer_lowered  }
0x9b: {  	s6 =	simm.s32 $0x1BFF;
	s21 =	sshll.u32 s5, $0x1;
	s3 =	sadd.s32 s20, s19  }
0x9c: {  	s22 =	simm.s32 $0x0;
	s4 =	sshll.u32 s4, $0x1;
	s5 =	sadd.s32 s21, s3  }
0x9d: {  	[timem:s22], [sflag:s6] =	dma.local [hbm:s5], s4  }
0x9e: {  	_ =	swait.ge [sflag:s6], s4  }
0x9f: {  	s4 =	ssub.s32 $0x0, s4;
	[sflag:s6] =	ssyncset.done $0x0  }
0xa0: {  	[sflag:s6] =	ssyncadd.s32 s4;
	_ =	sdelay $0x1  }
0xa1: {  	s23 =	simm.s32 $0x1B8B  }
0xa2: {  	_ =	swait.ge [sflag:s23], $0x1  }
0xa3: {  	[sflag:s23] =	ssyncset.done $0x0  }
0xa4: {  	[sflag:s23] =	ssyncadd.s32 $0xFFFFFFFF  }
0xa5: {  	s4 =	sld [smem:$0x0]  }
0xa6: {  	s5 =	sand.u32 $0xFFFFFFFE, s1  }
0xa7: {  	p0 =	sne.s32 s1, s5  }
0xa8: {  	s5 =	sshll.u32 @p0 s5, $0xE  }
0xa9: {  	s5 =	sadd.s32 @p0 $0x11B8D, s5;
	s6 =	sshll.u32 @p0 s4, $0x11  }
0xaa: {  	s5 =	sor.u32 @p0 s6, s5  }
0xab: {  	[sflag:s5] =	ssyncadd.remote.s32 @p0 $0x1;
	_ =	sdelay $0x1  }
0xac: {  	s5 =	simm.s32 @p0 $0x1B8D  }
0xad: {  	_ =	swait.eq @p0 [sflag:s5], $0x1  }
0xae: {  	[sflag:s5] =	ssyncadd.s32 @p0 $0xFFFFFFFF  }
0xaf: {  	s6 =	sshll.u32 @!p0 s1, $0xE  }
0xb0: {  	s6 =	sor.u32 @!p0 $0x4000, s6;
	s5 =	simm.s32 @!p0 $0x1B8D  }
0xb1: {  	s4 =	sshll.u32 @!p0 s4, $0x11;
	s6 =	sadd.s32 @!p0 $0x11B8D, s6;
	_ =	swait.eq @!p0 [sflag:s5], $0x1  }
0xb2: {  	s4 =	sor.u32 @!p0 s4, s6;
	[sflag:s5] =	ssyncadd.s32 @!p0 $0xFFFFFFFF  }
0xb3: {  	s25 =	simm.s32 $0x1B8E;
	s24 =	sld [smem:$0x3FFE];
	[sflag:s4] =	ssyncadd.remote.s32 @!p0 $0x1  }
0xb4: {  	s26 =	simm.s32 $execute0_lowered;
	[smem:$0x3FD2] =	sst s25  }
0xb5: {  	s5 =	sshll.u32 s26, $0x1;
	_ =	strace $0x80000049;
	[dreg:$0x1] =	wrdreg $0xFFFFFFFF  }
0xb6: {  	s28 =	simm.s32 $_size_execute0_lowered;
	s3 =	sadd.s32 s3, s5;
	[dreg:$0x0] =	wrdreg $0x0  }
0xb7: {  	s5 =	sshll.u32 s28, $0x1;
	[dreg:$0x2] =	wrdreg s3  }
0xb8: {  	[dreg:$0x3] =	wrdreg s5  }
0xb9: {  	[dreg:$0x4] =	wrdreg $0xC0  }
0xba: {  	_ =	task [dreg:s22], $0x5FFFF  }
0xbb: {  	[dreg:$0x1] =	wrdreg $0xFFFFFFFF  }
0xbc: {  	[dreg:$0x0] =	wrdreg $0x60  }
0xbd: {  	[dreg:$0x2] =	wrdreg s24  }
0xbe: {  	[dreg:$0x3] =	wrdreg $0xA  }
0xbf: {  	_ =	task.clear_ibuf [dreg:s22], $0x4FFFF;
	_ =	strace $0x90000049  }
0xc0: {  	s29 =	simm.s32 $0xA;
	_ =	strace $0x8000004B  }
0xc1: {  	_ =	swait.ge [sflag:s29], $0x1  }
0xc2: {  	[sflag:s29] =	ssyncadd.s32 $0xFFFFFFFF  }
0xc3: {  	_ =	strace $0x9000004B  }
0xc4: {  	_ =	sfence  }
0xc5: {  	s30 =	sld [smem:$0x0];
	_ =	sdelay $0x2  }
0xc6: {  	s31 =	sshll.u32 s1, $0xD;
	s1 =	sshrl.u32 s1, $0x2  }
0xc7: {  	s4 =	sand.u32 $0x4000, s31;
	s1 =	sadd.s32 s1, s30  }
0xc8: {  	s0 =	sor.u32 s4, s0;
	s1 =	sshll.u32 s1, $0x11  }
0xc9: {  	s0 =	sor.u32 s1, s0  }
0xca: {  	s0 =	sadd.s32 $0x8F2B, s0  }
0xcb: {  	[sflag:s0] =	ssyncadd.remote.s32 $0x1  }
0xcc: {  	_ =	sfence.sel $0xFFFF  }
0xcd: {  	[dreg:$0x0] =	wrdreg $0xFFFFFFFF;
	(pc) =	sbr.abs _section_cstart, $3  }
0xce: {  	[dreg:$0x1] =	wrdreg $0xFFFFFFFF  }
0xcf: {  	_ =	task.clear_ibuf [dreg:s22], $0x2FFFF;
	_ =	strace $0x9FFFFFFF  }
0xd0: {  	(tm) =	ssettm $0x7FFFFFFF  }
0xd1: {  	_ =	shalt  }
tec
execute0_lowered:
.L_overlay_start_1:
0x0: {  	(tag) =	ssettag $0x1  }
0x1: {  	s1 =	srdreg.scid  }
0x2: {  	s0 =	stileid.u32;
	s4 =	rddreg [dreg:$0x0];
	s2 =	simm.s32 $0x0  }
0x3: {  	s12 =	simm.s32 $0x1;
	s13 =	simm.s32 $0x7200;
	s14 =	simm.s32 $0x2  }
0x4: {  	s15 =	simm.s32 $0x3;
	s16 =	simm.s32 $0x4;
	s17 =	simm.s32 $0x0  }
0x5: {  	s3 =	sand.u32 $0x1, s1;
	s31 =	sshll.u32 s0, $0x1;
	s1 =	rddreg [dreg:$0x1]  }
0x6: {  	[smem:$0x7FF] =	sst s2;
	s8 =	smul.u32 $0x64000, s0;
	s9 =	sadd.s32 $0xC7A200, s4  }
0x7: {  	s5 =	sor.u32 s3, s31;
	_ =	strace $0x8000004A;
	s11 =	smul.u32 $0x32000, s3  }
0x8: {  	s7 =	ssub.s32 $0x2, s3;
	s3 =	sadd.s32 $0x1200, s4;
	s6 =	smul.u32 $0x3200, s5  }
0x9: {  	s5 =	smul.u32 $0x32000, s5;
	s10 =	sshrl.u32 s7, $0x1;
	s8 =	sadd.s32 s8, s9  }
0xa: {  	s7 =	ssub.s32 s7, s10;
	s8 =	sadd.s32 s11, s8;
	s10 =	simm.s32 $0x80  }
0xb: {  	s11 =	simm.s32 $0x3200;
	s6 =	sshrl.u32 s6, $0x3;
	s5 =	sadd.s32 s9, s5  }
0xc: {  	s8 =	sadd.s32 $0x1800, s8;
	s9 =	simm.s32 $0x5;
	s6 =	sadd.s32 s6, s4  }
0xd: {  	s4 =	sadd.s32 $0xC6DA00, s6;
	s6 =	smax.u32 s7, $0x1;
	s7 =	sadd.s32 $0x800, s5  }
.LBB2_1:
0xe: {  	[tilespmem:s2], [sflag:$0x5] =	stream.linear.gather [hbm4b:s4+s2], $0x3200, $0x38;
	[tilespmem:$0xB200] =	vst v63  }
0xf: {  	_ =	swait.ge [sflag:s9], $0x3200  }
0x10: {  	[sflag:s9] =	ssyncset.done $0x0  }
0x11: {  	[sflag:s9] =	ssyncadd.s32 $0xFFFFCE00  }
0x12: {  	[tilespmem:s11], [sflag:$0x1] =	stream.indirect.gather [hbm4b:s3+s10], $0x80, s2, s10, $0xb8;
	[tilespmem:$0xB200] =	vst v63  }
0x13: {  	_ =	swait.ge [sflag:s12], $0x4000  }
0x14: {  	[sflag:s12] =	ssyncset.done $0x0  }
0x15: {  	[sflag:s12] =	ssyncadd.s32 $0xFFFFC000  }
0x16: {  	[hbm4b:s5+s2] =	stream.linear.scatter [tilespmem:s11], [sflag:$0x3], $0x4000, $0x38;
	[tilespmem:$0xB200] =	vst v63  }
0x17: {  	_ = 	snop  }
0x18: {  	[tilespmem:s13], [sflag:$0x2] =	stream.indirect.gather [hbm4b:s3+s10], $0x80, s10, s10, $0xb8;
	[tilespmem:$0xB200] =	vst v63  }
0x19: {  	_ =	swait.ge [sflag:s14], $0x4000  }
0x1a: {  	[sflag:s14] =	ssyncset.done $0x0  }
0x1b: {  	[sflag:s14] =	ssyncadd.s32 $0xFFFFC000  }
0x1c: {  	[hbm4b:s7+s2] =	stream.linear.scatter [tilespmem:s13], [sflag:$0x4], $0x4000, $0x38;
	[tilespmem:$0xB200] =	vst v63  }
0x1d: {  	_ =	swait.ge [sflag:s15], $0x4000  }
0x1e: {  	[sflag:s15] =	ssyncset.done $0x0  }
0x1f: {  	s18 =	simm.s32 $0x100;
	[sflag:s15] =	ssyncadd.s32 $0xFFFFC000  }
0x20: {  	[tilespmem:s11], [sflag:$0x1] =	stream.indirect.gather [hbm4b:s3+s10], $0x80, s18, s10, $0xb8;
	[tilespmem:$0xB200] =	vst v63  }
0x21: {  	_ =	swait.ge [sflag:s12], $0x4000  }
0x22: {  	[sflag:s12] =	ssyncset.done $0x0  }
0x23: {  	s30 =	sadd.s32 $0xFFFFF800, s8;
	[sflag:s12] =	ssyncadd.s32 $0xFFFFC000  }
0x24: {  	[hbm4b:s30+s2] =	stream.linear.scatter [tilespmem:s11], [sflag:$0x3], $0x4000, $0x38;
	[tilespmem:$0xB200] =	vst v63  }
0x25: {  	_ =	swait.ge [sflag:s16], $0x4000  }
0x26: {  	[sflag:s16] =	ssyncset.done $0x0  }
0x27: {  	s31 =	simm.s32 $0x180;
	[sflag:s16] =	ssyncadd.s32 $0xFFFFC000  }
0x28: {  	[tilespmem:s13], [sflag:$0x2] =	stream.indirect.gather [hbm4b:s3+s10], $0x80, s31, s10, $0xb8;
	[tilespmem:$0xB200] =	vst v63  }
0x29: {  	_ =	swait.ge [sflag:s14], $0x4000  }
0x2a: {  	s19 =	sadd.s32 $0x1000, s8;
	[sflag:s14] =	ssyncset.done $0x0  }
0x2b: {  	s20 =	smov.u32 s8;
	s18 =	simm.s32 $0x400;
	[sflag:s14] =	ssyncadd.s32 $0xFFFFC000  }
.LBB2_2:
0x2c: {  	[hbm4b:s20+s2] =	stream.linear.scatter [tilespmem:s13], [sflag:$0x4], $0x4000, $0x38;
	[tilespmem:$0xB200] =	vst v63  }
0x2d: {  	s21 =	smov.u32 s18;
	s20 =	smov.u32 s19  }
0x2e: {  	p0 =	sne.s32 s18, $0xC000;
	s18 =	sadd.s32 $0x400, s18;
	_ =	swait.ge [sflag:s15], $0x4000  }
0x2f: {  	s21 =	sshra.s32 s21, $0x2;
	[sflag:s15] =	ssyncset.done $0x0  }
0x30: {  	s22 =	sadd.s32 $0x100, s21;
	[sflag:s15] =	ssyncadd.s32 $0xFFFFC000  }
0x31: {  	[tilespmem:s11], [sflag:$0x1] =	stream.indirect.gather [hbm4b:s3+s10], $0x80, s22, s10, $0xb8;
	[tilespmem:$0xB200] =	vst v63  }
0x32: {  	_ =	swait.ge [sflag:s12], $0x4000  }
0x33: {  	[sflag:s12] =	ssyncset.done $0x0  }
0x34: {  	s22 =	sadd.s32 $0xFFFFF800, s19;
	[sflag:s12] =	ssyncadd.s32 $0xFFFFC000  }
0x35: {  	[hbm4b:s22+s2] =	stream.linear.scatter [tilespmem:s11], [sflag:$0x3], $0x4000, $0x38;
	[tilespmem:$0xB200] =	vst v63  }
0x36: {  	_ =	swait.ge [sflag:s16], $0x4000  }
0x37: {  	[sflag:s16] =	ssyncset.done $0x0  }
.Ltmp0:
0x38: {  	s21 =	sadd.s32 $0x180, s21;
	[sflag:s16] =	ssyncadd.s32 $0xFFFFC000;
	(pc) =	sbr.rel @p0 .LBB2_2-.Ltmp0, $4  }
0x39: {  	[tilespmem:s13], [sflag:$0x2] =	stream.indirect.gather [hbm4b:s3+s10], $0x80, s21, s10, $0xb8;
	[tilespmem:$0xB200] =	vst v63  }
0x3a: {  	_ =	swait.ge [sflag:s14], $0x4000  }
0x3b: {  	[sflag:s14] =	ssyncset.done $0x0  }
0x3c: {  	s19 =	sadd.s32 $0x1000, s19;
	[sflag:s14] =	ssyncadd.s32 $0xFFFFC000  }
0x3d: {  	[hbm4b:s20+s2] =	stream.linear.scatter [tilespmem:s13], [sflag:$0x4], $0x4000, $0x38;
	[tilespmem:$0xB200] =	vst v63  }
0x3e: {  	s17 =	sadd.s32 $0x1, s17  }
0x3f: {  	_ =	swait.ge [sflag:s15], $0x4000;
	p0 =	sne.s32 s17, s6  }
.Ltmp1:
0x40: {  	[sflag:s15] =	ssyncset.done $0x0;
	(pc) =	sbr.rel @p0 .LBB2_1-.Ltmp1, $4  }
0x41: {  	[sflag:s15] =	ssyncadd.s32 $0xFFFFC000  }
0x42: {  	_ =	swait.ge [sflag:s16], $0x4000  }
0x43: {  	[sflag:s16] =	ssyncset.done $0x0  }
0x44: {  	[sflag:s16] =	ssyncadd.s32 $0xFFFFC000  }
0x45: {  	_ =	sfence.sel $0x180000  }
0x46: {  	[bflag:$0x0] =	sbarrier.arrive $0xFFFF  }
0x47: {  	p0 =	sne.s32 s0, $0x0;
	_ =	strace $0x9000004A  }
0x48: {  	s0 =	sadd.s32 @!p0 $0x100000, s1;
	[bflag:$0x2] =	sbarrier.arrive $0xFFFF  }
0x49: {  	[sflag:s0] =	ssyncadd.tile.s32 @!p0 $0x1;
	_ =	shalt  }
.Lfunc_end2:
_tile_overlayer_lowered:
.L_overlay_start_2:
0x4a: {  	(tag) =	ssettag $0x2  }
0x4b: {  	s0 =	rddreg [dreg:$0x0];
	s2 =	stileid.u32  }
0x4c: {  	s1 =	rddreg [dreg:$0x1];
	p0 =	sne.s32 s2, $0x0  }
0x4d: {  	s3 =	rddreg [dreg:$0x2];
	[bflag:$0x3] =	sbarrier.arrive $0xFFFF;
	s2 =	simm.s32 @!p0 $0x1C05  }
0x4e: {  	[timem:s3], [sflag:s2] =	dma.local @!p0 [hbm:s0], s1  }
0x4f: {  	s0 =	simm.s32 @!p0 $0x5  }
0x50: {  	_ =	swait.ge @!p0 [sflag:s0], s1  }
0x51: {  	s1 =	ssub.s32 @!p0 $0x0, s1;
	[sflag:s0] =	ssyncset.done @!p0 $0x0  }
0x52: {  	[sflag:s0] =	ssyncadd.s32 @!p0 s1  }
0x53: {  	[bflag:$0x3] =	sbarrier.arrive $0xFFFF  }
0x54: {  	_ =	shalt  }

// kernel: kernel.7.cloned.1.call-start
scs
__scs_entry_jumppad:
0x0: {  	(pc) =	sbr.rel $0x88, $3  }
0x1: {  	(tag) =	ssettag $0x0;
	lr =	simm.s32 $0x1  }
0x2: {  	[smem:$0x3F9F] =	sst lr;
	_ =	strace $0xD0000000  }
0x3: {  	_ = 	snop  }
0x4: {  	_ = 	snop  }
0x5: {  	_ = 	snop  }
0x6: {  	_ = 	snop  }
0x7: {  	_ = 	snop  }
__scs_overlays_trampoline_lowered:
0x8: {  	[smem:$0x3FAE] =	sst s0  }
0x9: {  	[smem:$0x3FAF] =	sst s1  }
0xa: {  	[smem:$0x3FB0] =	sst s2  }
0xb: {  	[smem:$0x3FB1] =	sst s3  }
0xc: {  	[smem:$0x3FB2] =	sst s4  }
0xd: {  	[smem:$0x3FB3] =	sst s5  }
0xe: {  	[smem:$0x3FB4] =	sst s6  }
0xf: {  	[smem:$0x3FB5] =	sst s7  }
0x10: {  	[smem:$0x3FB6] =	sst s8  }
0x11: {  	[smem:$0x3FB7] =	sst s9;
	s0 =	simm.s32 @!p0 $0x0  }
0x12: {  	s1 =	sld [smem:$0x3F9D];
	s0 =	simm.s32 @p0 $0x1  }
0x13: {  	[smem:$0x3FB8] =	sst s0;
	s0 =	simm.s32 @!p1 $0x0  }
0x14: {  	s2 =	sld [smem:$0x3F9C];
	s0 =	simm.s32 @p1 $0x1  }
0x15: {  	[smem:$0x3FB9] =	sst s0;
	s0 =	simm.s32 @!p2 $0x0  }
0x16: {  	s3 =	sld [smem:$0x3FDB];
	s0 =	simm.s32 @p2 $0x1  }
0x17: {  	s4 =	simm.s32 $0x1BF5;
	[smem:$0x3FBB] =	sst s0  }
0x18: {  	s0 =	sld [smem:$0x3F9E];
	_ =	swait.ge [sflag:s4], $0x0  }
0x19: {  	s7 =	sld [smem:$0x3F9F]  }
0x1a: {  	s8 =	sadd.s32 $0xFFFFE003, lr  }
0x1b: {  	s9 =	sadd.s32 $0xFFFFFEF7, lr;
	s5 =	simm.s32 $0xFFFFFFFF;
	p2 =	slt.u32 s8, $0xFFFFF086  }
0x1c: {  	p1 =	slt.u32 s9, $0xF7A;
	s5 =	simm.s32 @!p2 $0x0  }
0x1d: {  	s5 =	simm.s32 @p1 $0x1;
	p0 =	seq.s32 s7, s2  }
0x1e: {  	s7 =	smul.u32 @!p0 $0xF7A, s2;
	p2 =	seq.s32 @!p0 s5, $0x0  }
0x1f: {  	s9 =	smul.u32 $0xF7A, s1;
	s8 =	simm.s32 @!p0 $0x1BF5;
	p2 =	por !p2, p0  }
0x20: {  	[sflag:s8] =	ssyncset.s32 @!p0 $0xFFFFF086;
	s6 =	sadd.s32 @!p0 s3, s7;
	s7 =	simm.s32 @!p0 $0x108  }
0x21: {  	s3 =	sadd.s32 s3, s9;
	s6 =	sadd.s32 @!p0 $0x88, s6;
	s7 =	simm.s32 @p2 $0x1082  }
0x22: {  	[simem:s7], [sflag:s8] =	dma.local @!p0 [hbm:s6], $0xF7A  }
0x23: {  	s9 =	sor.u32 $0xD0000000, s2;
	s6 =	simm.s32 $0x108;
	_ =	swait.ge @!p0 [sflag:s8], $0x0  }
0x24: {  	s3 =	sadd.s32 $0x88, s3;
	s6 =	simm.s32 @!p1 $0x1082;
	[sflag:s4] =	ssyncset.s32 $0xFFFFF086  }
0x25: {  	[simem:s6], [sflag:s4] =	dma.local [hbm:s3], $0xF7A  }
0x26: {  	[smem:$0x3F9F] =	sst s1;
	(tag) =	ssettag s2;
	_ =	strace s9  }
0x27: {  	s1 =	sld [smem:$0x3FAF]  }
0x28: {  	s2 =	sld [smem:$0x3FB0]  }
0x29: {  	s4 =	sld [smem:$0x3FB2]  }
0x2a: {  	p0 =	seq.s32 s5, $0x0;
	s5 =	sld [smem:$0x3FB3]  }
0x2b: {  	s6 =	sld [smem:$0x3FB4]  }
0x2c: {  	s7 =	sld [smem:$0x3FB5]  }
0x2d: {  	s3 =	simm.s32 $0x108;
	s8 =	sld [smem:$0x3FB6]  }
0x2e: {  	s3 =	simm.s32 @!p0 $0x1082;
	s9 =	sld [smem:$0x3FB7]  }
0x2f: {  	lr =	sadd.s32 s0, s3;
	s0 =	sld [smem:$0x3FAE]  }
0x30: {  	s3 =	sld [smem:$0x3FB1]  }
0x31: {  	[smem:$0x3FBA] =	sst s10  }
0x32: {  	s10 =	sld [smem:$0x3FB8];
	_ =	sdelay $0x3  }
0x33: {  	p0 =	seq.s32 s10, $0x1;
	s10 =	sld [smem:$0x3FBA];
	_ =	sdelay $0x3  }
0x34: {  	[smem:$0x3FBA] =	sst s10  }
0x35: {  	s10 =	sld [smem:$0x3FB9];
	_ =	sdelay $0x3  }
0x36: {  	p1 =	seq.s32 s10, $0x1;
	s10 =	sld [smem:$0x3FBA];
	_ =	sdelay $0x3  }
0x37: {  	[smem:$0x3FBA] =	sst s10  }
0x38: {  	s10 =	sld [smem:$0x3FBB]  }
0x39: {  	_ = 	snop;
	(pc) =	sbr.ind lr, $3  }
0x3a: {  	_ = 	snop  }
0x3b: {  	_ = 	snop  }
0x3c: {  	p2 =	seq.s32 s10, $0x1;
	s10 =	sld [smem:$0x3FBA]  }
0x3d: {  	_ =	shalt  }
0x3e: {  	_ =	shalt  }
0x3f: {  	_ =	shalt  }
0x40: {  	_ =	shalt  }
0x41: {  	_ =	shalt  }
0x42: {  	_ =	shalt  }
0x43: {  	_ =	shalt  }
0x44: {  	_ =	shalt  }
0x45: {  	_ =	shalt  }
0x46: {  	_ =	shalt  }
0x47: {  	_ =	shalt  }
0x48: {  	_ =	shalt  }
0x49: {  	_ =	shalt  }
0x4a: {  	_ =	shalt  }
0x4b: {  	_ =	shalt  }
0x4c: {  	_ =	shalt  }
0x4d: {  	_ =	shalt  }
0x4e: {  	_ =	shalt  }
0x4f: {  	_ =	shalt  }
0x50: {  	_ =	shalt  }
0x51: {  	_ =	shalt  }
0x52: {  	_ =	shalt  }
0x53: {  	_ =	shalt  }
0x54: {  	_ =	shalt  }
0x55: {  	_ =	shalt  }
0x56: {  	_ =	shalt  }
0x57: {  	_ =	shalt  }
0x58: {  	_ =	shalt  }
0x59: {  	_ =	shalt  }
0x5a: {  	_ =	shalt  }
0x5b: {  	_ =	shalt  }
0x5c: {  	_ =	shalt  }
0x5d: {  	_ =	shalt  }
0x5e: {  	_ =	shalt  }
0x5f: {  	_ =	shalt  }
0x60: {  	_ =	shalt  }
0x61: {  	_ =	shalt  }
0x62: {  	_ =	shalt  }
0x63: {  	_ =	shalt  }
0x64: {  	_ =	shalt  }
0x65: {  	_ =	shalt  }
0x66: {  	_ =	shalt  }
0x67: {  	_ =	shalt  }
0x68: {  	_ =	shalt  }
0x69: {  	_ =	shalt  }
0x6a: {  	_ =	shalt  }
0x6b: {  	_ =	shalt  }
0x6c: {  	_ =	shalt  }
0x6d: {  	_ =	shalt  }
0x6e: {  	_ =	shalt  }
0x6f: {  	_ =	shalt  }
0x70: {  	_ =	shalt  }
0x71: {  	_ =	shalt  }
0x72: {  	_ =	shalt  }
0x73: {  	_ =	shalt  }
0x74: {  	_ =	shalt  }
0x75: {  	_ =	shalt  }
0x76: {  	_ =	shalt  }
0x77: {  	_ =	shalt  }
0x78: {  	_ =	shalt  }
0x79: {  	_ =	shalt  }
0x7a: {  	_ =	shalt  }
0x7b: {  	_ =	shalt  }
0x7c: {  	_ =	shalt  }
0x7d: {  	_ =	shalt  }
0x7e: {  	_ =	shalt  }
0x7f: {  	_ =	shalt  }
0x80: {  	_ =	shalt  }
0x81: {  	_ =	shalt  }
0x82: {  	_ =	shalt  }
0x83: {  	_ =	shalt  }
0x84: {  	_ =	shalt  }
0x85: {  	_ =	shalt  }
0x86: {  	_ =	shalt  }
0x87: {  	_ =	shalt  }
.Lfunc_end0:
.L_simem_size_0:
called_computation_lowered:
.L_overlay_start_0:
0x88: {  	s2 =	sld [smem:$0x3FD9]  }
0x89: {  	s3 =	sld [smem:$0x3FFE];
	_ =	sdelay $0x1  }
0x8a: {  	s1 =	srdreg.scid  }
0x8b: {  	s0 =	sand.u32 $0x1, s1  }
0x8c: {  	s16 =	sshll.u32 s0, $0xA;
	s2 =	sadd.s32 s3, s2  }
0x8d: {  	s2 =	sadd.s32 s2, s16  }
0x8e: {  	[smem:$0x3FC6] =	sst s2  }
0x8f: {  	_ = 	snop  }
0x90: {  	(tm) =	ssettm $0x1  }
0x91: {  	s17 =	sld [smem:$0x3FFB];
	_ =	sdelay $0x3  }
0x92: {  	_ =	strace s17  }
0x93: {  	s2 =	sld [smem:$0x3FFC];
	_ =	sdelay $0x3  }
0x94: {  	_ =	strace s2  }
0x95: {  	s2 =	sld [smem:$0x3FFD];
	_ =	sdelay $0x3  }
0x96: {  	_ =	strace s2  }
0x97: {  	_ =	strace $0x8FFFFFFF  }
0x98: {  	s18 =	sld [smem:$0x3FDB];
	_ =	sdelay $0x1  }
0x99: {  	s19 =	simm.s32 $_scs_section_size  }
0x9a: {  	s4 =	simm.s32 $_size__tile_overlayer_lowered;
	s5 =	simm.s32 $_tile_overlayer_lowered  }
0x9b: {  	s22 =	simm.s32 $0x1BFF;
	s21 =	sshll.u32 s5, $0x1;
	s2 =	sadd.s32 s19, s18  }
0x9c: {  	s6 =	simm.s32 $0x0;
	s20 =	sshll.u32 s4, $0x1;
	s4 =	sadd.s32 s21, s2  }
0x9d: {  	[timem:s6], [sflag:s22] =	dma.local [hbm:s4], s20  }
0x9e: {  	_ =	swait.ge [sflag:s22], s20  }
0x9f: {  	s3 =	ssub.s32 $0x0, s20;
	[sflag:s22] =	ssyncset.done $0x0  }
0xa0: {  	[sflag:s22] =	ssyncadd.s32 s3;
	_ =	sdelay $0x1  }
0xa1: {  	s23 =	simm.s32 $0x1B8B  }
0xa2: {  	_ =	swait.ge [sflag:s23], $0x1  }
0xa3: {  	[sflag:s23] =	ssyncset.done $0x0  }
0xa4: {  	s25 =	simm.s32 $0x1B8E;
	s24 =	sld [smem:$0x3FFE];
	[sflag:s23] =	ssyncadd.s32 $0xFFFFFFFF  }
0xa5: {  	s26 =	simm.s32 $execute0_lowered;
	[smem:$0x3FD2] =	sst s25  }
0xa6: {  	s4 =	sshll.u32 s26, $0x1;
	_ =	strace $0x80000046;
	[dreg:$0x1] =	wrdreg $0xFFFFFFFF  }
0xa7: {  	s28 =	simm.s32 $_size_execute0_lowered;
	s2 =	sadd.s32 s2, s4;
	[dreg:$0x0] =	wrdreg $0x0  }
0xa8: {  	s4 =	sshll.u32 s28, $0x1;
	[dreg:$0x2] =	wrdreg s2  }
0xa9: {  	[dreg:$0x3] =	wrdreg s4  }
0xaa: {  	[dreg:$0x4] =	wrdreg $0xC0  }
0xab: {  	_ =	task [dreg:s6], $0x5FFFF  }
0xac: {  	[dreg:$0x1] =	wrdreg $0xFFFFFFFF  }
0xad: {  	[dreg:$0x0] =	wrdreg $0x60  }
0xae: {  	[dreg:$0x2] =	wrdreg s24  }
0xaf: {  	[dreg:$0x3] =	wrdreg $0x9  }
0xb0: {  	_ =	task.clear_ibuf [dreg:s6], $0x4FFFF;
	_ =	strace $0x90000046  }
0xb1: {  	s29 =	simm.s32 $0x9;
	_ =	strace $0x80000048  }
0xb2: {  	_ =	swait.ge [sflag:s29], $0x1  }
0xb3: {  	[sflag:s29] =	ssyncadd.s32 $0xFFFFFFFF  }
0xb4: {  	_ =	strace $0x90000048  }
0xb5: {  	_ =	sfence  }
0xb6: {  	s30 =	sld [smem:$0x0];
	_ =	sdelay $0x2  }
0xb7: {  	s31 =	sshll.u32 s1, $0xD;
	s1 =	sshrl.u32 s1, $0x2  }
0xb8: {  	s3 =	sand.u32 $0x4000, s31;
	s1 =	sadd.s32 s1, s30  }
0xb9: {  	s0 =	sor.u32 s3, s0;
	s1 =	sshll.u32 s1, $0x11  }
0xba: {  	s0 =	sor.u32 s1, s0  }
0xbb: {  	s0 =	sadd.s32 $0x8F2B, s0  }
0xbc: {  	[sflag:s0] =	ssyncadd.remote.s32 $0x1  }
0xbd: {  	_ =	sfence.sel $0xFFFF  }
0xbe: {  	[dreg:$0x0] =	wrdreg $0xFFFFFFFF;
	(pc) =	sbr.abs _section_cstart, $3  }
0xbf: {  	[dreg:$0x1] =	wrdreg $0xFFFFFFFF  }
0xc0: {  	_ =	task.clear_ibuf [dreg:s6], $0x2FFFF;
	_ =	strace $0x9FFFFFFF  }
0xc1: {  	(tm) =	ssettm $0x7FFFFFFF  }
tec
execute0_lowered:
.L_overlay_start_1:
0x0: {  	(tag) =	ssettag $0x1  }
0x1: {  	s1 =	srdreg.scid  }
0x2: {  	s0 =	stileid.u32;
	s4 =	rddreg [dreg:$0x0];
	s2 =	simm.s32 $0x0  }
0x3: {  	s12 =	simm.s32 $0x1;
	s13 =	simm.s32 $0x7200;
	s14 =	simm.s32 $0x2  }
0x4: {  	s15 =	simm.s32 $0x3;
	s16 =	simm.s32 $0x4;
	s17 =	simm.s32 $0x0  }
0x5: {  	s3 =	sand.u32 $0x1, s1;
	s31 =	sshll.u32 s0, $0x1;
	s1 =	rddreg [dreg:$0x1]  }
0x6: {  	[smem:$0x7FF] =	sst s2;
	s8 =	smul.u32 $0x64000, s0;
	s9 =	sadd.s32 $0x62DA00, s4  }
0x7: {  	s5 =	sor.u32 s3, s31;
	_ =	strace $0x80000047;
	s11 =	smul.u32 $0x32000, s3  }
0x8: {  	s7 =	ssub.s32 $0x2, s3;
	s3 =	sadd.s32 $0x1200, s4;
	s6 =	smul.u32 $0x3200, s5  }
0x9: {  	s5 =	smul.u32 $0x32000, s5;
	s10 =	sshrl.u32 s7, $0x1;
	s8 =	sadd.s32 s8, s9  }
0xa: {  	s7 =	ssub.s32 s7, s10;
	s8 =	sadd.s32 s11, s8;
	s10 =	simm.s32 $0x80  }
0xb: {  	s11 =	simm.s32 $0x3200;
	s6 =	sshrl.u32 s6, $0x3;
	s5 =	sadd.s32 s9, s5  }
0xc: {  	s8 =	sadd.s32 $0x1800, s8;
	s9 =	simm.s32 $0x5;
	s6 =	sadd.s32 s6, s4  }
0xd: {  	s4 =	sadd.s32 $0x621200, s6;
	s6 =	smax.u32 s7, $0x1;
	s7 =	sadd.s32 $0x800, s5  }
.LBB2_1:
0xe: {  	[tilespmem:s2], [sflag:$0x5] =	stream.linear.gather [hbm4b:s4+s2], $0x3200, $0x38;
	[tilespmem:$0xB200] =	vst v63  }
0xf: {  	_ =	swait.ge [sflag:s9], $0x3200  }
0x10: {  	[sflag:s9] =	ssyncset.done $0x0  }
0x11: {  	[sflag:s9] =	ssyncadd.s32 $0xFFFFCE00  }
0x12: {  	[tilespmem:s11], [sflag:$0x1] =	stream.indirect.gather [hbm4b:s3+s10], $0x80, s2, s10, $0xb8;
	[tilespmem:$0xB200] =	vst v63  }
0x13: {  	_ =	swait.ge [sflag:s12], $0x4000  }
0x14: {  	[sflag:s12] =	ssyncset.done $0x0  }
0x15: {  	[sflag:s12] =	ssyncadd.s32 $0xFFFFC000  }
0x16: {  	[hbm4b:s5+s2] =	stream.linear.scatter [tilespmem:s11], [sflag:$0x3], $0x4000, $0x38;
	[tilespmem:$0xB200] =	vst v63  }
0x17: {  	_ = 	snop  }
0x18: {  	[tilespmem:s13], [sflag:$0x2] =	stream.indirect.gather [hbm4b:s3+s10], $0x80, s10, s10, $0xb8;
	[tilespmem:$0xB200] =	vst v63  }
0x19: {  	_ =	swait.ge [sflag:s14], $0x4000  }
0x1a: {  	[sflag:s14] =	ssyncset.done $0x0  }
0x1b: {  	[sflag:s14] =	ssyncadd.s32 $0xFFFFC000  }
0x1c: {  	[hbm4b:s7+s2] =	stream.linear.scatter [tilespmem:s13], [sflag:$0x4], $0x4000, $0x38;
	[tilespmem:$0xB200] =	vst v63  }
0x1d: {  	_ =	swait.ge [sflag:s15], $0x4000  }
0x1e: {  	[sflag:s15] =	ssyncset.done $0x0  }
0x1f: {  	s18 =	simm.s32 $0x100;
	[sflag:s15] =	ssyncadd.s32 $0xFFFFC000  }
0x20: {  	[tilespmem:s11], [sflag:$0x1] =	stream.indirect.gather [hbm4b:s3+s10], $0x80, s18, s10, $0xb8;
	[tilespmem:$0xB200] =	vst v63  }
0x21: {  	_ =	swait.ge [sflag:s12], $0x4000  }
0x22: {  	[sflag:s12] =	ssyncset.done $0x0  }
0x23: {  	s30 =	sadd.s32 $0xFFFFF800, s8;
	[sflag:s12] =	ssyncadd.s32 $0xFFFFC000  }
0x24: {  	[hbm4b:s30+s2] =	stream.linear.scatter [tilespmem:s11], [sflag:$0x3], $0x4000, $0x38;
	[tilespmem:$0xB200] =	vst v63  }
0x25: {  	_ =	swait.ge [sflag:s16], $0x4000  }
0x26: {  	[sflag:s16] =	ssyncset.done $0x0  }
0x27: {  	s31 =	simm.s32 $0x180;
	[sflag:s16] =	ssyncadd.s32 $0xFFFFC000  }
0x28: {  	[tilespmem:s13], [sflag:$0x2] =	stream.indirect.gather [hbm4b:s3+s10], $0x80, s31, s10, $0xb8;
	[tilespmem:$0xB200] =	vst v63  }
0x29: {  	_ =	swait.ge [sflag:s14], $0x4000  }
0x2a: {  	s19 =	sadd.s32 $0x1000, s8;
	[sflag:s14] =	ssyncset.done $0x0  }
0x2b: {  	s20 =	smov.u32 s8;
	s18 =	simm.s32 $0x400;
	[sflag:s14] =	ssyncadd.s32 $0xFFFFC000  }
.LBB2_2:
0x2c: {  	[hbm4b:s20+s2] =	stream.linear.scatter [tilespmem:s13], [sflag:$0x4], $0x4000, $0x38;
	[tilespmem:$0xB200] =	vst v63  }
0x2d: {  	s21 =	smov.u32 s18;
	s20 =	smov.u32 s19  }
0x2e: {  	p0 =	sne.s32 s18, $0xC000;
	s18 =	sadd.s32 $0x400, s18;
	_ =	swait.ge [sflag:s15], $0x4000  }
0x2f: {  	s21 =	sshra.s32 s21, $0x2;
	[sflag:s15] =	ssyncset.done $0x0  }
0x30: {  	s22 =	sadd.s32 $0x100, s21;
	[sflag:s15] =	ssyncadd.s32 $0xFFFFC000  }
0x31: {  	[tilespmem:s11], [sflag:$0x1] =	stream.indirect.gather [hbm4b:s3+s10], $0x80, s22, s10, $0xb8;
	[tilespmem:$0xB200] =	vst v63  }
0x32: {  	_ =	swait.ge [sflag:s12], $0x4000  }
0x33: {  	[sflag:s12] =	ssyncset.done $0x0  }
0x34: {  	s22 =	sadd.s32 $0xFFFFF800, s19;
	[sflag:s12] =	ssyncadd.s32 $0xFFFFC000  }
0x35: {  	[hbm4b:s22+s2] =	stream.linear.scatter [tilespmem:s11], [sflag:$0x3], $0x4000, $0x38;
	[tilespmem:$0xB200] =	vst v63  }
0x36: {  	_ =	swait.ge [sflag:s16], $0x4000  }
0x37: {  	[sflag:s16] =	ssyncset.done $0x0  }
.Ltmp0:
0x38: {  	s21 =	sadd.s32 $0x180, s21;
	[sflag:s16] =	ssyncadd.s32 $0xFFFFC000;
	(pc) =	sbr.rel @p0 .LBB2_2-.Ltmp0, $4  }
0x39: {  	[tilespmem:s13], [sflag:$0x2] =	stream.indirect.gather [hbm4b:s3+s10], $0x80, s21, s10, $0xb8;
	[tilespmem:$0xB200] =	vst v63  }
0x3a: {  	_ =	swait.ge [sflag:s14], $0x4000  }
0x3b: {  	[sflag:s14] =	ssyncset.done $0x0  }
0x3c: {  	s19 =	sadd.s32 $0x1000, s19;
	[sflag:s14] =	ssyncadd.s32 $0xFFFFC000  }
0x3d: {  	[hbm4b:s20+s2] =	stream.linear.scatter [tilespmem:s13], [sflag:$0x4], $0x4000, $0x38;
	[tilespmem:$0xB200] =	vst v63  }
0x3e: {  	s17 =	sadd.s32 $0x1, s17  }
0x3f: {  	_ =	swait.ge [sflag:s15], $0x4000;
	p0 =	sne.s32 s17, s6  }
.Ltmp1:
0x40: {  	[sflag:s15] =	ssyncset.done $0x0;
	(pc) =	sbr.rel @p0 .LBB2_1-.Ltmp1, $4  }
0x41: {  	[sflag:s15] =	ssyncadd.s32 $0xFFFFC000  }
0x42: {  	_ =	swait.ge [sflag:s16], $0x4000  }
0x43: {  	[sflag:s16] =	ssyncset.done $0x0  }
0x44: {  	[sflag:s16] =	ssyncadd.s32 $0xFFFFC000  }
0x45: {  	_ =	sfence.sel $0x180000  }
0x46: {  	[bflag:$0x0] =	sbarrier.arrive $0xFFFF  }
0x47: {  	p0 =	sne.s32 s0, $0x0;
	_ =	strace $0x90000047  }
0x48: {  	s0 =	sadd.s32 @!p0 $0x100000, s1;
	[bflag:$0x2] =	sbarrier.arrive $0xFFFF  }
0x49: {  	[sflag:s0] =	ssyncadd.tile.s32 @!p0 $0x1;
	_ =	shalt  }
.Lfunc_end2:
_tile_overlayer_lowered:
.L_overlay_start_2:
0x4a: {  	(tag) =	ssettag $0x2  }
0x4b: {  	s0 =	rddreg [dreg:$0x0];
	s2 =	stileid.u32  }
0x4c: {  	s1 =	rddreg [dreg:$0x1];
	p0 =	sne.s32 s2, $0x0  }
0x4d: {  	s3 =	rddreg [dreg:$0x2];
	[bflag:$0x3] =	sbarrier.arrive $0xFFFF;
	s2 =	simm.s32 @!p0 $0x1C05  }
0x4e: {  	[timem:s3], [sflag:s2] =	dma.local @!p0 [hbm:s0], s1  }
0x4f: {  	s0 =	simm.s32 @!p0 $0x5  }
0x50: {  	_ =	swait.ge @!p0 [sflag:s0], s1  }
0x51: {  	s1 =	ssub.s32 @!p0 $0x0, s1;
	[sflag:s0] =	ssyncset.done @!p0 $0x0  }
0x52: {  	[sflag:s0] =	ssyncadd.s32 @!p0 s1  }
0x53: {  	[bflag:$0x3] =	sbarrier.arrive $0xFFFF  }
0x54: {  	_ =	shalt  }

</sc_bundles>
